<compile_context>
chip_gen: v7x
topology: tpu7x:2x2x1
jax: 0.10.2.dev20260603
libtpu: 0.0.44.dev20260713+nightly
codegen_flags: <defaults>
</compile_context>

<pallas_src>
import functools

import numpy as np
import jax
import jax.numpy as jnp
from jax import lax
from jax.experimental import pallas as pl
from jax.experimental.pallas import tpu as pltpu
from jax.experimental.pallas import tpu_sc as plsc

VOCAB = 1000000
D = 64
B = 1024
S = 200

NC = 2
NS = 16
NW = NC * NS
TOTAL = B * S
PER_W = TOTAL // NW
CHUNK = 160
NCHUNK = PER_W // CHUNK
NPAIR = NCHUNK // 2
SLICES = [(off, min(128, CHUNK - off)) for off in range(0, CHUNK, 128)]
NCOMB = 3 * S
SPLIT = 499968
SIZE0 = SPLIT
SIZE1 = VOCAB - SPLIT
BIG = 1.0e6


def _make_pe():
    pos = np.arange(S, dtype=np.float32)[:, None]
    div = np.exp(np.arange(0, D, 2, dtype=np.float32) * -(np.log(10000.0) / D))
    pe = np.zeros((S, D), dtype=np.float32)
    pe[:, 0::2] = np.sin(pos * div)
    pe[:, 1::2] = np.cos(pos * div)
    return pe


_PE = _make_pe()


def _comb_body(pe_ref, seg_ref, out_ref):
    pe = pe_ref[...]
    for l in range(3):
        x = pe + seg_ref[l, :][None, :]
        for p in range(2):
            col = (l * 2 + p) * 2 * D
            out_ref[:, col:col + D] = x - BIG * p
            out_ref[:, col + D:col + 2 * D] = x - BIG * (1 - p)


def _build_comb(seg_table):
    comb12 = pl.pallas_call(
        _comb_body,
        out_shape=jax.ShapeDtypeStruct((S, 12 * D), jnp.float32),
    )(_PE, seg_table)
    return comb12.reshape(2 * NCOMB, 2 * D)


_mesh = plsc.VectorSubcoreMesh(core_axis_name="c", subcore_axis_name="s")


@functools.partial(
    pl.kernel,
    mesh=_mesh,
    out_type=jax.ShapeDtypeStruct((TOTAL, D), jnp.float32),
    scratch_types=[
        pltpu.VMEM((CHUNK,), jnp.int32),
        pltpu.VMEM((CHUNK,), jnp.int32),
        pltpu.VMEM((CHUNK,), jnp.int32),
        pltpu.VMEM((CHUNK, D), jnp.float32),
        pltpu.VMEM((CHUNK, D), jnp.float32),
        pltpu.VMEM((CHUNK, 2 * D), jnp.float32),
        pltpu.VMEM((CHUNK, D), jnp.float32),
        pltpu.VMEM((CHUNK,), jnp.int32),
        pltpu.VMEM((CHUNK,), jnp.int32),
        pltpu.VMEM((CHUNK,), jnp.int32),
        pltpu.VMEM((CHUNK, D), jnp.float32),
        pltpu.VMEM((CHUNK, D), jnp.float32),
        pltpu.VMEM((CHUNK, 2 * D), jnp.float32),
        pltpu.VMEM((CHUNK, D), jnp.float32),
        pltpu.SemaphoreType.DMA,
        pltpu.SemaphoreType.DMA,
        pltpu.SemaphoreType.DMA,
        pltpu.SemaphoreType.DMA,
    ],
    compiler_params=pltpu.CompilerParams(use_tc_tiling_on_sc=False),
)
def _emb(seq_hbm, lab_hbm, tok0_hbm, tok1_hbm, comb_hbm, out_hbm,
         idx0_a, idx1_a, cmb_idx_a, tok0_va, tok1_va, cmb_va, out_va,
         idx0_b, idx1_b, cmb_idx_b, tok0_vb, tok1_vb, cmb_vb, out_vb,
         sem_ga, sem_gb, sem_oa, sem_ob):
    wid = lax.axis_index("s") * NC + lax.axis_index("c")
    w0 = wid * PER_W

    def prep_and_fire(c, idx0, idx1, cmb_idx, tok0_v, tok1_v, cmb_v, sem_g):
        base = pl.multiple_of(w0 + c * CHUNK, CHUNK)
        pltpu.sync_copy(seq_hbm.at[pl.ds(base, CHUNK)], idx0)
        pltpu.sync_copy(lab_hbm.at[pl.ds(base, CHUNK)], cmb_idx)
        for k in range(CHUNK // 16):
            sl = pl.ds(k * 16, 16)
            t = idx0[sl]
            bit = jnp.where(t >= SPLIT, 1, 0)
            idx0[sl] = jnp.minimum(t, SIZE0 - 1)
            idx1[sl] = jnp.maximum(t - SPLIT, 0)
            v = base + k * 16 + lax.iota(jnp.int32, 16)
            cmb_idx[sl] = (lax.rem(v, S) * 3 + cmb_idx[sl]) * 2 + bit
        for off, ln in SLICES:
            pltpu.async_copy(tok0_hbm.at[idx0.at[pl.ds(off, ln)]],
                             tok0_v.at[pl.ds(off, ln)], sem_g)
            pltpu.async_copy(tok1_hbm.at[idx1.at[pl.ds(off, ln)]],
                             tok1_v.at[pl.ds(off, ln)], sem_g)
            pltpu.async_copy(comb_hbm.at[cmb_idx.at[pl.ds(off, ln)]],
                             cmb_v.at[pl.ds(off, ln)], sem_g)

    def wait_gathers(tok0_v, tok1_v, cmb_v, sem_g):
        pltpu.make_async_copy(tok0_hbm.at[pl.ds(0, CHUNK)], tok0_v, sem_g).wait()
        pltpu.make_async_copy(tok0_hbm.at[pl.ds(0, CHUNK)], tok1_v, sem_g).wait()
        pltpu.make_async_copy(comb_hbm.at[pl.ds(0, CHUNK)], cmb_v, sem_g).wait()

    def add_chunk(tok0_v, tok1_v, cmb_v, out_v):
        def add_rows(r, carry2):
            for j in range(2):
                i = r * 2 + j
                for k in range(D // 16):
                    sl = pl.ds(k * 16, 16)
                    a = tok0_v[i, sl] + cmb_v[i, sl]
                    b = tok1_v[i, sl] + cmb_v[i, pl.ds(D + k * 16, 16)]
                    out_v[i, sl] = jnp.maximum(a, b)
            return carry2

        lax.fori_loop(0, CHUNK // 2, add_rows, 0)

    def fire_writeback(c, out_v, sem_o):
        base = pl.multiple_of(w0 + c * CHUNK, CHUNK)
        pltpu.async_copy(out_v, out_hbm.at[pl.ds(base, CHUNK)], sem_o)

    def wait_writeback(out_v, sem_o):
        pltpu.make_async_copy(out_v, out_hbm.at[pl.ds(0, CHUNK)], sem_o).wait()

    prep_and_fire(0, idx0_a, idx1_a, cmb_idx_a, tok0_va, tok1_va, cmb_va,
                  sem_ga)
    prep_and_fire(1, idx0_b, idx1_b, cmb_idx_b, tok0_vb, tok1_vb, cmb_vb,
                  sem_gb)

    def pair(i, carry):
        ca = 2 * i
        cb = 2 * i + 1

        @pl.when(i > 0)
        def _():
            wait_writeback(out_va, sem_oa)

        wait_gathers(tok0_va, tok1_va, cmb_va, sem_ga)
        add_chunk(tok0_va, tok1_va, cmb_va, out_va)
        fire_writeback(ca, out_va, sem_oa)

        @pl.when(i < NPAIR - 1)
        def _():
            prep_and_fire(ca + 2, idx0_a, idx1_a, cmb_idx_a,
                          tok0_va, tok1_va, cmb_va, sem_ga)

        @pl.when(i > 0)
        def _():
            wait_writeback(out_vb, sem_ob)

        wait_gathers(tok0_vb, tok1_vb, cmb_vb, sem_gb)
        add_chunk(tok0_vb, tok1_vb, cmb_vb, out_vb)
        fire_writeback(cb, out_vb, sem_ob)

        @pl.when(i < NPAIR - 1)
        def _():
            prep_and_fire(cb + 2, idx0_b, idx1_b, cmb_idx_b,
                          tok0_vb, tok1_vb, cmb_vb, sem_gb)

        return carry

    lax.fori_loop(0, NPAIR, pair, 0)
    wait_writeback(out_va, sem_oa)
    wait_writeback(out_vb, sem_ob)


def kernel(sequence, segment_label, tok_table, seg_table):
    comb = _build_comb(seg_table)
    seq = sequence.reshape(TOTAL)
    lab = segment_label.reshape(TOTAL)
    tok0 = lax.slice(tok_table, (0, 0), (SPLIT, D))
    tok1 = lax.slice(tok_table, (SPLIT, 0), (VOCAB, D))
    out = _emb(seq, lab, tok0, tok1, comb)
    return out.reshape(B, S, D)

# --- scband reference (transcript-rebuilt; emitter-appended) ---
"""Pipeline reference for scband-bertembedding-65180423684639 (READ-ONLY COPY).

The authoritative reference and input builder live on the scoring server;
editing this copy changes nothing except your own understanding.
"""

import jax, jax.numpy as jnp
import numpy as np

VOCAB = 1000000
D = 64
B = 1024
S = 200


def make_pe(max_len, d):
    pos = np.arange(max_len, dtype=np.float32)[:, None]
    div = np.exp(np.arange(0, d, 2, dtype=np.float32) * -(np.log(10000.0) / d))
    pe = np.zeros((max_len, d), dtype=np.float32)
    pe[:, 0::2] = np.sin(pos * div)
    pe[:, 1::2] = np.cos(pos * div)
    return jnp.asarray(pe)


def setup_inputs(seed: int = 0):
    key = jax.random.key(seed)
    k1, k2, k3, k4 = jax.random.split(key, 4)
    sequence = jax.random.randint(k1, (B, S), 0, VOCAB, dtype=jnp.int64 if jax.config.read('jax_enable_x64') else jnp.int32).astype(jnp.int32)
    segment_label = jax.random.randint(k2, (B, S), 0, 3).astype(jnp.int32)
    tok_table = jax.random.normal(k3, (VOCAB, D), dtype=jnp.float32) * 0.02
    tok_table = tok_table.at[0].set(0.0)  # padding_idx=0
    seg_table = jax.random.normal(k4, (3, D), dtype=jnp.float32) * 0.02
    seg_table = seg_table.at[0].set(0.0)  # padding_idx=0
    return {"sequence": sequence, "segment_label": segment_label, "tok_table": tok_table, "seg_table": seg_table}


def reference(sequence, segment_label, tok_table, seg_table):
    # TokenEmbedding: gather from token table
    tok = jnp.take(tok_table, sequence, axis=0)
    # PositionalEmbedding: fixed sinusoidal, broadcast over batch
    pe = make_pe(sequence.shape[1], tok_table.shape[1])[None, :, :]
    # SegmentEmbedding: gather from 3-row segment table
    seg = jnp.take(seg_table, segment_label, axis=0)
    x = tok + pe + seg
    # dropout is identity in eval mode
    return x

if __name__ == "__main__":
    import jax
    _d = setup_inputs()
    print(jax.jit(kernel)(*tuple(_d.values())))

</pallas_src>

<mosaic_0001>
#map = affine_map<(d0, d1) -> (0)>
#map1 = affine_map<(d0, d1) -> (0, 0)>
module attributes {stable_mosaic.version = 14 : i64} {
  func.func @_emb(%arg0: i32, %arg1: i32, %arg2: memref<204800xi32, #tpu.memory_space<hbm>>, %arg3: memref<204800xi32, #tpu.memory_space<hbm>>, %arg4: memref<499968x64xf32, #tpu.memory_space<hbm>>, %arg5: memref<500032x64xf32, #tpu.memory_space<hbm>>, %arg6: memref<1200x128xf32, #tpu.memory_space<hbm>>, %arg7: memref<204800x64xf32, #tpu.memory_space<hbm>>, %arg8: memref<160xi32, #tpu.memory_space<vmem>>, %arg9: memref<160xi32, #tpu.memory_space<vmem>>, %arg10: memref<160xi32, #tpu.memory_space<vmem>>, %arg11: memref<160x64xf32, #tpu.memory_space<vmem>>, %arg12: memref<160x64xf32, #tpu.memory_space<vmem>>, %arg13: memref<160x128xf32, #tpu.memory_space<vmem>>, %arg14: memref<160x64xf32, #tpu.memory_space<vmem>>, %arg15: memref<160xi32, #tpu.memory_space<vmem>>, %arg16: memref<160xi32, #tpu.memory_space<vmem>>, %arg17: memref<160xi32, #tpu.memory_space<vmem>>, %arg18: memref<160x64xf32, #tpu.memory_space<vmem>>, %arg19: memref<160x64xf32, #tpu.memory_space<vmem>>, %arg20: memref<160x128xf32, #tpu.memory_space<vmem>>, %arg21: memref<160x64xf32, #tpu.memory_space<vmem>>, %arg22: memref<!tpu.dma_semaphore, #tpu.memory_space<semaphore_mem>>, %arg23: memref<!tpu.dma_semaphore, #tpu.memory_space<semaphore_mem>>, %arg24: memref<!tpu.dma_semaphore, #tpu.memory_space<semaphore_mem>>, %arg25: memref<!tpu.dma_semaphore, #tpu.memory_space<semaphore_mem>>) attributes {dimension_semantics = [#tpu.dimension_semantics<core_parallel>, #tpu.dimension_semantics<subcore_parallel>], iteration_bounds = array<i64: 2, 16>, scalar_prefetch = 0 : i64, scratch_operands = 18 : i64, tpu.core_type = #tpu.core_type<sc_vector_subcore>, window_params = [{transform_indices = #map}, {transform_indices = #map}, {transform_indices = #map1}, {transform_indices = #map1}, {transform_indices = #map1}, {transform_indices = #map1}]} {
    %mul3A = arith.constant 2 : i32
    %mul3A_0 = arith.muli %arg1, %mul3A : i32
    %add3A = arith.addi %mul3A_0, %arg0 : i32
    %mul3A_1 = arith.constant 6400 : i32
    %mul3A_2 = arith.muli %add3A, %mul3A_1 : i32
    %add3A_3 = arith.constant 0 : i32
    %add3A_4 = arith.addi %mul3A_2, %add3A_3 : i32
    %multiple_of3A = tpu.assume_multiple %add3A_4, 160 : i32
    "tpu.region"() ({
      %run_scoped3A = tpu.sem_alloc : memref<!tpu.dma_semaphore, #tpu.memory_space<semaphore_mem>>
      %dma_start3A_1128 = tpu.memref_slice %arg2[%multiple_of3A] : memref<204800xi32, #tpu.memory_space<hbm>> -> memref<160xi32, #tpu.memory_space<hbm>>
      %dma_start3A_1129 = tpu.memref_slice %arg2[%multiple_of3A] : memref<204800xi32, #tpu.memory_space<hbm>> -> memref<160xi32, #tpu.memory_space<hbm>>
      tpu.enqueue_dma source(%dma_start3A_1129 : memref<160xi32, #tpu.memory_space<hbm>>) target(%arg8 : memref<160xi32, #tpu.memory_space<vmem>>) target_semaphore(%run_scoped3A : memref<!tpu.dma_semaphore, #tpu.memory_space<semaphore_mem>>)
      %dma_wait3A_1130 = tpu.memref_slice %arg2[%multiple_of3A] : memref<204800xi32, #tpu.memory_space<hbm>> -> memref<160xi32, #tpu.memory_space<hbm>>
      %dma_wait3A_1131 = tpu.memref_slice %arg2[%multiple_of3A] : memref<204800xi32, #tpu.memory_space<hbm>> -> memref<160xi32, #tpu.memory_space<hbm>>
      tpu.wait_dma2 semaphore(%run_scoped3A : memref<!tpu.dma_semaphore, #tpu.memory_space<semaphore_mem>>) src(%dma_wait3A_1131 : memref<160xi32, #tpu.memory_space<hbm>>) dst(%arg8 : memref<160xi32, #tpu.memory_space<vmem>>)
      tpu.yield
    }) : () -> ()
    "tpu.region"() ({
      %run_scoped3A = tpu.sem_alloc : memref<!tpu.dma_semaphore, #tpu.memory_space<semaphore_mem>>
      %dma_start3A_1128 = tpu.memref_slice %arg3[%multiple_of3A] : memref<204800xi32, #tpu.memory_space<hbm>> -> memref<160xi32, #tpu.memory_space<hbm>>
      %dma_start3A_1129 = tpu.memref_slice %arg3[%multiple_of3A] : memref<204800xi32, #tpu.memory_space<hbm>> -> memref<160xi32, #tpu.memory_space<hbm>>
      tpu.enqueue_dma source(%dma_start3A_1129 : memref<160xi32, #tpu.memory_space<hbm>>) target(%arg10 : memref<160xi32, #tpu.memory_space<vmem>>) target_semaphore(%run_scoped3A : memref<!tpu.dma_semaphore, #tpu.memory_space<semaphore_mem>>)
      %dma_wait3A_1130 = tpu.memref_slice %arg3[%multiple_of3A] : memref<204800xi32, #tpu.memory_space<hbm>> -> memref<160xi32, #tpu.memory_space<hbm>>
      %dma_wait3A_1131 = tpu.memref_slice %arg3[%multiple_of3A] : memref<204800xi32, #tpu.memory_space<hbm>> -> memref<160xi32, #tpu.memory_space<hbm>>
      tpu.wait_dma2 semaphore(%run_scoped3A : memref<!tpu.dma_semaphore, #tpu.memory_space<semaphore_mem>>) src(%dma_wait3A_1131 : memref<160xi32, #tpu.memory_space<hbm>>) dst(%arg10 : memref<160xi32, #tpu.memory_space<vmem>>)
      tpu.yield
    }) : () -> ()
    %get3A = arith.constant 0 : index
    %get3A_5 = tpu.vector_load %arg8[%get3A] {strides = array<i32>} : memref<160xi32, #tpu.memory_space<vmem>>, vector<16xi32>,
    %get3A_6 = vector.shape_cast %get3A_5 : vector<16xi32> to vector<16xi32>
    %ge3A = arith.constant 499968 : i32
    %ge3A_7 = vector.broadcast %ge3A : i32 to vector<16xi32>
    %ge3A_8 = arith.cmpi sge, %get3A_6, %ge3A_7 : vector<16xi32>
    %jit3A = arith.constant 1 : i32
    %jit3A_9 = arith.constant 0 : i32
    %broadcast_in_dim3A = vector.broadcast %jit3A : i32 to vector<16xi32>
    %broadcast_in_dim3A_10 = vector.broadcast %jit3A_9 : i32 to vector<16xi32>
    %select_n3A = arith.select %ge3A_8, %broadcast_in_dim3A, %broadcast_in_dim3A_10 : vector<16xi1>, vector<16xi32>
    %min3A = arith.constant 499967 : i32
    %min3A_11 = vector.broadcast %min3A : i32 to vector<16xi32>
    %min3A_12 = arith.minsi %get3A_6, %min3A_11 : vector<16xi32>
    %swap3A = arith.constant 0 : index
    %swap3A_13 = tpu.vector_load %arg8[%swap3A] {strides = array<i32>} : memref<160xi32, #tpu.memory_space<vmem>>, vector<16xi32>,
    %swap3A_14 = vector.shape_cast %swap3A_13 : vector<16xi32> to vector<16xi32>
    %swap3A_15 = vector.shape_cast %min3A_12 : vector<16xi32> to vector<16xi32>
    tpu.vector_store %arg8[%swap3A], %swap3A_15 {strides = array<i32>} : memref<160xi32, #tpu.memory_space<vmem>>, vector<16xi32>,
    %sub3A = arith.constant 499968 : i32
    %sub3A_16 = vector.broadcast %sub3A : i32 to vector<16xi32>
    %sub3A_17 = arith.subi %get3A_6, %sub3A_16 : vector<16xi32>
    %max3A = arith.constant 0 : i32
    %max3A_18 = vector.broadcast %max3A : i32 to vector<16xi32>
    %max3A_19 = arith.maxsi %sub3A_17, %max3A_18 : vector<16xi32>
    %swap3A_20 = arith.constant 0 : index
    %swap3A_21 = tpu.vector_load %arg9[%swap3A_20] {strides = array<i32>} : memref<160xi32, #tpu.memory_space<vmem>>, vector<16xi32>,
    %swap3A_22 = vector.shape_cast %swap3A_21 : vector<16xi32> to vector<16xi32>
    %swap3A_23 = vector.shape_cast %max3A_19 : vector<16xi32> to vector<16xi32>
    tpu.vector_store %arg9[%swap3A_20], %swap3A_23 {strides = array<i32>} : memref<160xi32, #tpu.memory_space<vmem>>, vector<16xi32>,
    %add3A_24 = arith.constant 0 : i32
    %add3A_25 = arith.addi %multiple_of3A, %add3A_24 : i32
    %iota3A = tpu.iota {dimensions = array<i32: 0>} : vector<16xi32>
    %add3A_26 = vector.broadcast %add3A_25 : i32 to vector<16xi32>
    %add3A_27 = arith.addi %add3A_26, %iota3A : vector<16xi32>
    %rem3A = arith.constant 200 : i32
    %rem3A_28 = vector.broadcast %rem3A : i32 to vector<16xi32>
    %rem3A_29 = arith.remsi %add3A_27, %rem3A_28 : vector<16xi32>
    %mul3A_30 = arith.constant 3 : i32
    %mul3A_31 = vector.broadcast %mul3A_30 : i32 to vector<16xi32>
    %mul3A_32 = arith.muli %rem3A_29, %mul3A_31 : vector<16xi32>
    %get3A_33 = arith.constant 0 : index
    %get3A_34 = tpu.vector_load %arg10[%get3A_33] {strides = array<i32>} : memref<160xi32, #tpu.memory_space<vmem>>, vector<16xi32>,
    %get3A_35 = vector.shape_cast %get3A_34 : vector<16xi32> to vector<16xi32>
    %add3A_36 = arith.addi %mul3A_32, %get3A_35 : vector<16xi32>
    %mul3A_37 = arith.constant 2 : i32
    %mul3A_38 = vector.broadcast %mul3A_37 : i32 to vector<16xi32>
    %mul3A_39 = arith.muli %add3A_36, %mul3A_38 : vector<16xi32>
    %add3A_40 = arith.addi %mul3A_39, %select_n3A : vector<16xi32>
    %swap3A_41 = arith.constant 0 : index
    %swap3A_42 = tpu.vector_load %arg10[%swap3A_41] {strides = array<i32>} : memref<160xi32, #tpu.memory_space<vmem>>, vector<16xi32>,
    %swap3A_43 = vector.shape_cast %swap3A_42 : vector<16xi32> to vector<16xi32>
    %swap3A_44 = vector.shape_cast %add3A_40 : vector<16xi32> to vector<16xi32>
    tpu.vector_store %arg10[%swap3A_41], %swap3A_44 {strides = array<i32>} : memref<160xi32, #tpu.memory_space<vmem>>, vector<16xi32>,
    %get3A_45 = arith.constant 16 : index
    %get3A_46 = tpu.vector_load %arg8[%get3A_45] {strides = array<i32>} : memref<160xi32, #tpu.memory_space<vmem>>, vector<16xi32>,
    %get3A_47 = vector.shape_cast %get3A_46 : vector<16xi32> to vector<16xi32>
    %ge3A_48 = arith.constant 499968 : i32
    %ge3A_49 = vector.broadcast %ge3A_48 : i32 to vector<16xi32>
    %ge3A_50 = arith.cmpi sge, %get3A_47, %ge3A_49 : vector<16xi32>
    %jit3A_51 = arith.constant 1 : i32
    %jit3A_52 = arith.constant 0 : i32
    %broadcast_in_dim3A_53 = vector.broadcast %jit3A_51 : i32 to vector<16xi32>
    %broadcast_in_dim3A_54 = vector.broadcast %jit3A_52 : i32 to vector<16xi32>
    %select_n3A_55 = arith.select %ge3A_50, %broadcast_in_dim3A_53, %broadcast_in_dim3A_54 : vector<16xi1>, vector<16xi32>
    %min3A_56 = arith.constant 499967 : i32
    %min3A_57 = vector.broadcast %min3A_56 : i32 to vector<16xi32>
    %min3A_58 = arith.minsi %get3A_47, %min3A_57 : vector<16xi32>
    %swap3A_59 = arith.constant 16 : index
    %swap3A_60 = tpu.vector_load %arg8[%swap3A_59] {strides = array<i32>} : memref<160xi32, #tpu.memory_space<vmem>>, vector<16xi32>,
    %swap3A_61 = vector.shape_cast %swap3A_60 : vector<16xi32> to vector<16xi32>
    %swap3A_62 = vector.shape_cast %min3A_58 : vector<16xi32> to vector<16xi32>
    tpu.vector_store %arg8[%swap3A_59], %swap3A_62 {strides = array<i32>} : memref<160xi32, #tpu.memory_space<vmem>>, vector<16xi32>,
    %sub3A_63 = arith.constant 499968 : i32
    %sub3A_64 = vector.broadcast %sub3A_63 : i32 to vector<16xi32>
    %sub3A_65 = arith.subi %get3A_47, %sub3A_64 : vector<16xi32>
    %max3A_66 = arith.constant 0 : i32
    %max3A_67 = vector.broadcast %max3A_66 : i32 to vector<16xi32>
    %max3A_68 = arith.maxsi %sub3A_65, %max3A_67 : vector<16xi32>
    %swap3A_69 = arith.constant 16 : index
    %swap3A_70 = tpu.vector_load %arg9[%swap3A_69] {strides = array<i32>} : memref<160xi32, #tpu.memory_space<vmem>>, vector<16xi32>,
    %swap3A_71 = vector.shape_cast %swap3A_70 : vector<16xi32> to vector<16xi32>
    %swap3A_72 = vector.shape_cast %max3A_68 : vector<16xi32> to vector<16xi32>
    tpu.vector_store %arg9[%swap3A_69], %swap3A_72 {strides = array<i32>} : memref<160xi32, #tpu.memory_space<vmem>>, vector<16xi32>,
    %add3A_73 = arith.constant 16 : i32
    %add3A_74 = arith.addi %multiple_of3A, %add3A_73 : i32
    %iota3A_75 = tpu.iota {dimensions = array<i32: 0>} : vector<16xi32>
    %add3A_76 = vector.broadcast %add3A_74 : i32 to vector<16xi32>
    %add3A_77 = arith.addi %add3A_76, %iota3A_75 : vector<16xi32>
    %rem3A_78 = arith.constant 200 : i32
    %rem3A_79 = vector.broadcast %rem3A_78 : i32 to vector<16xi32>
    %rem3A_80 = arith.remsi %add3A_77, %rem3A_79 : vector<16xi32>
    %mul3A_81 = arith.constant 3 : i32
    %mul3A_82 = vector.broadcast %mul3A_81 : i32 to vector<16xi32>
    %mul3A_83 = arith.muli %rem3A_80, %mul3A_82 : vector<16xi32>
    %get3A_84 = arith.constant 16 : index
    %get3A_85 = tpu.vector_load %arg10[%get3A_84] {strides = array<i32>} : memref<160xi32, #tpu.memory_space<vmem>>, vector<16xi32>,
    %get3A_86 = vector.shape_cast %get3A_85 : vector<16xi32> to vector<16xi32>
    %add3A_87 = arith.addi %mul3A_83, %get3A_86 : vector<16xi32>
    %mul3A_88 = arith.constant 2 : i32
    %mul3A_89 = vector.broadcast %mul3A_88 : i32 to vector<16xi32>
    %mul3A_90 = arith.muli %add3A_87, %mul3A_89 : vector<16xi32>
    %add3A_91 = arith.addi %mul3A_90, %select_n3A_55 : vector<16xi32>
    %swap3A_92 = arith.constant 16 : index
    %swap3A_93 = tpu.vector_load %arg10[%swap3A_92] {strides = array<i32>} : memref<160xi32, #tpu.memory_space<vmem>>, vector<16xi32>,
    %swap3A_94 = vector.shape_cast %swap3A_93 : vector<16xi32> to vector<16xi32>
    %swap3A_95 = vector.shape_cast %add3A_91 : vector<16xi32> to vector<16xi32>
    tpu.vector_store %arg10[%swap3A_92], %swap3A_95 {strides = array<i32>} : memref<160xi32, #tpu.memory_space<vmem>>, vector<16xi32>,
    %get3A_96 = arith.constant 32 : index
    %get3A_97 = tpu.vector_load %arg8[%get3A_96] {strides = array<i32>} : memref<160xi32, #tpu.memory_space<vmem>>, vector<16xi32>,
    %get3A_98 = vector.shape_cast %get3A_97 : vector<16xi32> to vector<16xi32>
    %ge3A_99 = arith.constant 499968 : i32
    %ge3A_100 = vector.broadcast %ge3A_99 : i32 to vector<16xi32>
    %ge3A_101 = arith.cmpi sge, %get3A_98, %ge3A_100 : vector<16xi32>
    %jit3A_102 = arith.constant 1 : i32
    %jit3A_103 = arith.constant 0 : i32
    %broadcast_in_dim3A_104 = vector.broadcast %jit3A_102 : i32 to vector<16xi32>
    %broadcast_in_dim3A_105 = vector.broadcast %jit3A_103 : i32 to vector<16xi32>
    %select_n3A_106 = arith.select %ge3A_101, %broadcast_in_dim3A_104, %broadcast_in_dim3A_105 : vector<16xi1>, vector<16xi32>
    %min3A_107 = arith.constant 499967 : i32
    %min3A_108 = vector.broadcast %min3A_107 : i32 to vector<16xi32>
    %min3A_109 = arith.minsi %get3A_98, %min3A_108 : vector<16xi32>
    %swap3A_110 = arith.constant 32 : index
    %swap3A_111 = tpu.vector_load %arg8[%swap3A_110] {strides = array<i32>} : memref<160xi32, #tpu.memory_space<vmem>>, vector<16xi32>,
    %swap3A_112 = vector.shape_cast %swap3A_111 : vector<16xi32> to vector<16xi32>
    %swap3A_113 = vector.shape_cast %min3A_109 : vector<16xi32> to vector<16xi32>
    tpu.vector_store %arg8[%swap3A_110], %swap3A_113 {strides = array<i32>} : memref<160xi32, #tpu.memory_space<vmem>>, vector<16xi32>,
    %sub3A_114 = arith.constant 499968 : i32
    %sub3A_115 = vector.broadcast %sub3A_114 : i32 to vector<16xi32>
    %sub3A_116 = arith.subi %get3A_98, %sub3A_115 : vector<16xi32>
    %max3A_117 = arith.constant 0 : i32
    %max3A_118 = vector.broadcast %max3A_117 : i32 to vector<16xi32>
    %max3A_119 = arith.maxsi %sub3A_116, %max3A_118 : vector<16xi32>
    %swap3A_120 = arith.constant 32 : index
    %swap3A_121 = tpu.vector_load %arg9[%swap3A_120] {strides = array<i32>} : memref<160xi32, #tpu.memory_space<vmem>>, vector<16xi32>,
    %swap3A_122 = vector.shape_cast %swap3A_121 : vector<16xi32> to vector<16xi32>
    %swap3A_123 = vector.shape_cast %max3A_119 : vector<16xi32> to vector<16xi32>
    tpu.vector_store %arg9[%swap3A_120], %swap3A_123 {strides = array<i32>} : memref<160xi32, #tpu.memory_space<vmem>>, vector<16xi32>,
    %add3A_124 = arith.constant 32 : i32
    %add3A_125 = arith.addi %multiple_of3A, %add3A_124 : i32
    %iota3A_126 = tpu.iota {dimensions = array<i32: 0>} : vector<16xi32>
    %add3A_127 = vector.broadcast %add3A_125 : i32 to vector<16xi32>
    %add3A_128 = arith.addi %add3A_127, %iota3A_126 : vector<16xi32>
    %rem3A_129 = arith.constant 200 : i32
    %rem3A_130 = vector.broadcast %rem3A_129 : i32 to vector<16xi32>
    %rem3A_131 = arith.remsi %add3A_128, %rem3A_130 : vector<16xi32>
    %mul3A_132 = arith.constant 3 : i32
    %mul3A_133 = vector.broadcast %mul3A_132 : i32 to vector<16xi32>
    %mul3A_134 = arith.muli %rem3A_131, %mul3A_133 : vector<16xi32>
    %get3A_135 = arith.constant 32 : index
    %get3A_136 = tpu.vector_load %arg10[%get3A_135] {strides = array<i32>} : memref<160xi32, #tpu.memory_space<vmem>>, vector<16xi32>,
    %get3A_137 = vector.shape_cast %get3A_136 : vector<16xi32> to vector<16xi32>
    %add3A_138 = arith.addi %mul3A_134, %get3A_137 : vector<16xi32>
    %mul3A_139 = arith.constant 2 : i32
    %mul3A_140 = vector.broadcast %mul3A_139 : i32 to vector<16xi32>
    %mul3A_141 = arith.muli %add3A_138, %mul3A_140 : vector<16xi32>
    %add3A_142 = arith.addi %mul3A_141, %select_n3A_106 : vector<16xi32>
    %swap3A_143 = arith.constant 32 : index
    %swap3A_144 = tpu.vector_load %arg10[%swap3A_143] {strides = array<i32>} : memref<160xi32, #tpu.memory_space<vmem>>, vector<16xi32>,
    %swap3A_145 = vector.shape_cast %swap3A_144 : vector<16xi32> to vector<16xi32>
    %swap3A_146 = vector.shape_cast %add3A_142 : vector<16xi32> to vector<16xi32>
    tpu.vector_store %arg10[%swap3A_143], %swap3A_146 {strides = array<i32>} : memref<160xi32, #tpu.memory_space<vmem>>, vector<16xi32>,
    %get3A_147 = arith.constant 48 : index
    %get3A_148 = tpu.vector_load %arg8[%get3A_147] {strides = array<i32>} : memref<160xi32, #tpu.memory_space<vmem>>, vector<16xi32>,
    %get3A_149 = vector.shape_cast %get3A_148 : vector<16xi32> to vector<16xi32>
    %ge3A_150 = arith.constant 499968 : i32
    %ge3A_151 = vector.broadcast %ge3A_150 : i32 to vector<16xi32>
    %ge3A_152 = arith.cmpi sge, %get3A_149, %ge3A_151 : vector<16xi32>
    %jit3A_153 = arith.constant 1 : i32
    %jit3A_154 = arith.constant 0 : i32
    %broadcast_in_dim3A_155 = vector.broadcast %jit3A_153 : i32 to vector<16xi32>
    %broadcast_in_dim3A_156 = vector.broadcast %jit3A_154 : i32 to vector<16xi32>
    %select_n3A_157 = arith.select %ge3A_152, %broadcast_in_dim3A_155, %broadcast_in_dim3A_156 : vector<16xi1>, vector<16xi32>
    %min3A_158 = arith.constant 499967 : i32
    %min3A_159 = vector.broadcast %min3A_158 : i32 to vector<16xi32>
    %min3A_160 = arith.minsi %get3A_149, %min3A_159 : vector<16xi32>
    %swap3A_161 = arith.constant 48 : index
    %swap3A_162 = tpu.vector_load %arg8[%swap3A_161] {strides = array<i32>} : memref<160xi32, #tpu.memory_space<vmem>>, vector<16xi32>,
    %swap3A_163 = vector.shape_cast %swap3A_162 : vector<16xi32> to vector<16xi32>
    %swap3A_164 = vector.shape_cast %min3A_160 : vector<16xi32> to vector<16xi32>
    tpu.vector_store %arg8[%swap3A_161], %swap3A_164 {strides = array<i32>} : memref<160xi32, #tpu.memory_space<vmem>>, vector<16xi32>,
    %sub3A_165 = arith.constant 499968 : i32
    %sub3A_166 = vector.broadcast %sub3A_165 : i32 to vector<16xi32>
    %sub3A_167 = arith.subi %get3A_149, %sub3A_166 : vector<16xi32>
    %max3A_168 = arith.constant 0 : i32
    %max3A_169 = vector.broadcast %max3A_168 : i32 to vector<16xi32>
    %max3A_170 = arith.maxsi %sub3A_167, %max3A_169 : vector<16xi32>
    %swap3A_171 = arith.constant 48 : index
    %swap3A_172 = tpu.vector_load %arg9[%swap3A_171] {strides = array<i32>} : memref<160xi32, #tpu.memory_space<vmem>>, vector<16xi32>,
    %swap3A_173 = vector.shape_cast %swap3A_172 : vector<16xi32> to vector<16xi32>
    %swap3A_174 = vector.shape_cast %max3A_170 : vector<16xi32> to vector<16xi32>
    tpu.vector_store %arg9[%swap3A_171], %swap3A_174 {strides = array<i32>} : memref<160xi32, #tpu.memory_space<vmem>>, vector<16xi32>,
    %add3A_175 = arith.constant 48 : i32
    %add3A_176 = arith.addi %multiple_of3A, %add3A_175 : i32
    %iota3A_177 = tpu.iota {dimensions = array<i32: 0>} : vector<16xi32>
    %add3A_178 = vector.broadcast %add3A_176 : i32 to vector<16xi32>
    %add3A_179 = arith.addi %add3A_178, %iota3A_177 : vector<16xi32>
    %rem3A_180 = arith.constant 200 : i32
    %rem3A_181 = vector.broadcast %rem3A_180 : i32 to vector<16xi32>
    %rem3A_182 = arith.remsi %add3A_179, %rem3A_181 : vector<16xi32>
    %mul3A_183 = arith.constant 3 : i32
    %mul3A_184 = vector.broadcast %mul3A_183 : i32 to vector<16xi32>
    %mul3A_185 = arith.muli %rem3A_182, %mul3A_184 : vector<16xi32>
    %get3A_186 = arith.constant 48 : index
    %get3A_187 = tpu.vector_load %arg10[%get3A_186] {strides = array<i32>} : memref<160xi32, #tpu.memory_space<vmem>>, vector<16xi32>,
    %get3A_188 = vector.shape_cast %get3A_187 : vector<16xi32> to vector<16xi32>
    %add3A_189 = arith.addi %mul3A_185, %get3A_188 : vector<16xi32>
    %mul3A_190 = arith.constant 2 : i32
    %mul3A_191 = vector.broadcast %mul3A_190 : i32 to vector<16xi32>
    %mul3A_192 = arith.muli %add3A_189, %mul3A_191 : vector<16xi32>
    %add3A_193 = arith.addi %mul3A_192, %select_n3A_157 : vector<16xi32>
    %swap3A_194 = arith.constant 48 : index
    %swap3A_195 = tpu.vector_load %arg10[%swap3A_194] {strides = array<i32>} : memref<160xi32, #tpu.memory_space<vmem>>, vector<16xi32>,
    %swap3A_196 = vector.shape_cast %swap3A_195 : vector<16xi32> to vector<16xi32>
    %swap3A_197 = vector.shape_cast %add3A_193 : vector<16xi32> to vector<16xi32>
    tpu.vector_store %arg10[%swap3A_194], %swap3A_197 {strides = array<i32>} : memref<160xi32, #tpu.memory_space<vmem>>, vector<16xi32>,
    %get3A_198 = arith.constant 64 : index
    %get3A_199 = tpu.vector_load %arg8[%get3A_198] {strides = array<i32>} : memref<160xi32, #tpu.memory_space<vmem>>, vector<16xi32>,
    %get3A_200 = vector.shape_cast %get3A_199 : vector<16xi32> to vector<16xi32>
    %ge3A_201 = arith.constant 499968 : i32
    %ge3A_202 = vector.broadcast %ge3A_201 : i32 to vector<16xi32>
    %ge3A_203 = arith.cmpi sge, %get3A_200, %ge3A_202 : vector<16xi32>
    %jit3A_204 = arith.constant 1 : i32
    %jit3A_205 = arith.constant 0 : i32
    %broadcast_in_dim3A_206 = vector.broadcast %jit3A_204 : i32 to vector<16xi32>
    %broadcast_in_dim3A_207 = vector.broadcast %jit3A_205 : i32 to vector<16xi32>
    %select_n3A_208 = arith.select %ge3A_203, %broadcast_in_dim3A_206, %broadcast_in_dim3A_207 : vector<16xi1>, vector<16xi32>
    %min3A_209 = arith.constant 499967 : i32
    %min3A_210 = vector.broadcast %min3A_209 : i32 to vector<16xi32>
    %min3A_211 = arith.minsi %get3A_200, %min3A_210 : vector<16xi32>
    %swap3A_212 = arith.constant 64 : index
    %swap3A_213 = tpu.vector_load %arg8[%swap3A_212] {strides = array<i32>} : memref<160xi32, #tpu.memory_space<vmem>>, vector<16xi32>,
    %swap3A_214 = vector.shape_cast %swap3A_213 : vector<16xi32> to vector<16xi32>
    %swap3A_215 = vector.shape_cast %min3A_211 : vector<16xi32> to vector<16xi32>
    tpu.vector_store %arg8[%swap3A_212], %swap3A_215 {strides = array<i32>} : memref<160xi32, #tpu.memory_space<vmem>>, vector<16xi32>,
    %sub3A_216 = arith.constant 499968 : i32
    %sub3A_217 = vector.broadcast %sub3A_216 : i32 to vector<16xi32>
    %sub3A_218 = arith.subi %get3A_200, %sub3A_217 : vector<16xi32>
    %max3A_219 = arith.constant 0 : i32
    %max3A_220 = vector.broadcast %max3A_219 : i32 to vector<16xi32>
    %max3A_221 = arith.maxsi %sub3A_218, %max3A_220 : vector<16xi32>
    %swap3A_222 = arith.constant 64 : index
    %swap3A_223 = tpu.vector_load %arg9[%swap3A_222] {strides = array<i32>} : memref<160xi32, #tpu.memory_space<vmem>>, vector<16xi32>,
    %swap3A_224 = vector.shape_cast %swap3A_223 : vector<16xi32> to vector<16xi32>
    %swap3A_225 = vector.shape_cast %max3A_221 : vector<16xi32> to vector<16xi32>
    tpu.vector_store %arg9[%swap3A_222], %swap3A_225 {strides = array<i32>} : memref<160xi32, #tpu.memory_space<vmem>>, vector<16xi32>,
    %add3A_226 = arith.constant 64 : i32
    %add3A_227 = arith.addi %multiple_of3A, %add3A_226 : i32
    %iota3A_228 = tpu.iota {dimensions = array<i32: 0>} : vector<16xi32>
    %add3A_229 = vector.broadcast %add3A_227 : i32 to vector<16xi32>
    %add3A_230 = arith.addi %add3A_229, %iota3A_228 : vector<16xi32>
    %rem3A_231 = arith.constant 200 : i32
    %rem3A_232 = vector.broadcast %rem3A_231 : i32 to vector<16xi32>
    %rem3A_233 = arith.remsi %add3A_230, %rem3A_232 : vector<16xi32>
    %mul3A_234 = arith.constant 3 : i32
    %mul3A_235 = vector.broadcast %mul3A_234 : i32 to vector<16xi32>
    %mul3A_236 = arith.muli %rem3A_233, %mul3A_235 : vector<16xi32>
    %get3A_237 = arith.constant 64 : index
    %get3A_238 = tpu.vector_load %arg10[%get3A_237] {strides = array<i32>} : memref<160xi32, #tpu.memory_space<vmem>>, vector<16xi32>,
    %get3A_239 = vector.shape_cast %get3A_238 : vector<16xi32> to vector<16xi32>
    %add3A_240 = arith.addi %mul3A_236, %get3A_239 : vector<16xi32>
    %mul3A_241 = arith.constant 2 : i32
    %mul3A_242 = vector.broadcast %mul3A_241 : i32 to vector<16xi32>
    %mul3A_243 = arith.muli %add3A_240, %mul3A_242 : vector<16xi32>
    %add3A_244 = arith.addi %mul3A_243, %select_n3A_208 : vector<16xi32>
    %swap3A_245 = arith.constant 64 : index
    %swap3A_246 = tpu.vector_load %arg10[%swap3A_245] {strides = array<i32>} : memref<160xi32, #tpu.memory_space<vmem>>, vector<16xi32>,
    %swap3A_247 = vector.shape_cast %swap3A_246 : vector<16xi32> to vector<16xi32>
    %swap3A_248 = vector.shape_cast %add3A_244 : vector<16xi32> to vector<16xi32>
    tpu.vector_store %arg10[%swap3A_245], %swap3A_248 {strides = array<i32>} : memref<160xi32, #tpu.memory_space<vmem>>, vector<16xi32>,
    %get3A_249 = arith.constant 80 : index
    %get3A_250 = tpu.vector_load %arg8[%get3A_249] {strides = array<i32>} : memref<160xi32, #tpu.memory_space<vmem>>, vector<16xi32>,
    %get3A_251 = vector.shape_cast %get3A_250 : vector<16xi32> to vector<16xi32>
    %ge3A_252 = arith.constant 499968 : i32
    %ge3A_253 = vector.broadcast %ge3A_252 : i32 to vector<16xi32>
    %ge3A_254 = arith.cmpi sge, %get3A_251, %ge3A_253 : vector<16xi32>
    %jit3A_255 = arith.constant 1 : i32
    %jit3A_256 = arith.constant 0 : i32
    %broadcast_in_dim3A_257 = vector.broadcast %jit3A_255 : i32 to vector<16xi32>
    %broadcast_in_dim3A_258 = vector.broadcast %jit3A_256 : i32 to vector<16xi32>
    %select_n3A_259 = arith.select %ge3A_254, %broadcast_in_dim3A_257, %broadcast_in_dim3A_258 : vector<16xi1>, vector<16xi32>
    %min3A_260 = arith.constant 499967 : i32
    %min3A_261 = vector.broadcast %min3A_260 : i32 to vector<16xi32>
    %min3A_262 = arith.minsi %get3A_251, %min3A_261 : vector<16xi32>
    %swap3A_263 = arith.constant 80 : index
    %swap3A_264 = tpu.vector_load %arg8[%swap3A_263] {strides = array<i32>} : memref<160xi32, #tpu.memory_space<vmem>>, vector<16xi32>,
    %swap3A_265 = vector.shape_cast %swap3A_264 : vector<16xi32> to vector<16xi32>
    %swap3A_266 = vector.shape_cast %min3A_262 : vector<16xi32> to vector<16xi32>
    tpu.vector_store %arg8[%swap3A_263], %swap3A_266 {strides = array<i32>} : memref<160xi32, #tpu.memory_space<vmem>>, vector<16xi32>,
    %sub3A_267 = arith.constant 499968 : i32
    %sub3A_268 = vector.broadcast %sub3A_267 : i32 to vector<16xi32>
    %sub3A_269 = arith.subi %get3A_251, %sub3A_268 : vector<16xi32>
    %max3A_270 = arith.constant 0 : i32
    %max3A_271 = vector.broadcast %max3A_270 : i32 to vector<16xi32>
    %max3A_272 = arith.maxsi %sub3A_269, %max3A_271 : vector<16xi32>
    %swap3A_273 = arith.constant 80 : index
    %swap3A_274 = tpu.vector_load %arg9[%swap3A_273] {strides = array<i32>} : memref<160xi32, #tpu.memory_space<vmem>>, vector<16xi32>,
    %swap3A_275 = vector.shape_cast %swap3A_274 : vector<16xi32> to vector<16xi32>
    %swap3A_276 = vector.shape_cast %max3A_272 : vector<16xi32> to vector<16xi32>
    tpu.vector_store %arg9[%swap3A_273], %swap3A_276 {strides = array<i32>} : memref<160xi32, #tpu.memory_space<vmem>>, vector<16xi32>,
    %add3A_277 = arith.constant 80 : i32
    %add3A_278 = arith.addi %multiple_of3A, %add3A_277 : i32
    %iota3A_279 = tpu.iota {dimensions = array<i32: 0>} : vector<16xi32>
    %add3A_280 = vector.broadcast %add3A_278 : i32 to vector<16xi32>
    %add3A_281 = arith.addi %add3A_280, %iota3A_279 : vector<16xi32>
    %rem3A_282 = arith.constant 200 : i32
    %rem3A_283 = vector.broadcast %rem3A_282 : i32 to vector<16xi32>
    %rem3A_284 = arith.remsi %add3A_281, %rem3A_283 : vector<16xi32>
    %mul3A_285 = arith.constant 3 : i32
    %mul3A_286 = vector.broadcast %mul3A_285 : i32 to vector<16xi32>
    %mul3A_287 = arith.muli %rem3A_284, %mul3A_286 : vector<16xi32>
    %get3A_288 = arith.constant 80 : index
    %get3A_289 = tpu.vector_load %arg10[%get3A_288] {strides = array<i32>} : memref<160xi32, #tpu.memory_space<vmem>>, vector<16xi32>,
    %get3A_290 = vector.shape_cast %get3A_289 : vector<16xi32> to vector<16xi32>
    %add3A_291 = arith.addi %mul3A_287, %get3A_290 : vector<16xi32>
    %mul3A_292 = arith.constant 2 : i32
    %mul3A_293 = vector.broadcast %mul3A_292 : i32 to vector<16xi32>
    %mul3A_294 = arith.muli %add3A_291, %mul3A_293 : vector<16xi32>
    %add3A_295 = arith.addi %mul3A_294, %select_n3A_259 : vector<16xi32>
    %swap3A_296 = arith.constant 80 : index
    %swap3A_297 = tpu.vector_load %arg10[%swap3A_296] {strides = array<i32>} : memref<160xi32, #tpu.memory_space<vmem>>, vector<16xi32>,
    %swap3A_298 = vector.shape_cast %swap3A_297 : vector<16xi32> to vector<16xi32>
    %swap3A_299 = vector.shape_cast %add3A_295 : vector<16xi32> to vector<16xi32>
    tpu.vector_store %arg10[%swap3A_296], %swap3A_299 {strides = array<i32>} : memref<160xi32, #tpu.memory_space<vmem>>, vector<16xi32>,
    %get3A_300 = arith.constant 96 : index
    %get3A_301 = tpu.vector_load %arg8[%get3A_300] {strides = array<i32>} : memref<160xi32, #tpu.memory_space<vmem>>, vector<16xi32>,
    %get3A_302 = vector.shape_cast %get3A_301 : vector<16xi32> to vector<16xi32>
    %ge3A_303 = arith.constant 499968 : i32
    %ge3A_304 = vector.broadcast %ge3A_303 : i32 to vector<16xi32>
    %ge3A_305 = arith.cmpi sge, %get3A_302, %ge3A_304 : vector<16xi32>
    %jit3A_306 = arith.constant 1 : i32
    %jit3A_307 = arith.constant 0 : i32
    %broadcast_in_dim3A_308 = vector.broadcast %jit3A_306 : i32 to vector<16xi32>
    %broadcast_in_dim3A_309 = vector.broadcast %jit3A_307 : i32 to vector<16xi32>
    %select_n3A_310 = arith.select %ge3A_305, %broadcast_in_dim3A_308, %broadcast_in_dim3A_309 : vector<16xi1>, vector<16xi32>
    %min3A_311 = arith.constant 499967 : i32
    %min3A_312 = vector.broadcast %min3A_311 : i32 to vector<16xi32>
    %min3A_313 = arith.minsi %get3A_302, %min3A_312 : vector<16xi32>
    %swap3A_314 = arith.constant 96 : index
    %swap3A_315 = tpu.vector_load %arg8[%swap3A_314] {strides = array<i32>} : memref<160xi32, #tpu.memory_space<vmem>>, vector<16xi32>,
    %swap3A_316 = vector.shape_cast %swap3A_315 : vector<16xi32> to vector<16xi32>
    %swap3A_317 = vector.shape_cast %min3A_313 : vector<16xi32> to vector<16xi32>
    tpu.vector_store %arg8[%swap3A_314], %swap3A_317 {strides = array<i32>} : memref<160xi32, #tpu.memory_space<vmem>>, vector<16xi32>,
    %sub3A_318 = arith.constant 499968 : i32
    %sub3A_319 = vector.broadcast %sub3A_318 : i32 to vector<16xi32>
    %sub3A_320 = arith.subi %get3A_302, %sub3A_319 : vector<16xi32>
    %max3A_321 = arith.constant 0 : i32
    %max3A_322 = vector.broadcast %max3A_321 : i32 to vector<16xi32>
    %max3A_323 = arith.maxsi %sub3A_320, %max3A_322 : vector<16xi32>
    %swap3A_324 = arith.constant 96 : index
    %swap3A_325 = tpu.vector_load %arg9[%swap3A_324] {strides = array<i32>} : memref<160xi32, #tpu.memory_space<vmem>>, vector<16xi32>,
    %swap3A_326 = vector.shape_cast %swap3A_325 : vector<16xi32> to vector<16xi32>
    %swap3A_327 = vector.shape_cast %max3A_323 : vector<16xi32> to vector<16xi32>
    tpu.vector_store %arg9[%swap3A_324], %swap3A_327 {strides = array<i32>} : memref<160xi32, #tpu.memory_space<vmem>>, vector<16xi32>,
    %add3A_328 = arith.constant 96 : i32
    %add3A_329 = arith.addi %multiple_of3A, %add3A_328 : i32
    %iota3A_330 = tpu.iota {dimensions = array<i32: 0>} : vector<16xi32>
    %add3A_331 = vector.broadcast %add3A_329 : i32 to vector<16xi32>
    %add3A_332 = arith.addi %add3A_331, %iota3A_330 : vector<16xi32>
    %rem3A_333 = arith.constant 200 : i32
    %rem3A_334 = vector.broadcast %rem3A_333 : i32 to vector<16xi32>
    %rem3A_335 = arith.remsi %add3A_332, %rem3A_334 : vector<16xi32>
    %mul3A_336 = arith.constant 3 : i32
    %mul3A_337 = vector.broadcast %mul3A_336 : i32 to vector<16xi32>
    %mul3A_338 = arith.muli %rem3A_335, %mul3A_337 : vector<16xi32>
    %get3A_339 = arith.constant 96 : index
    %get3A_340 = tpu.vector_load %arg10[%get3A_339] {strides = array<i32>} : memref<160xi32, #tpu.memory_space<vmem>>, vector<16xi32>,
    %get3A_341 = vector.shape_cast %get3A_340 : vector<16xi32> to vector<16xi32>
    %add3A_342 = arith.addi %mul3A_338, %get3A_341 : vector<16xi32>
    %mul3A_343 = arith.constant 2 : i32
    %mul3A_344 = vector.broadcast %mul3A_343 : i32 to vector<16xi32>
    %mul3A_345 = arith.muli %add3A_342, %mul3A_344 : vector<16xi32>
    %add3A_346 = arith.addi %mul3A_345, %select_n3A_310 : vector<16xi32>
    %swap3A_347 = arith.constant 96 : index
    %swap3A_348 = tpu.vector_load %arg10[%swap3A_347] {strides = array<i32>} : memref<160xi32, #tpu.memory_space<vmem>>, vector<16xi32>,
    %swap3A_349 = vector.shape_cast %swap3A_348 : vector<16xi32> to vector<16xi32>
    %swap3A_350 = vector.shape_cast %add3A_346 : vector<16xi32> to vector<16xi32>
    tpu.vector_store %arg10[%swap3A_347], %swap3A_350 {strides = array<i32>} : memref<160xi32, #tpu.memory_space<vmem>>, vector<16xi32>,
    %get3A_351 = arith.constant 112 : index
    %get3A_352 = tpu.vector_load %arg8[%get3A_351] {strides = array<i32>} : memref<160xi32, #tpu.memory_space<vmem>>, vector<16xi32>,
    %get3A_353 = vector.shape_cast %get3A_352 : vector<16xi32> to vector<16xi32>
    %ge3A_354 = arith.constant 499968 : i32
    %ge3A_355 = vector.broadcast %ge3A_354 : i32 to vector<16xi32>
    %ge3A_356 = arith.cmpi sge, %get3A_353, %ge3A_355 : vector<16xi32>
    %jit3A_357 = arith.constant 1 : i32
    %jit3A_358 = arith.constant 0 : i32
    %broadcast_in_dim3A_359 = vector.broadcast %jit3A_357 : i32 to vector<16xi32>
    %broadcast_in_dim3A_360 = vector.broadcast %jit3A_358 : i32 to vector<16xi32>
    %select_n3A_361 = arith.select %ge3A_356, %broadcast_in_dim3A_359, %broadcast_in_dim3A_360 : vector<16xi1>, vector<16xi32>
    %min3A_362 = arith.constant 499967 : i32
    %min3A_363 = vector.broadcast %min3A_362 : i32 to vector<16xi32>
    %min3A_364 = arith.minsi %get3A_353, %min3A_363 : vector<16xi32>
    %swap3A_365 = arith.constant 112 : index
    %swap3A_366 = tpu.vector_load %arg8[%swap3A_365] {strides = array<i32>} : memref<160xi32, #tpu.memory_space<vmem>>, vector<16xi32>,
    %swap3A_367 = vector.shape_cast %swap3A_366 : vector<16xi32> to vector<16xi32>
    %swap3A_368 = vector.shape_cast %min3A_364 : vector<16xi32> to vector<16xi32>
    tpu.vector_store %arg8[%swap3A_365], %swap3A_368 {strides = array<i32>} : memref<160xi32, #tpu.memory_space<vmem>>, vector<16xi32>,
    %sub3A_369 = arith.constant 499968 : i32
    %sub3A_370 = vector.broadcast %sub3A_369 : i32 to vector<16xi32>
    %sub3A_371 = arith.subi %get3A_353, %sub3A_370 : vector<16xi32>
    %max3A_372 = arith.constant 0 : i32
    %max3A_373 = vector.broadcast %max3A_372 : i32 to vector<16xi32>
    %max3A_374 = arith.maxsi %sub3A_371, %max3A_373 : vector<16xi32>
    %swap3A_375 = arith.constant 112 : index
    %swap3A_376 = tpu.vector_load %arg9[%swap3A_375] {strides = array<i32>} : memref<160xi32, #tpu.memory_space<vmem>>, vector<16xi32>,
    %swap3A_377 = vector.shape_cast %swap3A_376 : vector<16xi32> to vector<16xi32>
    %swap3A_378 = vector.shape_cast %max3A_374 : vector<16xi32> to vector<16xi32>
    tpu.vector_store %arg9[%swap3A_375], %swap3A_378 {strides = array<i32>} : memref<160xi32, #tpu.memory_space<vmem>>, vector<16xi32>,
    %add3A_379 = arith.constant 112 : i32
    %add3A_380 = arith.addi %multiple_of3A, %add3A_379 : i32
    %iota3A_381 = tpu.iota {dimensions = array<i32: 0>} : vector<16xi32>
    %add3A_382 = vector.broadcast %add3A_380 : i32 to vector<16xi32>
    %add3A_383 = arith.addi %add3A_382, %iota3A_381 : vector<16xi32>
    %rem3A_384 = arith.constant 200 : i32
    %rem3A_385 = vector.broadcast %rem3A_384 : i32 to vector<16xi32>
    %rem3A_386 = arith.remsi %add3A_383, %rem3A_385 : vector<16xi32>
    %mul3A_387 = arith.constant 3 : i32
    %mul3A_388 = vector.broadcast %mul3A_387 : i32 to vector<16xi32>
    %mul3A_389 = arith.muli %rem3A_386, %mul3A_388 : vector<16xi32>
    %get3A_390 = arith.constant 112 : index
    %get3A_391 = tpu.vector_load %arg10[%get3A_390] {strides = array<i32>} : memref<160xi32, #tpu.memory_space<vmem>>, vector<16xi32>,
    %get3A_392 = vector.shape_cast %get3A_391 : vector<16xi32> to vector<16xi32>
    %add3A_393 = arith.addi %mul3A_389, %get3A_392 : vector<16xi32>
    %mul3A_394 = arith.constant 2 : i32
    %mul3A_395 = vector.broadcast %mul3A_394 : i32 to vector<16xi32>
    %mul3A_396 = arith.muli %add3A_393, %mul3A_395 : vector<16xi32>
    %add3A_397 = arith.addi %mul3A_396, %select_n3A_361 : vector<16xi32>
    %swap3A_398 = arith.constant 112 : index
    %swap3A_399 = tpu.vector_load %arg10[%swap3A_398] {strides = array<i32>} : memref<160xi32, #tpu.memory_space<vmem>>, vector<16xi32>,
    %swap3A_400 = vector.shape_cast %swap3A_399 : vector<16xi32> to vector<16xi32>
    %swap3A_401 = vector.shape_cast %add3A_397 : vector<16xi32> to vector<16xi32>
    tpu.vector_store %arg10[%swap3A_398], %swap3A_401 {strides = array<i32>} : memref<160xi32, #tpu.memory_space<vmem>>, vector<16xi32>,
    %get3A_402 = arith.constant 128 : index
    %get3A_403 = tpu.vector_load %arg8[%get3A_402] {strides = array<i32>} : memref<160xi32, #tpu.memory_space<vmem>>, vector<16xi32>,
    %get3A_404 = vector.shape_cast %get3A_403 : vector<16xi32> to vector<16xi32>
    %ge3A_405 = arith.constant 499968 : i32
    %ge3A_406 = vector.broadcast %ge3A_405 : i32 to vector<16xi32>
    %ge3A_407 = arith.cmpi sge, %get3A_404, %ge3A_406 : vector<16xi32>
    %jit3A_408 = arith.constant 1 : i32
    %jit3A_409 = arith.constant 0 : i32
    %broadcast_in_dim3A_410 = vector.broadcast %jit3A_408 : i32 to vector<16xi32>
    %broadcast_in_dim3A_411 = vector.broadcast %jit3A_409 : i32 to vector<16xi32>
    %select_n3A_412 = arith.select %ge3A_407, %broadcast_in_dim3A_410, %broadcast_in_dim3A_411 : vector<16xi1>, vector<16xi32>
    %min3A_413 = arith.constant 499967 : i32
    %min3A_414 = vector.broadcast %min3A_413 : i32 to vector<16xi32>
    %min3A_415 = arith.minsi %get3A_404, %min3A_414 : vector<16xi32>
    %swap3A_416 = arith.constant 128 : index
    %swap3A_417 = tpu.vector_load %arg8[%swap3A_416] {strides = array<i32>} : memref<160xi32, #tpu.memory_space<vmem>>, vector<16xi32>,
    %swap3A_418 = vector.shape_cast %swap3A_417 : vector<16xi32> to vector<16xi32>
    %swap3A_419 = vector.shape_cast %min3A_415 : vector<16xi32> to vector<16xi32>
    tpu.vector_store %arg8[%swap3A_416], %swap3A_419 {strides = array<i32>} : memref<160xi32, #tpu.memory_space<vmem>>, vector<16xi32>,
    %sub3A_420 = arith.constant 499968 : i32
    %sub3A_421 = vector.broadcast %sub3A_420 : i32 to vector<16xi32>
    %sub3A_422 = arith.subi %get3A_404, %sub3A_421 : vector<16xi32>
    %max3A_423 = arith.constant 0 : i32
    %max3A_424 = vector.broadcast %max3A_423 : i32 to vector<16xi32>
    %max3A_425 = arith.maxsi %sub3A_422, %max3A_424 : vector<16xi32>
    %swap3A_426 = arith.constant 128 : index
    %swap3A_427 = tpu.vector_load %arg9[%swap3A_426] {strides = array<i32>} : memref<160xi32, #tpu.memory_space<vmem>>, vector<16xi32>,
    %swap3A_428 = vector.shape_cast %swap3A_427 : vector<16xi32> to vector<16xi32>
    %swap3A_429 = vector.shape_cast %max3A_425 : vector<16xi32> to vector<16xi32>
    tpu.vector_store %arg9[%swap3A_426], %swap3A_429 {strides = array<i32>} : memref<160xi32, #tpu.memory_space<vmem>>, vector<16xi32>,
    %add3A_430 = arith.constant 128 : i32
    %add3A_431 = arith.addi %multiple_of3A, %add3A_430 : i32
    %iota3A_432 = tpu.iota {dimensions = array<i32: 0>} : vector<16xi32>
    %add3A_433 = vector.broadcast %add3A_431 : i32 to vector<16xi32>
    %add3A_434 = arith.addi %add3A_433, %iota3A_432 : vector<16xi32>
    %rem3A_435 = arith.constant 200 : i32
    %rem3A_436 = vector.broadcast %rem3A_435 : i32 to vector<16xi32>
    %rem3A_437 = arith.remsi %add3A_434, %rem3A_436 : vector<16xi32>
    %mul3A_438 = arith.constant 3 : i32
    %mul3A_439 = vector.broadcast %mul3A_438 : i32 to vector<16xi32>
    %mul3A_440 = arith.muli %rem3A_437, %mul3A_439 : vector<16xi32>
    %get3A_441 = arith.constant 128 : index
    %get3A_442 = tpu.vector_load %arg10[%get3A_441] {strides = array<i32>} : memref<160xi32, #tpu.memory_space<vmem>>, vector<16xi32>,
    %get3A_443 = vector.shape_cast %get3A_442 : vector<16xi32> to vector<16xi32>
    %add3A_444 = arith.addi %mul3A_440, %get3A_443 : vector<16xi32>
    %mul3A_445 = arith.constant 2 : i32
    %mul3A_446 = vector.broadcast %mul3A_445 : i32 to vector<16xi32>
    %mul3A_447 = arith.muli %add3A_444, %mul3A_446 : vector<16xi32>
    %add3A_448 = arith.addi %mul3A_447, %select_n3A_412 : vector<16xi32>
    %swap3A_449 = arith.constant 128 : index
    %swap3A_450 = tpu.vector_load %arg10[%swap3A_449] {strides = array<i32>} : memref<160xi32, #tpu.memory_space<vmem>>, vector<16xi32>,
    %swap3A_451 = vector.shape_cast %swap3A_450 : vector<16xi32> to vector<16xi32>
    %swap3A_452 = vector.shape_cast %add3A_448 : vector<16xi32> to vector<16xi32>
    tpu.vector_store %arg10[%swap3A_449], %swap3A_452 {strides = array<i32>} : memref<160xi32, #tpu.memory_space<vmem>>, vector<16xi32>,
    %get3A_453 = arith.constant 144 : index
    %get3A_454 = tpu.vector_load %arg8[%get3A_453] {strides = array<i32>} : memref<160xi32, #tpu.memory_space<vmem>>, vector<16xi32>,
    %get3A_455 = vector.shape_cast %get3A_454 : vector<16xi32> to vector<16xi32>
    %ge3A_456 = arith.constant 499968 : i32
    %ge3A_457 = vector.broadcast %ge3A_456 : i32 to vector<16xi32>
    %ge3A_458 = arith.cmpi sge, %get3A_455, %ge3A_457 : vector<16xi32>
    %jit3A_459 = arith.constant 1 : i32
    %jit3A_460 = arith.constant 0 : i32
    %broadcast_in_dim3A_461 = vector.broadcast %jit3A_459 : i32 to vector<16xi32>
    %broadcast_in_dim3A_462 = vector.broadcast %jit3A_460 : i32 to vector<16xi32>
    %select_n3A_463 = arith.select %ge3A_458, %broadcast_in_dim3A_461, %broadcast_in_dim3A_462 : vector<16xi1>, vector<16xi32>
    %min3A_464 = arith.constant 499967 : i32
    %min3A_465 = vector.broadcast %min3A_464 : i32 to vector<16xi32>
    %min3A_466 = arith.minsi %get3A_455, %min3A_465 : vector<16xi32>
    %swap3A_467 = arith.constant 144 : index
    %swap3A_468 = tpu.vector_load %arg8[%swap3A_467] {strides = array<i32>} : memref<160xi32, #tpu.memory_space<vmem>>, vector<16xi32>,
    %swap3A_469 = vector.shape_cast %swap3A_468 : vector<16xi32> to vector<16xi32>
    %swap3A_470 = vector.shape_cast %min3A_466 : vector<16xi32> to vector<16xi32>
    tpu.vector_store %arg8[%swap3A_467], %swap3A_470 {strides = array<i32>} : memref<160xi32, #tpu.memory_space<vmem>>, vector<16xi32>,
    %sub3A_471 = arith.constant 499968 : i32
    %sub3A_472 = vector.broadcast %sub3A_471 : i32 to vector<16xi32>
    %sub3A_473 = arith.subi %get3A_455, %sub3A_472 : vector<16xi32>
    %max3A_474 = arith.constant 0 : i32
    %max3A_475 = vector.broadcast %max3A_474 : i32 to vector<16xi32>
    %max3A_476 = arith.maxsi %sub3A_473, %max3A_475 : vector<16xi32>
    %swap3A_477 = arith.constant 144 : index
    %swap3A_478 = tpu.vector_load %arg9[%swap3A_477] {strides = array<i32>} : memref<160xi32, #tpu.memory_space<vmem>>, vector<16xi32>,
    %swap3A_479 = vector.shape_cast %swap3A_478 : vector<16xi32> to vector<16xi32>
    %swap3A_480 = vector.shape_cast %max3A_476 : vector<16xi32> to vector<16xi32>
    tpu.vector_store %arg9[%swap3A_477], %swap3A_480 {strides = array<i32>} : memref<160xi32, #tpu.memory_space<vmem>>, vector<16xi32>,
    %add3A_481 = arith.constant 144 : i32
    %add3A_482 = arith.addi %multiple_of3A, %add3A_481 : i32
    %iota3A_483 = tpu.iota {dimensions = array<i32: 0>} : vector<16xi32>
    %add3A_484 = vector.broadcast %add3A_482 : i32 to vector<16xi32>
    %add3A_485 = arith.addi %add3A_484, %iota3A_483 : vector<16xi32>
    %rem3A_486 = arith.constant 200 : i32
    %rem3A_487 = vector.broadcast %rem3A_486 : i32 to vector<16xi32>
    %rem3A_488 = arith.remsi %add3A_485, %rem3A_487 : vector<16xi32>
    %mul3A_489 = arith.constant 3 : i32
    %mul3A_490 = vector.broadcast %mul3A_489 : i32 to vector<16xi32>
    %mul3A_491 = arith.muli %rem3A_488, %mul3A_490 : vector<16xi32>
    %get3A_492 = arith.constant 144 : index
    %get3A_493 = tpu.vector_load %arg10[%get3A_492] {strides = array<i32>} : memref<160xi32, #tpu.memory_space<vmem>>, vector<16xi32>,
    %get3A_494 = vector.shape_cast %get3A_493 : vector<16xi32> to vector<16xi32>
    %add3A_495 = arith.addi %mul3A_491, %get3A_494 : vector<16xi32>
    %mul3A_496 = arith.constant 2 : i32
    %mul3A_497 = vector.broadcast %mul3A_496 : i32 to vector<16xi32>
    %mul3A_498 = arith.muli %add3A_495, %mul3A_497 : vector<16xi32>
    %add3A_499 = arith.addi %mul3A_498, %select_n3A_463 : vector<16xi32>
    %swap3A_500 = arith.constant 144 : index
    %swap3A_501 = tpu.vector_load %arg10[%swap3A_500] {strides = array<i32>} : memref<160xi32, #tpu.memory_space<vmem>>, vector<16xi32>,
    %swap3A_502 = vector.shape_cast %swap3A_501 : vector<16xi32> to vector<16xi32>
    %swap3A_503 = vector.shape_cast %add3A_499 : vector<16xi32> to vector<16xi32>
    tpu.vector_store %arg10[%swap3A_500], %swap3A_503 {strides = array<i32>} : memref<160xi32, #tpu.memory_space<vmem>>, vector<16xi32>,
    %dma_start3A = arith.constant 0 : i32
    %dma_start3A_504 = arith.constant 0 : i32
    %dma_start3A_505 = tpu.memref_slice %arg11[%dma_start3A, %dma_start3A_504] : memref<160x64xf32, #tpu.memory_space<vmem>> -> memref<128x64xf32, #tpu.memory_space<vmem>>
    %dma_start3A_506 = arith.constant 0 : i32
    %dma_start3A_507 = tpu.memref_slice %arg8[%dma_start3A_506] : memref<160xi32, #tpu.memory_space<vmem>> -> memref<128xi32, #tpu.memory_space<vmem>>
    %dma_start3A_508 = arith.constant 0 : i32
    %dma_start3A_509 = arith.constant 0 : i32
    %dma_start3A_510 = tpu.memref_slice %arg4[%dma_start3A_508, %dma_start3A_509] : memref<499968x64xf32, #tpu.memory_space<hbm>> -> memref<499968x64xf32, #tpu.memory_space<hbm>>
    tpu.enqueue_indirect_dma source(%dma_start3A_510 : memref<499968x64xf32, #tpu.memory_space<hbm>>) target(%dma_start3A_505 : memref<128x64xf32, #tpu.memory_space<vmem>>) offsets(%dma_start3A_507 : memref<128xi32, #tpu.memory_space<vmem>>) semaphore(%arg22 : memref<!tpu.dma_semaphore, #tpu.memory_space<semaphore_mem>>)
    %dma_start3A_511 = arith.constant 0 : i32
    %dma_start3A_512 = arith.constant 0 : i32
    %dma_start3A_513 = tpu.memref_slice %arg12[%dma_start3A_511, %dma_start3A_512] : memref<160x64xf32, #tpu.memory_space<vmem>> -> memref<128x64xf32, #tpu.memory_space<vmem>>
    %dma_start3A_514 = arith.constant 0 : i32
    %dma_start3A_515 = tpu.memref_slice %arg9[%dma_start3A_514] : memref<160xi32, #tpu.memory_space<vmem>> -> memref<128xi32, #tpu.memory_space<vmem>>
    %dma_start3A_516 = arith.constant 0 : i32
    %dma_start3A_517 = arith.constant 0 : i32
    %dma_start3A_518 = tpu.memref_slice %arg5[%dma_start3A_516, %dma_start3A_517] : memref<500032x64xf32, #tpu.memory_space<hbm>> -> memref<500032x64xf32, #tpu.memory_space<hbm>>
    tpu.enqueue_indirect_dma source(%dma_start3A_518 : memref<500032x64xf32, #tpu.memory_space<hbm>>) target(%dma_start3A_513 : memref<128x64xf32, #tpu.memory_space<vmem>>) offsets(%dma_start3A_515 : memref<128xi32, #tpu.memory_space<vmem>>) semaphore(%arg22 : memref<!tpu.dma_semaphore, #tpu.memory_space<semaphore_mem>>)
    %dma_start3A_519 = arith.constant 0 : i32
    %dma_start3A_520 = arith.constant 0 : i32
    %dma_start3A_521 = tpu.memref_slice %arg13[%dma_start3A_519, %dma_start3A_520] : memref<160x128xf32, #tpu.memory_space<vmem>> -> memref<128x128xf32, #tpu.memory_space<vmem>>
    %dma_start3A_522 = arith.constant 0 : i32
    %dma_start3A_523 = tpu.memref_slice %arg10[%dma_start3A_522] : memref<160xi32, #tpu.memory_space<vmem>> -> memref<128xi32, #tpu.memory_space<vmem>>
    %dma_start3A_524 = arith.constant 0 : i32
    %dma_start3A_525 = arith.constant 0 : i32
    %dma_start3A_526 = tpu.memref_slice %arg6[%dma_start3A_524, %dma_start3A_525] : memref<1200x128xf32, #tpu.memory_space<hbm>> -> memref<1200x128xf32, #tpu.memory_space<hbm>>
    tpu.enqueue_indirect_dma source(%dma_start3A_526 : memref<1200x128xf32, #tpu.memory_space<hbm>>) target(%dma_start3A_521 : memref<128x128xf32, #tpu.memory_space<vmem>>) offsets(%dma_start3A_523 : memref<128xi32, #tpu.memory_space<vmem>>) semaphore(%arg22 : memref<!tpu.dma_semaphore, #tpu.memory_space<semaphore_mem>>)
    %dma_start3A_527 = arith.constant 128 : i32
    %dma_start3A_528 = arith.constant 0 : i32
    %dma_start3A_529 = tpu.memref_slice %arg11[%dma_start3A_527, %dma_start3A_528] : memref<160x64xf32, #tpu.memory_space<vmem>> -> memref<32x64xf32, #tpu.memory_space<vmem>>
    %dma_start3A_530 = arith.constant 128 : i32
    %dma_start3A_531 = tpu.memref_slice %arg8[%dma_start3A_530] : memref<160xi32, #tpu.memory_space<vmem>> -> memref<32xi32, #tpu.memory_space<vmem>>
    %dma_start3A_532 = arith.constant 0 : i32
    %dma_start3A_533 = arith.constant 0 : i32
    %dma_start3A_534 = tpu.memref_slice %arg4[%dma_start3A_532, %dma_start3A_533] : memref<499968x64xf32, #tpu.memory_space<hbm>> -> memref<499968x64xf32, #tpu.memory_space<hbm>>
    tpu.enqueue_indirect_dma source(%dma_start3A_534 : memref<499968x64xf32, #tpu.memory_space<hbm>>) target(%dma_start3A_529 : memref<32x64xf32, #tpu.memory_space<vmem>>) offsets(%dma_start3A_531 : memref<32xi32, #tpu.memory_space<vmem>>) semaphore(%arg22 : memref<!tpu.dma_semaphore, #tpu.memory_space<semaphore_mem>>)
    %dma_start3A_535 = arith.constant 128 : i32
    %dma_start3A_536 = arith.constant 0 : i32
    %dma_start3A_537 = tpu.memref_slice %arg12[%dma_start3A_535, %dma_start3A_536] : memref<160x64xf32, #tpu.memory_space<vmem>> -> memref<32x64xf32, #tpu.memory_space<vmem>>
    %dma_start3A_538 = arith.constant 128 : i32
    %dma_start3A_539 = tpu.memref_slice %arg9[%dma_start3A_538] : memref<160xi32, #tpu.memory_space<vmem>> -> memref<32xi32, #tpu.memory_space<vmem>>
    %dma_start3A_540 = arith.constant 0 : i32
    %dma_start3A_541 = arith.constant 0 : i32
    %dma_start3A_542 = tpu.memref_slice %arg5[%dma_start3A_540, %dma_start3A_541] : memref<500032x64xf32, #tpu.memory_space<hbm>> -> memref<500032x64xf32, #tpu.memory_space<hbm>>
    tpu.enqueue_indirect_dma source(%dma_start3A_542 : memref<500032x64xf32, #tpu.memory_space<hbm>>) target(%dma_start3A_537 : memref<32x64xf32, #tpu.memory_space<vmem>>) offsets(%dma_start3A_539 : memref<32xi32, #tpu.memory_space<vmem>>) semaphore(%arg22 : memref<!tpu.dma_semaphore, #tpu.memory_space<semaphore_mem>>)
    %dma_start3A_543 = arith.constant 128 : i32
    %dma_start3A_544 = arith.constant 0 : i32
    %dma_start3A_545 = tpu.memref_slice %arg13[%dma_start3A_543, %dma_start3A_544] : memref<160x128xf32, #tpu.memory_space<vmem>> -> memref<32x128xf32, #tpu.memory_space<vmem>>
    %dma_start3A_546 = arith.constant 128 : i32
    %dma_start3A_547 = tpu.memref_slice %arg10[%dma_start3A_546] : memref<160xi32, #tpu.memory_space<vmem>> -> memref<32xi32, #tpu.memory_space<vmem>>
    %dma_start3A_548 = arith.constant 0 : i32
    %dma_start3A_549 = arith.constant 0 : i32
    %dma_start3A_550 = tpu.memref_slice %arg6[%dma_start3A_548, %dma_start3A_549] : memref<1200x128xf32, #tpu.memory_space<hbm>> -> memref<1200x128xf32, #tpu.memory_space<hbm>>
    tpu.enqueue_indirect_dma source(%dma_start3A_550 : memref<1200x128xf32, #tpu.memory_space<hbm>>) target(%dma_start3A_545 : memref<32x128xf32, #tpu.memory_space<vmem>>) offsets(%dma_start3A_547 : memref<32xi32, #tpu.memory_space<vmem>>) semaphore(%arg22 : memref<!tpu.dma_semaphore, #tpu.memory_space<semaphore_mem>>)
    %add3A_551 = arith.constant 160 : i32
    %add3A_552 = arith.addi %mul3A_2, %add3A_551 : i32
    %multiple_of3A_553 = tpu.assume_multiple %add3A_552, 160 : i32
    "tpu.region"() ({
      %run_scoped3A = tpu.sem_alloc : memref<!tpu.dma_semaphore, #tpu.memory_space<semaphore_mem>>
      %dma_start3A_1128 = tpu.memref_slice %arg2[%multiple_of3A_553] : memref<204800xi32, #tpu.memory_space<hbm>> -> memref<160xi32, #tpu.memory_space<hbm>>
      %dma_start3A_1129 = tpu.memref_slice %arg2[%multiple_of3A_553] : memref<204800xi32, #tpu.memory_space<hbm>> -> memref<160xi32, #tpu.memory_space<hbm>>
      tpu.enqueue_dma source(%dma_start3A_1129 : memref<160xi32, #tpu.memory_space<hbm>>) target(%arg15 : memref<160xi32, #tpu.memory_space<vmem>>) target_semaphore(%run_scoped3A : memref<!tpu.dma_semaphore, #tpu.memory_space<semaphore_mem>>)
      %dma_wait3A_1130 = tpu.memref_slice %arg2[%multiple_of3A_553] : memref<204800xi32, #tpu.memory_space<hbm>> -> memref<160xi32, #tpu.memory_space<hbm>>
      %dma_wait3A_1131 = tpu.memref_slice %arg2[%multiple_of3A_553] : memref<204800xi32, #tpu.memory_space<hbm>> -> memref<160xi32, #tpu.memory_space<hbm>>
      tpu.wait_dma2 semaphore(%run_scoped3A : memref<!tpu.dma_semaphore, #tpu.memory_space<semaphore_mem>>) src(%dma_wait3A_1131 : memref<160xi32, #tpu.memory_space<hbm>>) dst(%arg15 : memref<160xi32, #tpu.memory_space<vmem>>)
      tpu.yield
    }) : () -> ()
    "tpu.region"() ({
      %run_scoped3A = tpu.sem_alloc : memref<!tpu.dma_semaphore, #tpu.memory_space<semaphore_mem>>
      %dma_start3A_1128 = tpu.memref_slice %arg3[%multiple_of3A_553] : memref<204800xi32, #tpu.memory_space<hbm>> -> memref<160xi32, #tpu.memory_space<hbm>>
      %dma_start3A_1129 = tpu.memref_slice %arg3[%multiple_of3A_553] : memref<204800xi32, #tpu.memory_space<hbm>> -> memref<160xi32, #tpu.memory_space<hbm>>
      tpu.enqueue_dma source(%dma_start3A_1129 : memref<160xi32, #tpu.memory_space<hbm>>) target(%arg17 : memref<160xi32, #tpu.memory_space<vmem>>) target_semaphore(%run_scoped3A : memref<!tpu.dma_semaphore, #tpu.memory_space<semaphore_mem>>)
      %dma_wait3A_1130 = tpu.memref_slice %arg3[%multiple_of3A_553] : memref<204800xi32, #tpu.memory_space<hbm>> -> memref<160xi32, #tpu.memory_space<hbm>>
      %dma_wait3A_1131 = tpu.memref_slice %arg3[%multiple_of3A_553] : memref<204800xi32, #tpu.memory_space<hbm>> -> memref<160xi32, #tpu.memory_space<hbm>>
      tpu.wait_dma2 semaphore(%run_scoped3A : memref<!tpu.dma_semaphore, #tpu.memory_space<semaphore_mem>>) src(%dma_wait3A_1131 : memref<160xi32, #tpu.memory_space<hbm>>) dst(%arg17 : memref<160xi32, #tpu.memory_space<vmem>>)
      tpu.yield
    }) : () -> ()
    %get3A_554 = arith.constant 0 : index
    %get3A_555 = tpu.vector_load %arg15[%get3A_554] {strides = array<i32>} : memref<160xi32, #tpu.memory_space<vmem>>, vector<16xi32>,
    %get3A_556 = vector.shape_cast %get3A_555 : vector<16xi32> to vector<16xi32>
    %ge3A_557 = arith.constant 499968 : i32
    %ge3A_558 = vector.broadcast %ge3A_557 : i32 to vector<16xi32>
    %ge3A_559 = arith.cmpi sge, %get3A_556, %ge3A_558 : vector<16xi32>
    %jit3A_560 = arith.constant 1 : i32
    %jit3A_561 = arith.constant 0 : i32
    %broadcast_in_dim3A_562 = vector.broadcast %jit3A_560 : i32 to vector<16xi32>
    %broadcast_in_dim3A_563 = vector.broadcast %jit3A_561 : i32 to vector<16xi32>
    %select_n3A_564 = arith.select %ge3A_559, %broadcast_in_dim3A_562, %broadcast_in_dim3A_563 : vector<16xi1>, vector<16xi32>
    %min3A_565 = arith.constant 499967 : i32
    %min3A_566 = vector.broadcast %min3A_565 : i32 to vector<16xi32>
    %min3A_567 = arith.minsi %get3A_556, %min3A_566 : vector<16xi32>
    %swap3A_568 = arith.constant 0 : index
    %swap3A_569 = tpu.vector_load %arg15[%swap3A_568] {strides = array<i32>} : memref<160xi32, #tpu.memory_space<vmem>>, vector<16xi32>,
    %swap3A_570 = vector.shape_cast %swap3A_569 : vector<16xi32> to vector<16xi32>
    %swap3A_571 = vector.shape_cast %min3A_567 : vector<16xi32> to vector<16xi32>
    tpu.vector_store %arg15[%swap3A_568], %swap3A_571 {strides = array<i32>} : memref<160xi32, #tpu.memory_space<vmem>>, vector<16xi32>,
    %sub3A_572 = arith.constant 499968 : i32
    %sub3A_573 = vector.broadcast %sub3A_572 : i32 to vector<16xi32>
    %sub3A_574 = arith.subi %get3A_556, %sub3A_573 : vector<16xi32>
    %max3A_575 = arith.constant 0 : i32
    %max3A_576 = vector.broadcast %max3A_575 : i32 to vector<16xi32>
    %max3A_577 = arith.maxsi %sub3A_574, %max3A_576 : vector<16xi32>
    %swap3A_578 = arith.constant 0 : index
    %swap3A_579 = tpu.vector_load %arg16[%swap3A_578] {strides = array<i32>} : memref<160xi32, #tpu.memory_space<vmem>>, vector<16xi32>,
    %swap3A_580 = vector.shape_cast %swap3A_579 : vector<16xi32> to vector<16xi32>
    %swap3A_581 = vector.shape_cast %max3A_577 : vector<16xi32> to vector<16xi32>
    tpu.vector_store %arg16[%swap3A_578], %swap3A_581 {strides = array<i32>} : memref<160xi32, #tpu.memory_space<vmem>>, vector<16xi32>,
    %add3A_582 = arith.constant 0 : i32
    %add3A_583 = arith.addi %multiple_of3A_553, %add3A_582 : i32
    %iota3A_584 = tpu.iota {dimensions = array<i32: 0>} : vector<16xi32>
    %add3A_585 = vector.broadcast %add3A_583 : i32 to vector<16xi32>
    %add3A_586 = arith.addi %add3A_585, %iota3A_584 : vector<16xi32>
    %rem3A_587 = arith.constant 200 : i32
    %rem3A_588 = vector.broadcast %rem3A_587 : i32 to vector<16xi32>
    %rem3A_589 = arith.remsi %add3A_586, %rem3A_588 : vector<16xi32>
    %mul3A_590 = arith.constant 3 : i32
    %mul3A_591 = vector.broadcast %mul3A_590 : i32 to vector<16xi32>
    %mul3A_592 = arith.muli %rem3A_589, %mul3A_591 : vector<16xi32>
    %get3A_593 = arith.constant 0 : index
    %get3A_594 = tpu.vector_load %arg17[%get3A_593] {strides = array<i32>} : memref<160xi32, #tpu.memory_space<vmem>>, vector<16xi32>,
    %get3A_595 = vector.shape_cast %get3A_594 : vector<16xi32> to vector<16xi32>
    %add3A_596 = arith.addi %mul3A_592, %get3A_595 : vector<16xi32>
    %mul3A_597 = arith.constant 2 : i32
    %mul3A_598 = vector.broadcast %mul3A_597 : i32 to vector<16xi32>
    %mul3A_599 = arith.muli %add3A_596, %mul3A_598 : vector<16xi32>
    %add3A_600 = arith.addi %mul3A_599, %select_n3A_564 : vector<16xi32>
    %swap3A_601 = arith.constant 0 : index
    %swap3A_602 = tpu.vector_load %arg17[%swap3A_601] {strides = array<i32>} : memref<160xi32, #tpu.memory_space<vmem>>, vector<16xi32>,
    %swap3A_603 = vector.shape_cast %swap3A_602 : vector<16xi32> to vector<16xi32>
    %swap3A_604 = vector.shape_cast %add3A_600 : vector<16xi32> to vector<16xi32>
    tpu.vector_store %arg17[%swap3A_601], %swap3A_604 {strides = array<i32>} : memref<160xi32, #tpu.memory_space<vmem>>, vector<16xi32>,
    %get3A_605 = arith.constant 16 : index
    %get3A_606 = tpu.vector_load %arg15[%get3A_605] {strides = array<i32>} : memref<160xi32, #tpu.memory_space<vmem>>, vector<16xi32>,
    %get3A_607 = vector.shape_cast %get3A_606 : vector<16xi32> to vector<16xi32>
    %ge3A_608 = arith.constant 499968 : i32
    %ge3A_609 = vector.broadcast %ge3A_608 : i32 to vector<16xi32>
    %ge3A_610 = arith.cmpi sge, %get3A_607, %ge3A_609 : vector<16xi32>
    %jit3A_611 = arith.constant 1 : i32
    %jit3A_612 = arith.constant 0 : i32
    %broadcast_in_dim3A_613 = vector.broadcast %jit3A_611 : i32 to vector<16xi32>
    %broadcast_in_dim3A_614 = vector.broadcast %jit3A_612 : i32 to vector<16xi32>
    %select_n3A_615 = arith.select %ge3A_610, %broadcast_in_dim3A_613, %broadcast_in_dim3A_614 : vector<16xi1>, vector<16xi32>
    %min3A_616 = arith.constant 499967 : i32
    %min3A_617 = vector.broadcast %min3A_616 : i32 to vector<16xi32>
    %min3A_618 = arith.minsi %get3A_607, %min3A_617 : vector<16xi32>
    %swap3A_619 = arith.constant 16 : index
    %swap3A_620 = tpu.vector_load %arg15[%swap3A_619] {strides = array<i32>} : memref<160xi32, #tpu.memory_space<vmem>>, vector<16xi32>,
    %swap3A_621 = vector.shape_cast %swap3A_620 : vector<16xi32> to vector<16xi32>
    %swap3A_622 = vector.shape_cast %min3A_618 : vector<16xi32> to vector<16xi32>
    tpu.vector_store %arg15[%swap3A_619], %swap3A_622 {strides = array<i32>} : memref<160xi32, #tpu.memory_space<vmem>>, vector<16xi32>,
    %sub3A_623 = arith.constant 499968 : i32
    %sub3A_624 = vector.broadcast %sub3A_623 : i32 to vector<16xi32>
    %sub3A_625 = arith.subi %get3A_607, %sub3A_624 : vector<16xi32>
    %max3A_626 = arith.constant 0 : i32
    %max3A_627 = vector.broadcast %max3A_626 : i32 to vector<16xi32>
    %max3A_628 = arith.maxsi %sub3A_625, %max3A_627 : vector<16xi32>
    %swap3A_629 = arith.constant 16 : index
    %swap3A_630 = tpu.vector_load %arg16[%swap3A_629] {strides = array<i32>} : memref<160xi32, #tpu.memory_space<vmem>>, vector<16xi32>,
    %swap3A_631 = vector.shape_cast %swap3A_630 : vector<16xi32> to vector<16xi32>
    %swap3A_632 = vector.shape_cast %max3A_628 : vector<16xi32> to vector<16xi32>
    tpu.vector_store %arg16[%swap3A_629], %swap3A_632 {strides = array<i32>} : memref<160xi32, #tpu.memory_space<vmem>>, vector<16xi32>,
    %add3A_633 = arith.constant 16 : i32
    %add3A_634 = arith.addi %multiple_of3A_553, %add3A_633 : i32
    %iota3A_635 = tpu.iota {dimensions = array<i32: 0>} : vector<16xi32>
    %add3A_636 = vector.broadcast %add3A_634 : i32 to vector<16xi32>
    %add3A_637 = arith.addi %add3A_636, %iota3A_635 : vector<16xi32>
    %rem3A_638 = arith.constant 200 : i32
    %rem3A_639 = vector.broadcast %rem3A_638 : i32 to vector<16xi32>
    %rem3A_640 = arith.remsi %add3A_637, %rem3A_639 : vector<16xi32>
    %mul3A_641 = arith.constant 3 : i32
    %mul3A_642 = vector.broadcast %mul3A_641 : i32 to vector<16xi32>
    %mul3A_643 = arith.muli %rem3A_640, %mul3A_642 : vector<16xi32>
    %get3A_644 = arith.constant 16 : index
    %get3A_645 = tpu.vector_load %arg17[%get3A_644] {strides = array<i32>} : memref<160xi32, #tpu.memory_space<vmem>>, vector<16xi32>,
    %get3A_646 = vector.shape_cast %get3A_645 : vector<16xi32> to vector<16xi32>
    %add3A_647 = arith.addi %mul3A_643, %get3A_646 : vector<16xi32>
    %mul3A_648 = arith.constant 2 : i32
    %mul3A_649 = vector.broadcast %mul3A_648 : i32 to vector<16xi32>
    %mul3A_650 = arith.muli %add3A_647, %mul3A_649 : vector<16xi32>
    %add3A_651 = arith.addi %mul3A_650, %select_n3A_615 : vector<16xi32>
    %swap3A_652 = arith.constant 16 : index
    %swap3A_653 = tpu.vector_load %arg17[%swap3A_652] {strides = array<i32>} : memref<160xi32, #tpu.memory_space<vmem>>, vector<16xi32>,
    %swap3A_654 = vector.shape_cast %swap3A_653 : vector<16xi32> to vector<16xi32>
    %swap3A_655 = vector.shape_cast %add3A_651 : vector<16xi32> to vector<16xi32>
    tpu.vector_store %arg17[%swap3A_652], %swap3A_655 {strides = array<i32>} : memref<160xi32, #tpu.memory_space<vmem>>, vector<16xi32>,
    %get3A_656 = arith.constant 32 : index
    %get3A_657 = tpu.vector_load %arg15[%get3A_656] {strides = array<i32>} : memref<160xi32, #tpu.memory_space<vmem>>, vector<16xi32>,
    %get3A_658 = vector.shape_cast %get3A_657 : vector<16xi32> to vector<16xi32>
    %ge3A_659 = arith.constant 499968 : i32
    %ge3A_660 = vector.broadcast %ge3A_659 : i32 to vector<16xi32>
    %ge3A_661 = arith.cmpi sge, %get3A_658, %ge3A_660 : vector<16xi32>
    %jit3A_662 = arith.constant 1 : i32
    %jit3A_663 = arith.constant 0 : i32
    %broadcast_in_dim3A_664 = vector.broadcast %jit3A_662 : i32 to vector<16xi32>
    %broadcast_in_dim3A_665 = vector.broadcast %jit3A_663 : i32 to vector<16xi32>
    %select_n3A_666 = arith.select %ge3A_661, %broadcast_in_dim3A_664, %broadcast_in_dim3A_665 : vector<16xi1>, vector<16xi32>
    %min3A_667 = arith.constant 499967 : i32
    %min3A_668 = vector.broadcast %min3A_667 : i32 to vector<16xi32>
    %min3A_669 = arith.minsi %get3A_658, %min3A_668 : vector<16xi32>
    %swap3A_670 = arith.constant 32 : index
    %swap3A_671 = tpu.vector_load %arg15[%swap3A_670] {strides = array<i32>} : memref<160xi32, #tpu.memory_space<vmem>>, vector<16xi32>,
    %swap3A_672 = vector.shape_cast %swap3A_671 : vector<16xi32> to vector<16xi32>
    %swap3A_673 = vector.shape_cast %min3A_669 : vector<16xi32> to vector<16xi32>
    tpu.vector_store %arg15[%swap3A_670], %swap3A_673 {strides = array<i32>} : memref<160xi32, #tpu.memory_space<vmem>>, vector<16xi32>,
    %sub3A_674 = arith.constant 499968 : i32
    %sub3A_675 = vector.broadcast %sub3A_674 : i32 to vector<16xi32>
    %sub3A_676 = arith.subi %get3A_658, %sub3A_675 : vector<16xi32>
    %max3A_677 = arith.constant 0 : i32
    %max3A_678 = vector.broadcast %max3A_677 : i32 to vector<16xi32>
    %max3A_679 = arith.maxsi %sub3A_676, %max3A_678 : vector<16xi32>
    %swap3A_680 = arith.constant 32 : index
    %swap3A_681 = tpu.vector_load %arg16[%swap3A_680] {strides = array<i32>} : memref<160xi32, #tpu.memory_space<vmem>>, vector<16xi32>,
    %swap3A_682 = vector.shape_cast %swap3A_681 : vector<16xi32> to vector<16xi32>
    %swap3A_683 = vector.shape_cast %max3A_679 : vector<16xi32> to vector<16xi32>
    tpu.vector_store %arg16[%swap3A_680], %swap3A_683 {strides = array<i32>} : memref<160xi32, #tpu.memory_space<vmem>>, vector<16xi32>,
    %add3A_684 = arith.constant 32 : i32
    %add3A_685 = arith.addi %multiple_of3A_553, %add3A_684 : i32
    %iota3A_686 = tpu.iota {dimensions = array<i32: 0>} : vector<16xi32>
    %add3A_687 = vector.broadcast %add3A_685 : i32 to vector<16xi32>
    %add3A_688 = arith.addi %add3A_687, %iota3A_686 : vector<16xi32>
    %rem3A_689 = arith.constant 200 : i32
    %rem3A_690 = vector.broadcast %rem3A_689 : i32 to vector<16xi32>
    %rem3A_691 = arith.remsi %add3A_688, %rem3A_690 : vector<16xi32>
    %mul3A_692 = arith.constant 3 : i32
    %mul3A_693 = vector.broadcast %mul3A_692 : i32 to vector<16xi32>
    %mul3A_694 = arith.muli %rem3A_691, %mul3A_693 : vector<16xi32>
    %get3A_695 = arith.constant 32 : index
    %get3A_696 = tpu.vector_load %arg17[%get3A_695] {strides = array<i32>} : memref<160xi32, #tpu.memory_space<vmem>>, vector<16xi32>,
    %get3A_697 = vector.shape_cast %get3A_696 : vector<16xi32> to vector<16xi32>
    %add3A_698 = arith.addi %mul3A_694, %get3A_697 : vector<16xi32>
    %mul3A_699 = arith.constant 2 : i32
    %mul3A_700 = vector.broadcast %mul3A_699 : i32 to vector<16xi32>
    %mul3A_701 = arith.muli %add3A_698, %mul3A_700 : vector<16xi32>
    %add3A_702 = arith.addi %mul3A_701, %select_n3A_666 : vector<16xi32>
    %swap3A_703 = arith.constant 32 : index
    %swap3A_704 = tpu.vector_load %arg17[%swap3A_703] {strides = array<i32>} : memref<160xi32, #tpu.memory_space<vmem>>, vector<16xi32>,
    %swap3A_705 = vector.shape_cast %swap3A_704 : vector<16xi32> to vector<16xi32>
    %swap3A_706 = vector.shape_cast %add3A_702 : vector<16xi32> to vector<16xi32>
    tpu.vector_store %arg17[%swap3A_703], %swap3A_706 {strides = array<i32>} : memref<160xi32, #tpu.memory_space<vmem>>, vector<16xi32>,
    %get3A_707 = arith.constant 48 : index
    %get3A_708 = tpu.vector_load %arg15[%get3A_707] {strides = array<i32>} : memref<160xi32, #tpu.memory_space<vmem>>, vector<16xi32>,
    %get3A_709 = vector.shape_cast %get3A_708 : vector<16xi32> to vector<16xi32>
    %ge3A_710 = arith.constant 499968 : i32
    %ge3A_711 = vector.broadcast %ge3A_710 : i32 to vector<16xi32>
    %ge3A_712 = arith.cmpi sge, %get3A_709, %ge3A_711 : vector<16xi32>
    %jit3A_713 = arith.constant 1 : i32
    %jit3A_714 = arith.constant 0 : i32
    %broadcast_in_dim3A_715 = vector.broadcast %jit3A_713 : i32 to vector<16xi32>
    %broadcast_in_dim3A_716 = vector.broadcast %jit3A_714 : i32 to vector<16xi32>
    %select_n3A_717 = arith.select %ge3A_712, %broadcast_in_dim3A_715, %broadcast_in_dim3A_716 : vector<16xi1>, vector<16xi32>
    %min3A_718 = arith.constant 499967 : i32
    %min3A_719 = vector.broadcast %min3A_718 : i32 to vector<16xi32>
    %min3A_720 = arith.minsi %get3A_709, %min3A_719 : vector<16xi32>
    %swap3A_721 = arith.constant 48 : index
    %swap3A_722 = tpu.vector_load %arg15[%swap3A_721] {strides = array<i32>} : memref<160xi32, #tpu.memory_space<vmem>>, vector<16xi32>,
    %swap3A_723 = vector.shape_cast %swap3A_722 : vector<16xi32> to vector<16xi32>
    %swap3A_724 = vector.shape_cast %min3A_720 : vector<16xi32> to vector<16xi32>
    tpu.vector_store %arg15[%swap3A_721], %swap3A_724 {strides = array<i32>} : memref<160xi32, #tpu.memory_space<vmem>>, vector<16xi32>,
    %sub3A_725 = arith.constant 499968 : i32
    %sub3A_726 = vector.broadcast %sub3A_725 : i32 to vector<16xi32>
    %sub3A_727 = arith.subi %get3A_709, %sub3A_726 : vector<16xi32>
    %max3A_728 = arith.constant 0 : i32
    %max3A_729 = vector.broadcast %max3A_728 : i32 to vector<16xi32>
    %max3A_730 = arith.maxsi %sub3A_727, %max3A_729 : vector<16xi32>
    %swap3A_731 = arith.constant 48 : index
    %swap3A_732 = tpu.vector_load %arg16[%swap3A_731] {strides = array<i32>} : memref<160xi32, #tpu.memory_space<vmem>>, vector<16xi32>,
    %swap3A_733 = vector.shape_cast %swap3A_732 : vector<16xi32> to vector<16xi32>
    %swap3A_734 = vector.shape_cast %max3A_730 : vector<16xi32> to vector<16xi32>
    tpu.vector_store %arg16[%swap3A_731], %swap3A_734 {strides = array<i32>} : memref<160xi32, #tpu.memory_space<vmem>>, vector<16xi32>,
    %add3A_735 = arith.constant 48 : i32
    %add3A_736 = arith.addi %multiple_of3A_553, %add3A_735 : i32
    %iota3A_737 = tpu.iota {dimensions = array<i32: 0>} : vector<16xi32>
    %add3A_738 = vector.broadcast %add3A_736 : i32 to vector<16xi32>
    %add3A_739 = arith.addi %add3A_738, %iota3A_737 : vector<16xi32>
    %rem3A_740 = arith.constant 200 : i32
    %rem3A_741 = vector.broadcast %rem3A_740 : i32 to vector<16xi32>
    %rem3A_742 = arith.remsi %add3A_739, %rem3A_741 : vector<16xi32>
    %mul3A_743 = arith.constant 3 : i32
    %mul3A_744 = vector.broadcast %mul3A_743 : i32 to vector<16xi32>
    %mul3A_745 = arith.muli %rem3A_742, %mul3A_744 : vector<16xi32>
    %get3A_746 = arith.constant 48 : index
    %get3A_747 = tpu.vector_load %arg17[%get3A_746] {strides = array<i32>} : memref<160xi32, #tpu.memory_space<vmem>>, vector<16xi32>,
    %get3A_748 = vector.shape_cast %get3A_747 : vector<16xi32> to vector<16xi32>
    %add3A_749 = arith.addi %mul3A_745, %get3A_748 : vector<16xi32>
    %mul3A_750 = arith.constant 2 : i32
    %mul3A_751 = vector.broadcast %mul3A_750 : i32 to vector<16xi32>
    %mul3A_752 = arith.muli %add3A_749, %mul3A_751 : vector<16xi32>
    %add3A_753 = arith.addi %mul3A_752, %select_n3A_717 : vector<16xi32>
    %swap3A_754 = arith.constant 48 : index
    %swap3A_755 = tpu.vector_load %arg17[%swap3A_754] {strides = array<i32>} : memref<160xi32, #tpu.memory_space<vmem>>, vector<16xi32>,
    %swap3A_756 = vector.shape_cast %swap3A_755 : vector<16xi32> to vector<16xi32>
    %swap3A_757 = vector.shape_cast %add3A_753 : vector<16xi32> to vector<16xi32>
    tpu.vector_store %arg17[%swap3A_754], %swap3A_757 {strides = array<i32>} : memref<160xi32, #tpu.memory_space<vmem>>, vector<16xi32>,
    %get3A_758 = arith.constant 64 : index
    %get3A_759 = tpu.vector_load %arg15[%get3A_758] {strides = array<i32>} : memref<160xi32, #tpu.memory_space<vmem>>, vector<16xi32>,
    %get3A_760 = vector.shape_cast %get3A_759 : vector<16xi32> to vector<16xi32>
    %ge3A_761 = arith.constant 499968 : i32
    %ge3A_762 = vector.broadcast %ge3A_761 : i32 to vector<16xi32>
    %ge3A_763 = arith.cmpi sge, %get3A_760, %ge3A_762 : vector<16xi32>
    %jit3A_764 = arith.constant 1 : i32
    %jit3A_765 = arith.constant 0 : i32
    %broadcast_in_dim3A_766 = vector.broadcast %jit3A_764 : i32 to vector<16xi32>
    %broadcast_in_dim3A_767 = vector.broadcast %jit3A_765 : i32 to vector<16xi32>
    %select_n3A_768 = arith.select %ge3A_763, %broadcast_in_dim3A_766, %broadcast_in_dim3A_767 : vector<16xi1>, vector<16xi32>
    %min3A_769 = arith.constant 499967 : i32
    %min3A_770 = vector.broadcast %min3A_769 : i32 to vector<16xi32>
    %min3A_771 = arith.minsi %get3A_760, %min3A_770 : vector<16xi32>
    %swap3A_772 = arith.constant 64 : index
    %swap3A_773 = tpu.vector_load %arg15[%swap3A_772] {strides = array<i32>} : memref<160xi32, #tpu.memory_space<vmem>>, vector<16xi32>,
    %swap3A_774 = vector.shape_cast %swap3A_773 : vector<16xi32> to vector<16xi32>
    %swap3A_775 = vector.shape_cast %min3A_771 : vector<16xi32> to vector<16xi32>
    tpu.vector_store %arg15[%swap3A_772], %swap3A_775 {strides = array<i32>} : memref<160xi32, #tpu.memory_space<vmem>>, vector<16xi32>,
    %sub3A_776 = arith.constant 499968 : i32
    %sub3A_777 = vector.broadcast %sub3A_776 : i32 to vector<16xi32>
    %sub3A_778 = arith.subi %get3A_760, %sub3A_777 : vector<16xi32>
    %max3A_779 = arith.constant 0 : i32
    %max3A_780 = vector.broadcast %max3A_779 : i32 to vector<16xi32>
    %max3A_781 = arith.maxsi %sub3A_778, %max3A_780 : vector<16xi32>
    %swap3A_782 = arith.constant 64 : index
    %swap3A_783 = tpu.vector_load %arg16[%swap3A_782] {strides = array<i32>} : memref<160xi32, #tpu.memory_space<vmem>>, vector<16xi32>,
    %swap3A_784 = vector.shape_cast %swap3A_783 : vector<16xi32> to vector<16xi32>
    %swap3A_785 = vector.shape_cast %max3A_781 : vector<16xi32> to vector<16xi32>
    tpu.vector_store %arg16[%swap3A_782], %swap3A_785 {strides = array<i32>} : memref<160xi32, #tpu.memory_space<vmem>>, vector<16xi32>,
    %add3A_786 = arith.constant 64 : i32
    %add3A_787 = arith.addi %multiple_of3A_553, %add3A_786 : i32
    %iota3A_788 = tpu.iota {dimensions = array<i32: 0>} : vector<16xi32>
    %add3A_789 = vector.broadcast %add3A_787 : i32 to vector<16xi32>
    %add3A_790 = arith.addi %add3A_789, %iota3A_788 : vector<16xi32>
    %rem3A_791 = arith.constant 200 : i32
    %rem3A_792 = vector.broadcast %rem3A_791 : i32 to vector<16xi32>
    %rem3A_793 = arith.remsi %add3A_790, %rem3A_792 : vector<16xi32>
    %mul3A_794 = arith.constant 3 : i32
    %mul3A_795 = vector.broadcast %mul3A_794 : i32 to vector<16xi32>
    %mul3A_796 = arith.muli %rem3A_793, %mul3A_795 : vector<16xi32>
    %get3A_797 = arith.constant 64 : index
    %get3A_798 = tpu.vector_load %arg17[%get3A_797] {strides = array<i32>} : memref<160xi32, #tpu.memory_space<vmem>>, vector<16xi32>,
    %get3A_799 = vector.shape_cast %get3A_798 : vector<16xi32> to vector<16xi32>
    %add3A_800 = arith.addi %mul3A_796, %get3A_799 : vector<16xi32>
    %mul3A_801 = arith.constant 2 : i32
    %mul3A_802 = vector.broadcast %mul3A_801 : i32 to vector<16xi32>
    %mul3A_803 = arith.muli %add3A_800, %mul3A_802 : vector<16xi32>
    %add3A_804 = arith.addi %mul3A_803, %select_n3A_768 : vector<16xi32>
    %swap3A_805 = arith.constant 64 : index
    %swap3A_806 = tpu.vector_load %arg17[%swap3A_805] {strides = array<i32>} : memref<160xi32, #tpu.memory_space<vmem>>, vector<16xi32>,
    %swap3A_807 = vector.shape_cast %swap3A_806 : vector<16xi32> to vector<16xi32>
    %swap3A_808 = vector.shape_cast %add3A_804 : vector<16xi32> to vector<16xi32>
    tpu.vector_store %arg17[%swap3A_805], %swap3A_808 {strides = array<i32>} : memref<160xi32, #tpu.memory_space<vmem>>, vector<16xi32>,
    %get3A_809 = arith.constant 80 : index
    %get3A_810 = tpu.vector_load %arg15[%get3A_809] {strides = array<i32>} : memref<160xi32, #tpu.memory_space<vmem>>, vector<16xi32>,
    %get3A_811 = vector.shape_cast %get3A_810 : vector<16xi32> to vector<16xi32>
    %ge3A_812 = arith.constant 499968 : i32
    %ge3A_813 = vector.broadcast %ge3A_812 : i32 to vector<16xi32>
    %ge3A_814 = arith.cmpi sge, %get3A_811, %ge3A_813 : vector<16xi32>
    %jit3A_815 = arith.constant 1 : i32
    %jit3A_816 = arith.constant 0 : i32
    %broadcast_in_dim3A_817 = vector.broadcast %jit3A_815 : i32 to vector<16xi32>
    %broadcast_in_dim3A_818 = vector.broadcast %jit3A_816 : i32 to vector<16xi32>
    %select_n3A_819 = arith.select %ge3A_814, %broadcast_in_dim3A_817, %broadcast_in_dim3A_818 : vector<16xi1>, vector<16xi32>
    %min3A_820 = arith.constant 499967 : i32
    %min3A_821 = vector.broadcast %min3A_820 : i32 to vector<16xi32>
    %min3A_822 = arith.minsi %get3A_811, %min3A_821 : vector<16xi32>
    %swap3A_823 = arith.constant 80 : index
    %swap3A_824 = tpu.vector_load %arg15[%swap3A_823] {strides = array<i32>} : memref<160xi32, #tpu.memory_space<vmem>>, vector<16xi32>,
    %swap3A_825 = vector.shape_cast %swap3A_824 : vector<16xi32> to vector<16xi32>
    %swap3A_826 = vector.shape_cast %min3A_822 : vector<16xi32> to vector<16xi32>
    tpu.vector_store %arg15[%swap3A_823], %swap3A_826 {strides = array<i32>} : memref<160xi32, #tpu.memory_space<vmem>>, vector<16xi32>,
    %sub3A_827 = arith.constant 499968 : i32
    %sub3A_828 = vector.broadcast %sub3A_827 : i32 to vector<16xi32>
    %sub3A_829 = arith.subi %get3A_811, %sub3A_828 : vector<16xi32>
    %max3A_830 = arith.constant 0 : i32
    %max3A_831 = vector.broadcast %max3A_830 : i32 to vector<16xi32>
    %max3A_832 = arith.maxsi %sub3A_829, %max3A_831 : vector<16xi32>
    %swap3A_833 = arith.constant 80 : index
    %swap3A_834 = tpu.vector_load %arg16[%swap3A_833] {strides = array<i32>} : memref<160xi32, #tpu.memory_space<vmem>>, vector<16xi32>,
    %swap3A_835 = vector.shape_cast %swap3A_834 : vector<16xi32> to vector<16xi32>
    %swap3A_836 = vector.shape_cast %max3A_832 : vector<16xi32> to vector<16xi32>
    tpu.vector_store %arg16[%swap3A_833], %swap3A_836 {strides = array<i32>} : memref<160xi32, #tpu.memory_space<vmem>>, vector<16xi32>,
    %add3A_837 = arith.constant 80 : i32
    %add3A_838 = arith.addi %multiple_of3A_553, %add3A_837 : i32
    %iota3A_839 = tpu.iota {dimensions = array<i32: 0>} : vector<16xi32>
    %add3A_840 = vector.broadcast %add3A_838 : i32 to vector<16xi32>
    %add3A_841 = arith.addi %add3A_840, %iota3A_839 : vector<16xi32>
    %rem3A_842 = arith.constant 200 : i32
    %rem3A_843 = vector.broadcast %rem3A_842 : i32 to vector<16xi32>
    %rem3A_844 = arith.remsi %add3A_841, %rem3A_843 : vector<16xi32>
    %mul3A_845 = arith.constant 3 : i32
    %mul3A_846 = vector.broadcast %mul3A_845 : i32 to vector<16xi32>
    %mul3A_847 = arith.muli %rem3A_844, %mul3A_846 : vector<16xi32>
    %get3A_848 = arith.constant 80 : index
    %get3A_849 = tpu.vector_load %arg17[%get3A_848] {strides = array<i32>} : memref<160xi32, #tpu.memory_space<vmem>>, vector<16xi32>,
    %get3A_850 = vector.shape_cast %get3A_849 : vector<16xi32> to vector<16xi32>
    %add3A_851 = arith.addi %mul3A_847, %get3A_850 : vector<16xi32>
    %mul3A_852 = arith.constant 2 : i32
    %mul3A_853 = vector.broadcast %mul3A_852 : i32 to vector<16xi32>
    %mul3A_854 = arith.muli %add3A_851, %mul3A_853 : vector<16xi32>
    %add3A_855 = arith.addi %mul3A_854, %select_n3A_819 : vector<16xi32>
    %swap3A_856 = arith.constant 80 : index
    %swap3A_857 = tpu.vector_load %arg17[%swap3A_856] {strides = array<i32>} : memref<160xi32, #tpu.memory_space<vmem>>, vector<16xi32>,
    %swap3A_858 = vector.shape_cast %swap3A_857 : vector<16xi32> to vector<16xi32>
    %swap3A_859 = vector.shape_cast %add3A_855 : vector<16xi32> to vector<16xi32>
    tpu.vector_store %arg17[%swap3A_856], %swap3A_859 {strides = array<i32>} : memref<160xi32, #tpu.memory_space<vmem>>, vector<16xi32>,
    %get3A_860 = arith.constant 96 : index
    %get3A_861 = tpu.vector_load %arg15[%get3A_860] {strides = array<i32>} : memref<160xi32, #tpu.memory_space<vmem>>, vector<16xi32>,
    %get3A_862 = vector.shape_cast %get3A_861 : vector<16xi32> to vector<16xi32>
    %ge3A_863 = arith.constant 499968 : i32
    %ge3A_864 = vector.broadcast %ge3A_863 : i32 to vector<16xi32>
    %ge3A_865 = arith.cmpi sge, %get3A_862, %ge3A_864 : vector<16xi32>
    %jit3A_866 = arith.constant 1 : i32
    %jit3A_867 = arith.constant 0 : i32
    %broadcast_in_dim3A_868 = vector.broadcast %jit3A_866 : i32 to vector<16xi32>
    %broadcast_in_dim3A_869 = vector.broadcast %jit3A_867 : i32 to vector<16xi32>
    %select_n3A_870 = arith.select %ge3A_865, %broadcast_in_dim3A_868, %broadcast_in_dim3A_869 : vector<16xi1>, vector<16xi32>
    %min3A_871 = arith.constant 499967 : i32
    %min3A_872 = vector.broadcast %min3A_871 : i32 to vector<16xi32>
    %min3A_873 = arith.minsi %get3A_862, %min3A_872 : vector<16xi32>
    %swap3A_874 = arith.constant 96 : index
    %swap3A_875 = tpu.vector_load %arg15[%swap3A_874] {strides = array<i32>} : memref<160xi32, #tpu.memory_space<vmem>>, vector<16xi32>,
    %swap3A_876 = vector.shape_cast %swap3A_875 : vector<16xi32> to vector<16xi32>
    %swap3A_877 = vector.shape_cast %min3A_873 : vector<16xi32> to vector<16xi32>
    tpu.vector_store %arg15[%swap3A_874], %swap3A_877 {strides = array<i32>} : memref<160xi32, #tpu.memory_space<vmem>>, vector<16xi32>,
    %sub3A_878 = arith.constant 499968 : i32
    %sub3A_879 = vector.broadcast %sub3A_878 : i32 to vector<16xi32>
    %sub3A_880 = arith.subi %get3A_862, %sub3A_879 : vector<16xi32>
    %max3A_881 = arith.constant 0 : i32
    %max3A_882 = vector.broadcast %max3A_881 : i32 to vector<16xi32>
    %max3A_883 = arith.maxsi %sub3A_880, %max3A_882 : vector<16xi32>
    %swap3A_884 = arith.constant 96 : index
    %swap3A_885 = tpu.vector_load %arg16[%swap3A_884] {strides = array<i32>} : memref<160xi32, #tpu.memory_space<vmem>>, vector<16xi32>,
    %swap3A_886 = vector.shape_cast %swap3A_885 : vector<16xi32> to vector<16xi32>
    %swap3A_887 = vector.shape_cast %max3A_883 : vector<16xi32> to vector<16xi32>
    tpu.vector_store %arg16[%swap3A_884], %swap3A_887 {strides = array<i32>} : memref<160xi32, #tpu.memory_space<vmem>>, vector<16xi32>,
    %add3A_888 = arith.constant 96 : i32
    %add3A_889 = arith.addi %multiple_of3A_553, %add3A_888 : i32
    %iota3A_890 = tpu.iota {dimensions = array<i32: 0>} : vector<16xi32>
    %add3A_891 = vector.broadcast %add3A_889 : i32 to vector<16xi32>
    %add3A_892 = arith.addi %add3A_891, %iota3A_890 : vector<16xi32>
    %rem3A_893 = arith.constant 200 : i32
    %rem3A_894 = vector.broadcast %rem3A_893 : i32 to vector<16xi32>
    %rem3A_895 = arith.remsi %add3A_892, %rem3A_894 : vector<16xi32>
    %mul3A_896 = arith.constant 3 : i32
    %mul3A_897 = vector.broadcast %mul3A_896 : i32 to vector<16xi32>
    %mul3A_898 = arith.muli %rem3A_895, %mul3A_897 : vector<16xi32>
    %get3A_899 = arith.constant 96 : index
    %get3A_900 = tpu.vector_load %arg17[%get3A_899] {strides = array<i32>} : memref<160xi32, #tpu.memory_space<vmem>>, vector<16xi32>,
    %get3A_901 = vector.shape_cast %get3A_900 : vector<16xi32> to vector<16xi32>
    %add3A_902 = arith.addi %mul3A_898, %get3A_901 : vector<16xi32>
    %mul3A_903 = arith.constant 2 : i32
    %mul3A_904 = vector.broadcast %mul3A_903 : i32 to vector<16xi32>
    %mul3A_905 = arith.muli %add3A_902, %mul3A_904 : vector<16xi32>
    %add3A_906 = arith.addi %mul3A_905, %select_n3A_870 : vector<16xi32>
    %swap3A_907 = arith.constant 96 : index
    %swap3A_908 = tpu.vector_load %arg17[%swap3A_907] {strides = array<i32>} : memref<160xi32, #tpu.memory_space<vmem>>, vector<16xi32>,
    %swap3A_909 = vector.shape_cast %swap3A_908 : vector<16xi32> to vector<16xi32>
    %swap3A_910 = vector.shape_cast %add3A_906 : vector<16xi32> to vector<16xi32>
    tpu.vector_store %arg17[%swap3A_907], %swap3A_910 {strides = array<i32>} : memref<160xi32, #tpu.memory_space<vmem>>, vector<16xi32>,
    %get3A_911 = arith.constant 112 : index
    %get3A_912 = tpu.vector_load %arg15[%get3A_911] {strides = array<i32>} : memref<160xi32, #tpu.memory_space<vmem>>, vector<16xi32>,
    %get3A_913 = vector.shape_cast %get3A_912 : vector<16xi32> to vector<16xi32>
    %ge3A_914 = arith.constant 499968 : i32
    %ge3A_915 = vector.broadcast %ge3A_914 : i32 to vector<16xi32>
    %ge3A_916 = arith.cmpi sge, %get3A_913, %ge3A_915 : vector<16xi32>
    %jit3A_917 = arith.constant 1 : i32
    %jit3A_918 = arith.constant 0 : i32
    %broadcast_in_dim3A_919 = vector.broadcast %jit3A_917 : i32 to vector<16xi32>
    %broadcast_in_dim3A_920 = vector.broadcast %jit3A_918 : i32 to vector<16xi32>
    %select_n3A_921 = arith.select %ge3A_916, %broadcast_in_dim3A_919, %broadcast_in_dim3A_920 : vector<16xi1>, vector<16xi32>
    %min3A_922 = arith.constant 499967 : i32
    %min3A_923 = vector.broadcast %min3A_922 : i32 to vector<16xi32>
    %min3A_924 = arith.minsi %get3A_913, %min3A_923 : vector<16xi32>
    %swap3A_925 = arith.constant 112 : index
    %swap3A_926 = tpu.vector_load %arg15[%swap3A_925] {strides = array<i32>} : memref<160xi32, #tpu.memory_space<vmem>>, vector<16xi32>,
    %swap3A_927 = vector.shape_cast %swap3A_926 : vector<16xi32> to vector<16xi32>
    %swap3A_928 = vector.shape_cast %min3A_924 : vector<16xi32> to vector<16xi32>
    tpu.vector_store %arg15[%swap3A_925], %swap3A_928 {strides = array<i32>} : memref<160xi32, #tpu.memory_space<vmem>>, vector<16xi32>,
    %sub3A_929 = arith.constant 499968 : i32
    %sub3A_930 = vector.broadcast %sub3A_929 : i32 to vector<16xi32>
    %sub3A_931 = arith.subi %get3A_913, %sub3A_930 : vector<16xi32>
    %max3A_932 = arith.constant 0 : i32
    %max3A_933 = vector.broadcast %max3A_932 : i32 to vector<16xi32>
    %max3A_934 = arith.maxsi %sub3A_931, %max3A_933 : vector<16xi32>
    %swap3A_935 = arith.constant 112 : index
    %swap3A_936 = tpu.vector_load %arg16[%swap3A_935] {strides = array<i32>} : memref<160xi32, #tpu.memory_space<vmem>>, vector<16xi32>,
    %swap3A_937 = vector.shape_cast %swap3A_936 : vector<16xi32> to vector<16xi32>
    %swap3A_938 = vector.shape_cast %max3A_934 : vector<16xi32> to vector<16xi32>
    tpu.vector_store %arg16[%swap3A_935], %swap3A_938 {strides = array<i32>} : memref<160xi32, #tpu.memory_space<vmem>>, vector<16xi32>,
    %add3A_939 = arith.constant 112 : i32
    %add3A_940 = arith.addi %multiple_of3A_553, %add3A_939 : i32
    %iota3A_941 = tpu.iota {dimensions = array<i32: 0>} : vector<16xi32>
    %add3A_942 = vector.broadcast %add3A_940 : i32 to vector<16xi32>
    %add3A_943 = arith.addi %add3A_942, %iota3A_941 : vector<16xi32>
    %rem3A_944 = arith.constant 200 : i32
    %rem3A_945 = vector.broadcast %rem3A_944 : i32 to vector<16xi32>
    %rem3A_946 = arith.remsi %add3A_943, %rem3A_945 : vector<16xi32>
    %mul3A_947 = arith.constant 3 : i32
    %mul3A_948 = vector.broadcast %mul3A_947 : i32 to vector<16xi32>
    %mul3A_949 = arith.muli %rem3A_946, %mul3A_948 : vector<16xi32>
    %get3A_950 = arith.constant 112 : index
    %get3A_951 = tpu.vector_load %arg17[%get3A_950] {strides = array<i32>} : memref<160xi32, #tpu.memory_space<vmem>>, vector<16xi32>,
    %get3A_952 = vector.shape_cast %get3A_951 : vector<16xi32> to vector<16xi32>
    %add3A_953 = arith.addi %mul3A_949, %get3A_952 : vector<16xi32>
    %mul3A_954 = arith.constant 2 : i32
    %mul3A_955 = vector.broadcast %mul3A_954 : i32 to vector<16xi32>
    %mul3A_956 = arith.muli %add3A_953, %mul3A_955 : vector<16xi32>
    %add3A_957 = arith.addi %mul3A_956, %select_n3A_921 : vector<16xi32>
    %swap3A_958 = arith.constant 112 : index
    %swap3A_959 = tpu.vector_load %arg17[%swap3A_958] {strides = array<i32>} : memref<160xi32, #tpu.memory_space<vmem>>, vector<16xi32>,
    %swap3A_960 = vector.shape_cast %swap3A_959 : vector<16xi32> to vector<16xi32>
    %swap3A_961 = vector.shape_cast %add3A_957 : vector<16xi32> to vector<16xi32>
    tpu.vector_store %arg17[%swap3A_958], %swap3A_961 {strides = array<i32>} : memref<160xi32, #tpu.memory_space<vmem>>, vector<16xi32>,
    %get3A_962 = arith.constant 128 : index
    %get3A_963 = tpu.vector_load %arg15[%get3A_962] {strides = array<i32>} : memref<160xi32, #tpu.memory_space<vmem>>, vector<16xi32>,
    %get3A_964 = vector.shape_cast %get3A_963 : vector<16xi32> to vector<16xi32>
    %ge3A_965 = arith.constant 499968 : i32
    %ge3A_966 = vector.broadcast %ge3A_965 : i32 to vector<16xi32>
    %ge3A_967 = arith.cmpi sge, %get3A_964, %ge3A_966 : vector<16xi32>
    %jit3A_968 = arith.constant 1 : i32
    %jit3A_969 = arith.constant 0 : i32
    %broadcast_in_dim3A_970 = vector.broadcast %jit3A_968 : i32 to vector<16xi32>
    %broadcast_in_dim3A_971 = vector.broadcast %jit3A_969 : i32 to vector<16xi32>
    %select_n3A_972 = arith.select %ge3A_967, %broadcast_in_dim3A_970, %broadcast_in_dim3A_971 : vector<16xi1>, vector<16xi32>
    %min3A_973 = arith.constant 499967 : i32
    %min3A_974 = vector.broadcast %min3A_973 : i32 to vector<16xi32>
    %min3A_975 = arith.minsi %get3A_964, %min3A_974 : vector<16xi32>
    %swap3A_976 = arith.constant 128 : index
    %swap3A_977 = tpu.vector_load %arg15[%swap3A_976] {strides = array<i32>} : memref<160xi32, #tpu.memory_space<vmem>>, vector<16xi32>,
    %swap3A_978 = vector.shape_cast %swap3A_977 : vector<16xi32> to vector<16xi32>
    %swap3A_979 = vector.shape_cast %min3A_975 : vector<16xi32> to vector<16xi32>
    tpu.vector_store %arg15[%swap3A_976], %swap3A_979 {strides = array<i32>} : memref<160xi32, #tpu.memory_space<vmem>>, vector<16xi32>,
    %sub3A_980 = arith.constant 499968 : i32
    %sub3A_981 = vector.broadcast %sub3A_980 : i32 to vector<16xi32>
    %sub3A_982 = arith.subi %get3A_964, %sub3A_981 : vector<16xi32>
    %max3A_983 = arith.constant 0 : i32
    %max3A_984 = vector.broadcast %max3A_983 : i32 to vector<16xi32>
    %max3A_985 = arith.maxsi %sub3A_982, %max3A_984 : vector<16xi32>
    %swap3A_986 = arith.constant 128 : index
    %swap3A_987 = tpu.vector_load %arg16[%swap3A_986] {strides = array<i32>} : memref<160xi32, #tpu.memory_space<vmem>>, vector<16xi32>,
    %swap3A_988 = vector.shape_cast %swap3A_987 : vector<16xi32> to vector<16xi32>
    %swap3A_989 = vector.shape_cast %max3A_985 : vector<16xi32> to vector<16xi32>
    tpu.vector_store %arg16[%swap3A_986], %swap3A_989 {strides = array<i32>} : memref<160xi32, #tpu.memory_space<vmem>>, vector<16xi32>,
    %add3A_990 = arith.constant 128 : i32
    %add3A_991 = arith.addi %multiple_of3A_553, %add3A_990 : i32
    %iota3A_992 = tpu.iota {dimensions = array<i32: 0>} : vector<16xi32>
    %add3A_993 = vector.broadcast %add3A_991 : i32 to vector<16xi32>
    %add3A_994 = arith.addi %add3A_993, %iota3A_992 : vector<16xi32>
    %rem3A_995 = arith.constant 200 : i32
    %rem3A_996 = vector.broadcast %rem3A_995 : i32 to vector<16xi32>
    %rem3A_997 = arith.remsi %add3A_994, %rem3A_996 : vector<16xi32>
    %mul3A_998 = arith.constant 3 : i32
    %mul3A_999 = vector.broadcast %mul3A_998 : i32 to vector<16xi32>
    %mul3A_1000 = arith.muli %rem3A_997, %mul3A_999 : vector<16xi32>
    %get3A_1001 = arith.constant 128 : index
    %get3A_1002 = tpu.vector_load %arg17[%get3A_1001] {strides = array<i32>} : memref<160xi32, #tpu.memory_space<vmem>>, vector<16xi32>,
    %get3A_1003 = vector.shape_cast %get3A_1002 : vector<16xi32> to vector<16xi32>
    %add3A_1004 = arith.addi %mul3A_1000, %get3A_1003 : vector<16xi32>
    %mul3A_1005 = arith.constant 2 : i32
    %mul3A_1006 = vector.broadcast %mul3A_1005 : i32 to vector<16xi32>
    %mul3A_1007 = arith.muli %add3A_1004, %mul3A_1006 : vector<16xi32>
    %add3A_1008 = arith.addi %mul3A_1007, %select_n3A_972 : vector<16xi32>
    %swap3A_1009 = arith.constant 128 : index
    %swap3A_1010 = tpu.vector_load %arg17[%swap3A_1009] {strides = array<i32>} : memref<160xi32, #tpu.memory_space<vmem>>, vector<16xi32>,
    %swap3A_1011 = vector.shape_cast %swap3A_1010 : vector<16xi32> to vector<16xi32>
    %swap3A_1012 = vector.shape_cast %add3A_1008 : vector<16xi32> to vector<16xi32>
    tpu.vector_store %arg17[%swap3A_1009], %swap3A_1012 {strides = array<i32>} : memref<160xi32, #tpu.memory_space<vmem>>, vector<16xi32>,
    %get3A_1013 = arith.constant 144 : index
    %get3A_1014 = tpu.vector_load %arg15[%get3A_1013] {strides = array<i32>} : memref<160xi32, #tpu.memory_space<vmem>>, vector<16xi32>,
    %get3A_1015 = vector.shape_cast %get3A_1014 : vector<16xi32> to vector<16xi32>
    %ge3A_1016 = arith.constant 499968 : i32
    %ge3A_1017 = vector.broadcast %ge3A_1016 : i32 to vector<16xi32>
    %ge3A_1018 = arith.cmpi sge, %get3A_1015, %ge3A_1017 : vector<16xi32>
    %jit3A_1019 = arith.constant 1 : i32
    %jit3A_1020 = arith.constant 0 : i32
    %broadcast_in_dim3A_1021 = vector.broadcast %jit3A_1019 : i32 to vector<16xi32>
    %broadcast_in_dim3A_1022 = vector.broadcast %jit3A_1020 : i32 to vector<16xi32>
    %select_n3A_1023 = arith.select %ge3A_1018, %broadcast_in_dim3A_1021, %broadcast_in_dim3A_1022 : vector<16xi1>, vector<16xi32>
    %min3A_1024 = arith.constant 499967 : i32
    %min3A_1025 = vector.broadcast %min3A_1024 : i32 to vector<16xi32>
    %min3A_1026 = arith.minsi %get3A_1015, %min3A_1025 : vector<16xi32>
    %swap3A_1027 = arith.constant 144 : index
    %swap3A_1028 = tpu.vector_load %arg15[%swap3A_1027] {strides = array<i32>} : memref<160xi32, #tpu.memory_space<vmem>>, vector<16xi32>,
    %swap3A_1029 = vector.shape_cast %swap3A_1028 : vector<16xi32> to vector<16xi32>
    %swap3A_1030 = vector.shape_cast %min3A_1026 : vector<16xi32> to vector<16xi32>
    tpu.vector_store %arg15[%swap3A_1027], %swap3A_1030 {strides = array<i32>} : memref<160xi32, #tpu.memory_space<vmem>>, vector<16xi32>,
    %sub3A_1031 = arith.constant 499968 : i32
    %sub3A_1032 = vector.broadcast %sub3A_1031 : i32 to vector<16xi32>
    %sub3A_1033 = arith.subi %get3A_1015, %sub3A_1032 : vector<16xi32>
    %max3A_1034 = arith.constant 0 : i32
    %max3A_1035 = vector.broadcast %max3A_1034 : i32 to vector<16xi32>
    %max3A_1036 = arith.maxsi %sub3A_1033, %max3A_1035 : vector<16xi32>
    %swap3A_1037 = arith.constant 144 : index
    %swap3A_1038 = tpu.vector_load %arg16[%swap3A_1037] {strides = array<i32>} : memref<160xi32, #tpu.memory_space<vmem>>, vector<16xi32>,
    %swap3A_1039 = vector.shape_cast %swap3A_1038 : vector<16xi32> to vector<16xi32>
    %swap3A_1040 = vector.shape_cast %max3A_1036 : vector<16xi32> to vector<16xi32>
    tpu.vector_store %arg16[%swap3A_1037], %swap3A_1040 {strides = array<i32>} : memref<160xi32, #tpu.memory_space<vmem>>, vector<16xi32>,
    %add3A_1041 = arith.constant 144 : i32
    %add3A_1042 = arith.addi %multiple_of3A_553, %add3A_1041 : i32
    %iota3A_1043 = tpu.iota {dimensions = array<i32: 0>} : vector<16xi32>
    %add3A_1044 = vector.broadcast %add3A_1042 : i32 to vector<16xi32>
    %add3A_1045 = arith.addi %add3A_1044, %iota3A_1043 : vector<16xi32>
    %rem3A_1046 = arith.constant 200 : i32
    %rem3A_1047 = vector.broadcast %rem3A_1046 : i32 to vector<16xi32>
    %rem3A_1048 = arith.remsi %add3A_1045, %rem3A_1047 : vector<16xi32>
    %mul3A_1049 = arith.constant 3 : i32
    %mul3A_1050 = vector.broadcast %mul3A_1049 : i32 to vector<16xi32>
    %mul3A_1051 = arith.muli %rem3A_1048, %mul3A_1050 : vector<16xi32>
    %get3A_1052 = arith.constant 144 : index
    %get3A_1053 = tpu.vector_load %arg17[%get3A_1052] {strides = array<i32>} : memref<160xi32, #tpu.memory_space<vmem>>, vector<16xi32>,
    %get3A_1054 = vector.shape_cast %get3A_1053 : vector<16xi32> to vector<16xi32>
    %add3A_1055 = arith.addi %mul3A_1051, %get3A_1054 : vector<16xi32>
    %mul3A_1056 = arith.constant 2 : i32
    %mul3A_1057 = vector.broadcast %mul3A_1056 : i32 to vector<16xi32>
    %mul3A_1058 = arith.muli %add3A_1055, %mul3A_1057 : vector<16xi32>
    %add3A_1059 = arith.addi %mul3A_1058, %select_n3A_1023 : vector<16xi32>
    %swap3A_1060 = arith.constant 144 : index
    %swap3A_1061 = tpu.vector_load %arg17[%swap3A_1060] {strides = array<i32>} : memref<160xi32, #tpu.memory_space<vmem>>, vector<16xi32>,
    %swap3A_1062 = vector.shape_cast %swap3A_1061 : vector<16xi32> to vector<16xi32>
    %swap3A_1063 = vector.shape_cast %add3A_1059 : vector<16xi32> to vector<16xi32>
    tpu.vector_store %arg17[%swap3A_1060], %swap3A_1063 {strides = array<i32>} : memref<160xi32, #tpu.memory_space<vmem>>, vector<16xi32>,
    %dma_start3A_1064 = arith.constant 0 : i32
    %dma_start3A_1065 = arith.constant 0 : i32
    %dma_start3A_1066 = tpu.memref_slice %arg18[%dma_start3A_1064, %dma_start3A_1065] : memref<160x64xf32, #tpu.memory_space<vmem>> -> memref<128x64xf32, #tpu.memory_space<vmem>>
    %dma_start3A_1067 = arith.constant 0 : i32
    %dma_start3A_1068 = tpu.memref_slice %arg15[%dma_start3A_1067] : memref<160xi32, #tpu.memory_space<vmem>> -> memref<128xi32, #tpu.memory_space<vmem>>
    %dma_start3A_1069 = arith.constant 0 : i32
    %dma_start3A_1070 = arith.constant 0 : i32
    %dma_start3A_1071 = tpu.memref_slice %arg4[%dma_start3A_1069, %dma_start3A_1070] : memref<499968x64xf32, #tpu.memory_space<hbm>> -> memref<499968x64xf32, #tpu.memory_space<hbm>>
    tpu.enqueue_indirect_dma source(%dma_start3A_1071 : memref<499968x64xf32, #tpu.memory_space<hbm>>) target(%dma_start3A_1066 : memref<128x64xf32, #tpu.memory_space<vmem>>) offsets(%dma_start3A_1068 : memref<128xi32, #tpu.memory_space<vmem>>) semaphore(%arg23 : memref<!tpu.dma_semaphore, #tpu.memory_space<semaphore_mem>>)
    %dma_start3A_1072 = arith.constant 0 : i32
    %dma_start3A_1073 = arith.constant 0 : i32
    %dma_start3A_1074 = tpu.memref_slice %arg19[%dma_start3A_1072, %dma_start3A_1073] : memref<160x64xf32, #tpu.memory_space<vmem>> -> memref<128x64xf32, #tpu.memory_space<vmem>>
    %dma_start3A_1075 = arith.constant 0 : i32
    %dma_start3A_1076 = tpu.memref_slice %arg16[%dma_start3A_1075] : memref<160xi32, #tpu.memory_space<vmem>> -> memref<128xi32, #tpu.memory_space<vmem>>
    %dma_start3A_1077 = arith.constant 0 : i32
    %dma_start3A_1078 = arith.constant 0 : i32
    %dma_start3A_1079 = tpu.memref_slice %arg5[%dma_start3A_1077, %dma_start3A_1078] : memref<500032x64xf32, #tpu.memory_space<hbm>> -> memref<500032x64xf32, #tpu.memory_space<hbm>>
    tpu.enqueue_indirect_dma source(%dma_start3A_1079 : memref<500032x64xf32, #tpu.memory_space<hbm>>) target(%dma_start3A_1074 : memref<128x64xf32, #tpu.memory_space<vmem>>) offsets(%dma_start3A_1076 : memref<128xi32, #tpu.memory_space<vmem>>) semaphore(%arg23 : memref<!tpu.dma_semaphore, #tpu.memory_space<semaphore_mem>>)
    %dma_start3A_1080 = arith.constant 0 : i32
    %dma_start3A_1081 = arith.constant 0 : i32
    %dma_start3A_1082 = tpu.memref_slice %arg20[%dma_start3A_1080, %dma_start3A_1081] : memref<160x128xf32, #tpu.memory_space<vmem>> -> memref<128x128xf32, #tpu.memory_space<vmem>>
    %dma_start3A_1083 = arith.constant 0 : i32
    %dma_start3A_1084 = tpu.memref_slice %arg17[%dma_start3A_1083] : memref<160xi32, #tpu.memory_space<vmem>> -> memref<128xi32, #tpu.memory_space<vmem>>
    %dma_start3A_1085 = arith.constant 0 : i32
    %dma_start3A_1086 = arith.constant 0 : i32
    %dma_start3A_1087 = tpu.memref_slice %arg6[%dma_start3A_1085, %dma_start3A_1086] : memref<1200x128xf32, #tpu.memory_space<hbm>> -> memref<1200x128xf32, #tpu.memory_space<hbm>>
    tpu.enqueue_indirect_dma source(%dma_start3A_1087 : memref<1200x128xf32, #tpu.memory_space<hbm>>) target(%dma_start3A_1082 : memref<128x128xf32, #tpu.memory_space<vmem>>) offsets(%dma_start3A_1084 : memref<128xi32, #tpu.memory_space<vmem>>) semaphore(%arg23 : memref<!tpu.dma_semaphore, #tpu.memory_space<semaphore_mem>>)
    %dma_start3A_1088 = arith.constant 128 : i32
    %dma_start3A_1089 = arith.constant 0 : i32
    %dma_start3A_1090 = tpu.memref_slice %arg18[%dma_start3A_1088, %dma_start3A_1089] : memref<160x64xf32, #tpu.memory_space<vmem>> -> memref<32x64xf32, #tpu.memory_space<vmem>>
    %dma_start3A_1091 = arith.constant 128 : i32
    %dma_start3A_1092 = tpu.memref_slice %arg15[%dma_start3A_1091] : memref<160xi32, #tpu.memory_space<vmem>> -> memref<32xi32, #tpu.memory_space<vmem>>
    %dma_start3A_1093 = arith.constant 0 : i32
    %dma_start3A_1094 = arith.constant 0 : i32
    %dma_start3A_1095 = tpu.memref_slice %arg4[%dma_start3A_1093, %dma_start3A_1094] : memref<499968x64xf32, #tpu.memory_space<hbm>> -> memref<499968x64xf32, #tpu.memory_space<hbm>>
    tpu.enqueue_indirect_dma source(%dma_start3A_1095 : memref<499968x64xf32, #tpu.memory_space<hbm>>) target(%dma_start3A_1090 : memref<32x64xf32, #tpu.memory_space<vmem>>) offsets(%dma_start3A_1092 : memref<32xi32, #tpu.memory_space<vmem>>) semaphore(%arg23 : memref<!tpu.dma_semaphore, #tpu.memory_space<semaphore_mem>>)
    %dma_start3A_1096 = arith.constant 128 : i32
    %dma_start3A_1097 = arith.constant 0 : i32
    %dma_start3A_1098 = tpu.memref_slice %arg19[%dma_start3A_1096, %dma_start3A_1097] : memref<160x64xf32, #tpu.memory_space<vmem>> -> memref<32x64xf32, #tpu.memory_space<vmem>>
    %dma_start3A_1099 = arith.constant 128 : i32
    %dma_start3A_1100 = tpu.memref_slice %arg16[%dma_start3A_1099] : memref<160xi32, #tpu.memory_space<vmem>> -> memref<32xi32, #tpu.memory_space<vmem>>
    %dma_start3A_1101 = arith.constant 0 : i32
    %dma_start3A_1102 = arith.constant 0 : i32
    %dma_start3A_1103 = tpu.memref_slice %arg5[%dma_start3A_1101, %dma_start3A_1102] : memref<500032x64xf32, #tpu.memory_space<hbm>> -> memref<500032x64xf32, #tpu.memory_space<hbm>>
    tpu.enqueue_indirect_dma source(%dma_start3A_1103 : memref<500032x64xf32, #tpu.memory_space<hbm>>) target(%dma_start3A_1098 : memref<32x64xf32, #tpu.memory_space<vmem>>) offsets(%dma_start3A_1100 : memref<32xi32, #tpu.memory_space<vmem>>) semaphore(%arg23 : memref<!tpu.dma_semaphore, #tpu.memory_space<semaphore_mem>>)
    %dma_start3A_1104 = arith.constant 128 : i32
    %dma_start3A_1105 = arith.constant 0 : i32
    %dma_start3A_1106 = tpu.memref_slice %arg20[%dma_start3A_1104, %dma_start3A_1105] : memref<160x128xf32, #tpu.memory_space<vmem>> -> memref<32x128xf32, #tpu.memory_space<vmem>>
    %dma_start3A_1107 = arith.constant 128 : i32
    %dma_start3A_1108 = tpu.memref_slice %arg17[%dma_start3A_1107] : memref<160xi32, #tpu.memory_space<vmem>> -> memref<32xi32, #tpu.memory_space<vmem>>
    %dma_start3A_1109 = arith.constant 0 : i32
    %dma_start3A_1110 = arith.constant 0 : i32
    %dma_start3A_1111 = tpu.memref_slice %arg6[%dma_start3A_1109, %dma_start3A_1110] : memref<1200x128xf32, #tpu.memory_space<hbm>> -> memref<1200x128xf32, #tpu.memory_space<hbm>>
    tpu.enqueue_indirect_dma source(%dma_start3A_1111 : memref<1200x128xf32, #tpu.memory_space<hbm>>) target(%dma_start3A_1106 : memref<32x128xf32, #tpu.memory_space<vmem>>) offsets(%dma_start3A_1108 : memref<32xi32, #tpu.memory_space<vmem>>) semaphore(%arg23 : memref<!tpu.dma_semaphore, #tpu.memory_space<semaphore_mem>>)
    %scan3A = arith.constant 0 : i32
    %scan3A_1112 = arith.constant 0 : i32
    %scan3A_1113 = arith.constant 20 : i32
    %scan3A_1114 = arith.addi %scan3A_1112, %scan3A_1113 : i32
    %scan3A_1115 = arith.constant 1 : i32
    scf.for %scan3A_1128 = %scan3A_1112 to %scan3A_1114 step %scan3A_1115  : i32 {
      %mul3A_1129 = arith.constant 2 : i32
      %mul3A_1130 = arith.muli %mul3A_1129, %scan3A_1128 : i32
      %mul3A_1131 = arith.constant 2 : i32
      %mul3A_1132 = arith.muli %mul3A_1131, %scan3A_1128 : i32
      %add3A_1133 = arith.constant 1 : i32
      %add3A_1134 = arith.addi %mul3A_1132, %add3A_1133 : i32
      %gt3A = arith.constant 0 : i32
      %gt3A_1135 = arith.cmpi sgt, %scan3A_1128, %gt3A : i32
      %convert_element_type3A = arith.extui %gt3A_1135 : i1 to i32
      %cond3A = arith.constant 0 : i32
      %cond3A_1136 = arith.cmpi ne, %convert_element_type3A, %cond3A : i32
      scf.if %cond3A_1136 {
        %dma_wait3A_1215 = arith.constant 0 : i32
        %dma_wait3A_1216 = arith.constant 0 : i32
        %dma_wait3A_1217 = tpu.memref_slice %arg7[%dma_wait3A_1215, %dma_wait3A_1216] : memref<204800x64xf32, #tpu.memory_space<hbm>> -> memref<160x64xf32, #tpu.memory_space<hbm>>
        %dma_wait3A_1218 = arith.constant 0 : i32
        %dma_wait3A_1219 = arith.constant 0 : i32
        %dma_wait3A_1220 = tpu.memref_slice %arg7[%dma_wait3A_1218, %dma_wait3A_1219] : memref<204800x64xf32, #tpu.memory_space<hbm>> -> memref<160x64xf32, #tpu.memory_space<hbm>>
        tpu.wait_dma2 semaphore(%arg24 : memref<!tpu.dma_semaphore, #tpu.memory_space<semaphore_mem>>) src(%arg14 : memref<160x64xf32, #tpu.memory_space<vmem>>) dst(%dma_wait3A_1220 : memref<160x64xf32, #tpu.memory_space<hbm>>)
      } else {
      }
      %dma_wait3A_1137 = arith.constant 0 : i32
      %dma_wait3A_1138 = arith.constant 0 : i32
      %dma_wait3A_1139 = tpu.memref_slice %arg4[%dma_wait3A_1137, %dma_wait3A_1138] : memref<499968x64xf32, #tpu.memory_space<hbm>> -> memref<160x64xf32, #tpu.memory_space<hbm>>
      %dma_wait3A_1140 = arith.constant 0 : i32
      %dma_wait3A_1141 = arith.constant 0 : i32
      %dma_wait3A_1142 = tpu.memref_slice %arg4[%dma_wait3A_1140, %dma_wait3A_1141] : memref<499968x64xf32, #tpu.memory_space<hbm>> -> memref<160x64xf32, #tpu.memory_space<hbm>>
      tpu.wait_dma2 semaphore(%arg22 : memref<!tpu.dma_semaphore, #tpu.memory_space<semaphore_mem>>) src(%dma_wait3A_1142 : memref<160x64xf32, #tpu.memory_space<hbm>>) dst(%arg11 : memref<160x64xf32, #tpu.memory_space<vmem>>)
      %dma_wait3A_1143 = arith.constant 0 : i32
      %dma_wait3A_1144 = arith.constant 0 : i32
      %dma_wait3A_1145 = tpu.memref_slice %arg4[%dma_wait3A_1143, %dma_wait3A_1144] : memref<499968x64xf32, #tpu.memory_space<hbm>> -> memref<160x64xf32, #tpu.memory_space<hbm>>
      %dma_wait3A_1146 = arith.constant 0 : i32
      %dma_wait3A_1147 = arith.constant 0 : i32
      %dma_wait3A_1148 = tpu.memref_slice %arg4[%dma_wait3A_1146, %dma_wait3A_1147] : memref<499968x64xf32, #tpu.memory_space<hbm>> -> memref<160x64xf32, #tpu.memory_space<hbm>>
      tpu.wait_dma2 semaphore(%arg22 : memref<!tpu.dma_semaphore, #tpu.memory_space<semaphore_mem>>) src(%dma_wait3A_1148 : memref<160x64xf32, #tpu.memory_space<hbm>>) dst(%arg12 : memref<160x64xf32, #tpu.memory_space<vmem>>)
      %dma_wait3A_1149 = arith.constant 0 : i32
      %dma_wait3A_1150 = arith.constant 0 : i32
      %dma_wait3A_1151 = tpu.memref_slice %arg6[%dma_wait3A_1149, %dma_wait3A_1150] : memref<1200x128xf32, #tpu.memory_space<hbm>> -> memref<160x128xf32, #tpu.memory_space<hbm>>
      %dma_wait3A_1152 = arith.constant 0 : i32
      %dma_wait3A_1153 = arith.constant 0 : i32
      %dma_wait3A_1154 = tpu.memref_slice %arg6[%dma_wait3A_1152, %dma_wait3A_1153] : memref<1200x128xf32, #tpu.memory_space<hbm>> -> memref<160x128xf32, #tpu.memory_space<hbm>>
      tpu.wait_dma2 semaphore(%arg22 : memref<!tpu.dma_semaphore, #tpu.memory_space<semaphore_mem>>) src(%dma_wait3A_1154 : memref<160x128xf32, #tpu.memory_space<hbm>>) dst(%arg13 : memref<160x128xf32, #tpu.memory_space<vmem>>)
      %scan3A_1155 = arith.constant 0 : i32
      %scan3A_1156 = arith.constant 0 : i32
      %scan3A_1157 = arith.constant 80 : i32
      %scan3A_1158 = arith.addi %scan3A_1156, %scan3A_1157 : i32
      %scan3A_1159 = arith.constant 1 : i32
      scf.for %scan3A_1215 = %scan3A_1156 to %scan3A_1158 step %scan3A_1159  : i32 {
        %mul3A_1216 = arith.constant 2 : i32
        %mul3A_1217 = arith.muli %scan3A_1215, %mul3A_1216 : i32
        %add3A_1218 = arith.constant 0 : i32
        %add3A_1219 = arith.addi %mul3A_1217, %add3A_1218 : i32
        %get3A_1220 = arith.index_cast %add3A_1219 : i32 to index
        %get3A_1221 = arith.constant 0 : index
        %get3A_1222 = tpu.vector_load %arg11[%get3A_1220, %get3A_1221] {strides = array<i32>} : memref<160x64xf32, #tpu.memory_space<vmem>>, vector<1x16xf32>,
        %get3A_1223 = vector.shape_cast %get3A_1222 : vector<1x16xf32> to vector<16xf32>
        %get3A_1224 = arith.index_cast %add3A_1219 : i32 to index
        %get3A_1225 = arith.constant 0 : index
        %get3A_1226 = tpu.vector_load %arg13[%get3A_1224, %get3A_1225] {strides = array<i32>} : memref<160x128xf32, #tpu.memory_space<vmem>>, vector<1x16xf32>,
        %get3A_1227 = vector.shape_cast %get3A_1226 : vector<1x16xf32> to vector<16xf32>
        %add3A_1228 = arith.addf %get3A_1223, %get3A_1227 : vector<16xf32>
        %get3A_1229 = arith.index_cast %add3A_1219 : i32 to index
        %get3A_1230 = arith.constant 0 : index
        %get3A_1231 = tpu.vector_load %arg12[%get3A_1229, %get3A_1230] {strides = array<i32>} : memref<160x64xf32, #tpu.memory_space<vmem>>, vector<1x16xf32>,
        %get3A_1232 = vector.shape_cast %get3A_1231 : vector<1x16xf32> to vector<16xf32>
        %get3A_1233 = arith.index_cast %add3A_1219 : i32 to index
        %get3A_1234 = arith.constant 64 : index
        %get3A_1235 = tpu.vector_load %arg13[%get3A_1233, %get3A_1234] {strides = array<i32>} : memref<160x128xf32, #tpu.memory_space<vmem>>, vector<1x16xf32>,
        %get3A_1236 = vector.shape_cast %get3A_1235 : vector<1x16xf32> to vector<16xf32>
        %add3A_1237 = arith.addf %get3A_1232, %get3A_1236 : vector<16xf32>
        %max3A_1238 = arith.maximumf %add3A_1228, %add3A_1237 : vector<16xf32>
        %swap3A_1239 = arith.index_cast %add3A_1219 : i32 to index
        %swap3A_1240 = arith.constant 0 : index
        %swap3A_1241 = tpu.vector_load %arg14[%swap3A_1239, %swap3A_1240] {strides = array<i32>} : memref<160x64xf32, #tpu.memory_space<vmem>>, vector<1x16xf32>,
        %swap3A_1242 = vector.shape_cast %swap3A_1241 : vector<1x16xf32> to vector<16xf32>
        %swap3A_1243 = vector.shape_cast %max3A_1238 : vector<16xf32> to vector<1x16xf32>
        tpu.vector_store %arg14[%swap3A_1239, %swap3A_1240], %swap3A_1243 {strides = array<i32>} : memref<160x64xf32, #tpu.memory_space<vmem>>, vector<1x16xf32>,
        %get3A_1244 = arith.index_cast %add3A_1219 : i32 to index
        %get3A_1245 = arith.constant 16 : index
        %get3A_1246 = tpu.vector_load %arg11[%get3A_1244, %get3A_1245] {strides = array<i32>} : memref<160x64xf32, #tpu.memory_space<vmem>>, vector<1x16xf32>,
        %get3A_1247 = vector.shape_cast %get3A_1246 : vector<1x16xf32> to vector<16xf32>
        %get3A_1248 = arith.index_cast %add3A_1219 : i32 to index
        %get3A_1249 = arith.constant 16 : index
        %get3A_1250 = tpu.vector_load %arg13[%get3A_1248, %get3A_1249] {strides = array<i32>} : memref<160x128xf32, #tpu.memory_space<vmem>>, vector<1x16xf32>,
        %get3A_1251 = vector.shape_cast %get3A_1250 : vector<1x16xf32> to vector<16xf32>
        %add3A_1252 = arith.addf %get3A_1247, %get3A_1251 : vector<16xf32>
        %get3A_1253 = arith.index_cast %add3A_1219 : i32 to index
        %get3A_1254 = arith.constant 16 : index
        %get3A_1255 = tpu.vector_load %arg12[%get3A_1253, %get3A_1254] {strides = array<i32>} : memref<160x64xf32, #tpu.memory_space<vmem>>, vector<1x16xf32>,
        %get3A_1256 = vector.shape_cast %get3A_1255 : vector<1x16xf32> to vector<16xf32>
        %get3A_1257 = arith.index_cast %add3A_1219 : i32 to index
        %get3A_1258 = arith.constant 80 : index
        %get3A_1259 = tpu.vector_load %arg13[%get3A_1257, %get3A_1258] {strides = array<i32>} : memref<160x128xf32, #tpu.memory_space<vmem>>, vector<1x16xf32>,
        %get3A_1260 = vector.shape_cast %get3A_1259 : vector<1x16xf32> to vector<16xf32>
        %add3A_1261 = arith.addf %get3A_1256, %get3A_1260 : vector<16xf32>
        %max3A_1262 = arith.maximumf %add3A_1252, %add3A_1261 : vector<16xf32>
        %swap3A_1263 = arith.index_cast %add3A_1219 : i32 to index
        %swap3A_1264 = arith.constant 16 : index
        %swap3A_1265 = tpu.vector_load %arg14[%swap3A_1263, %swap3A_1264] {strides = array<i32>} : memref<160x64xf32, #tpu.memory_space<vmem>>, vector<1x16xf32>,
        %swap3A_1266 = vector.shape_cast %swap3A_1265 : vector<1x16xf32> to vector<16xf32>
        %swap3A_1267 = vector.shape_cast %max3A_1262 : vector<16xf32> to vector<1x16xf32>
        tpu.vector_store %arg14[%swap3A_1263, %swap3A_1264], %swap3A_1267 {strides = array<i32>} : memref<160x64xf32, #tpu.memory_space<vmem>>, vector<1x16xf32>,
        %get3A_1268 = arith.index_cast %add3A_1219 : i32 to index
        %get3A_1269 = arith.constant 32 : index
        %get3A_1270 = tpu.vector_load %arg11[%get3A_1268, %get3A_1269] {strides = array<i32>} : memref<160x64xf32, #tpu.memory_space<vmem>>, vector<1x16xf32>,
        %get3A_1271 = vector.shape_cast %get3A_1270 : vector<1x16xf32> to vector<16xf32>
        %get3A_1272 = arith.index_cast %add3A_1219 : i32 to index
        %get3A_1273 = arith.constant 32 : index
        %get3A_1274 = tpu.vector_load %arg13[%get3A_1272, %get3A_1273] {strides = array<i32>} : memref<160x128xf32, #tpu.memory_space<vmem>>, vector<1x16xf32>,
        %get3A_1275 = vector.shape_cast %get3A_1274 : vector<1x16xf32> to vector<16xf32>
        %add3A_1276 = arith.addf %get3A_1271, %get3A_1275 : vector<16xf32>
        %get3A_1277 = arith.index_cast %add3A_1219 : i32 to index
        %get3A_1278 = arith.constant 32 : index
        %get3A_1279 = tpu.vector_load %arg12[%get3A_1277, %get3A_1278] {strides = array<i32>} : memref<160x64xf32, #tpu.memory_space<vmem>>, vector<1x16xf32>,
        %get3A_1280 = vector.shape_cast %get3A_1279 : vector<1x16xf32> to vector<16xf32>
        %get3A_1281 = arith.index_cast %add3A_1219 : i32 to index
        %get3A_1282 = arith.constant 96 : index
        %get3A_1283 = tpu.vector_load %arg13[%get3A_1281, %get3A_1282] {strides = array<i32>} : memref<160x128xf32, #tpu.memory_space<vmem>>, vector<1x16xf32>,
        %get3A_1284 = vector.shape_cast %get3A_1283 : vector<1x16xf32> to vector<16xf32>
        %add3A_1285 = arith.addf %get3A_1280, %get3A_1284 : vector<16xf32>
        %max3A_1286 = arith.maximumf %add3A_1276, %add3A_1285 : vector<16xf32>
        %swap3A_1287 = arith.index_cast %add3A_1219 : i32 to index
        %swap3A_1288 = arith.constant 32 : index
        %swap3A_1289 = tpu.vector_load %arg14[%swap3A_1287, %swap3A_1288] {strides = array<i32>} : memref<160x64xf32, #tpu.memory_space<vmem>>, vector<1x16xf32>,
        %swap3A_1290 = vector.shape_cast %swap3A_1289 : vector<1x16xf32> to vector<16xf32>
        %swap3A_1291 = vector.shape_cast %max3A_1286 : vector<16xf32> to vector<1x16xf32>
        tpu.vector_store %arg14[%swap3A_1287, %swap3A_1288], %swap3A_1291 {strides = array<i32>} : memref<160x64xf32, #tpu.memory_space<vmem>>, vector<1x16xf32>,
        %get3A_1292 = arith.index_cast %add3A_1219 : i32 to index
        %get3A_1293 = arith.constant 48 : index
        %get3A_1294 = tpu.vector_load %arg11[%get3A_1292, %get3A_1293] {strides = array<i32>} : memref<160x64xf32, #tpu.memory_space<vmem>>, vector<1x16xf32>,
        %get3A_1295 = vector.shape_cast %get3A_1294 : vector<1x16xf32> to vector<16xf32>
        %get3A_1296 = arith.index_cast %add3A_1219 : i32 to index
        %get3A_1297 = arith.constant 48 : index
        %get3A_1298 = tpu.vector_load %arg13[%get3A_1296, %get3A_1297] {strides = array<i32>} : memref<160x128xf32, #tpu.memory_space<vmem>>, vector<1x16xf32>,
        %get3A_1299 = vector.shape_cast %get3A_1298 : vector<1x16xf32> to vector<16xf32>
        %add3A_1300 = arith.addf %get3A_1295, %get3A_1299 : vector<16xf32>
        %get3A_1301 = arith.index_cast %add3A_1219 : i32 to index
        %get3A_1302 = arith.constant 48 : index
        %get3A_1303 = tpu.vector_load %arg12[%get3A_1301, %get3A_1302] {strides = array<i32>} : memref<160x64xf32, #tpu.memory_space<vmem>>, vector<1x16xf32>,
        %get3A_1304 = vector.shape_cast %get3A_1303 : vector<1x16xf32> to vector<16xf32>
        %get3A_1305 = arith.index_cast %add3A_1219 : i32 to index
        %get3A_1306 = arith.constant 112 : index
        %get3A_1307 = tpu.vector_load %arg13[%get3A_1305, %get3A_1306] {strides = array<i32>} : memref<160x128xf32, #tpu.memory_space<vmem>>, vector<1x16xf32>,
        %get3A_1308 = vector.shape_cast %get3A_1307 : vector<1x16xf32> to vector<16xf32>
        %add3A_1309 = arith.addf %get3A_1304, %get3A_1308 : vector<16xf32>
        %max3A_1310 = arith.maximumf %add3A_1300, %add3A_1309 : vector<16xf32>
        %swap3A_1311 = arith.index_cast %add3A_1219 : i32 to index
        %swap3A_1312 = arith.constant 48 : index
        %swap3A_1313 = tpu.vector_load %arg14[%swap3A_1311, %swap3A_1312] {strides = array<i32>} : memref<160x64xf32, #tpu.memory_space<vmem>>, vector<1x16xf32>,
        %swap3A_1314 = vector.shape_cast %swap3A_1313 : vector<1x16xf32> to vector<16xf32>
        %swap3A_1315 = vector.shape_cast %max3A_1310 : vector<16xf32> to vector<1x16xf32>
        tpu.vector_store %arg14[%swap3A_1311, %swap3A_1312], %swap3A_1315 {strides = array<i32>} : memref<160x64xf32, #tpu.memory_space<vmem>>, vector<1x16xf32>,
        %mul3A_1316 = arith.constant 2 : i32
        %mul3A_1317 = arith.muli %scan3A_1215, %mul3A_1316 : i32
        %add3A_1318 = arith.constant 1 : i32
        %add3A_1319 = arith.addi %mul3A_1317, %add3A_1318 : i32
        %get3A_1320 = arith.index_cast %add3A_1319 : i32 to index
        %get3A_1321 = arith.constant 0 : index
        %get3A_1322 = tpu.vector_load %arg11[%get3A_1320, %get3A_1321] {strides = array<i32>} : memref<160x64xf32, #tpu.memory_space<vmem>>, vector<1x16xf32>,
        %get3A_1323 = vector.shape_cast %get3A_1322 : vector<1x16xf32> to vector<16xf32>
        %get3A_1324 = arith.index_cast %add3A_1319 : i32 to index
        %get3A_1325 = arith.constant 0 : index
        %get3A_1326 = tpu.vector_load %arg13[%get3A_1324, %get3A_1325] {strides = array<i32>} : memref<160x128xf32, #tpu.memory_space<vmem>>, vector<1x16xf32>,
        %get3A_1327 = vector.shape_cast %get3A_1326 : vector<1x16xf32> to vector<16xf32>
        %add3A_1328 = arith.addf %get3A_1323, %get3A_1327 : vector<16xf32>
        %get3A_1329 = arith.index_cast %add3A_1319 : i32 to index
        %get3A_1330 = arith.constant 0 : index
        %get3A_1331 = tpu.vector_load %arg12[%get3A_1329, %get3A_1330] {strides = array<i32>} : memref<160x64xf32, #tpu.memory_space<vmem>>, vector<1x16xf32>,
        %get3A_1332 = vector.shape_cast %get3A_1331 : vector<1x16xf32> to vector<16xf32>
        %get3A_1333 = arith.index_cast %add3A_1319 : i32 to index
        %get3A_1334 = arith.constant 64 : index
        %get3A_1335 = tpu.vector_load %arg13[%get3A_1333, %get3A_1334] {strides = array<i32>} : memref<160x128xf32, #tpu.memory_space<vmem>>, vector<1x16xf32>,
        %get3A_1336 = vector.shape_cast %get3A_1335 : vector<1x16xf32> to vector<16xf32>
        %add3A_1337 = arith.addf %get3A_1332, %get3A_1336 : vector<16xf32>
        %max3A_1338 = arith.maximumf %add3A_1328, %add3A_1337 : vector<16xf32>
        %swap3A_1339 = arith.index_cast %add3A_1319 : i32 to index
        %swap3A_1340 = arith.constant 0 : index
        %swap3A_1341 = tpu.vector_load %arg14[%swap3A_1339, %swap3A_1340] {strides = array<i32>} : memref<160x64xf32, #tpu.memory_space<vmem>>, vector<1x16xf32>,
        %swap3A_1342 = vector.shape_cast %swap3A_1341 : vector<1x16xf32> to vector<16xf32>
        %swap3A_1343 = vector.shape_cast %max3A_1338 : vector<16xf32> to vector<1x16xf32>
        tpu.vector_store %arg14[%swap3A_1339, %swap3A_1340], %swap3A_1343 {strides = array<i32>} : memref<160x64xf32, #tpu.memory_space<vmem>>, vector<1x16xf32>,
        %get3A_1344 = arith.index_cast %add3A_1319 : i32 to index
        %get3A_1345 = arith.constant 16 : index
        %get3A_1346 = tpu.vector_load %arg11[%get3A_1344, %get3A_1345] {strides = array<i32>} : memref<160x64xf32, #tpu.memory_space<vmem>>, vector<1x16xf32>,
        %get3A_1347 = vector.shape_cast %get3A_1346 : vector<1x16xf32> to vector<16xf32>
        %get3A_1348 = arith.index_cast %add3A_1319 : i32 to index
        %get3A_1349 = arith.constant 16 : index
        %get3A_1350 = tpu.vector_load %arg13[%get3A_1348, %get3A_1349] {strides = array<i32>} : memref<160x128xf32, #tpu.memory_space<vmem>>, vector<1x16xf32>,
        %get3A_1351 = vector.shape_cast %get3A_1350 : vector<1x16xf32> to vector<16xf32>
        %add3A_1352 = arith.addf %get3A_1347, %get3A_1351 : vector<16xf32>
        %get3A_1353 = arith.index_cast %add3A_1319 : i32 to index
        %get3A_1354 = arith.constant 16 : index
        %get3A_1355 = tpu.vector_load %arg12[%get3A_1353, %get3A_1354] {strides = array<i32>} : memref<160x64xf32, #tpu.memory_space<vmem>>, vector<1x16xf32>,
        %get3A_1356 = vector.shape_cast %get3A_1355 : vector<1x16xf32> to vector<16xf32>
        %get3A_1357 = arith.index_cast %add3A_1319 : i32 to index
        %get3A_1358 = arith.constant 80 : index
        %get3A_1359 = tpu.vector_load %arg13[%get3A_1357, %get3A_1358] {strides = array<i32>} : memref<160x128xf32, #tpu.memory_space<vmem>>, vector<1x16xf32>,
        %get3A_1360 = vector.shape_cast %get3A_1359 : vector<1x16xf32> to vector<16xf32>
        %add3A_1361 = arith.addf %get3A_1356, %get3A_1360 : vector<16xf32>
        %max3A_1362 = arith.maximumf %add3A_1352, %add3A_1361 : vector<16xf32>
        %swap3A_1363 = arith.index_cast %add3A_1319 : i32 to index
        %swap3A_1364 = arith.constant 16 : index
        %swap3A_1365 = tpu.vector_load %arg14[%swap3A_1363, %swap3A_1364] {strides = array<i32>} : memref<160x64xf32, #tpu.memory_space<vmem>>, vector<1x16xf32>,
        %swap3A_1366 = vector.shape_cast %swap3A_1365 : vector<1x16xf32> to vector<16xf32>
        %swap3A_1367 = vector.shape_cast %max3A_1362 : vector<16xf32> to vector<1x16xf32>
        tpu.vector_store %arg14[%swap3A_1363, %swap3A_1364], %swap3A_1367 {strides = array<i32>} : memref<160x64xf32, #tpu.memory_space<vmem>>, vector<1x16xf32>,
        %get3A_1368 = arith.index_cast %add3A_1319 : i32 to index
        %get3A_1369 = arith.constant 32 : index
        %get3A_1370 = tpu.vector_load %arg11[%get3A_1368, %get3A_1369] {strides = array<i32>} : memref<160x64xf32, #tpu.memory_space<vmem>>, vector<1x16xf32>,
        %get3A_1371 = vector.shape_cast %get3A_1370 : vector<1x16xf32> to vector<16xf32>
        %get3A_1372 = arith.index_cast %add3A_1319 : i32 to index
        %get3A_1373 = arith.constant 32 : index
        %get3A_1374 = tpu.vector_load %arg13[%get3A_1372, %get3A_1373] {strides = array<i32>} : memref<160x128xf32, #tpu.memory_space<vmem>>, vector<1x16xf32>,
        %get3A_1375 = vector.shape_cast %get3A_1374 : vector<1x16xf32> to vector<16xf32>
        %add3A_1376 = arith.addf %get3A_1371, %get3A_1375 : vector<16xf32>
        %get3A_1377 = arith.index_cast %add3A_1319 : i32 to index
        %get3A_1378 = arith.constant 32 : index
        %get3A_1379 = tpu.vector_load %arg12[%get3A_1377, %get3A_1378] {strides = array<i32>} : memref<160x64xf32, #tpu.memory_space<vmem>>, vector<1x16xf32>,
        %get3A_1380 = vector.shape_cast %get3A_1379 : vector<1x16xf32> to vector<16xf32>
        %get3A_1381 = arith.index_cast %add3A_1319 : i32 to index
        %get3A_1382 = arith.constant 96 : index
        %get3A_1383 = tpu.vector_load %arg13[%get3A_1381, %get3A_1382] {strides = array<i32>} : memref<160x128xf32, #tpu.memory_space<vmem>>, vector<1x16xf32>,
        %get3A_1384 = vector.shape_cast %get3A_1383 : vector<1x16xf32> to vector<16xf32>
        %add3A_1385 = arith.addf %get3A_1380, %get3A_1384 : vector<16xf32>
        %max3A_1386 = arith.maximumf %add3A_1376, %add3A_1385 : vector<16xf32>
        %swap3A_1387 = arith.index_cast %add3A_1319 : i32 to index
        %swap3A_1388 = arith.constant 32 : index
        %swap3A_1389 = tpu.vector_load %arg14[%swap3A_1387, %swap3A_1388] {strides = array<i32>} : memref<160x64xf32, #tpu.memory_space<vmem>>, vector<1x16xf32>,
        %swap3A_1390 = vector.shape_cast %swap3A_1389 : vector<1x16xf32> to vector<16xf32>
        %swap3A_1391 = vector.shape_cast %max3A_1386 : vector<16xf32> to vector<1x16xf32>
        tpu.vector_store %arg14[%swap3A_1387, %swap3A_1388], %swap3A_1391 {strides = array<i32>} : memref<160x64xf32, #tpu.memory_space<vmem>>, vector<1x16xf32>,
        %get3A_1392 = arith.index_cast %add3A_1319 : i32 to index
        %get3A_1393 = arith.constant 48 : index
        %get3A_1394 = tpu.vector_load %arg11[%get3A_1392, %get3A_1393] {strides = array<i32>} : memref<160x64xf32, #tpu.memory_space<vmem>>, vector<1x16xf32>,
        %get3A_1395 = vector.shape_cast %get3A_1394 : vector<1x16xf32> to vector<16xf32>
        %get3A_1396 = arith.index_cast %add3A_1319 : i32 to index
        %get3A_1397 = arith.constant 48 : index
        %get3A_1398 = tpu.vector_load %arg13[%get3A_1396, %get3A_1397] {strides = array<i32>} : memref<160x128xf32, #tpu.memory_space<vmem>>, vector<1x16xf32>,
        %get3A_1399 = vector.shape_cast %get3A_1398 : vector<1x16xf32> to vector<16xf32>
        %add3A_1400 = arith.addf %get3A_1395, %get3A_1399 : vector<16xf32>
        %get3A_1401 = arith.index_cast %add3A_1319 : i32 to index
        %get3A_1402 = arith.constant 48 : index
        %get3A_1403 = tpu.vector_load %arg12[%get3A_1401, %get3A_1402] {strides = array<i32>} : memref<160x64xf32, #tpu.memory_space<vmem>>, vector<1x16xf32>,
        %get3A_1404 = vector.shape_cast %get3A_1403 : vector<1x16xf32> to vector<16xf32>
        %get3A_1405 = arith.index_cast %add3A_1319 : i32 to index
        %get3A_1406 = arith.constant 112 : index
        %get3A_1407 = tpu.vector_load %arg13[%get3A_1405, %get3A_1406] {strides = array<i32>} : memref<160x128xf32, #tpu.memory_space<vmem>>, vector<1x16xf32>,
        %get3A_1408 = vector.shape_cast %get3A_1407 : vector<1x16xf32> to vector<16xf32>
        %add3A_1409 = arith.addf %get3A_1404, %get3A_1408 : vector<16xf32>
        %max3A_1410 = arith.maximumf %add3A_1400, %add3A_1409 : vector<16xf32>
        %swap3A_1411 = arith.index_cast %add3A_1319 : i32 to index
        %swap3A_1412 = arith.constant 48 : index
        %swap3A_1413 = tpu.vector_load %arg14[%swap3A_1411, %swap3A_1412] {strides = array<i32>} : memref<160x64xf32, #tpu.memory_space<vmem>>, vector<1x16xf32>,
        %swap3A_1414 = vector.shape_cast %swap3A_1413 : vector<1x16xf32> to vector<16xf32>
        %swap3A_1415 = vector.shape_cast %max3A_1410 : vector<16xf32> to vector<1x16xf32>
        tpu.vector_store %arg14[%swap3A_1411, %swap3A_1412], %swap3A_1415 {strides = array<i32>} : memref<160x64xf32, #tpu.memory_space<vmem>>, vector<1x16xf32>,
      }
      %scan3A_1160 = arith.constant 80 : i32
      %mul3A_1161 = arith.constant 160 : i32
      %mul3A_1162 = arith.muli %mul3A_1130, %mul3A_1161 : i32
      %add3A_1163 = arith.addi %mul3A_2, %mul3A_1162 : i32
      %multiple_of3A_1164 = tpu.assume_multiple %add3A_1163, 160 : i32
      %dma_start3A_1165 = arith.constant 0 : i32
      %dma_start3A_1166 = tpu.memref_slice %arg7[%multiple_of3A_1164, %dma_start3A_1165] : memref<204800x64xf32, #tpu.memory_space<hbm>> -> memref<160x64xf32, #tpu.memory_space<hbm>>
      %dma_start3A_1167 = arith.constant 0 : i32
      %dma_start3A_1168 = tpu.memref_slice %arg7[%multiple_of3A_1164, %dma_start3A_1167] : memref<204800x64xf32, #tpu.memory_space<hbm>> -> memref<160x64xf32, #tpu.memory_space<hbm>>
      tpu.enqueue_dma source(%arg14 : memref<160x64xf32, #tpu.memory_space<vmem>>) target(%dma_start3A_1168 : memref<160x64xf32, #tpu.memory_space<hbm>>) target_semaphore(%arg24 : memref<!tpu.dma_semaphore, #tpu.memory_space<semaphore_mem>>)
      %lt3A = arith.constant 19 : i32
      %lt3A_1169 = arith.cmpi slt, %scan3A_1128, %lt3A : i32
      %convert_element_type3A_1170 = arith.extui %lt3A_1169 : i1 to i32
      %cond3A_1171 = arith.constant 0 : i32
      %cond3A_1172 = arith.cmpi ne, %convert_element_type3A_1170, %cond3A_1171 : i32
      scf.if %cond3A_1172 {
        %add3A_1215 = arith.constant 2 : i32
        %add3A_1216 = arith.addi %mul3A_1130, %add3A_1215 : i32
        %mul3A_1217 = arith.constant 160 : i32
        %mul3A_1218 = arith.muli %add3A_1216, %mul3A_1217 : i32
        %add3A_1219 = arith.addi %mul3A_2, %mul3A_1218 : i32
        %multiple_of3A_1220 = tpu.assume_multiple %add3A_1219, 160 : i32
        "tpu.region"() ({
          %run_scoped3A = tpu.sem_alloc : memref<!tpu.dma_semaphore, #tpu.memory_space<semaphore_mem>>
          %dma_start3A_1779 = tpu.memref_slice %arg2[%multiple_of3A_1220] : memref<204800xi32, #tpu.memory_space<hbm>> -> memref<160xi32, #tpu.memory_space<hbm>>
          %dma_start3A_1780 = tpu.memref_slice %arg2[%multiple_of3A_1220] : memref<204800xi32, #tpu.memory_space<hbm>> -> memref<160xi32, #tpu.memory_space<hbm>>
          tpu.enqueue_dma source(%dma_start3A_1780 : memref<160xi32, #tpu.memory_space<hbm>>) target(%arg8 : memref<160xi32, #tpu.memory_space<vmem>>) target_semaphore(%run_scoped3A : memref<!tpu.dma_semaphore, #tpu.memory_space<semaphore_mem>>)
          %dma_wait3A_1781 = tpu.memref_slice %arg2[%multiple_of3A_1220] : memref<204800xi32, #tpu.memory_space<hbm>> -> memref<160xi32, #tpu.memory_space<hbm>>
          %dma_wait3A_1782 = tpu.memref_slice %arg2[%multiple_of3A_1220] : memref<204800xi32, #tpu.memory_space<hbm>> -> memref<160xi32, #tpu.memory_space<hbm>>
          tpu.wait_dma2 semaphore(%run_scoped3A : memref<!tpu.dma_semaphore, #tpu.memory_space<semaphore_mem>>) src(%dma_wait3A_1782 : memref<160xi32, #tpu.memory_space<hbm>>) dst(%arg8 : memref<160xi32, #tpu.memory_space<vmem>>)
          tpu.yield
        }) : () -> ()
        "tpu.region"() ({
          %run_scoped3A = tpu.sem_alloc : memref<!tpu.dma_semaphore, #tpu.memory_space<semaphore_mem>>
          %dma_start3A_1779 = tpu.memref_slice %arg3[%multiple_of3A_1220] : memref<204800xi32, #tpu.memory_space<hbm>> -> memref<160xi32, #tpu.memory_space<hbm>>
          %dma_start3A_1780 = tpu.memref_slice %arg3[%multiple_of3A_1220] : memref<204800xi32, #tpu.memory_space<hbm>> -> memref<160xi32, #tpu.memory_space<hbm>>
          tpu.enqueue_dma source(%dma_start3A_1780 : memref<160xi32, #tpu.memory_space<hbm>>) target(%arg10 : memref<160xi32, #tpu.memory_space<vmem>>) target_semaphore(%run_scoped3A : memref<!tpu.dma_semaphore, #tpu.memory_space<semaphore_mem>>)
          %dma_wait3A_1781 = tpu.memref_slice %arg3[%multiple_of3A_1220] : memref<204800xi32, #tpu.memory_space<hbm>> -> memref<160xi32, #tpu.memory_space<hbm>>
          %dma_wait3A_1782 = tpu.memref_slice %arg3[%multiple_of3A_1220] : memref<204800xi32, #tpu.memory_space<hbm>> -> memref<160xi32, #tpu.memory_space<hbm>>
          tpu.wait_dma2 semaphore(%run_scoped3A : memref<!tpu.dma_semaphore, #tpu.memory_space<semaphore_mem>>) src(%dma_wait3A_1782 : memref<160xi32, #tpu.memory_space<hbm>>) dst(%arg10 : memref<160xi32, #tpu.memory_space<vmem>>)
          tpu.yield
        }) : () -> ()
        %get3A_1221 = arith.constant 0 : index
        %get3A_1222 = tpu.vector_load %arg8[%get3A_1221] {strides = array<i32>} : memref<160xi32, #tpu.memory_space<vmem>>, vector<16xi32>,
        %get3A_1223 = vector.shape_cast %get3A_1222 : vector<16xi32> to vector<16xi32>
        %ge3A_1224 = arith.constant 499968 : i32
        %ge3A_1225 = vector.broadcast %ge3A_1224 : i32 to vector<16xi32>
        %ge3A_1226 = arith.cmpi sge, %get3A_1223, %ge3A_1225 : vector<16xi32>
        %jit3A_1227 = arith.constant 1 : i32
        %jit3A_1228 = arith.constant 0 : i32
        %broadcast_in_dim3A_1229 = vector.broadcast %jit3A_1227 : i32 to vector<16xi32>
        %broadcast_in_dim3A_1230 = vector.broadcast %jit3A_1228 : i32 to vector<16xi32>
        %select_n3A_1231 = arith.select %ge3A_1226, %broadcast_in_dim3A_1229, %broadcast_in_dim3A_1230 : vector<16xi1>, vector<16xi32>
        %min3A_1232 = arith.constant 499967 : i32
        %min3A_1233 = vector.broadcast %min3A_1232 : i32 to vector<16xi32>
        %min3A_1234 = arith.minsi %get3A_1223, %min3A_1233 : vector<16xi32>
        %swap3A_1235 = arith.constant 0 : index
        %swap3A_1236 = tpu.vector_load %arg8[%swap3A_1235] {strides = array<i32>} : memref<160xi32, #tpu.memory_space<vmem>>, vector<16xi32>,
        %swap3A_1237 = vector.shape_cast %swap3A_1236 : vector<16xi32> to vector<16xi32>
        %swap3A_1238 = vector.shape_cast %min3A_1234 : vector<16xi32> to vector<16xi32>
        tpu.vector_store %arg8[%swap3A_1235], %swap3A_1238 {strides = array<i32>} : memref<160xi32, #tpu.memory_space<vmem>>, vector<16xi32>,
        %sub3A_1239 = arith.constant 499968 : i32
        %sub3A_1240 = vector.broadcast %sub3A_1239 : i32 to vector<16xi32>
        %sub3A_1241 = arith.subi %get3A_1223, %sub3A_1240 : vector<16xi32>
        %max3A_1242 = arith.constant 0 : i32
        %max3A_1243 = vector.broadcast %max3A_1242 : i32 to vector<16xi32>
        %max3A_1244 = arith.maxsi %sub3A_1241, %max3A_1243 : vector<16xi32>
        %swap3A_1245 = arith.constant 0 : index
        %swap3A_1246 = tpu.vector_load %arg9[%swap3A_1245] {strides = array<i32>} : memref<160xi32, #tpu.memory_space<vmem>>, vector<16xi32>,
        %swap3A_1247 = vector.shape_cast %swap3A_1246 : vector<16xi32> to vector<16xi32>
        %swap3A_1248 = vector.shape_cast %max3A_1244 : vector<16xi32> to vector<16xi32>
        tpu.vector_store %arg9[%swap3A_1245], %swap3A_1248 {strides = array<i32>} : memref<160xi32, #tpu.memory_space<vmem>>, vector<16xi32>,
        %add3A_1249 = arith.constant 0 : i32
        %add3A_1250 = arith.addi %multiple_of3A_1220, %add3A_1249 : i32
        %iota3A_1251 = tpu.iota {dimensions = array<i32: 0>} : vector<16xi32>
        %add3A_1252 = vector.broadcast %add3A_1250 : i32 to vector<16xi32>
        %add3A_1253 = arith.addi %add3A_1252, %iota3A_1251 : vector<16xi32>
        %rem3A_1254 = arith.constant 200 : i32
        %rem3A_1255 = vector.broadcast %rem3A_1254 : i32 to vector<16xi32>
        %rem3A_1256 = arith.remsi %add3A_1253, %rem3A_1255 : vector<16xi32>
        %mul3A_1257 = arith.constant 3 : i32
        %mul3A_1258 = vector.broadcast %mul3A_1257 : i32 to vector<16xi32>
        %mul3A_1259 = arith.muli %rem3A_1256, %mul3A_1258 : vector<16xi32>
        %get3A_1260 = arith.constant 0 : index
        %get3A_1261 = tpu.vector_load %arg10[%get3A_1260] {strides = array<i32>} : memref<160xi32, #tpu.memory_space<vmem>>, vector<16xi32>,
        %get3A_1262 = vector.shape_cast %get3A_1261 : vector<16xi32> to vector<16xi32>
        %add3A_1263 = arith.addi %mul3A_1259, %get3A_1262 : vector<16xi32>
        %mul3A_1264 = arith.constant 2 : i32
        %mul3A_1265 = vector.broadcast %mul3A_1264 : i32 to vector<16xi32>
        %mul3A_1266 = arith.muli %add3A_1263, %mul3A_1265 : vector<16xi32>
        %add3A_1267 = arith.addi %mul3A_1266, %select_n3A_1231 : vector<16xi32>
        %swap3A_1268 = arith.constant 0 : index
        %swap3A_1269 = tpu.vector_load %arg10[%swap3A_1268] {strides = array<i32>} : memref<160xi32, #tpu.memory_space<vmem>>, vector<16xi32>,
        %swap3A_1270 = vector.shape_cast %swap3A_1269 : vector<16xi32> to vector<16xi32>
        %swap3A_1271 = vector.shape_cast %add3A_1267 : vector<16xi32> to vector<16xi32>
        tpu.vector_store %arg10[%swap3A_1268], %swap3A_1271 {strides = array<i32>} : memref<160xi32, #tpu.memory_space<vmem>>, vector<16xi32>,
        %get3A_1272 = arith.constant 16 : index
        %get3A_1273 = tpu.vector_load %arg8[%get3A_1272] {strides = array<i32>} : memref<160xi32, #tpu.memory_space<vmem>>, vector<16xi32>,
        %get3A_1274 = vector.shape_cast %get3A_1273 : vector<16xi32> to vector<16xi32>
        %ge3A_1275 = arith.constant 499968 : i32
        %ge3A_1276 = vector.broadcast %ge3A_1275 : i32 to vector<16xi32>
        %ge3A_1277 = arith.cmpi sge, %get3A_1274, %ge3A_1276 : vector<16xi32>
        %jit3A_1278 = arith.constant 1 : i32
        %jit3A_1279 = arith.constant 0 : i32
        %broadcast_in_dim3A_1280 = vector.broadcast %jit3A_1278 : i32 to vector<16xi32>
        %broadcast_in_dim3A_1281 = vector.broadcast %jit3A_1279 : i32 to vector<16xi32>
        %select_n3A_1282 = arith.select %ge3A_1277, %broadcast_in_dim3A_1280, %broadcast_in_dim3A_1281 : vector<16xi1>, vector<16xi32>
        %min3A_1283 = arith.constant 499967 : i32
        %min3A_1284 = vector.broadcast %min3A_1283 : i32 to vector<16xi32>
        %min3A_1285 = arith.minsi %get3A_1274, %min3A_1284 : vector<16xi32>
        %swap3A_1286 = arith.constant 16 : index
        %swap3A_1287 = tpu.vector_load %arg8[%swap3A_1286] {strides = array<i32>} : memref<160xi32, #tpu.memory_space<vmem>>, vector<16xi32>,
        %swap3A_1288 = vector.shape_cast %swap3A_1287 : vector<16xi32> to vector<16xi32>
        %swap3A_1289 = vector.shape_cast %min3A_1285 : vector<16xi32> to vector<16xi32>
        tpu.vector_store %arg8[%swap3A_1286], %swap3A_1289 {strides = array<i32>} : memref<160xi32, #tpu.memory_space<vmem>>, vector<16xi32>,
        %sub3A_1290 = arith.constant 499968 : i32
        %sub3A_1291 = vector.broadcast %sub3A_1290 : i32 to vector<16xi32>
        %sub3A_1292 = arith.subi %get3A_1274, %sub3A_1291 : vector<16xi32>
        %max3A_1293 = arith.constant 0 : i32
        %max3A_1294 = vector.broadcast %max3A_1293 : i32 to vector<16xi32>
        %max3A_1295 = arith.maxsi %sub3A_1292, %max3A_1294 : vector<16xi32>
        %swap3A_1296 = arith.constant 16 : index
        %swap3A_1297 = tpu.vector_load %arg9[%swap3A_1296] {strides = array<i32>} : memref<160xi32, #tpu.memory_space<vmem>>, vector<16xi32>,
        %swap3A_1298 = vector.shape_cast %swap3A_1297 : vector<16xi32> to vector<16xi32>
        %swap3A_1299 = vector.shape_cast %max3A_1295 : vector<16xi32> to vector<16xi32>
        tpu.vector_store %arg9[%swap3A_1296], %swap3A_1299 {strides = array<i32>} : memref<160xi32, #tpu.memory_space<vmem>>, vector<16xi32>,
        %add3A_1300 = arith.constant 16 : i32
        %add3A_1301 = arith.addi %multiple_of3A_1220, %add3A_1300 : i32
        %iota3A_1302 = tpu.iota {dimensions = array<i32: 0>} : vector<16xi32>
        %add3A_1303 = vector.broadcast %add3A_1301 : i32 to vector<16xi32>
        %add3A_1304 = arith.addi %add3A_1303, %iota3A_1302 : vector<16xi32>
        %rem3A_1305 = arith.constant 200 : i32
        %rem3A_1306 = vector.broadcast %rem3A_1305 : i32 to vector<16xi32>
        %rem3A_1307 = arith.remsi %add3A_1304, %rem3A_1306 : vector<16xi32>
        %mul3A_1308 = arith.constant 3 : i32
        %mul3A_1309 = vector.broadcast %mul3A_1308 : i32 to vector<16xi32>
        %mul3A_1310 = arith.muli %rem3A_1307, %mul3A_1309 : vector<16xi32>
        %get3A_1311 = arith.constant 16 : index
        %get3A_1312 = tpu.vector_load %arg10[%get3A_1311] {strides = array<i32>} : memref<160xi32, #tpu.memory_space<vmem>>, vector<16xi32>,
        %get3A_1313 = vector.shape_cast %get3A_1312 : vector<16xi32> to vector<16xi32>
        %add3A_1314 = arith.addi %mul3A_1310, %get3A_1313 : vector<16xi32>
        %mul3A_1315 = arith.constant 2 : i32
        %mul3A_1316 = vector.broadcast %mul3A_1315 : i32 to vector<16xi32>
        %mul3A_1317 = arith.muli %add3A_1314, %mul3A_1316 : vector<16xi32>
        %add3A_1318 = arith.addi %mul3A_1317, %select_n3A_1282 : vector<16xi32>
        %swap3A_1319 = arith.constant 16 : index
        %swap3A_1320 = tpu.vector_load %arg10[%swap3A_1319] {strides = array<i32>} : memref<160xi32, #tpu.memory_space<vmem>>, vector<16xi32>,
        %swap3A_1321 = vector.shape_cast %swap3A_1320 : vector<16xi32> to vector<16xi32>
        %swap3A_1322 = vector.shape_cast %add3A_1318 : vector<16xi32> to vector<16xi32>
        tpu.vector_store %arg10[%swap3A_1319], %swap3A_1322 {strides = array<i32>} : memref<160xi32, #tpu.memory_space<vmem>>, vector<16xi32>,
        %get3A_1323 = arith.constant 32 : index
        %get3A_1324 = tpu.vector_load %arg8[%get3A_1323] {strides = array<i32>} : memref<160xi32, #tpu.memory_space<vmem>>, vector<16xi32>,
        %get3A_1325 = vector.shape_cast %get3A_1324 : vector<16xi32> to vector<16xi32>
        %ge3A_1326 = arith.constant 499968 : i32
        %ge3A_1327 = vector.broadcast %ge3A_1326 : i32 to vector<16xi32>
        %ge3A_1328 = arith.cmpi sge, %get3A_1325, %ge3A_1327 : vector<16xi32>
        %jit3A_1329 = arith.constant 1 : i32
        %jit3A_1330 = arith.constant 0 : i32
        %broadcast_in_dim3A_1331 = vector.broadcast %jit3A_1329 : i32 to vector<16xi32>
        %broadcast_in_dim3A_1332 = vector.broadcast %jit3A_1330 : i32 to vector<16xi32>
        %select_n3A_1333 = arith.select %ge3A_1328, %broadcast_in_dim3A_1331, %broadcast_in_dim3A_1332 : vector<16xi1>, vector<16xi32>
        %min3A_1334 = arith.constant 499967 : i32
        %min3A_1335 = vector.broadcast %min3A_1334 : i32 to vector<16xi32>
        %min3A_1336 = arith.minsi %get3A_1325, %min3A_1335 : vector<16xi32>
        %swap3A_1337 = arith.constant 32 : index
        %swap3A_1338 = tpu.vector_load %arg8[%swap3A_1337] {strides = array<i32>} : memref<160xi32, #tpu.memory_space<vmem>>, vector<16xi32>,
        %swap3A_1339 = vector.shape_cast %swap3A_1338 : vector<16xi32> to vector<16xi32>
        %swap3A_1340 = vector.shape_cast %min3A_1336 : vector<16xi32> to vector<16xi32>
        tpu.vector_store %arg8[%swap3A_1337], %swap3A_1340 {strides = array<i32>} : memref<160xi32, #tpu.memory_space<vmem>>, vector<16xi32>,
        %sub3A_1341 = arith.constant 499968 : i32
        %sub3A_1342 = vector.broadcast %sub3A_1341 : i32 to vector<16xi32>
        %sub3A_1343 = arith.subi %get3A_1325, %sub3A_1342 : vector<16xi32>
        %max3A_1344 = arith.constant 0 : i32
        %max3A_1345 = vector.broadcast %max3A_1344 : i32 to vector<16xi32>
        %max3A_1346 = arith.maxsi %sub3A_1343, %max3A_1345 : vector<16xi32>
        %swap3A_1347 = arith.constant 32 : index
        %swap3A_1348 = tpu.vector_load %arg9[%swap3A_1347] {strides = array<i32>} : memref<160xi32, #tpu.memory_space<vmem>>, vector<16xi32>,
        %swap3A_1349 = vector.shape_cast %swap3A_1348 : vector<16xi32> to vector<16xi32>
        %swap3A_1350 = vector.shape_cast %max3A_1346 : vector<16xi32> to vector<16xi32>
        tpu.vector_store %arg9[%swap3A_1347], %swap3A_1350 {strides = array<i32>} : memref<160xi32, #tpu.memory_space<vmem>>, vector<16xi32>,
        %add3A_1351 = arith.constant 32 : i32
        %add3A_1352 = arith.addi %multiple_of3A_1220, %add3A_1351 : i32
        %iota3A_1353 = tpu.iota {dimensions = array<i32: 0>} : vector<16xi32>
        %add3A_1354 = vector.broadcast %add3A_1352 : i32 to vector<16xi32>
        %add3A_1355 = arith.addi %add3A_1354, %iota3A_1353 : vector<16xi32>
        %rem3A_1356 = arith.constant 200 : i32
        %rem3A_1357 = vector.broadcast %rem3A_1356 : i32 to vector<16xi32>
        %rem3A_1358 = arith.remsi %add3A_1355, %rem3A_1357 : vector<16xi32>
        %mul3A_1359 = arith.constant 3 : i32
        %mul3A_1360 = vector.broadcast %mul3A_1359 : i32 to vector<16xi32>
        %mul3A_1361 = arith.muli %rem3A_1358, %mul3A_1360 : vector<16xi32>
        %get3A_1362 = arith.constant 32 : index
        %get3A_1363 = tpu.vector_load %arg10[%get3A_1362] {strides = array<i32>} : memref<160xi32, #tpu.memory_space<vmem>>, vector<16xi32>,
        %get3A_1364 = vector.shape_cast %get3A_1363 : vector<16xi32> to vector<16xi32>
        %add3A_1365 = arith.addi %mul3A_1361, %get3A_1364 : vector<16xi32>
        %mul3A_1366 = arith.constant 2 : i32
        %mul3A_1367 = vector.broadcast %mul3A_1366 : i32 to vector<16xi32>
        %mul3A_1368 = arith.muli %add3A_1365, %mul3A_1367 : vector<16xi32>
        %add3A_1369 = arith.addi %mul3A_1368, %select_n3A_1333 : vector<16xi32>
        %swap3A_1370 = arith.constant 32 : index
        %swap3A_1371 = tpu.vector_load %arg10[%swap3A_1370] {strides = array<i32>} : memref<160xi32, #tpu.memory_space<vmem>>, vector<16xi32>,
        %swap3A_1372 = vector.shape_cast %swap3A_1371 : vector<16xi32> to vector<16xi32>
        %swap3A_1373 = vector.shape_cast %add3A_1369 : vector<16xi32> to vector<16xi32>
        tpu.vector_store %arg10[%swap3A_1370], %swap3A_1373 {strides = array<i32>} : memref<160xi32, #tpu.memory_space<vmem>>, vector<16xi32>,
        %get3A_1374 = arith.constant 48 : index
        %get3A_1375 = tpu.vector_load %arg8[%get3A_1374] {strides = array<i32>} : memref<160xi32, #tpu.memory_space<vmem>>, vector<16xi32>,
        %get3A_1376 = vector.shape_cast %get3A_1375 : vector<16xi32> to vector<16xi32>
        %ge3A_1377 = arith.constant 499968 : i32
        %ge3A_1378 = vector.broadcast %ge3A_1377 : i32 to vector<16xi32>
        %ge3A_1379 = arith.cmpi sge, %get3A_1376, %ge3A_1378 : vector<16xi32>
        %jit3A_1380 = arith.constant 1 : i32
        %jit3A_1381 = arith.constant 0 : i32
        %broadcast_in_dim3A_1382 = vector.broadcast %jit3A_1380 : i32 to vector<16xi32>
        %broadcast_in_dim3A_1383 = vector.broadcast %jit3A_1381 : i32 to vector<16xi32>
        %select_n3A_1384 = arith.select %ge3A_1379, %broadcast_in_dim3A_1382, %broadcast_in_dim3A_1383 : vector<16xi1>, vector<16xi32>
        %min3A_1385 = arith.constant 499967 : i32
        %min3A_1386 = vector.broadcast %min3A_1385 : i32 to vector<16xi32>
        %min3A_1387 = arith.minsi %get3A_1376, %min3A_1386 : vector<16xi32>
        %swap3A_1388 = arith.constant 48 : index
        %swap3A_1389 = tpu.vector_load %arg8[%swap3A_1388] {strides = array<i32>} : memref<160xi32, #tpu.memory_space<vmem>>, vector<16xi32>,
        %swap3A_1390 = vector.shape_cast %swap3A_1389 : vector<16xi32> to vector<16xi32>
        %swap3A_1391 = vector.shape_cast %min3A_1387 : vector<16xi32> to vector<16xi32>
        tpu.vector_store %arg8[%swap3A_1388], %swap3A_1391 {strides = array<i32>} : memref<160xi32, #tpu.memory_space<vmem>>, vector<16xi32>,
        %sub3A_1392 = arith.constant 499968 : i32
        %sub3A_1393 = vector.broadcast %sub3A_1392 : i32 to vector<16xi32>
        %sub3A_1394 = arith.subi %get3A_1376, %sub3A_1393 : vector<16xi32>
        %max3A_1395 = arith.constant 0 : i32
        %max3A_1396 = vector.broadcast %max3A_1395 : i32 to vector<16xi32>
        %max3A_1397 = arith.maxsi %sub3A_1394, %max3A_1396 : vector<16xi32>
        %swap3A_1398 = arith.constant 48 : index
        %swap3A_1399 = tpu.vector_load %arg9[%swap3A_1398] {strides = array<i32>} : memref<160xi32, #tpu.memory_space<vmem>>, vector<16xi32>,
        %swap3A_1400 = vector.shape_cast %swap3A_1399 : vector<16xi32> to vector<16xi32>
        %swap3A_1401 = vector.shape_cast %max3A_1397 : vector<16xi32> to vector<16xi32>
        tpu.vector_store %arg9[%swap3A_1398], %swap3A_1401 {strides = array<i32>} : memref<160xi32, #tpu.memory_space<vmem>>, vector<16xi32>,
        %add3A_1402 = arith.constant 48 : i32
        %add3A_1403 = arith.addi %multiple_of3A_1220, %add3A_1402 : i32
        %iota3A_1404 = tpu.iota {dimensions = array<i32: 0>} : vector<16xi32>
        %add3A_1405 = vector.broadcast %add3A_1403 : i32 to vector<16xi32>
        %add3A_1406 = arith.addi %add3A_1405, %iota3A_1404 : vector<16xi32>
        %rem3A_1407 = arith.constant 200 : i32
        %rem3A_1408 = vector.broadcast %rem3A_1407 : i32 to vector<16xi32>
        %rem3A_1409 = arith.remsi %add3A_1406, %rem3A_1408 : vector<16xi32>
        %mul3A_1410 = arith.constant 3 : i32
        %mul3A_1411 = vector.broadcast %mul3A_1410 : i32 to vector<16xi32>
        %mul3A_1412 = arith.muli %rem3A_1409, %mul3A_1411 : vector<16xi32>
        %get3A_1413 = arith.constant 48 : index
        %get3A_1414 = tpu.vector_load %arg10[%get3A_1413] {strides = array<i32>} : memref<160xi32, #tpu.memory_space<vmem>>, vector<16xi32>,
        %get3A_1415 = vector.shape_cast %get3A_1414 : vector<16xi32> to vector<16xi32>
        %add3A_1416 = arith.addi %mul3A_1412, %get3A_1415 : vector<16xi32>
        %mul3A_1417 = arith.constant 2 : i32
        %mul3A_1418 = vector.broadcast %mul3A_1417 : i32 to vector<16xi32>
        %mul3A_1419 = arith.muli %add3A_1416, %mul3A_1418 : vector<16xi32>
        %add3A_1420 = arith.addi %mul3A_1419, %select_n3A_1384 : vector<16xi32>
        %swap3A_1421 = arith.constant 48 : index
        %swap3A_1422 = tpu.vector_load %arg10[%swap3A_1421] {strides = array<i32>} : memref<160xi32, #tpu.memory_space<vmem>>, vector<16xi32>,
        %swap3A_1423 = vector.shape_cast %swap3A_1422 : vector<16xi32> to vector<16xi32>
        %swap3A_1424 = vector.shape_cast %add3A_1420 : vector<16xi32> to vector<16xi32>
        tpu.vector_store %arg10[%swap3A_1421], %swap3A_1424 {strides = array<i32>} : memref<160xi32, #tpu.memory_space<vmem>>, vector<16xi32>,
        %get3A_1425 = arith.constant 64 : index
        %get3A_1426 = tpu.vector_load %arg8[%get3A_1425] {strides = array<i32>} : memref<160xi32, #tpu.memory_space<vmem>>, vector<16xi32>,
        %get3A_1427 = vector.shape_cast %get3A_1426 : vector<16xi32> to vector<16xi32>
        %ge3A_1428 = arith.constant 499968 : i32
        %ge3A_1429 = vector.broadcast %ge3A_1428 : i32 to vector<16xi32>
        %ge3A_1430 = arith.cmpi sge, %get3A_1427, %ge3A_1429 : vector<16xi32>
        %jit3A_1431 = arith.constant 1 : i32
        %jit3A_1432 = arith.constant 0 : i32
        %broadcast_in_dim3A_1433 = vector.broadcast %jit3A_1431 : i32 to vector<16xi32>
        %broadcast_in_dim3A_1434 = vector.broadcast %jit3A_1432 : i32 to vector<16xi32>
        %select_n3A_1435 = arith.select %ge3A_1430, %broadcast_in_dim3A_1433, %broadcast_in_dim3A_1434 : vector<16xi1>, vector<16xi32>
        %min3A_1436 = arith.constant 499967 : i32
        %min3A_1437 = vector.broadcast %min3A_1436 : i32 to vector<16xi32>
        %min3A_1438 = arith.minsi %get3A_1427, %min3A_1437 : vector<16xi32>
        %swap3A_1439 = arith.constant 64 : index
        %swap3A_1440 = tpu.vector_load %arg8[%swap3A_1439] {strides = array<i32>} : memref<160xi32, #tpu.memory_space<vmem>>, vector<16xi32>,
        %swap3A_1441 = vector.shape_cast %swap3A_1440 : vector<16xi32> to vector<16xi32>
        %swap3A_1442 = vector.shape_cast %min3A_1438 : vector<16xi32> to vector<16xi32>
        tpu.vector_store %arg8[%swap3A_1439], %swap3A_1442 {strides = array<i32>} : memref<160xi32, #tpu.memory_space<vmem>>, vector<16xi32>,
        %sub3A_1443 = arith.constant 499968 : i32
        %sub3A_1444 = vector.broadcast %sub3A_1443 : i32 to vector<16xi32>
        %sub3A_1445 = arith.subi %get3A_1427, %sub3A_1444 : vector<16xi32>
        %max3A_1446 = arith.constant 0 : i32
        %max3A_1447 = vector.broadcast %max3A_1446 : i32 to vector<16xi32>
        %max3A_1448 = arith.maxsi %sub3A_1445, %max3A_1447 : vector<16xi32>
        %swap3A_1449 = arith.constant 64 : index
        %swap3A_1450 = tpu.vector_load %arg9[%swap3A_1449] {strides = array<i32>} : memref<160xi32, #tpu.memory_space<vmem>>, vector<16xi32>,
        %swap3A_1451 = vector.shape_cast %swap3A_1450 : vector<16xi32> to vector<16xi32>
        %swap3A_1452 = vector.shape_cast %max3A_1448 : vector<16xi32> to vector<16xi32>
        tpu.vector_store %arg9[%swap3A_1449], %swap3A_1452 {strides = array<i32>} : memref<160xi32, #tpu.memory_space<vmem>>, vector<16xi32>,
        %add3A_1453 = arith.constant 64 : i32
        %add3A_1454 = arith.addi %multiple_of3A_1220, %add3A_1453 : i32
        %iota3A_1455 = tpu.iota {dimensions = array<i32: 0>} : vector<16xi32>
        %add3A_1456 = vector.broadcast %add3A_1454 : i32 to vector<16xi32>
        %add3A_1457 = arith.addi %add3A_1456, %iota3A_1455 : vector<16xi32>
        %rem3A_1458 = arith.constant 200 : i32
        %rem3A_1459 = vector.broadcast %rem3A_1458 : i32 to vector<16xi32>
        %rem3A_1460 = arith.remsi %add3A_1457, %rem3A_1459 : vector<16xi32>
        %mul3A_1461 = arith.constant 3 : i32
        %mul3A_1462 = vector.broadcast %mul3A_1461 : i32 to vector<16xi32>
        %mul3A_1463 = arith.muli %rem3A_1460, %mul3A_1462 : vector<16xi32>
        %get3A_1464 = arith.constant 64 : index
        %get3A_1465 = tpu.vector_load %arg10[%get3A_1464] {strides = array<i32>} : memref<160xi32, #tpu.memory_space<vmem>>, vector<16xi32>,
        %get3A_1466 = vector.shape_cast %get3A_1465 : vector<16xi32> to vector<16xi32>
        %add3A_1467 = arith.addi %mul3A_1463, %get3A_1466 : vector<16xi32>
        %mul3A_1468 = arith.constant 2 : i32
        %mul3A_1469 = vector.broadcast %mul3A_1468 : i32 to vector<16xi32>
        %mul3A_1470 = arith.muli %add3A_1467, %mul3A_1469 : vector<16xi32>
        %add3A_1471 = arith.addi %mul3A_1470, %select_n3A_1435 : vector<16xi32>
        %swap3A_1472 = arith.constant 64 : index
        %swap3A_1473 = tpu.vector_load %arg10[%swap3A_1472] {strides = array<i32>} : memref<160xi32, #tpu.memory_space<vmem>>, vector<16xi32>,
        %swap3A_1474 = vector.shape_cast %swap3A_1473 : vector<16xi32> to vector<16xi32>
        %swap3A_1475 = vector.shape_cast %add3A_1471 : vector<16xi32> to vector<16xi32>
        tpu.vector_store %arg10[%swap3A_1472], %swap3A_1475 {strides = array<i32>} : memref<160xi32, #tpu.memory_space<vmem>>, vector<16xi32>,
        %get3A_1476 = arith.constant 80 : index
        %get3A_1477 = tpu.vector_load %arg8[%get3A_1476] {strides = array<i32>} : memref<160xi32, #tpu.memory_space<vmem>>, vector<16xi32>,
        %get3A_1478 = vector.shape_cast %get3A_1477 : vector<16xi32> to vector<16xi32>
        %ge3A_1479 = arith.constant 499968 : i32
        %ge3A_1480 = vector.broadcast %ge3A_1479 : i32 to vector<16xi32>
        %ge3A_1481 = arith.cmpi sge, %get3A_1478, %ge3A_1480 : vector<16xi32>
        %jit3A_1482 = arith.constant 1 : i32
        %jit3A_1483 = arith.constant 0 : i32
        %broadcast_in_dim3A_1484 = vector.broadcast %jit3A_1482 : i32 to vector<16xi32>
        %broadcast_in_dim3A_1485 = vector.broadcast %jit3A_1483 : i32 to vector<16xi32>
        %select_n3A_1486 = arith.select %ge3A_1481, %broadcast_in_dim3A_1484, %broadcast_in_dim3A_1485 : vector<16xi1>, vector<16xi32>
        %min3A_1487 = arith.constant 499967 : i32
        %min3A_1488 = vector.broadcast %min3A_1487 : i32 to vector<16xi32>
        %min3A_1489 = arith.minsi %get3A_1478, %min3A_1488 : vector<16xi32>
        %swap3A_1490 = arith.constant 80 : index
        %swap3A_1491 = tpu.vector_load %arg8[%swap3A_1490] {strides = array<i32>} : memref<160xi32, #tpu.memory_space<vmem>>, vector<16xi32>,
        %swap3A_1492 = vector.shape_cast %swap3A_1491 : vector<16xi32> to vector<16xi32>
        %swap3A_1493 = vector.shape_cast %min3A_1489 : vector<16xi32> to vector<16xi32>
        tpu.vector_store %arg8[%swap3A_1490], %swap3A_1493 {strides = array<i32>} : memref<160xi32, #tpu.memory_space<vmem>>, vector<16xi32>,
        %sub3A_1494 = arith.constant 499968 : i32
        %sub3A_1495 = vector.broadcast %sub3A_1494 : i32 to vector<16xi32>
        %sub3A_1496 = arith.subi %get3A_1478, %sub3A_1495 : vector<16xi32>
        %max3A_1497 = arith.constant 0 : i32
        %max3A_1498 = vector.broadcast %max3A_1497 : i32 to vector<16xi32>
        %max3A_1499 = arith.maxsi %sub3A_1496, %max3A_1498 : vector<16xi32>
        %swap3A_1500 = arith.constant 80 : index
        %swap3A_1501 = tpu.vector_load %arg9[%swap3A_1500] {strides = array<i32>} : memref<160xi32, #tpu.memory_space<vmem>>, vector<16xi32>,
        %swap3A_1502 = vector.shape_cast %swap3A_1501 : vector<16xi32> to vector<16xi32>
        %swap3A_1503 = vector.shape_cast %max3A_1499 : vector<16xi32> to vector<16xi32>
        tpu.vector_store %arg9[%swap3A_1500], %swap3A_1503 {strides = array<i32>} : memref<160xi32, #tpu.memory_space<vmem>>, vector<16xi32>,
        %add3A_1504 = arith.constant 80 : i32
        %add3A_1505 = arith.addi %multiple_of3A_1220, %add3A_1504 : i32
        %iota3A_1506 = tpu.iota {dimensions = array<i32: 0>} : vector<16xi32>
        %add3A_1507 = vector.broadcast %add3A_1505 : i32 to vector<16xi32>
        %add3A_1508 = arith.addi %add3A_1507, %iota3A_1506 : vector<16xi32>
        %rem3A_1509 = arith.constant 200 : i32
        %rem3A_1510 = vector.broadcast %rem3A_1509 : i32 to vector<16xi32>
        %rem3A_1511 = arith.remsi %add3A_1508, %rem3A_1510 : vector<16xi32>
        %mul3A_1512 = arith.constant 3 : i32
        %mul3A_1513 = vector.broadcast %mul3A_1512 : i32 to vector<16xi32>
        %mul3A_1514 = arith.muli %rem3A_1511, %mul3A_1513 : vector<16xi32>
        %get3A_1515 = arith.constant 80 : index
        %get3A_1516 = tpu.vector_load %arg10[%get3A_1515] {strides = array<i32>} : memref<160xi32, #tpu.memory_space<vmem>>, vector<16xi32>,
        %get3A_1517 = vector.shape_cast %get3A_1516 : vector<16xi32> to vector<16xi32>
        %add3A_1518 = arith.addi %mul3A_1514, %get3A_1517 : vector<16xi32>
        %mul3A_1519 = arith.constant 2 : i32
        %mul3A_1520 = vector.broadcast %mul3A_1519 : i32 to vector<16xi32>
        %mul3A_1521 = arith.muli %add3A_1518, %mul3A_1520 : vector<16xi32>
        %add3A_1522 = arith.addi %mul3A_1521, %select_n3A_1486 : vector<16xi32>
        %swap3A_1523 = arith.constant 80 : index
        %swap3A_1524 = tpu.vector_load %arg10[%swap3A_1523] {strides = array<i32>} : memref<160xi32, #tpu.memory_space<vmem>>, vector<16xi32>,
        %swap3A_1525 = vector.shape_cast %swap3A_1524 : vector<16xi32> to vector<16xi32>
        %swap3A_1526 = vector.shape_cast %add3A_1522 : vector<16xi32> to vector<16xi32>
        tpu.vector_store %arg10[%swap3A_1523], %swap3A_1526 {strides = array<i32>} : memref<160xi32, #tpu.memory_space<vmem>>, vector<16xi32>,
        %get3A_1527 = arith.constant 96 : index
        %get3A_1528 = tpu.vector_load %arg8[%get3A_1527] {strides = array<i32>} : memref<160xi32, #tpu.memory_space<vmem>>, vector<16xi32>,
        %get3A_1529 = vector.shape_cast %get3A_1528 : vector<16xi32> to vector<16xi32>
        %ge3A_1530 = arith.constant 499968 : i32
        %ge3A_1531 = vector.broadcast %ge3A_1530 : i32 to vector<16xi32>
        %ge3A_1532 = arith.cmpi sge, %get3A_1529, %ge3A_1531 : vector<16xi32>
        %jit3A_1533 = arith.constant 1 : i32
        %jit3A_1534 = arith.constant 0 : i32
        %broadcast_in_dim3A_1535 = vector.broadcast %jit3A_1533 : i32 to vector<16xi32>
        %broadcast_in_dim3A_1536 = vector.broadcast %jit3A_1534 : i32 to vector<16xi32>
        %select_n3A_1537 = arith.select %ge3A_1532, %broadcast_in_dim3A_1535, %broadcast_in_dim3A_1536 : vector<16xi1>, vector<16xi32>
        %min3A_1538 = arith.constant 499967 : i32
        %min3A_1539 = vector.broadcast %min3A_1538 : i32 to vector<16xi32>
        %min3A_1540 = arith.minsi %get3A_1529, %min3A_1539 : vector<16xi32>
        %swap3A_1541 = arith.constant 96 : index
        %swap3A_1542 = tpu.vector_load %arg8[%swap3A_1541] {strides = array<i32>} : memref<160xi32, #tpu.memory_space<vmem>>, vector<16xi32>,
        %swap3A_1543 = vector.shape_cast %swap3A_1542 : vector<16xi32> to vector<16xi32>
        %swap3A_1544 = vector.shape_cast %min3A_1540 : vector<16xi32> to vector<16xi32>
        tpu.vector_store %arg8[%swap3A_1541], %swap3A_1544 {strides = array<i32>} : memref<160xi32, #tpu.memory_space<vmem>>, vector<16xi32>,
        %sub3A_1545 = arith.constant 499968 : i32
        %sub3A_1546 = vector.broadcast %sub3A_1545 : i32 to vector<16xi32>
        %sub3A_1547 = arith.subi %get3A_1529, %sub3A_1546 : vector<16xi32>
        %max3A_1548 = arith.constant 0 : i32
        %max3A_1549 = vector.broadcast %max3A_1548 : i32 to vector<16xi32>
        %max3A_1550 = arith.maxsi %sub3A_1547, %max3A_1549 : vector<16xi32>
        %swap3A_1551 = arith.constant 96 : index
        %swap3A_1552 = tpu.vector_load %arg9[%swap3A_1551] {strides = array<i32>} : memref<160xi32, #tpu.memory_space<vmem>>, vector<16xi32>,
        %swap3A_1553 = vector.shape_cast %swap3A_1552 : vector<16xi32> to vector<16xi32>
        %swap3A_1554 = vector.shape_cast %max3A_1550 : vector<16xi32> to vector<16xi32>
        tpu.vector_store %arg9[%swap3A_1551], %swap3A_1554 {strides = array<i32>} : memref<160xi32, #tpu.memory_space<vmem>>, vector<16xi32>,
        %add3A_1555 = arith.constant 96 : i32
        %add3A_1556 = arith.addi %multiple_of3A_1220, %add3A_1555 : i32
        %iota3A_1557 = tpu.iota {dimensions = array<i32: 0>} : vector<16xi32>
        %add3A_1558 = vector.broadcast %add3A_1556 : i32 to vector<16xi32>
        %add3A_1559 = arith.addi %add3A_1558, %iota3A_1557 : vector<16xi32>
        %rem3A_1560 = arith.constant 200 : i32
        %rem3A_1561 = vector.broadcast %rem3A_1560 : i32 to vector<16xi32>
        %rem3A_1562 = arith.remsi %add3A_1559, %rem3A_1561 : vector<16xi32>
        %mul3A_1563 = arith.constant 3 : i32
        %mul3A_1564 = vector.broadcast %mul3A_1563 : i32 to vector<16xi32>
        %mul3A_1565 = arith.muli %rem3A_1562, %mul3A_1564 : vector<16xi32>
        %get3A_1566 = arith.constant 96 : index
        %get3A_1567 = tpu.vector_load %arg10[%get3A_1566] {strides = array<i32>} : memref<160xi32, #tpu.memory_space<vmem>>, vector<16xi32>,
        %get3A_1568 = vector.shape_cast %get3A_1567 : vector<16xi32> to vector<16xi32>
        %add3A_1569 = arith.addi %mul3A_1565, %get3A_1568 : vector<16xi32>
        %mul3A_1570 = arith.constant 2 : i32
        %mul3A_1571 = vector.broadcast %mul3A_1570 : i32 to vector<16xi32>
        %mul3A_1572 = arith.muli %add3A_1569, %mul3A_1571 : vector<16xi32>
        %add3A_1573 = arith.addi %mul3A_1572, %select_n3A_1537 : vector<16xi32>
        %swap3A_1574 = arith.constant 96 : index
        %swap3A_1575 = tpu.vector_load %arg10[%swap3A_1574] {strides = array<i32>} : memref<160xi32, #tpu.memory_space<vmem>>, vector<16xi32>,
        %swap3A_1576 = vector.shape_cast %swap3A_1575 : vector<16xi32> to vector<16xi32>
        %swap3A_1577 = vector.shape_cast %add3A_1573 : vector<16xi32> to vector<16xi32>
        tpu.vector_store %arg10[%swap3A_1574], %swap3A_1577 {strides = array<i32>} : memref<160xi32, #tpu.memory_space<vmem>>, vector<16xi32>,
        %get3A_1578 = arith.constant 112 : index
        %get3A_1579 = tpu.vector_load %arg8[%get3A_1578] {strides = array<i32>} : memref<160xi32, #tpu.memory_space<vmem>>, vector<16xi32>,
        %get3A_1580 = vector.shape_cast %get3A_1579 : vector<16xi32> to vector<16xi32>
        %ge3A_1581 = arith.constant 499968 : i32
        %ge3A_1582 = vector.broadcast %ge3A_1581 : i32 to vector<16xi32>
        %ge3A_1583 = arith.cmpi sge, %get3A_1580, %ge3A_1582 : vector<16xi32>
        %jit3A_1584 = arith.constant 1 : i32
        %jit3A_1585 = arith.constant 0 : i32
        %broadcast_in_dim3A_1586 = vector.broadcast %jit3A_1584 : i32 to vector<16xi32>
        %broadcast_in_dim3A_1587 = vector.broadcast %jit3A_1585 : i32 to vector<16xi32>
        %select_n3A_1588 = arith.select %ge3A_1583, %broadcast_in_dim3A_1586, %broadcast_in_dim3A_1587 : vector<16xi1>, vector<16xi32>
        %min3A_1589 = arith.constant 499967 : i32
        %min3A_1590 = vector.broadcast %min3A_1589 : i32 to vector<16xi32>
        %min3A_1591 = arith.minsi %get3A_1580, %min3A_1590 : vector<16xi32>
        %swap3A_1592 = arith.constant 112 : index
        %swap3A_1593 = tpu.vector_load %arg8[%swap3A_1592] {strides = array<i32>} : memref<160xi32, #tpu.memory_space<vmem>>, vector<16xi32>,
        %swap3A_1594 = vector.shape_cast %swap3A_1593 : vector<16xi32> to vector<16xi32>
        %swap3A_1595 = vector.shape_cast %min3A_1591 : vector<16xi32> to vector<16xi32>
        tpu.vector_store %arg8[%swap3A_1592], %swap3A_1595 {strides = array<i32>} : memref<160xi32, #tpu.memory_space<vmem>>, vector<16xi32>,
        %sub3A_1596 = arith.constant 499968 : i32
        %sub3A_1597 = vector.broadcast %sub3A_1596 : i32 to vector<16xi32>
        %sub3A_1598 = arith.subi %get3A_1580, %sub3A_1597 : vector<16xi32>
        %max3A_1599 = arith.constant 0 : i32
        %max3A_1600 = vector.broadcast %max3A_1599 : i32 to vector<16xi32>
        %max3A_1601 = arith.maxsi %sub3A_1598, %max3A_1600 : vector<16xi32>
        %swap3A_1602 = arith.constant 112 : index
        %swap3A_1603 = tpu.vector_load %arg9[%swap3A_1602] {strides = array<i32>} : memref<160xi32, #tpu.memory_space<vmem>>, vector<16xi32>,
        %swap3A_1604 = vector.shape_cast %swap3A_1603 : vector<16xi32> to vector<16xi32>
        %swap3A_1605 = vector.shape_cast %max3A_1601 : vector<16xi32> to vector<16xi32>
        tpu.vector_store %arg9[%swap3A_1602], %swap3A_1605 {strides = array<i32>} : memref<160xi32, #tpu.memory_space<vmem>>, vector<16xi32>,
        %add3A_1606 = arith.constant 112 : i32
        %add3A_1607 = arith.addi %multiple_of3A_1220, %add3A_1606 : i32
        %iota3A_1608 = tpu.iota {dimensions = array<i32: 0>} : vector<16xi32>
        %add3A_1609 = vector.broadcast %add3A_1607 : i32 to vector<16xi32>
        %add3A_1610 = arith.addi %add3A_1609, %iota3A_1608 : vector<16xi32>
        %rem3A_1611 = arith.constant 200 : i32
        %rem3A_1612 = vector.broadcast %rem3A_1611 : i32 to vector<16xi32>
        %rem3A_1613 = arith.remsi %add3A_1610, %rem3A_1612 : vector<16xi32>
        %mul3A_1614 = arith.constant 3 : i32
        %mul3A_1615 = vector.broadcast %mul3A_1614 : i32 to vector<16xi32>
        %mul3A_1616 = arith.muli %rem3A_1613, %mul3A_1615 : vector<16xi32>
        %get3A_1617 = arith.constant 112 : index
        %get3A_1618 = tpu.vector_load %arg10[%get3A_1617] {strides = array<i32>} : memref<160xi32, #tpu.memory_space<vmem>>, vector<16xi32>,
        %get3A_1619 = vector.shape_cast %get3A_1618 : vector<16xi32> to vector<16xi32>
        %add3A_1620 = arith.addi %mul3A_1616, %get3A_1619 : vector<16xi32>
        %mul3A_1621 = arith.constant 2 : i32
        %mul3A_1622 = vector.broadcast %mul3A_1621 : i32 to vector<16xi32>
        %mul3A_1623 = arith.muli %add3A_1620, %mul3A_1622 : vector<16xi32>
        %add3A_1624 = arith.addi %mul3A_1623, %select_n3A_1588 : vector<16xi32>
        %swap3A_1625 = arith.constant 112 : index
        %swap3A_1626 = tpu.vector_load %arg10[%swap3A_1625] {strides = array<i32>} : memref<160xi32, #tpu.memory_space<vmem>>, vector<16xi32>,
        %swap3A_1627 = vector.shape_cast %swap3A_1626 : vector<16xi32> to vector<16xi32>
        %swap3A_1628 = vector.shape_cast %add3A_1624 : vector<16xi32> to vector<16xi32>
        tpu.vector_store %arg10[%swap3A_1625], %swap3A_1628 {strides = array<i32>} : memref<160xi32, #tpu.memory_space<vmem>>, vector<16xi32>,
        %get3A_1629 = arith.constant 128 : index
        %get3A_1630 = tpu.vector_load %arg8[%get3A_1629] {strides = array<i32>} : memref<160xi32, #tpu.memory_space<vmem>>, vector<16xi32>,
        %get3A_1631 = vector.shape_cast %get3A_1630 : vector<16xi32> to vector<16xi32>
        %ge3A_1632 = arith.constant 499968 : i32
        %ge3A_1633 = vector.broadcast %ge3A_1632 : i32 to vector<16xi32>
        %ge3A_1634 = arith.cmpi sge, %get3A_1631, %ge3A_1633 : vector<16xi32>
        %jit3A_1635 = arith.constant 1 : i32
        %jit3A_1636 = arith.constant 0 : i32
        %broadcast_in_dim3A_1637 = vector.broadcast %jit3A_1635 : i32 to vector<16xi32>
        %broadcast_in_dim3A_1638 = vector.broadcast %jit3A_1636 : i32 to vector<16xi32>
        %select_n3A_1639 = arith.select %ge3A_1634, %broadcast_in_dim3A_1637, %broadcast_in_dim3A_1638 : vector<16xi1>, vector<16xi32>
        %min3A_1640 = arith.constant 499967 : i32
        %min3A_1641 = vector.broadcast %min3A_1640 : i32 to vector<16xi32>
        %min3A_1642 = arith.minsi %get3A_1631, %min3A_1641 : vector<16xi32>
        %swap3A_1643 = arith.constant 128 : index
        %swap3A_1644 = tpu.vector_load %arg8[%swap3A_1643] {strides = array<i32>} : memref<160xi32, #tpu.memory_space<vmem>>, vector<16xi32>,
        %swap3A_1645 = vector.shape_cast %swap3A_1644 : vector<16xi32> to vector<16xi32>
        %swap3A_1646 = vector.shape_cast %min3A_1642 : vector<16xi32> to vector<16xi32>
        tpu.vector_store %arg8[%swap3A_1643], %swap3A_1646 {strides = array<i32>} : memref<160xi32, #tpu.memory_space<vmem>>, vector<16xi32>,
        %sub3A_1647 = arith.constant 499968 : i32
        %sub3A_1648 = vector.broadcast %sub3A_1647 : i32 to vector<16xi32>
        %sub3A_1649 = arith.subi %get3A_1631, %sub3A_1648 : vector<16xi32>
        %max3A_1650 = arith.constant 0 : i32
        %max3A_1651 = vector.broadcast %max3A_1650 : i32 to vector<16xi32>
        %max3A_1652 = arith.maxsi %sub3A_1649, %max3A_1651 : vector<16xi32>
        %swap3A_1653 = arith.constant 128 : index
        %swap3A_1654 = tpu.vector_load %arg9[%swap3A_1653] {strides = array<i32>} : memref<160xi32, #tpu.memory_space<vmem>>, vector<16xi32>,
        %swap3A_1655 = vector.shape_cast %swap3A_1654 : vector<16xi32> to vector<16xi32>
        %swap3A_1656 = vector.shape_cast %max3A_1652 : vector<16xi32> to vector<16xi32>
        tpu.vector_store %arg9[%swap3A_1653], %swap3A_1656 {strides = array<i32>} : memref<160xi32, #tpu.memory_space<vmem>>, vector<16xi32>,
        %add3A_1657 = arith.constant 128 : i32
        %add3A_1658 = arith.addi %multiple_of3A_1220, %add3A_1657 : i32
        %iota3A_1659 = tpu.iota {dimensions = array<i32: 0>} : vector<16xi32>
        %add3A_1660 = vector.broadcast %add3A_1658 : i32 to vector<16xi32>
        %add3A_1661 = arith.addi %add3A_1660, %iota3A_1659 : vector<16xi32>
        %rem3A_1662 = arith.constant 200 : i32
        %rem3A_1663 = vector.broadcast %rem3A_1662 : i32 to vector<16xi32>
        %rem3A_1664 = arith.remsi %add3A_1661, %rem3A_1663 : vector<16xi32>
        %mul3A_1665 = arith.constant 3 : i32
        %mul3A_1666 = vector.broadcast %mul3A_1665 : i32 to vector<16xi32>
        %mul3A_1667 = arith.muli %rem3A_1664, %mul3A_1666 : vector<16xi32>
        %get3A_1668 = arith.constant 128 : index
        %get3A_1669 = tpu.vector_load %arg10[%get3A_1668] {strides = array<i32>} : memref<160xi32, #tpu.memory_space<vmem>>, vector<16xi32>,
        %get3A_1670 = vector.shape_cast %get3A_1669 : vector<16xi32> to vector<16xi32>
        %add3A_1671 = arith.addi %mul3A_1667, %get3A_1670 : vector<16xi32>
        %mul3A_1672 = arith.constant 2 : i32
        %mul3A_1673 = vector.broadcast %mul3A_1672 : i32 to vector<16xi32>
        %mul3A_1674 = arith.muli %add3A_1671, %mul3A_1673 : vector<16xi32>
        %add3A_1675 = arith.addi %mul3A_1674, %select_n3A_1639 : vector<16xi32>
        %swap3A_1676 = arith.constant 128 : index
        %swap3A_1677 = tpu.vector_load %arg10[%swap3A_1676] {strides = array<i32>} : memref<160xi32, #tpu.memory_space<vmem>>, vector<16xi32>,
        %swap3A_1678 = vector.shape_cast %swap3A_1677 : vector<16xi32> to vector<16xi32>
        %swap3A_1679 = vector.shape_cast %add3A_1675 : vector<16xi32> to vector<16xi32>
        tpu.vector_store %arg10[%swap3A_1676], %swap3A_1679 {strides = array<i32>} : memref<160xi32, #tpu.memory_space<vmem>>, vector<16xi32>,
        %get3A_1680 = arith.constant 144 : index
        %get3A_1681 = tpu.vector_load %arg8[%get3A_1680] {strides = array<i32>} : memref<160xi32, #tpu.memory_space<vmem>>, vector<16xi32>,
        %get3A_1682 = vector.shape_cast %get3A_1681 : vector<16xi32> to vector<16xi32>
        %ge3A_1683 = arith.constant 499968 : i32
        %ge3A_1684 = vector.broadcast %ge3A_1683 : i32 to vector<16xi32>
        %ge3A_1685 = arith.cmpi sge, %get3A_1682, %ge3A_1684 : vector<16xi32>
        %jit3A_1686 = arith.constant 1 : i32
        %jit3A_1687 = arith.constant 0 : i32
        %broadcast_in_dim3A_1688 = vector.broadcast %jit3A_1686 : i32 to vector<16xi32>
        %broadcast_in_dim3A_1689 = vector.broadcast %jit3A_1687 : i32 to vector<16xi32>
        %select_n3A_1690 = arith.select %ge3A_1685, %broadcast_in_dim3A_1688, %broadcast_in_dim3A_1689 : vector<16xi1>, vector<16xi32>
        %min3A_1691 = arith.constant 499967 : i32
        %min3A_1692 = vector.broadcast %min3A_1691 : i32 to vector<16xi32>
        %min3A_1693 = arith.minsi %get3A_1682, %min3A_1692 : vector<16xi32>
        %swap3A_1694 = arith.constant 144 : index
        %swap3A_1695 = tpu.vector_load %arg8[%swap3A_1694] {strides = array<i32>} : memref<160xi32, #tpu.memory_space<vmem>>, vector<16xi32>,
        %swap3A_1696 = vector.shape_cast %swap3A_1695 : vector<16xi32> to vector<16xi32>
        %swap3A_1697 = vector.shape_cast %min3A_1693 : vector<16xi32> to vector<16xi32>
        tpu.vector_store %arg8[%swap3A_1694], %swap3A_1697 {strides = array<i32>} : memref<160xi32, #tpu.memory_space<vmem>>, vector<16xi32>,
        %sub3A_1698 = arith.constant 499968 : i32
        %sub3A_1699 = vector.broadcast %sub3A_1698 : i32 to vector<16xi32>
        %sub3A_1700 = arith.subi %get3A_1682, %sub3A_1699 : vector<16xi32>
        %max3A_1701 = arith.constant 0 : i32
        %max3A_1702 = vector.broadcast %max3A_1701 : i32 to vector<16xi32>
        %max3A_1703 = arith.maxsi %sub3A_1700, %max3A_1702 : vector<16xi32>
        %swap3A_1704 = arith.constant 144 : index
        %swap3A_1705 = tpu.vector_load %arg9[%swap3A_1704] {strides = array<i32>} : memref<160xi32, #tpu.memory_space<vmem>>, vector<16xi32>,
        %swap3A_1706 = vector.shape_cast %swap3A_1705 : vector<16xi32> to vector<16xi32>
        %swap3A_1707 = vector.shape_cast %max3A_1703 : vector<16xi32> to vector<16xi32>
        tpu.vector_store %arg9[%swap3A_1704], %swap3A_1707 {strides = array<i32>} : memref<160xi32, #tpu.memory_space<vmem>>, vector<16xi32>,
        %add3A_1708 = arith.constant 144 : i32
        %add3A_1709 = arith.addi %multiple_of3A_1220, %add3A_1708 : i32
        %iota3A_1710 = tpu.iota {dimensions = array<i32: 0>} : vector<16xi32>
        %add3A_1711 = vector.broadcast %add3A_1709 : i32 to vector<16xi32>
        %add3A_1712 = arith.addi %add3A_1711, %iota3A_1710 : vector<16xi32>
        %rem3A_1713 = arith.constant 200 : i32
        %rem3A_1714 = vector.broadcast %rem3A_1713 : i32 to vector<16xi32>
        %rem3A_1715 = arith.remsi %add3A_1712, %rem3A_1714 : vector<16xi32>
        %mul3A_1716 = arith.constant 3 : i32
        %mul3A_1717 = vector.broadcast %mul3A_1716 : i32 to vector<16xi32>
        %mul3A_1718 = arith.muli %rem3A_1715, %mul3A_1717 : vector<16xi32>
        %get3A_1719 = arith.constant 144 : index
        %get3A_1720 = tpu.vector_load %arg10[%get3A_1719] {strides = array<i32>} : memref<160xi32, #tpu.memory_space<vmem>>, vector<16xi32>,
        %get3A_1721 = vector.shape_cast %get3A_1720 : vector<16xi32> to vector<16xi32>
        %add3A_1722 = arith.addi %mul3A_1718, %get3A_1721 : vector<16xi32>
        %mul3A_1723 = arith.constant 2 : i32
        %mul3A_1724 = vector.broadcast %mul3A_1723 : i32 to vector<16xi32>
        %mul3A_1725 = arith.muli %add3A_1722, %mul3A_1724 : vector<16xi32>
        %add3A_1726 = arith.addi %mul3A_1725, %select_n3A_1690 : vector<16xi32>
        %swap3A_1727 = arith.constant 144 : index
        %swap3A_1728 = tpu.vector_load %arg10[%swap3A_1727] {strides = array<i32>} : memref<160xi32, #tpu.memory_space<vmem>>, vector<16xi32>,
        %swap3A_1729 = vector.shape_cast %swap3A_1728 : vector<16xi32> to vector<16xi32>
        %swap3A_1730 = vector.shape_cast %add3A_1726 : vector<16xi32> to vector<16xi32>
        tpu.vector_store %arg10[%swap3A_1727], %swap3A_1730 {strides = array<i32>} : memref<160xi32, #tpu.memory_space<vmem>>, vector<16xi32>,
        %dma_start3A_1731 = arith.constant 0 : i32
        %dma_start3A_1732 = arith.constant 0 : i32
        %dma_start3A_1733 = tpu.memref_slice %arg11[%dma_start3A_1731, %dma_start3A_1732] : memref<160x64xf32, #tpu.memory_space<vmem>> -> memref<128x64xf32, #tpu.memory_space<vmem>>
        %dma_start3A_1734 = arith.constant 0 : i32
        %dma_start3A_1735 = tpu.memref_slice %arg8[%dma_start3A_1734] : memref<160xi32, #tpu.memory_space<vmem>> -> memref<128xi32, #tpu.memory_space<vmem>>
        %dma_start3A_1736 = arith.constant 0 : i32
        %dma_start3A_1737 = arith.constant 0 : i32
        %dma_start3A_1738 = tpu.memref_slice %arg4[%dma_start3A_1736, %dma_start3A_1737] : memref<499968x64xf32, #tpu.memory_space<hbm>> -> memref<499968x64xf32, #tpu.memory_space<hbm>>
        tpu.enqueue_indirect_dma source(%dma_start3A_1738 : memref<499968x64xf32, #tpu.memory_space<hbm>>) target(%dma_start3A_1733 : memref<128x64xf32, #tpu.memory_space<vmem>>) offsets(%dma_start3A_1735 : memref<128xi32, #tpu.memory_space<vmem>>) semaphore(%arg22 : memref<!tpu.dma_semaphore, #tpu.memory_space<semaphore_mem>>)
        %dma_start3A_1739 = arith.constant 0 : i32
        %dma_start3A_1740 = arith.constant 0 : i32
        %dma_start3A_1741 = tpu.memref_slice %arg12[%dma_start3A_1739, %dma_start3A_1740] : memref<160x64xf32, #tpu.memory_space<vmem>> -> memref<128x64xf32, #tpu.memory_space<vmem>>
        %dma_start3A_1742 = arith.constant 0 : i32
        %dma_start3A_1743 = tpu.memref_slice %arg9[%dma_start3A_1742] : memref<160xi32, #tpu.memory_space<vmem>> -> memref<128xi32, #tpu.memory_space<vmem>>
        %dma_start3A_1744 = arith.constant 0 : i32
        %dma_start3A_1745 = arith.constant 0 : i32
        %dma_start3A_1746 = tpu.memref_slice %arg5[%dma_start3A_1744, %dma_start3A_1745] : memref<500032x64xf32, #tpu.memory_space<hbm>> -> memref<500032x64xf32, #tpu.memory_space<hbm>>
        tpu.enqueue_indirect_dma source(%dma_start3A_1746 : memref<500032x64xf32, #tpu.memory_space<hbm>>) target(%dma_start3A_1741 : memref<128x64xf32, #tpu.memory_space<vmem>>) offsets(%dma_start3A_1743 : memref<128xi32, #tpu.memory_space<vmem>>) semaphore(%arg22 : memref<!tpu.dma_semaphore, #tpu.memory_space<semaphore_mem>>)
        %dma_start3A_1747 = arith.constant 0 : i32
        %dma_start3A_1748 = arith.constant 0 : i32
        %dma_start3A_1749 = tpu.memref_slice %arg13[%dma_start3A_1747, %dma_start3A_1748] : memref<160x128xf32, #tpu.memory_space<vmem>> -> memref<128x128xf32, #tpu.memory_space<vmem>>
        %dma_start3A_1750 = arith.constant 0 : i32
        %dma_start3A_1751 = tpu.memref_slice %arg10[%dma_start3A_1750] : memref<160xi32, #tpu.memory_space<vmem>> -> memref<128xi32, #tpu.memory_space<vmem>>
        %dma_start3A_1752 = arith.constant 0 : i32
        %dma_start3A_1753 = arith.constant 0 : i32
        %dma_start3A_1754 = tpu.memref_slice %arg6[%dma_start3A_1752, %dma_start3A_1753] : memref<1200x128xf32, #tpu.memory_space<hbm>> -> memref<1200x128xf32, #tpu.memory_space<hbm>>
        tpu.enqueue_indirect_dma source(%dma_start3A_1754 : memref<1200x128xf32, #tpu.memory_space<hbm>>) target(%dma_start3A_1749 : memref<128x128xf32, #tpu.memory_space<vmem>>) offsets(%dma_start3A_1751 : memref<128xi32, #tpu.memory_space<vmem>>) semaphore(%arg22 : memref<!tpu.dma_semaphore, #tpu.memory_space<semaphore_mem>>)
        %dma_start3A_1755 = arith.constant 128 : i32
        %dma_start3A_1756 = arith.constant 0 : i32
        %dma_start3A_1757 = tpu.memref_slice %arg11[%dma_start3A_1755, %dma_start3A_1756] : memref<160x64xf32, #tpu.memory_space<vmem>> -> memref<32x64xf32, #tpu.memory_space<vmem>>
        %dma_start3A_1758 = arith.constant 128 : i32
        %dma_start3A_1759 = tpu.memref_slice %arg8[%dma_start3A_1758] : memref<160xi32, #tpu.memory_space<vmem>> -> memref<32xi32, #tpu.memory_space<vmem>>
        %dma_start3A_1760 = arith.constant 0 : i32
        %dma_start3A_1761 = arith.constant 0 : i32
        %dma_start3A_1762 = tpu.memref_slice %arg4[%dma_start3A_1760, %dma_start3A_1761] : memref<499968x64xf32, #tpu.memory_space<hbm>> -> memref<499968x64xf32, #tpu.memory_space<hbm>>
        tpu.enqueue_indirect_dma source(%dma_start3A_1762 : memref<499968x64xf32, #tpu.memory_space<hbm>>) target(%dma_start3A_1757 : memref<32x64xf32, #tpu.memory_space<vmem>>) offsets(%dma_start3A_1759 : memref<32xi32, #tpu.memory_space<vmem>>) semaphore(%arg22 : memref<!tpu.dma_semaphore, #tpu.memory_space<semaphore_mem>>)
        %dma_start3A_1763 = arith.constant 128 : i32
        %dma_start3A_1764 = arith.constant 0 : i32
        %dma_start3A_1765 = tpu.memref_slice %arg12[%dma_start3A_1763, %dma_start3A_1764] : memref<160x64xf32, #tpu.memory_space<vmem>> -> memref<32x64xf32, #tpu.memory_space<vmem>>
        %dma_start3A_1766 = arith.constant 128 : i32
        %dma_start3A_1767 = tpu.memref_slice %arg9[%dma_start3A_1766] : memref<160xi32, #tpu.memory_space<vmem>> -> memref<32xi32, #tpu.memory_space<vmem>>
        %dma_start3A_1768 = arith.constant 0 : i32
        %dma_start3A_1769 = arith.constant 0 : i32
        %dma_start3A_1770 = tpu.memref_slice %arg5[%dma_start3A_1768, %dma_start3A_1769] : memref<500032x64xf32, #tpu.memory_space<hbm>> -> memref<500032x64xf32, #tpu.memory_space<hbm>>
        tpu.enqueue_indirect_dma source(%dma_start3A_1770 : memref<500032x64xf32, #tpu.memory_space<hbm>>) target(%dma_start3A_1765 : memref<32x64xf32, #tpu.memory_space<vmem>>) offsets(%dma_start3A_1767 : memref<32xi32, #tpu.memory_space<vmem>>) semaphore(%arg22 : memref<!tpu.dma_semaphore, #tpu.memory_space<semaphore_mem>>)
        %dma_start3A_1771 = arith.constant 128 : i32
        %dma_start3A_1772 = arith.constant 0 : i32
        %dma_start3A_1773 = tpu.memref_slice %arg13[%dma_start3A_1771, %dma_start3A_1772] : memref<160x128xf32, #tpu.memory_space<vmem>> -> memref<32x128xf32, #tpu.memory_space<vmem>>
        %dma_start3A_1774 = arith.constant 128 : i32
        %dma_start3A_1775 = tpu.memref_slice %arg10[%dma_start3A_1774] : memref<160xi32, #tpu.memory_space<vmem>> -> memref<32xi32, #tpu.memory_space<vmem>>
        %dma_start3A_1776 = arith.constant 0 : i32
        %dma_start3A_1777 = arith.constant 0 : i32
        %dma_start3A_1778 = tpu.memref_slice %arg6[%dma_start3A_1776, %dma_start3A_1777] : memref<1200x128xf32, #tpu.memory_space<hbm>> -> memref<1200x128xf32, #tpu.memory_space<hbm>>
        tpu.enqueue_indirect_dma source(%dma_start3A_1778 : memref<1200x128xf32, #tpu.memory_space<hbm>>) target(%dma_start3A_1773 : memref<32x128xf32, #tpu.memory_space<vmem>>) offsets(%dma_start3A_1775 : memref<32xi32, #tpu.memory_space<vmem>>) semaphore(%arg22 : memref<!tpu.dma_semaphore, #tpu.memory_space<semaphore_mem>>)
      } else {
      }
      %gt3A_1173 = arith.constant 0 : i32
      %gt3A_1174 = arith.cmpi sgt, %scan3A_1128, %gt3A_1173 : i32
      %convert_element_type3A_1175 = arith.extui %gt3A_1174 : i1 to i32
      %cond3A_1176 = arith.constant 0 : i32
      %cond3A_1177 = arith.cmpi ne, %convert_element_type3A_1175, %cond3A_1176 : i32
      scf.if %cond3A_1177 {
        %dma_wait3A_1215 = arith.constant 0 : i32
        %dma_wait3A_1216 = arith.constant 0 : i32
        %dma_wait3A_1217 = tpu.memref_slice %arg7[%dma_wait3A_1215, %dma_wait3A_1216] : memref<204800x64xf32, #tpu.memory_space<hbm>> -> memref<160x64xf32, #tpu.memory_space<hbm>>
        %dma_wait3A_1218 = arith.constant 0 : i32
        %dma_wait3A_1219 = arith.constant 0 : i32
        %dma_wait3A_1220 = tpu.memref_slice %arg7[%dma_wait3A_1218, %dma_wait3A_1219] : memref<204800x64xf32, #tpu.memory_space<hbm>> -> memref<160x64xf32, #tpu.memory_space<hbm>>
        tpu.wait_dma2 semaphore(%arg25 : memref<!tpu.dma_semaphore, #tpu.memory_space<semaphore_mem>>) src(%arg21 : memref<160x64xf32, #tpu.memory_space<vmem>>) dst(%dma_wait3A_1220 : memref<160x64xf32, #tpu.memory_space<hbm>>)
      } else {
      }
      %dma_wait3A_1178 = arith.constant 0 : i32
      %dma_wait3A_1179 = arith.constant 0 : i32
      %dma_wait3A_1180 = tpu.memref_slice %arg4[%dma_wait3A_1178, %dma_wait3A_1179] : memref<499968x64xf32, #tpu.memory_space<hbm>> -> memref<160x64xf32, #tpu.memory_space<hbm>>
      %dma_wait3A_1181 = arith.constant 0 : i32
      %dma_wait3A_1182 = arith.constant 0 : i32
      %dma_wait3A_1183 = tpu.memref_slice %arg4[%dma_wait3A_1181, %dma_wait3A_1182] : memref<499968x64xf32, #tpu.memory_space<hbm>> -> memref<160x64xf32, #tpu.memory_space<hbm>>
      tpu.wait_dma2 semaphore(%arg23 : memref<!tpu.dma_semaphore, #tpu.memory_space<semaphore_mem>>) src(%dma_wait3A_1183 : memref<160x64xf32, #tpu.memory_space<hbm>>) dst(%arg18 : memref<160x64xf32, #tpu.memory_space<vmem>>)
      %dma_wait3A_1184 = arith.constant 0 : i32
      %dma_wait3A_1185 = arith.constant 0 : i32
      %dma_wait3A_1186 = tpu.memref_slice %arg4[%dma_wait3A_1184, %dma_wait3A_1185] : memref<499968x64xf32, #tpu.memory_space<hbm>> -> memref<160x64xf32, #tpu.memory_space<hbm>>
      %dma_wait3A_1187 = arith.constant 0 : i32
      %dma_wait3A_1188 = arith.constant 0 : i32
      %dma_wait3A_1189 = tpu.memref_slice %arg4[%dma_wait3A_1187, %dma_wait3A_1188] : memref<499968x64xf32, #tpu.memory_space<hbm>> -> memref<160x64xf32, #tpu.memory_space<hbm>>
      tpu.wait_dma2 semaphore(%arg23 : memref<!tpu.dma_semaphore, #tpu.memory_space<semaphore_mem>>) src(%dma_wait3A_1189 : memref<160x64xf32, #tpu.memory_space<hbm>>) dst(%arg19 : memref<160x64xf32, #tpu.memory_space<vmem>>)
      %dma_wait3A_1190 = arith.constant 0 : i32
      %dma_wait3A_1191 = arith.constant 0 : i32
      %dma_wait3A_1192 = tpu.memref_slice %arg6[%dma_wait3A_1190, %dma_wait3A_1191] : memref<1200x128xf32, #tpu.memory_space<hbm>> -> memref<160x128xf32, #tpu.memory_space<hbm>>
      %dma_wait3A_1193 = arith.constant 0 : i32
      %dma_wait3A_1194 = arith.constant 0 : i32
      %dma_wait3A_1195 = tpu.memref_slice %arg6[%dma_wait3A_1193, %dma_wait3A_1194] : memref<1200x128xf32, #tpu.memory_space<hbm>> -> memref<160x128xf32, #tpu.memory_space<hbm>>
      tpu.wait_dma2 semaphore(%arg23 : memref<!tpu.dma_semaphore, #tpu.memory_space<semaphore_mem>>) src(%dma_wait3A_1195 : memref<160x128xf32, #tpu.memory_space<hbm>>) dst(%arg20 : memref<160x128xf32, #tpu.memory_space<vmem>>)
      %scan3A_1196 = arith.constant 0 : i32
      %scan3A_1197 = arith.constant 0 : i32
      %scan3A_1198 = arith.constant 80 : i32
      %scan3A_1199 = arith.addi %scan3A_1197, %scan3A_1198 : i32
      %scan3A_1200 = arith.constant 1 : i32
      scf.for %scan3A_1215 = %scan3A_1197 to %scan3A_1199 step %scan3A_1200  : i32 {
        %mul3A_1216 = arith.constant 2 : i32
        %mul3A_1217 = arith.muli %scan3A_1215, %mul3A_1216 : i32
        %add3A_1218 = arith.constant 0 : i32
        %add3A_1219 = arith.addi %mul3A_1217, %add3A_1218 : i32
        %get3A_1220 = arith.index_cast %add3A_1219 : i32 to index
        %get3A_1221 = arith.constant 0 : index
        %get3A_1222 = tpu.vector_load %arg18[%get3A_1220, %get3A_1221] {strides = array<i32>} : memref<160x64xf32, #tpu.memory_space<vmem>>, vector<1x16xf32>,
        %get3A_1223 = vector.shape_cast %get3A_1222 : vector<1x16xf32> to vector<16xf32>
        %get3A_1224 = arith.index_cast %add3A_1219 : i32 to index
        %get3A_1225 = arith.constant 0 : index
        %get3A_1226 = tpu.vector_load %arg20[%get3A_1224, %get3A_1225] {strides = array<i32>} : memref<160x128xf32, #tpu.memory_space<vmem>>, vector<1x16xf32>,
        %get3A_1227 = vector.shape_cast %get3A_1226 : vector<1x16xf32> to vector<16xf32>
        %add3A_1228 = arith.addf %get3A_1223, %get3A_1227 : vector<16xf32>
        %get3A_1229 = arith.index_cast %add3A_1219 : i32 to index
        %get3A_1230 = arith.constant 0 : index
        %get3A_1231 = tpu.vector_load %arg19[%get3A_1229, %get3A_1230] {strides = array<i32>} : memref<160x64xf32, #tpu.memory_space<vmem>>, vector<1x16xf32>,
        %get3A_1232 = vector.shape_cast %get3A_1231 : vector<1x16xf32> to vector<16xf32>
        %get3A_1233 = arith.index_cast %add3A_1219 : i32 to index
        %get3A_1234 = arith.constant 64 : index
        %get3A_1235 = tpu.vector_load %arg20[%get3A_1233, %get3A_1234] {strides = array<i32>} : memref<160x128xf32, #tpu.memory_space<vmem>>, vector<1x16xf32>,
        %get3A_1236 = vector.shape_cast %get3A_1235 : vector<1x16xf32> to vector<16xf32>
        %add3A_1237 = arith.addf %get3A_1232, %get3A_1236 : vector<16xf32>
        %max3A_1238 = arith.maximumf %add3A_1228, %add3A_1237 : vector<16xf32>
        %swap3A_1239 = arith.index_cast %add3A_1219 : i32 to index
        %swap3A_1240 = arith.constant 0 : index
        %swap3A_1241 = tpu.vector_load %arg21[%swap3A_1239, %swap3A_1240] {strides = array<i32>} : memref<160x64xf32, #tpu.memory_space<vmem>>, vector<1x16xf32>,
        %swap3A_1242 = vector.shape_cast %swap3A_1241 : vector<1x16xf32> to vector<16xf32>
        %swap3A_1243 = vector.shape_cast %max3A_1238 : vector<16xf32> to vector<1x16xf32>
        tpu.vector_store %arg21[%swap3A_1239, %swap3A_1240], %swap3A_1243 {strides = array<i32>} : memref<160x64xf32, #tpu.memory_space<vmem>>, vector<1x16xf32>,
        %get3A_1244 = arith.index_cast %add3A_1219 : i32 to index
        %get3A_1245 = arith.constant 16 : index
        %get3A_1246 = tpu.vector_load %arg18[%get3A_1244, %get3A_1245] {strides = array<i32>} : memref<160x64xf32, #tpu.memory_space<vmem>>, vector<1x16xf32>,
        %get3A_1247 = vector.shape_cast %get3A_1246 : vector<1x16xf32> to vector<16xf32>
        %get3A_1248 = arith.index_cast %add3A_1219 : i32 to index
        %get3A_1249 = arith.constant 16 : index
        %get3A_1250 = tpu.vector_load %arg20[%get3A_1248, %get3A_1249] {strides = array<i32>} : memref<160x128xf32, #tpu.memory_space<vmem>>, vector<1x16xf32>,
        %get3A_1251 = vector.shape_cast %get3A_1250 : vector<1x16xf32> to vector<16xf32>
        %add3A_1252 = arith.addf %get3A_1247, %get3A_1251 : vector<16xf32>
        %get3A_1253 = arith.index_cast %add3A_1219 : i32 to index
        %get3A_1254 = arith.constant 16 : index
        %get3A_1255 = tpu.vector_load %arg19[%get3A_1253, %get3A_1254] {strides = array<i32>} : memref<160x64xf32, #tpu.memory_space<vmem>>, vector<1x16xf32>,
        %get3A_1256 = vector.shape_cast %get3A_1255 : vector<1x16xf32> to vector<16xf32>
        %get3A_1257 = arith.index_cast %add3A_1219 : i32 to index
        %get3A_1258 = arith.constant 80 : index
        %get3A_1259 = tpu.vector_load %arg20[%get3A_1257, %get3A_1258] {strides = array<i32>} : memref<160x128xf32, #tpu.memory_space<vmem>>, vector<1x16xf32>,
        %get3A_1260 = vector.shape_cast %get3A_1259 : vector<1x16xf32> to vector<16xf32>
        %add3A_1261 = arith.addf %get3A_1256, %get3A_1260 : vector<16xf32>
        %max3A_1262 = arith.maximumf %add3A_1252, %add3A_1261 : vector<16xf32>
        %swap3A_1263 = arith.index_cast %add3A_1219 : i32 to index
        %swap3A_1264 = arith.constant 16 : index
        %swap3A_1265 = tpu.vector_load %arg21[%swap3A_1263, %swap3A_1264] {strides = array<i32>} : memref<160x64xf32, #tpu.memory_space<vmem>>, vector<1x16xf32>,
        %swap3A_1266 = vector.shape_cast %swap3A_1265 : vector<1x16xf32> to vector<16xf32>
        %swap3A_1267 = vector.shape_cast %max3A_1262 : vector<16xf32> to vector<1x16xf32>
        tpu.vector_store %arg21[%swap3A_1263, %swap3A_1264], %swap3A_1267 {strides = array<i32>} : memref<160x64xf32, #tpu.memory_space<vmem>>, vector<1x16xf32>,
        %get3A_1268 = arith.index_cast %add3A_1219 : i32 to index
        %get3A_1269 = arith.constant 32 : index
        %get3A_1270 = tpu.vector_load %arg18[%get3A_1268, %get3A_1269] {strides = array<i32>} : memref<160x64xf32, #tpu.memory_space<vmem>>, vector<1x16xf32>,
        %get3A_1271 = vector.shape_cast %get3A_1270 : vector<1x16xf32> to vector<16xf32>
        %get3A_1272 = arith.index_cast %add3A_1219 : i32 to index
        %get3A_1273 = arith.constant 32 : index
        %get3A_1274 = tpu.vector_load %arg20[%get3A_1272, %get3A_1273] {strides = array<i32>} : memref<160x128xf32, #tpu.memory_space<vmem>>, vector<1x16xf32>,
        %get3A_1275 = vector.shape_cast %get3A_1274 : vector<1x16xf32> to vector<16xf32>
        %add3A_1276 = arith.addf %get3A_1271, %get3A_1275 : vector<16xf32>
        %get3A_1277 = arith.index_cast %add3A_1219 : i32 to index
        %get3A_1278 = arith.constant 32 : index
        %get3A_1279 = tpu.vector_load %arg19[%get3A_1277, %get3A_1278] {strides = array<i32>} : memref<160x64xf32, #tpu.memory_space<vmem>>, vector<1x16xf32>,
        %get3A_1280 = vector.shape_cast %get3A_1279 : vector<1x16xf32> to vector<16xf32>
        %get3A_1281 = arith.index_cast %add3A_1219 : i32 to index
        %get3A_1282 = arith.constant 96 : index
        %get3A_1283 = tpu.vector_load %arg20[%get3A_1281, %get3A_1282] {strides = array<i32>} : memref<160x128xf32, #tpu.memory_space<vmem>>, vector<1x16xf32>,
        %get3A_1284 = vector.shape_cast %get3A_1283 : vector<1x16xf32> to vector<16xf32>
        %add3A_1285 = arith.addf %get3A_1280, %get3A_1284 : vector<16xf32>
        %max3A_1286 = arith.maximumf %add3A_1276, %add3A_1285 : vector<16xf32>
        %swap3A_1287 = arith.index_cast %add3A_1219 : i32 to index
        %swap3A_1288 = arith.constant 32 : index
        %swap3A_1289 = tpu.vector_load %arg21[%swap3A_1287, %swap3A_1288] {strides = array<i32>} : memref<160x64xf32, #tpu.memory_space<vmem>>, vector<1x16xf32>,
        %swap3A_1290 = vector.shape_cast %swap3A_1289 : vector<1x16xf32> to vector<16xf32>
        %swap3A_1291 = vector.shape_cast %max3A_1286 : vector<16xf32> to vector<1x16xf32>
        tpu.vector_store %arg21[%swap3A_1287, %swap3A_1288], %swap3A_1291 {strides = array<i32>} : memref<160x64xf32, #tpu.memory_space<vmem>>, vector<1x16xf32>,
        %get3A_1292 = arith.index_cast %add3A_1219 : i32 to index
        %get3A_1293 = arith.constant 48 : index
        %get3A_1294 = tpu.vector_load %arg18[%get3A_1292, %get3A_1293] {strides = array<i32>} : memref<160x64xf32, #tpu.memory_space<vmem>>, vector<1x16xf32>,
        %get3A_1295 = vector.shape_cast %get3A_1294 : vector<1x16xf32> to vector<16xf32>
        %get3A_1296 = arith.index_cast %add3A_1219 : i32 to index
        %get3A_1297 = arith.constant 48 : index
        %get3A_1298 = tpu.vector_load %arg20[%get3A_1296, %get3A_1297] {strides = array<i32>} : memref<160x128xf32, #tpu.memory_space<vmem>>, vector<1x16xf32>,
        %get3A_1299 = vector.shape_cast %get3A_1298 : vector<1x16xf32> to vector<16xf32>
        %add3A_1300 = arith.addf %get3A_1295, %get3A_1299 : vector<16xf32>
        %get3A_1301 = arith.index_cast %add3A_1219 : i32 to index
        %get3A_1302 = arith.constant 48 : index
        %get3A_1303 = tpu.vector_load %arg19[%get3A_1301, %get3A_1302] {strides = array<i32>} : memref<160x64xf32, #tpu.memory_space<vmem>>, vector<1x16xf32>,
        %get3A_1304 = vector.shape_cast %get3A_1303 : vector<1x16xf32> to vector<16xf32>
        %get3A_1305 = arith.index_cast %add3A_1219 : i32 to index
        %get3A_1306 = arith.constant 112 : index
        %get3A_1307 = tpu.vector_load %arg20[%get3A_1305, %get3A_1306] {strides = array<i32>} : memref<160x128xf32, #tpu.memory_space<vmem>>, vector<1x16xf32>,
        %get3A_1308 = vector.shape_cast %get3A_1307 : vector<1x16xf32> to vector<16xf32>
        %add3A_1309 = arith.addf %get3A_1304, %get3A_1308 : vector<16xf32>
        %max3A_1310 = arith.maximumf %add3A_1300, %add3A_1309 : vector<16xf32>
        %swap3A_1311 = arith.index_cast %add3A_1219 : i32 to index
        %swap3A_1312 = arith.constant 48 : index
        %swap3A_1313 = tpu.vector_load %arg21[%swap3A_1311, %swap3A_1312] {strides = array<i32>} : memref<160x64xf32, #tpu.memory_space<vmem>>, vector<1x16xf32>,
        %swap3A_1314 = vector.shape_cast %swap3A_1313 : vector<1x16xf32> to vector<16xf32>
        %swap3A_1315 = vector.shape_cast %max3A_1310 : vector<16xf32> to vector<1x16xf32>
        tpu.vector_store %arg21[%swap3A_1311, %swap3A_1312], %swap3A_1315 {strides = array<i32>} : memref<160x64xf32, #tpu.memory_space<vmem>>, vector<1x16xf32>,
        %mul3A_1316 = arith.constant 2 : i32
        %mul3A_1317 = arith.muli %scan3A_1215, %mul3A_1316 : i32
        %add3A_1318 = arith.constant 1 : i32
        %add3A_1319 = arith.addi %mul3A_1317, %add3A_1318 : i32
        %get3A_1320 = arith.index_cast %add3A_1319 : i32 to index
        %get3A_1321 = arith.constant 0 : index
        %get3A_1322 = tpu.vector_load %arg18[%get3A_1320, %get3A_1321] {strides = array<i32>} : memref<160x64xf32, #tpu.memory_space<vmem>>, vector<1x16xf32>,
        %get3A_1323 = vector.shape_cast %get3A_1322 : vector<1x16xf32> to vector<16xf32>
        %get3A_1324 = arith.index_cast %add3A_1319 : i32 to index
        %get3A_1325 = arith.constant 0 : index
        %get3A_1326 = tpu.vector_load %arg20[%get3A_1324, %get3A_1325] {strides = array<i32>} : memref<160x128xf32, #tpu.memory_space<vmem>>, vector<1x16xf32>,
        %get3A_1327 = vector.shape_cast %get3A_1326 : vector<1x16xf32> to vector<16xf32>
        %add3A_1328 = arith.addf %get3A_1323, %get3A_1327 : vector<16xf32>
        %get3A_1329 = arith.index_cast %add3A_1319 : i32 to index
        %get3A_1330 = arith.constant 0 : index
        %get3A_1331 = tpu.vector_load %arg19[%get3A_1329, %get3A_1330] {strides = array<i32>} : memref<160x64xf32, #tpu.memory_space<vmem>>, vector<1x16xf32>,
        %get3A_1332 = vector.shape_cast %get3A_1331 : vector<1x16xf32> to vector<16xf32>
        %get3A_1333 = arith.index_cast %add3A_1319 : i32 to index
        %get3A_1334 = arith.constant 64 : index
        %get3A_1335 = tpu.vector_load %arg20[%get3A_1333, %get3A_1334] {strides = array<i32>} : memref<160x128xf32, #tpu.memory_space<vmem>>, vector<1x16xf32>,
        %get3A_1336 = vector.shape_cast %get3A_1335 : vector<1x16xf32> to vector<16xf32>
        %add3A_1337 = arith.addf %get3A_1332, %get3A_1336 : vector<16xf32>
        %max3A_1338 = arith.maximumf %add3A_1328, %add3A_1337 : vector<16xf32>
        %swap3A_1339 = arith.index_cast %add3A_1319 : i32 to index
        %swap3A_1340 = arith.constant 0 : index
        %swap3A_1341 = tpu.vector_load %arg21[%swap3A_1339, %swap3A_1340] {strides = array<i32>} : memref<160x64xf32, #tpu.memory_space<vmem>>, vector<1x16xf32>,
        %swap3A_1342 = vector.shape_cast %swap3A_1341 : vector<1x16xf32> to vector<16xf32>
        %swap3A_1343 = vector.shape_cast %max3A_1338 : vector<16xf32> to vector<1x16xf32>
        tpu.vector_store %arg21[%swap3A_1339, %swap3A_1340], %swap3A_1343 {strides = array<i32>} : memref<160x64xf32, #tpu.memory_space<vmem>>, vector<1x16xf32>,
        %get3A_1344 = arith.index_cast %add3A_1319 : i32 to index
        %get3A_1345 = arith.constant 16 : index
        %get3A_1346 = tpu.vector_load %arg18[%get3A_1344, %get3A_1345] {strides = array<i32>} : memref<160x64xf32, #tpu.memory_space<vmem>>, vector<1x16xf32>,
        %get3A_1347 = vector.shape_cast %get3A_1346 : vector<1x16xf32> to vector<16xf32>
        %get3A_1348 = arith.index_cast %add3A_1319 : i32 to index
        %get3A_1349 = arith.constant 16 : index
        %get3A_1350 = tpu.vector_load %arg20[%get3A_1348, %get3A_1349] {strides = array<i32>} : memref<160x128xf32, #tpu.memory_space<vmem>>, vector<1x16xf32>,
        %get3A_1351 = vector.shape_cast %get3A_1350 : vector<1x16xf32> to vector<16xf32>
        %add3A_1352 = arith.addf %get3A_1347, %get3A_1351 : vector<16xf32>
        %get3A_1353 = arith.index_cast %add3A_1319 : i32 to index
        %get3A_1354 = arith.constant 16 : index
        %get3A_1355 = tpu.vector_load %arg19[%get3A_1353, %get3A_1354] {strides = array<i32>} : memref<160x64xf32, #tpu.memory_space<vmem>>, vector<1x16xf32>,
        %get3A_1356 = vector.shape_cast %get3A_1355 : vector<1x16xf32> to vector<16xf32>
        %get3A_1357 = arith.index_cast %add3A_1319 : i32 to index
        %get3A_1358 = arith.constant 80 : index
        %get3A_1359 = tpu.vector_load %arg20[%get3A_1357, %get3A_1358] {strides = array<i32>} : memref<160x128xf32, #tpu.memory_space<vmem>>, vector<1x16xf32>,
        %get3A_1360 = vector.shape_cast %get3A_1359 : vector<1x16xf32> to vector<16xf32>
        %add3A_1361 = arith.addf %get3A_1356, %get3A_1360 : vector<16xf32>
        %max3A_1362 = arith.maximumf %add3A_1352, %add3A_1361 : vector<16xf32>
        %swap3A_1363 = arith.index_cast %add3A_1319 : i32 to index
        %swap3A_1364 = arith.constant 16 : index
        %swap3A_1365 = tpu.vector_load %arg21[%swap3A_1363, %swap3A_1364] {strides = array<i32>} : memref<160x64xf32, #tpu.memory_space<vmem>>, vector<1x16xf32>,
        %swap3A_1366 = vector.shape_cast %swap3A_1365 : vector<1x16xf32> to vector<16xf32>
        %swap3A_1367 = vector.shape_cast %max3A_1362 : vector<16xf32> to vector<1x16xf32>
        tpu.vector_store %arg21[%swap3A_1363, %swap3A_1364], %swap3A_1367 {strides = array<i32>} : memref<160x64xf32, #tpu.memory_space<vmem>>, vector<1x16xf32>,
        %get3A_1368 = arith.index_cast %add3A_1319 : i32 to index
        %get3A_1369 = arith.constant 32 : index
        %get3A_1370 = tpu.vector_load %arg18[%get3A_1368, %get3A_1369] {strides = array<i32>} : memref<160x64xf32, #tpu.memory_space<vmem>>, vector<1x16xf32>,
        %get3A_1371 = vector.shape_cast %get3A_1370 : vector<1x16xf32> to vector<16xf32>
        %get3A_1372 = arith.index_cast %add3A_1319 : i32 to index
        %get3A_1373 = arith.constant 32 : index
        %get3A_1374 = tpu.vector_load %arg20[%get3A_1372, %get3A_1373] {strides = array<i32>} : memref<160x128xf32, #tpu.memory_space<vmem>>, vector<1x16xf32>,
        %get3A_1375 = vector.shape_cast %get3A_1374 : vector<1x16xf32> to vector<16xf32>
        %add3A_1376 = arith.addf %get3A_1371, %get3A_1375 : vector<16xf32>
        %get3A_1377 = arith.index_cast %add3A_1319 : i32 to index
        %get3A_1378 = arith.constant 32 : index
        %get3A_1379 = tpu.vector_load %arg19[%get3A_1377, %get3A_1378] {strides = array<i32>} : memref<160x64xf32, #tpu.memory_space<vmem>>, vector<1x16xf32>,
        %get3A_1380 = vector.shape_cast %get3A_1379 : vector<1x16xf32> to vector<16xf32>
        %get3A_1381 = arith.index_cast %add3A_1319 : i32 to index
        %get3A_1382 = arith.constant 96 : index
        %get3A_1383 = tpu.vector_load %arg20[%get3A_1381, %get3A_1382] {strides = array<i32>} : memref<160x128xf32, #tpu.memory_space<vmem>>, vector<1x16xf32>,
        %get3A_1384 = vector.shape_cast %get3A_1383 : vector<1x16xf32> to vector<16xf32>
        %add3A_1385 = arith.addf %get3A_1380, %get3A_1384 : vector<16xf32>
        %max3A_1386 = arith.maximumf %add3A_1376, %add3A_1385 : vector<16xf32>
        %swap3A_1387 = arith.index_cast %add3A_1319 : i32 to index
        %swap3A_1388 = arith.constant 32 : index
        %swap3A_1389 = tpu.vector_load %arg21[%swap3A_1387, %swap3A_1388] {strides = array<i32>} : memref<160x64xf32, #tpu.memory_space<vmem>>, vector<1x16xf32>,
        %swap3A_1390 = vector.shape_cast %swap3A_1389 : vector<1x16xf32> to vector<16xf32>
        %swap3A_1391 = vector.shape_cast %max3A_1386 : vector<16xf32> to vector<1x16xf32>
        tpu.vector_store %arg21[%swap3A_1387, %swap3A_1388], %swap3A_1391 {strides = array<i32>} : memref<160x64xf32, #tpu.memory_space<vmem>>, vector<1x16xf32>,
        %get3A_1392 = arith.index_cast %add3A_1319 : i32 to index
        %get3A_1393 = arith.constant 48 : index
        %get3A_1394 = tpu.vector_load %arg18[%get3A_1392, %get3A_1393] {strides = array<i32>} : memref<160x64xf32, #tpu.memory_space<vmem>>, vector<1x16xf32>,
        %get3A_1395 = vector.shape_cast %get3A_1394 : vector<1x16xf32> to vector<16xf32>
        %get3A_1396 = arith.index_cast %add3A_1319 : i32 to index
        %get3A_1397 = arith.constant 48 : index
        %get3A_1398 = tpu.vector_load %arg20[%get3A_1396, %get3A_1397] {strides = array<i32>} : memref<160x128xf32, #tpu.memory_space<vmem>>, vector<1x16xf32>,
        %get3A_1399 = vector.shape_cast %get3A_1398 : vector<1x16xf32> to vector<16xf32>
        %add3A_1400 = arith.addf %get3A_1395, %get3A_1399 : vector<16xf32>
        %get3A_1401 = arith.index_cast %add3A_1319 : i32 to index
        %get3A_1402 = arith.constant 48 : index
        %get3A_1403 = tpu.vector_load %arg19[%get3A_1401, %get3A_1402] {strides = array<i32>} : memref<160x64xf32, #tpu.memory_space<vmem>>, vector<1x16xf32>,
        %get3A_1404 = vector.shape_cast %get3A_1403 : vector<1x16xf32> to vector<16xf32>
        %get3A_1405 = arith.index_cast %add3A_1319 : i32 to index
        %get3A_1406 = arith.constant 112 : index
        %get3A_1407 = tpu.vector_load %arg20[%get3A_1405, %get3A_1406] {strides = array<i32>} : memref<160x128xf32, #tpu.memory_space<vmem>>, vector<1x16xf32>,
        %get3A_1408 = vector.shape_cast %get3A_1407 : vector<1x16xf32> to vector<16xf32>
        %add3A_1409 = arith.addf %get3A_1404, %get3A_1408 : vector<16xf32>
        %max3A_1410 = arith.maximumf %add3A_1400, %add3A_1409 : vector<16xf32>
        %swap3A_1411 = arith.index_cast %add3A_1319 : i32 to index
        %swap3A_1412 = arith.constant 48 : index
        %swap3A_1413 = tpu.vector_load %arg21[%swap3A_1411, %swap3A_1412] {strides = array<i32>} : memref<160x64xf32, #tpu.memory_space<vmem>>, vector<1x16xf32>,
        %swap3A_1414 = vector.shape_cast %swap3A_1413 : vector<1x16xf32> to vector<16xf32>
        %swap3A_1415 = vector.shape_cast %max3A_1410 : vector<16xf32> to vector<1x16xf32>
        tpu.vector_store %arg21[%swap3A_1411, %swap3A_1412], %swap3A_1415 {strides = array<i32>} : memref<160x64xf32, #tpu.memory_space<vmem>>, vector<1x16xf32>,
      }
      %scan3A_1201 = arith.constant 80 : i32
      %mul3A_1202 = arith.constant 160 : i32
      %mul3A_1203 = arith.muli %add3A_1134, %mul3A_1202 : i32
      %add3A_1204 = arith.addi %mul3A_2, %mul3A_1203 : i32
      %multiple_of3A_1205 = tpu.assume_multiple %add3A_1204, 160 : i32
      %dma_start3A_1206 = arith.constant 0 : i32
      %dma_start3A_1207 = tpu.memref_slice %arg7[%multiple_of3A_1205, %dma_start3A_1206] : memref<204800x64xf32, #tpu.memory_space<hbm>> -> memref<160x64xf32, #tpu.memory_space<hbm>>
      %dma_start3A_1208 = arith.constant 0 : i32
      %dma_start3A_1209 = tpu.memref_slice %arg7[%multiple_of3A_1205, %dma_start3A_1208] : memref<204800x64xf32, #tpu.memory_space<hbm>> -> memref<160x64xf32, #tpu.memory_space<hbm>>
      tpu.enqueue_dma source(%arg21 : memref<160x64xf32, #tpu.memory_space<vmem>>) target(%dma_start3A_1209 : memref<160x64xf32, #tpu.memory_space<hbm>>) target_semaphore(%arg25 : memref<!tpu.dma_semaphore, #tpu.memory_space<semaphore_mem>>)
      %lt3A_1210 = arith.constant 19 : i32
      %lt3A_1211 = arith.cmpi slt, %scan3A_1128, %lt3A_1210 : i32
      %convert_element_type3A_1212 = arith.extui %lt3A_1211 : i1 to i32
      %cond3A_1213 = arith.constant 0 : i32
      %cond3A_1214 = arith.cmpi ne, %convert_element_type3A_1212, %cond3A_1213 : i32
      scf.if %cond3A_1214 {
        %add3A_1215 = arith.constant 2 : i32
        %add3A_1216 = arith.addi %add3A_1134, %add3A_1215 : i32
        %mul3A_1217 = arith.constant 160 : i32
        %mul3A_1218 = arith.muli %add3A_1216, %mul3A_1217 : i32
        %add3A_1219 = arith.addi %mul3A_2, %mul3A_1218 : i32
        %multiple_of3A_1220 = tpu.assume_multiple %add3A_1219, 160 : i32
        "tpu.region"() ({
          %run_scoped3A = tpu.sem_alloc : memref<!tpu.dma_semaphore, #tpu.memory_space<semaphore_mem>>
          %dma_start3A_1779 = tpu.memref_slice %arg2[%multiple_of3A_1220] : memref<204800xi32, #tpu.memory_space<hbm>> -> memref<160xi32, #tpu.memory_space<hbm>>
          %dma_start3A_1780 = tpu.memref_slice %arg2[%multiple_of3A_1220] : memref<204800xi32, #tpu.memory_space<hbm>> -> memref<160xi32, #tpu.memory_space<hbm>>
          tpu.enqueue_dma source(%dma_start3A_1780 : memref<160xi32, #tpu.memory_space<hbm>>) target(%arg15 : memref<160xi32, #tpu.memory_space<vmem>>) target_semaphore(%run_scoped3A : memref<!tpu.dma_semaphore, #tpu.memory_space<semaphore_mem>>)
          %dma_wait3A_1781 = tpu.memref_slice %arg2[%multiple_of3A_1220] : memref<204800xi32, #tpu.memory_space<hbm>> -> memref<160xi32, #tpu.memory_space<hbm>>
          %dma_wait3A_1782 = tpu.memref_slice %arg2[%multiple_of3A_1220] : memref<204800xi32, #tpu.memory_space<hbm>> -> memref<160xi32, #tpu.memory_space<hbm>>
          tpu.wait_dma2 semaphore(%run_scoped3A : memref<!tpu.dma_semaphore, #tpu.memory_space<semaphore_mem>>) src(%dma_wait3A_1782 : memref<160xi32, #tpu.memory_space<hbm>>) dst(%arg15 : memref<160xi32, #tpu.memory_space<vmem>>)
          tpu.yield
        }) : () -> ()
        "tpu.region"() ({
          %run_scoped3A = tpu.sem_alloc : memref<!tpu.dma_semaphore, #tpu.memory_space<semaphore_mem>>
          %dma_start3A_1779 = tpu.memref_slice %arg3[%multiple_of3A_1220] : memref<204800xi32, #tpu.memory_space<hbm>> -> memref<160xi32, #tpu.memory_space<hbm>>
          %dma_start3A_1780 = tpu.memref_slice %arg3[%multiple_of3A_1220] : memref<204800xi32, #tpu.memory_space<hbm>> -> memref<160xi32, #tpu.memory_space<hbm>>
          tpu.enqueue_dma source(%dma_start3A_1780 : memref<160xi32, #tpu.memory_space<hbm>>) target(%arg17 : memref<160xi32, #tpu.memory_space<vmem>>) target_semaphore(%run_scoped3A : memref<!tpu.dma_semaphore, #tpu.memory_space<semaphore_mem>>)
          %dma_wait3A_1781 = tpu.memref_slice %arg3[%multiple_of3A_1220] : memref<204800xi32, #tpu.memory_space<hbm>> -> memref<160xi32, #tpu.memory_space<hbm>>
          %dma_wait3A_1782 = tpu.memref_slice %arg3[%multiple_of3A_1220] : memref<204800xi32, #tpu.memory_space<hbm>> -> memref<160xi32, #tpu.memory_space<hbm>>
          tpu.wait_dma2 semaphore(%run_scoped3A : memref<!tpu.dma_semaphore, #tpu.memory_space<semaphore_mem>>) src(%dma_wait3A_1782 : memref<160xi32, #tpu.memory_space<hbm>>) dst(%arg17 : memref<160xi32, #tpu.memory_space<vmem>>)
          tpu.yield
        }) : () -> ()
        %get3A_1221 = arith.constant 0 : index
        %get3A_1222 = tpu.vector_load %arg15[%get3A_1221] {strides = array<i32>} : memref<160xi32, #tpu.memory_space<vmem>>, vector<16xi32>,
        %get3A_1223 = vector.shape_cast %get3A_1222 : vector<16xi32> to vector<16xi32>
        %ge3A_1224 = arith.constant 499968 : i32
        %ge3A_1225 = vector.broadcast %ge3A_1224 : i32 to vector<16xi32>
        %ge3A_1226 = arith.cmpi sge, %get3A_1223, %ge3A_1225 : vector<16xi32>
        %jit3A_1227 = arith.constant 1 : i32
        %jit3A_1228 = arith.constant 0 : i32
        %broadcast_in_dim3A_1229 = vector.broadcast %jit3A_1227 : i32 to vector<16xi32>
        %broadcast_in_dim3A_1230 = vector.broadcast %jit3A_1228 : i32 to vector<16xi32>
        %select_n3A_1231 = arith.select %ge3A_1226, %broadcast_in_dim3A_1229, %broadcast_in_dim3A_1230 : vector<16xi1>, vector<16xi32>
        %min3A_1232 = arith.constant 499967 : i32
        %min3A_1233 = vector.broadcast %min3A_1232 : i32 to vector<16xi32>
        %min3A_1234 = arith.minsi %get3A_1223, %min3A_1233 : vector<16xi32>
        %swap3A_1235 = arith.constant 0 : index
        %swap3A_1236 = tpu.vector_load %arg15[%swap3A_1235] {strides = array<i32>} : memref<160xi32, #tpu.memory_space<vmem>>, vector<16xi32>,
        %swap3A_1237 = vector.shape_cast %swap3A_1236 : vector<16xi32> to vector<16xi32>
        %swap3A_1238 = vector.shape_cast %min3A_1234 : vector<16xi32> to vector<16xi32>
        tpu.vector_store %arg15[%swap3A_1235], %swap3A_1238 {strides = array<i32>} : memref<160xi32, #tpu.memory_space<vmem>>, vector<16xi32>,
        %sub3A_1239 = arith.constant 499968 : i32
        %sub3A_1240 = vector.broadcast %sub3A_1239 : i32 to vector<16xi32>
        %sub3A_1241 = arith.subi %get3A_1223, %sub3A_1240 : vector<16xi32>
        %max3A_1242 = arith.constant 0 : i32
        %max3A_1243 = vector.broadcast %max3A_1242 : i32 to vector<16xi32>
        %max3A_1244 = arith.maxsi %sub3A_1241, %max3A_1243 : vector<16xi32>
        %swap3A_1245 = arith.constant 0 : index
        %swap3A_1246 = tpu.vector_load %arg16[%swap3A_1245] {strides = array<i32>} : memref<160xi32, #tpu.memory_space<vmem>>, vector<16xi32>,
        %swap3A_1247 = vector.shape_cast %swap3A_1246 : vector<16xi32> to vector<16xi32>
        %swap3A_1248 = vector.shape_cast %max3A_1244 : vector<16xi32> to vector<16xi32>
        tpu.vector_store %arg16[%swap3A_1245], %swap3A_1248 {strides = array<i32>} : memref<160xi32, #tpu.memory_space<vmem>>, vector<16xi32>,
        %add3A_1249 = arith.constant 0 : i32
        %add3A_1250 = arith.addi %multiple_of3A_1220, %add3A_1249 : i32
        %iota3A_1251 = tpu.iota {dimensions = array<i32: 0>} : vector<16xi32>
        %add3A_1252 = vector.broadcast %add3A_1250 : i32 to vector<16xi32>
        %add3A_1253 = arith.addi %add3A_1252, %iota3A_1251 : vector<16xi32>
        %rem3A_1254 = arith.constant 200 : i32
        %rem3A_1255 = vector.broadcast %rem3A_1254 : i32 to vector<16xi32>
        %rem3A_1256 = arith.remsi %add3A_1253, %rem3A_1255 : vector<16xi32>
        %mul3A_1257 = arith.constant 3 : i32
        %mul3A_1258 = vector.broadcast %mul3A_1257 : i32 to vector<16xi32>
        %mul3A_1259 = arith.muli %rem3A_1256, %mul3A_1258 : vector<16xi32>
        %get3A_1260 = arith.constant 0 : index
        %get3A_1261 = tpu.vector_load %arg17[%get3A_1260] {strides = array<i32>} : memref<160xi32, #tpu.memory_space<vmem>>, vector<16xi32>,
        %get3A_1262 = vector.shape_cast %get3A_1261 : vector<16xi32> to vector<16xi32>
        %add3A_1263 = arith.addi %mul3A_1259, %get3A_1262 : vector<16xi32>
        %mul3A_1264 = arith.constant 2 : i32
        %mul3A_1265 = vector.broadcast %mul3A_1264 : i32 to vector<16xi32>
        %mul3A_1266 = arith.muli %add3A_1263, %mul3A_1265 : vector<16xi32>
        %add3A_1267 = arith.addi %mul3A_1266, %select_n3A_1231 : vector<16xi32>
        %swap3A_1268 = arith.constant 0 : index
        %swap3A_1269 = tpu.vector_load %arg17[%swap3A_1268] {strides = array<i32>} : memref<160xi32, #tpu.memory_space<vmem>>, vector<16xi32>,
        %swap3A_1270 = vector.shape_cast %swap3A_1269 : vector<16xi32> to vector<16xi32>
        %swap3A_1271 = vector.shape_cast %add3A_1267 : vector<16xi32> to vector<16xi32>
        tpu.vector_store %arg17[%swap3A_1268], %swap3A_1271 {strides = array<i32>} : memref<160xi32, #tpu.memory_space<vmem>>, vector<16xi32>,
        %get3A_1272 = arith.constant 16 : index
        %get3A_1273 = tpu.vector_load %arg15[%get3A_1272] {strides = array<i32>} : memref<160xi32, #tpu.memory_space<vmem>>, vector<16xi32>,
        %get3A_1274 = vector.shape_cast %get3A_1273 : vector<16xi32> to vector<16xi32>
        %ge3A_1275 = arith.constant 499968 : i32
        %ge3A_1276 = vector.broadcast %ge3A_1275 : i32 to vector<16xi32>
        %ge3A_1277 = arith.cmpi sge, %get3A_1274, %ge3A_1276 : vector<16xi32>
        %jit3A_1278 = arith.constant 1 : i32
        %jit3A_1279 = arith.constant 0 : i32
        %broadcast_in_dim3A_1280 = vector.broadcast %jit3A_1278 : i32 to vector<16xi32>
        %broadcast_in_dim3A_1281 = vector.broadcast %jit3A_1279 : i32 to vector<16xi32>
        %select_n3A_1282 = arith.select %ge3A_1277, %broadcast_in_dim3A_1280, %broadcast_in_dim3A_1281 : vector<16xi1>, vector<16xi32>
        %min3A_1283 = arith.constant 499967 : i32
        %min3A_1284 = vector.broadcast %min3A_1283 : i32 to vector<16xi32>
        %min3A_1285 = arith.minsi %get3A_1274, %min3A_1284 : vector<16xi32>
        %swap3A_1286 = arith.constant 16 : index
        %swap3A_1287 = tpu.vector_load %arg15[%swap3A_1286] {strides = array<i32>} : memref<160xi32, #tpu.memory_space<vmem>>, vector<16xi32>,
        %swap3A_1288 = vector.shape_cast %swap3A_1287 : vector<16xi32> to vector<16xi32>
        %swap3A_1289 = vector.shape_cast %min3A_1285 : vector<16xi32> to vector<16xi32>
        tpu.vector_store %arg15[%swap3A_1286], %swap3A_1289 {strides = array<i32>} : memref<160xi32, #tpu.memory_space<vmem>>, vector<16xi32>,
        %sub3A_1290 = arith.constant 499968 : i32
        %sub3A_1291 = vector.broadcast %sub3A_1290 : i32 to vector<16xi32>
        %sub3A_1292 = arith.subi %get3A_1274, %sub3A_1291 : vector<16xi32>
        %max3A_1293 = arith.constant 0 : i32
        %max3A_1294 = vector.broadcast %max3A_1293 : i32 to vector<16xi32>
        %max3A_1295 = arith.maxsi %sub3A_1292, %max3A_1294 : vector<16xi32>
        %swap3A_1296 = arith.constant 16 : index
        %swap3A_1297 = tpu.vector_load %arg16[%swap3A_1296] {strides = array<i32>} : memref<160xi32, #tpu.memory_space<vmem>>, vector<16xi32>,
        %swap3A_1298 = vector.shape_cast %swap3A_1297 : vector<16xi32> to vector<16xi32>
        %swap3A_1299 = vector.shape_cast %max3A_1295 : vector<16xi32> to vector<16xi32>
        tpu.vector_store %arg16[%swap3A_1296], %swap3A_1299 {strides = array<i32>} : memref<160xi32, #tpu.memory_space<vmem>>, vector<16xi32>,
        %add3A_1300 = arith.constant 16 : i32
        %add3A_1301 = arith.addi %multiple_of3A_1220, %add3A_1300 : i32
        %iota3A_1302 = tpu.iota {dimensions = array<i32: 0>} : vector<16xi32>
        %add3A_1303 = vector.broadcast %add3A_1301 : i32 to vector<16xi32>
        %add3A_1304 = arith.addi %add3A_1303, %iota3A_1302 : vector<16xi32>
        %rem3A_1305 = arith.constant 200 : i32
        %rem3A_1306 = vector.broadcast %rem3A_1305 : i32 to vector<16xi32>
        %rem3A_1307 = arith.remsi %add3A_1304, %rem3A_1306 : vector<16xi32>
        %mul3A_1308 = arith.constant 3 : i32
        %mul3A_1309 = vector.broadcast %mul3A_1308 : i32 to vector<16xi32>
        %mul3A_1310 = arith.muli %rem3A_1307, %mul3A_1309 : vector<16xi32>
        %get3A_1311 = arith.constant 16 : index
        %get3A_1312 = tpu.vector_load %arg17[%get3A_1311] {strides = array<i32>} : memref<160xi32, #tpu.memory_space<vmem>>, vector<16xi32>,
        %get3A_1313 = vector.shape_cast %get3A_1312 : vector<16xi32> to vector<16xi32>
        %add3A_1314 = arith.addi %mul3A_1310, %get3A_1313 : vector<16xi32>
        %mul3A_1315 = arith.constant 2 : i32
        %mul3A_1316 = vector.broadcast %mul3A_1315 : i32 to vector<16xi32>
        %mul3A_1317 = arith.muli %add3A_1314, %mul3A_1316 : vector<16xi32>
        %add3A_1318 = arith.addi %mul3A_1317, %select_n3A_1282 : vector<16xi32>
        %swap3A_1319 = arith.constant 16 : index
        %swap3A_1320 = tpu.vector_load %arg17[%swap3A_1319] {strides = array<i32>} : memref<160xi32, #tpu.memory_space<vmem>>, vector<16xi32>,
        %swap3A_1321 = vector.shape_cast %swap3A_1320 : vector<16xi32> to vector<16xi32>
        %swap3A_1322 = vector.shape_cast %add3A_1318 : vector<16xi32> to vector<16xi32>
        tpu.vector_store %arg17[%swap3A_1319], %swap3A_1322 {strides = array<i32>} : memref<160xi32, #tpu.memory_space<vmem>>, vector<16xi32>,
        %get3A_1323 = arith.constant 32 : index
        %get3A_1324 = tpu.vector_load %arg15[%get3A_1323] {strides = array<i32>} : memref<160xi32, #tpu.memory_space<vmem>>, vector<16xi32>,
        %get3A_1325 = vector.shape_cast %get3A_1324 : vector<16xi32> to vector<16xi32>
        %ge3A_1326 = arith.constant 499968 : i32
        %ge3A_1327 = vector.broadcast %ge3A_1326 : i32 to vector<16xi32>
        %ge3A_1328 = arith.cmpi sge, %get3A_1325, %ge3A_1327 : vector<16xi32>
        %jit3A_1329 = arith.constant 1 : i32
        %jit3A_1330 = arith.constant 0 : i32
        %broadcast_in_dim3A_1331 = vector.broadcast %jit3A_1329 : i32 to vector<16xi32>
        %broadcast_in_dim3A_1332 = vector.broadcast %jit3A_1330 : i32 to vector<16xi32>
        %select_n3A_1333 = arith.select %ge3A_1328, %broadcast_in_dim3A_1331, %broadcast_in_dim3A_1332 : vector<16xi1>, vector<16xi32>
        %min3A_1334 = arith.constant 499967 : i32
        %min3A_1335 = vector.broadcast %min3A_1334 : i32 to vector<16xi32>
        %min3A_1336 = arith.minsi %get3A_1325, %min3A_1335 : vector<16xi32>
        %swap3A_1337 = arith.constant 32 : index
        %swap3A_1338 = tpu.vector_load %arg15[%swap3A_1337] {strides = array<i32>} : memref<160xi32, #tpu.memory_space<vmem>>, vector<16xi32>,
        %swap3A_1339 = vector.shape_cast %swap3A_1338 : vector<16xi32> to vector<16xi32>
        %swap3A_1340 = vector.shape_cast %min3A_1336 : vector<16xi32> to vector<16xi32>
        tpu.vector_store %arg15[%swap3A_1337], %swap3A_1340 {strides = array<i32>} : memref<160xi32, #tpu.memory_space<vmem>>, vector<16xi32>,
        %sub3A_1341 = arith.constant 499968 : i32
        %sub3A_1342 = vector.broadcast %sub3A_1341 : i32 to vector<16xi32>
        %sub3A_1343 = arith.subi %get3A_1325, %sub3A_1342 : vector<16xi32>
        %max3A_1344 = arith.constant 0 : i32
        %max3A_1345 = vector.broadcast %max3A_1344 : i32 to vector<16xi32>
        %max3A_1346 = arith.maxsi %sub3A_1343, %max3A_1345 : vector<16xi32>
        %swap3A_1347 = arith.constant 32 : index
        %swap3A_1348 = tpu.vector_load %arg16[%swap3A_1347] {strides = array<i32>} : memref<160xi32, #tpu.memory_space<vmem>>, vector<16xi32>,
        %swap3A_1349 = vector.shape_cast %swap3A_1348 : vector<16xi32> to vector<16xi32>
        %swap3A_1350 = vector.shape_cast %max3A_1346 : vector<16xi32> to vector<16xi32>
        tpu.vector_store %arg16[%swap3A_1347], %swap3A_1350 {strides = array<i32>} : memref<160xi32, #tpu.memory_space<vmem>>, vector<16xi32>,
        %add3A_1351 = arith.constant 32 : i32
        %add3A_1352 = arith.addi %multiple_of3A_1220, %add3A_1351 : i32
        %iota3A_1353 = tpu.iota {dimensions = array<i32: 0>} : vector<16xi32>
        %add3A_1354 = vector.broadcast %add3A_1352 : i32 to vector<16xi32>
        %add3A_1355 = arith.addi %add3A_1354, %iota3A_1353 : vector<16xi32>
        %rem3A_1356 = arith.constant 200 : i32
        %rem3A_1357 = vector.broadcast %rem3A_1356 : i32 to vector<16xi32>
        %rem3A_1358 = arith.remsi %add3A_1355, %rem3A_1357 : vector<16xi32>
        %mul3A_1359 = arith.constant 3 : i32
        %mul3A_1360 = vector.broadcast %mul3A_1359 : i32 to vector<16xi32>
        %mul3A_1361 = arith.muli %rem3A_1358, %mul3A_1360 : vector<16xi32>
        %get3A_1362 = arith.constant 32 : index
        %get3A_1363 = tpu.vector_load %arg17[%get3A_1362] {strides = array<i32>} : memref<160xi32, #tpu.memory_space<vmem>>, vector<16xi32>,
        %get3A_1364 = vector.shape_cast %get3A_1363 : vector<16xi32> to vector<16xi32>
        %add3A_1365 = arith.addi %mul3A_1361, %get3A_1364 : vector<16xi32>
        %mul3A_1366 = arith.constant 2 : i32
        %mul3A_1367 = vector.broadcast %mul3A_1366 : i32 to vector<16xi32>
        %mul3A_1368 = arith.muli %add3A_1365, %mul3A_1367 : vector<16xi32>
        %add3A_1369 = arith.addi %mul3A_1368, %select_n3A_1333 : vector<16xi32>
        %swap3A_1370 = arith.constant 32 : index
        %swap3A_1371 = tpu.vector_load %arg17[%swap3A_1370] {strides = array<i32>} : memref<160xi32, #tpu.memory_space<vmem>>, vector<16xi32>,
        %swap3A_1372 = vector.shape_cast %swap3A_1371 : vector<16xi32> to vector<16xi32>
        %swap3A_1373 = vector.shape_cast %add3A_1369 : vector<16xi32> to vector<16xi32>
        tpu.vector_store %arg17[%swap3A_1370], %swap3A_1373 {strides = array<i32>} : memref<160xi32, #tpu.memory_space<vmem>>, vector<16xi32>,
        %get3A_1374 = arith.constant 48 : index
        %get3A_1375 = tpu.vector_load %arg15[%get3A_1374] {strides = array<i32>} : memref<160xi32, #tpu.memory_space<vmem>>, vector<16xi32>,
        %get3A_1376 = vector.shape_cast %get3A_1375 : vector<16xi32> to vector<16xi32>
        %ge3A_1377 = arith.constant 499968 : i32
        %ge3A_1378 = vector.broadcast %ge3A_1377 : i32 to vector<16xi32>
        %ge3A_1379 = arith.cmpi sge, %get3A_1376, %ge3A_1378 : vector<16xi32>
        %jit3A_1380 = arith.constant 1 : i32
        %jit3A_1381 = arith.constant 0 : i32
        %broadcast_in_dim3A_1382 = vector.broadcast %jit3A_1380 : i32 to vector<16xi32>
        %broadcast_in_dim3A_1383 = vector.broadcast %jit3A_1381 : i32 to vector<16xi32>
        %select_n3A_1384 = arith.select %ge3A_1379, %broadcast_in_dim3A_1382, %broadcast_in_dim3A_1383 : vector<16xi1>, vector<16xi32>
        %min3A_1385 = arith.constant 499967 : i32
        %min3A_1386 = vector.broadcast %min3A_1385 : i32 to vector<16xi32>
        %min3A_1387 = arith.minsi %get3A_1376, %min3A_1386 : vector<16xi32>
        %swap3A_1388 = arith.constant 48 : index
        %swap3A_1389 = tpu.vector_load %arg15[%swap3A_1388] {strides = array<i32>} : memref<160xi32, #tpu.memory_space<vmem>>, vector<16xi32>,
        %swap3A_1390 = vector.shape_cast %swap3A_1389 : vector<16xi32> to vector<16xi32>
        %swap3A_1391 = vector.shape_cast %min3A_1387 : vector<16xi32> to vector<16xi32>
        tpu.vector_store %arg15[%swap3A_1388], %swap3A_1391 {strides = array<i32>} : memref<160xi32, #tpu.memory_space<vmem>>, vector<16xi32>,
        %sub3A_1392 = arith.constant 499968 : i32
        %sub3A_1393 = vector.broadcast %sub3A_1392 : i32 to vector<16xi32>
        %sub3A_1394 = arith.subi %get3A_1376, %sub3A_1393 : vector<16xi32>
        %max3A_1395 = arith.constant 0 : i32
        %max3A_1396 = vector.broadcast %max3A_1395 : i32 to vector<16xi32>
        %max3A_1397 = arith.maxsi %sub3A_1394, %max3A_1396 : vector<16xi32>
        %swap3A_1398 = arith.constant 48 : index
        %swap3A_1399 = tpu.vector_load %arg16[%swap3A_1398] {strides = array<i32>} : memref<160xi32, #tpu.memory_space<vmem>>, vector<16xi32>,
        %swap3A_1400 = vector.shape_cast %swap3A_1399 : vector<16xi32> to vector<16xi32>
        %swap3A_1401 = vector.shape_cast %max3A_1397 : vector<16xi32> to vector<16xi32>
        tpu.vector_store %arg16[%swap3A_1398], %swap3A_1401 {strides = array<i32>} : memref<160xi32, #tpu.memory_space<vmem>>, vector<16xi32>,
        %add3A_1402 = arith.constant 48 : i32
        %add3A_1403 = arith.addi %multiple_of3A_1220, %add3A_1402 : i32
        %iota3A_1404 = tpu.iota {dimensions = array<i32: 0>} : vector<16xi32>
        %add3A_1405 = vector.broadcast %add3A_1403 : i32 to vector<16xi32>
        %add3A_1406 = arith.addi %add3A_1405, %iota3A_1404 : vector<16xi32>
        %rem3A_1407 = arith.constant 200 : i32
        %rem3A_1408 = vector.broadcast %rem3A_1407 : i32 to vector<16xi32>
        %rem3A_1409 = arith.remsi %add3A_1406, %rem3A_1408 : vector<16xi32>
        %mul3A_1410 = arith.constant 3 : i32
        %mul3A_1411 = vector.broadcast %mul3A_1410 : i32 to vector<16xi32>
        %mul3A_1412 = arith.muli %rem3A_1409, %mul3A_1411 : vector<16xi32>
        %get3A_1413 = arith.constant 48 : index
        %get3A_1414 = tpu.vector_load %arg17[%get3A_1413] {strides = array<i32>} : memref<160xi32, #tpu.memory_space<vmem>>, vector<16xi32>,
        %get3A_1415 = vector.shape_cast %get3A_1414 : vector<16xi32> to vector<16xi32>
        %add3A_1416 = arith.addi %mul3A_1412, %get3A_1415 : vector<16xi32>
        %mul3A_1417 = arith.constant 2 : i32
        %mul3A_1418 = vector.broadcast %mul3A_1417 : i32 to vector<16xi32>
        %mul3A_1419 = arith.muli %add3A_1416, %mul3A_1418 : vector<16xi32>
        %add3A_1420 = arith.addi %mul3A_1419, %select_n3A_1384 : vector<16xi32>
        %swap3A_1421 = arith.constant 48 : index
        %swap3A_1422 = tpu.vector_load %arg17[%swap3A_1421] {strides = array<i32>} : memref<160xi32, #tpu.memory_space<vmem>>, vector<16xi32>,
        %swap3A_1423 = vector.shape_cast %swap3A_1422 : vector<16xi32> to vector<16xi32>
        %swap3A_1424 = vector.shape_cast %add3A_1420 : vector<16xi32> to vector<16xi32>
        tpu.vector_store %arg17[%swap3A_1421], %swap3A_1424 {strides = array<i32>} : memref<160xi32, #tpu.memory_space<vmem>>, vector<16xi32>,
        %get3A_1425 = arith.constant 64 : index
        %get3A_1426 = tpu.vector_load %arg15[%get3A_1425] {strides = array<i32>} : memref<160xi32, #tpu.memory_space<vmem>>, vector<16xi32>,
        %get3A_1427 = vector.shape_cast %get3A_1426 : vector<16xi32> to vector<16xi32>
        %ge3A_1428 = arith.constant 499968 : i32
        %ge3A_1429 = vector.broadcast %ge3A_1428 : i32 to vector<16xi32>
        %ge3A_1430 = arith.cmpi sge, %get3A_1427, %ge3A_1429 : vector<16xi32>
        %jit3A_1431 = arith.constant 1 : i32
        %jit3A_1432 = arith.constant 0 : i32
        %broadcast_in_dim3A_1433 = vector.broadcast %jit3A_1431 : i32 to vector<16xi32>
        %broadcast_in_dim3A_1434 = vector.broadcast %jit3A_1432 : i32 to vector<16xi32>
        %select_n3A_1435 = arith.select %ge3A_1430, %broadcast_in_dim3A_1433, %broadcast_in_dim3A_1434 : vector<16xi1>, vector<16xi32>
        %min3A_1436 = arith.constant 499967 : i32
        %min3A_1437 = vector.broadcast %min3A_1436 : i32 to vector<16xi32>
        %min3A_1438 = arith.minsi %get3A_1427, %min3A_1437 : vector<16xi32>
        %swap3A_1439 = arith.constant 64 : index
        %swap3A_1440 = tpu.vector_load %arg15[%swap3A_1439] {strides = array<i32>} : memref<160xi32, #tpu.memory_space<vmem>>, vector<16xi32>,
        %swap3A_1441 = vector.shape_cast %swap3A_1440 : vector<16xi32> to vector<16xi32>
        %swap3A_1442 = vector.shape_cast %min3A_1438 : vector<16xi32> to vector<16xi32>
        tpu.vector_store %arg15[%swap3A_1439], %swap3A_1442 {strides = array<i32>} : memref<160xi32, #tpu.memory_space<vmem>>, vector<16xi32>,
        %sub3A_1443 = arith.constant 499968 : i32
        %sub3A_1444 = vector.broadcast %sub3A_1443 : i32 to vector<16xi32>
        %sub3A_1445 = arith.subi %get3A_1427, %sub3A_1444 : vector<16xi32>
        %max3A_1446 = arith.constant 0 : i32
        %max3A_1447 = vector.broadcast %max3A_1446 : i32 to vector<16xi32>
        %max3A_1448 = arith.maxsi %sub3A_1445, %max3A_1447 : vector<16xi32>
        %swap3A_1449 = arith.constant 64 : index
        %swap3A_1450 = tpu.vector_load %arg16[%swap3A_1449] {strides = array<i32>} : memref<160xi32, #tpu.memory_space<vmem>>, vector<16xi32>,
        %swap3A_1451 = vector.shape_cast %swap3A_1450 : vector<16xi32> to vector<16xi32>
        %swap3A_1452 = vector.shape_cast %max3A_1448 : vector<16xi32> to vector<16xi32>
        tpu.vector_store %arg16[%swap3A_1449], %swap3A_1452 {strides = array<i32>} : memref<160xi32, #tpu.memory_space<vmem>>, vector<16xi32>,
        %add3A_1453 = arith.constant 64 : i32
        %add3A_1454 = arith.addi %multiple_of3A_1220, %add3A_1453 : i32
        %iota3A_1455 = tpu.iota {dimensions = array<i32: 0>} : vector<16xi32>
        %add3A_1456 = vector.broadcast %add3A_1454 : i32 to vector<16xi32>
        %add3A_1457 = arith.addi %add3A_1456, %iota3A_1455 : vector<16xi32>
        %rem3A_1458 = arith.constant 200 : i32
        %rem3A_1459 = vector.broadcast %rem3A_1458 : i32 to vector<16xi32>
        %rem3A_1460 = arith.remsi %add3A_1457, %rem3A_1459 : vector<16xi32>
        %mul3A_1461 = arith.constant 3 : i32
        %mul3A_1462 = vector.broadcast %mul3A_1461 : i32 to vector<16xi32>
        %mul3A_1463 = arith.muli %rem3A_1460, %mul3A_1462 : vector<16xi32>
        %get3A_1464 = arith.constant 64 : index
        %get3A_1465 = tpu.vector_load %arg17[%get3A_1464] {strides = array<i32>} : memref<160xi32, #tpu.memory_space<vmem>>, vector<16xi32>,
        %get3A_1466 = vector.shape_cast %get3A_1465 : vector<16xi32> to vector<16xi32>
        %add3A_1467 = arith.addi %mul3A_1463, %get3A_1466 : vector<16xi32>
        %mul3A_1468 = arith.constant 2 : i32
        %mul3A_1469 = vector.broadcast %mul3A_1468 : i32 to vector<16xi32>
        %mul3A_1470 = arith.muli %add3A_1467, %mul3A_1469 : vector<16xi32>
        %add3A_1471 = arith.addi %mul3A_1470, %select_n3A_1435 : vector<16xi32>
        %swap3A_1472 = arith.constant 64 : index
        %swap3A_1473 = tpu.vector_load %arg17[%swap3A_1472] {strides = array<i32>} : memref<160xi32, #tpu.memory_space<vmem>>, vector<16xi32>,
        %swap3A_1474 = vector.shape_cast %swap3A_1473 : vector<16xi32> to vector<16xi32>
        %swap3A_1475 = vector.shape_cast %add3A_1471 : vector<16xi32> to vector<16xi32>
        tpu.vector_store %arg17[%swap3A_1472], %swap3A_1475 {strides = array<i32>} : memref<160xi32, #tpu.memory_space<vmem>>, vector<16xi32>,
        %get3A_1476 = arith.constant 80 : index
        %get3A_1477 = tpu.vector_load %arg15[%get3A_1476] {strides = array<i32>} : memref<160xi32, #tpu.memory_space<vmem>>, vector<16xi32>,
        %get3A_1478 = vector.shape_cast %get3A_1477 : vector<16xi32> to vector<16xi32>
        %ge3A_1479 = arith.constant 499968 : i32
        %ge3A_1480 = vector.broadcast %ge3A_1479 : i32 to vector<16xi32>
        %ge3A_1481 = arith.cmpi sge, %get3A_1478, %ge3A_1480 : vector<16xi32>
        %jit3A_1482 = arith.constant 1 : i32
        %jit3A_1483 = arith.constant 0 : i32
        %broadcast_in_dim3A_1484 = vector.broadcast %jit3A_1482 : i32 to vector<16xi32>
        %broadcast_in_dim3A_1485 = vector.broadcast %jit3A_1483 : i32 to vector<16xi32>
        %select_n3A_1486 = arith.select %ge3A_1481, %broadcast_in_dim3A_1484, %broadcast_in_dim3A_1485 : vector<16xi1>, vector<16xi32>
        %min3A_1487 = arith.constant 499967 : i32
        %min3A_1488 = vector.broadcast %min3A_1487 : i32 to vector<16xi32>
        %min3A_1489 = arith.minsi %get3A_1478, %min3A_1488 : vector<16xi32>
        %swap3A_1490 = arith.constant 80 : index
        %swap3A_1491 = tpu.vector_load %arg15[%swap3A_1490] {strides = array<i32>} : memref<160xi32, #tpu.memory_space<vmem>>, vector<16xi32>,
        %swap3A_1492 = vector.shape_cast %swap3A_1491 : vector<16xi32> to vector<16xi32>
        %swap3A_1493 = vector.shape_cast %min3A_1489 : vector<16xi32> to vector<16xi32>
        tpu.vector_store %arg15[%swap3A_1490], %swap3A_1493 {strides = array<i32>} : memref<160xi32, #tpu.memory_space<vmem>>, vector<16xi32>,
        %sub3A_1494 = arith.constant 499968 : i32
        %sub3A_1495 = vector.broadcast %sub3A_1494 : i32 to vector<16xi32>
        %sub3A_1496 = arith.subi %get3A_1478, %sub3A_1495 : vector<16xi32>
        %max3A_1497 = arith.constant 0 : i32
        %max3A_1498 = vector.broadcast %max3A_1497 : i32 to vector<16xi32>
        %max3A_1499 = arith.maxsi %sub3A_1496, %max3A_1498 : vector<16xi32>
        %swap3A_1500 = arith.constant 80 : index
        %swap3A_1501 = tpu.vector_load %arg16[%swap3A_1500] {strides = array<i32>} : memref<160xi32, #tpu.memory_space<vmem>>, vector<16xi32>,
        %swap3A_1502 = vector.shape_cast %swap3A_1501 : vector<16xi32> to vector<16xi32>
        %swap3A_1503 = vector.shape_cast %max3A_1499 : vector<16xi32> to vector<16xi32>
        tpu.vector_store %arg16[%swap3A_1500], %swap3A_1503 {strides = array<i32>} : memref<160xi32, #tpu.memory_space<vmem>>, vector<16xi32>,
        %add3A_1504 = arith.constant 80 : i32
        %add3A_1505 = arith.addi %multiple_of3A_1220, %add3A_1504 : i32
        %iota3A_1506 = tpu.iota {dimensions = array<i32: 0>} : vector<16xi32>
        %add3A_1507 = vector.broadcast %add3A_1505 : i32 to vector<16xi32>
        %add3A_1508 = arith.addi %add3A_1507, %iota3A_1506 : vector<16xi32>
        %rem3A_1509 = arith.constant 200 : i32
        %rem3A_1510 = vector.broadcast %rem3A_1509 : i32 to vector<16xi32>
        %rem3A_1511 = arith.remsi %add3A_1508, %rem3A_1510 : vector<16xi32>
        %mul3A_1512 = arith.constant 3 : i32
        %mul3A_1513 = vector.broadcast %mul3A_1512 : i32 to vector<16xi32>
        %mul3A_1514 = arith.muli %rem3A_1511, %mul3A_1513 : vector<16xi32>
        %get3A_1515 = arith.constant 80 : index
        %get3A_1516 = tpu.vector_load %arg17[%get3A_1515] {strides = array<i32>} : memref<160xi32, #tpu.memory_space<vmem>>, vector<16xi32>,
        %get3A_1517 = vector.shape_cast %get3A_1516 : vector<16xi32> to vector<16xi32>
        %add3A_1518 = arith.addi %mul3A_1514, %get3A_1517 : vector<16xi32>
        %mul3A_1519 = arith.constant 2 : i32
        %mul3A_1520 = vector.broadcast %mul3A_1519 : i32 to vector<16xi32>
        %mul3A_1521 = arith.muli %add3A_1518, %mul3A_1520 : vector<16xi32>
        %add3A_1522 = arith.addi %mul3A_1521, %select_n3A_1486 : vector<16xi32>
        %swap3A_1523 = arith.constant 80 : index
        %swap3A_1524 = tpu.vector_load %arg17[%swap3A_1523] {strides = array<i32>} : memref<160xi32, #tpu.memory_space<vmem>>, vector<16xi32>,
        %swap3A_1525 = vector.shape_cast %swap3A_1524 : vector<16xi32> to vector<16xi32>
        %swap3A_1526 = vector.shape_cast %add3A_1522 : vector<16xi32> to vector<16xi32>
        tpu.vector_store %arg17[%swap3A_1523], %swap3A_1526 {strides = array<i32>} : memref<160xi32, #tpu.memory_space<vmem>>, vector<16xi32>,
        %get3A_1527 = arith.constant 96 : index
        %get3A_1528 = tpu.vector_load %arg15[%get3A_1527] {strides = array<i32>} : memref<160xi32, #tpu.memory_space<vmem>>, vector<16xi32>,
        %get3A_1529 = vector.shape_cast %get3A_1528 : vector<16xi32> to vector<16xi32>
        %ge3A_1530 = arith.constant 499968 : i32
        %ge3A_1531 = vector.broadcast %ge3A_1530 : i32 to vector<16xi32>
        %ge3A_1532 = arith.cmpi sge, %get3A_1529, %ge3A_1531 : vector<16xi32>
        %jit3A_1533 = arith.constant 1 : i32
        %jit3A_1534 = arith.constant 0 : i32
        %broadcast_in_dim3A_1535 = vector.broadcast %jit3A_1533 : i32 to vector<16xi32>
        %broadcast_in_dim3A_1536 = vector.broadcast %jit3A_1534 : i32 to vector<16xi32>
        %select_n3A_1537 = arith.select %ge3A_1532, %broadcast_in_dim3A_1535, %broadcast_in_dim3A_1536 : vector<16xi1>, vector<16xi32>
        %min3A_1538 = arith.constant 499967 : i32
        %min3A_1539 = vector.broadcast %min3A_1538 : i32 to vector<16xi32>
        %min3A_1540 = arith.minsi %get3A_1529, %min3A_1539 : vector<16xi32>
        %swap3A_1541 = arith.constant 96 : index
        %swap3A_1542 = tpu.vector_load %arg15[%swap3A_1541] {strides = array<i32>} : memref<160xi32, #tpu.memory_space<vmem>>, vector<16xi32>,
        %swap3A_1543 = vector.shape_cast %swap3A_1542 : vector<16xi32> to vector<16xi32>
        %swap3A_1544 = vector.shape_cast %min3A_1540 : vector<16xi32> to vector<16xi32>
        tpu.vector_store %arg15[%swap3A_1541], %swap3A_1544 {strides = array<i32>} : memref<160xi32, #tpu.memory_space<vmem>>, vector<16xi32>,
        %sub3A_1545 = arith.constant 499968 : i32
        %sub3A_1546 = vector.broadcast %sub3A_1545 : i32 to vector<16xi32>
        %sub3A_1547 = arith.subi %get3A_1529, %sub3A_1546 : vector<16xi32>
        %max3A_1548 = arith.constant 0 : i32
        %max3A_1549 = vector.broadcast %max3A_1548 : i32 to vector<16xi32>
        %max3A_1550 = arith.maxsi %sub3A_1547, %max3A_1549 : vector<16xi32>
        %swap3A_1551 = arith.constant 96 : index
        %swap3A_1552 = tpu.vector_load %arg16[%swap3A_1551] {strides = array<i32>} : memref<160xi32, #tpu.memory_space<vmem>>, vector<16xi32>,
        %swap3A_1553 = vector.shape_cast %swap3A_1552 : vector<16xi32> to vector<16xi32>
        %swap3A_1554 = vector.shape_cast %max3A_1550 : vector<16xi32> to vector<16xi32>
        tpu.vector_store %arg16[%swap3A_1551], %swap3A_1554 {strides = array<i32>} : memref<160xi32, #tpu.memory_space<vmem>>, vector<16xi32>,
        %add3A_1555 = arith.constant 96 : i32
        %add3A_1556 = arith.addi %multiple_of3A_1220, %add3A_1555 : i32
        %iota3A_1557 = tpu.iota {dimensions = array<i32: 0>} : vector<16xi32>
        %add3A_1558 = vector.broadcast %add3A_1556 : i32 to vector<16xi32>
        %add3A_1559 = arith.addi %add3A_1558, %iota3A_1557 : vector<16xi32>
        %rem3A_1560 = arith.constant 200 : i32
        %rem3A_1561 = vector.broadcast %rem3A_1560 : i32 to vector<16xi32>
        %rem3A_1562 = arith.remsi %add3A_1559, %rem3A_1561 : vector<16xi32>
        %mul3A_1563 = arith.constant 3 : i32
        %mul3A_1564 = vector.broadcast %mul3A_1563 : i32 to vector<16xi32>
        %mul3A_1565 = arith.muli %rem3A_1562, %mul3A_1564 : vector<16xi32>
        %get3A_1566 = arith.constant 96 : index
        %get3A_1567 = tpu.vector_load %arg17[%get3A_1566] {strides = array<i32>} : memref<160xi32, #tpu.memory_space<vmem>>, vector<16xi32>,
        %get3A_1568 = vector.shape_cast %get3A_1567 : vector<16xi32> to vector<16xi32>
        %add3A_1569 = arith.addi %mul3A_1565, %get3A_1568 : vector<16xi32>
        %mul3A_1570 = arith.constant 2 : i32
        %mul3A_1571 = vector.broadcast %mul3A_1570 : i32 to vector<16xi32>
        %mul3A_1572 = arith.muli %add3A_1569, %mul3A_1571 : vector<16xi32>
        %add3A_1573 = arith.addi %mul3A_1572, %select_n3A_1537 : vector<16xi32>
        %swap3A_1574 = arith.constant 96 : index
        %swap3A_1575 = tpu.vector_load %arg17[%swap3A_1574] {strides = array<i32>} : memref<160xi32, #tpu.memory_space<vmem>>, vector<16xi32>,
        %swap3A_1576 = vector.shape_cast %swap3A_1575 : vector<16xi32> to vector<16xi32>
        %swap3A_1577 = vector.shape_cast %add3A_1573 : vector<16xi32> to vector<16xi32>
        tpu.vector_store %arg17[%swap3A_1574], %swap3A_1577 {strides = array<i32>} : memref<160xi32, #tpu.memory_space<vmem>>, vector<16xi32>,
        %get3A_1578 = arith.constant 112 : index
        %get3A_1579 = tpu.vector_load %arg15[%get3A_1578] {strides = array<i32>} : memref<160xi32, #tpu.memory_space<vmem>>, vector<16xi32>,
        %get3A_1580 = vector.shape_cast %get3A_1579 : vector<16xi32> to vector<16xi32>
        %ge3A_1581 = arith.constant 499968 : i32
        %ge3A_1582 = vector.broadcast %ge3A_1581 : i32 to vector<16xi32>
        %ge3A_1583 = arith.cmpi sge, %get3A_1580, %ge3A_1582 : vector<16xi32>
        %jit3A_1584 = arith.constant 1 : i32
        %jit3A_1585 = arith.constant 0 : i32
        %broadcast_in_dim3A_1586 = vector.broadcast %jit3A_1584 : i32 to vector<16xi32>
        %broadcast_in_dim3A_1587 = vector.broadcast %jit3A_1585 : i32 to vector<16xi32>
        %select_n3A_1588 = arith.select %ge3A_1583, %broadcast_in_dim3A_1586, %broadcast_in_dim3A_1587 : vector<16xi1>, vector<16xi32>
        %min3A_1589 = arith.constant 499967 : i32
        %min3A_1590 = vector.broadcast %min3A_1589 : i32 to vector<16xi32>
        %min3A_1591 = arith.minsi %get3A_1580, %min3A_1590 : vector<16xi32>
        %swap3A_1592 = arith.constant 112 : index
        %swap3A_1593 = tpu.vector_load %arg15[%swap3A_1592] {strides = array<i32>} : memref<160xi32, #tpu.memory_space<vmem>>, vector<16xi32>,
        %swap3A_1594 = vector.shape_cast %swap3A_1593 : vector<16xi32> to vector<16xi32>
        %swap3A_1595 = vector.shape_cast %min3A_1591 : vector<16xi32> to vector<16xi32>
        tpu.vector_store %arg15[%swap3A_1592], %swap3A_1595 {strides = array<i32>} : memref<160xi32, #tpu.memory_space<vmem>>, vector<16xi32>,
        %sub3A_1596 = arith.constant 499968 : i32
        %sub3A_1597 = vector.broadcast %sub3A_1596 : i32 to vector<16xi32>
        %sub3A_1598 = arith.subi %get3A_1580, %sub3A_1597 : vector<16xi32>
        %max3A_1599 = arith.constant 0 : i32
        %max3A_1600 = vector.broadcast %max3A_1599 : i32 to vector<16xi32>
        %max3A_1601 = arith.maxsi %sub3A_1598, %max3A_1600 : vector<16xi32>
        %swap3A_1602 = arith.constant 112 : index
        %swap3A_1603 = tpu.vector_load %arg16[%swap3A_1602] {strides = array<i32>} : memref<160xi32, #tpu.memory_space<vmem>>, vector<16xi32>,
        %swap3A_1604 = vector.shape_cast %swap3A_1603 : vector<16xi32> to vector<16xi32>
        %swap3A_1605 = vector.shape_cast %max3A_1601 : vector<16xi32> to vector<16xi32>
        tpu.vector_store %arg16[%swap3A_1602], %swap3A_1605 {strides = array<i32>} : memref<160xi32, #tpu.memory_space<vmem>>, vector<16xi32>,
        %add3A_1606 = arith.constant 112 : i32
        %add3A_1607 = arith.addi %multiple_of3A_1220, %add3A_1606 : i32
        %iota3A_1608 = tpu.iota {dimensions = array<i32: 0>} : vector<16xi32>
        %add3A_1609 = vector.broadcast %add3A_1607 : i32 to vector<16xi32>
        %add3A_1610 = arith.addi %add3A_1609, %iota3A_1608 : vector<16xi32>
        %rem3A_1611 = arith.constant 200 : i32
        %rem3A_1612 = vector.broadcast %rem3A_1611 : i32 to vector<16xi32>
        %rem3A_1613 = arith.remsi %add3A_1610, %rem3A_1612 : vector<16xi32>
        %mul3A_1614 = arith.constant 3 : i32
        %mul3A_1615 = vector.broadcast %mul3A_1614 : i32 to vector<16xi32>
        %mul3A_1616 = arith.muli %rem3A_1613, %mul3A_1615 : vector<16xi32>
        %get3A_1617 = arith.constant 112 : index
        %get3A_1618 = tpu.vector_load %arg17[%get3A_1617] {strides = array<i32>} : memref<160xi32, #tpu.memory_space<vmem>>, vector<16xi32>,
        %get3A_1619 = vector.shape_cast %get3A_1618 : vector<16xi32> to vector<16xi32>
        %add3A_1620 = arith.addi %mul3A_1616, %get3A_1619 : vector<16xi32>
        %mul3A_1621 = arith.constant 2 : i32
        %mul3A_1622 = vector.broadcast %mul3A_1621 : i32 to vector<16xi32>
        %mul3A_1623 = arith.muli %add3A_1620, %mul3A_1622 : vector<16xi32>
        %add3A_1624 = arith.addi %mul3A_1623, %select_n3A_1588 : vector<16xi32>
        %swap3A_1625 = arith.constant 112 : index
        %swap3A_1626 = tpu.vector_load %arg17[%swap3A_1625] {strides = array<i32>} : memref<160xi32, #tpu.memory_space<vmem>>, vector<16xi32>,
        %swap3A_1627 = vector.shape_cast %swap3A_1626 : vector<16xi32> to vector<16xi32>
        %swap3A_1628 = vector.shape_cast %add3A_1624 : vector<16xi32> to vector<16xi32>
        tpu.vector_store %arg17[%swap3A_1625], %swap3A_1628 {strides = array<i32>} : memref<160xi32, #tpu.memory_space<vmem>>, vector<16xi32>,
        %get3A_1629 = arith.constant 128 : index
        %get3A_1630 = tpu.vector_load %arg15[%get3A_1629] {strides = array<i32>} : memref<160xi32, #tpu.memory_space<vmem>>, vector<16xi32>,
        %get3A_1631 = vector.shape_cast %get3A_1630 : vector<16xi32> to vector<16xi32>
        %ge3A_1632 = arith.constant 499968 : i32
        %ge3A_1633 = vector.broadcast %ge3A_1632 : i32 to vector<16xi32>
        %ge3A_1634 = arith.cmpi sge, %get3A_1631, %ge3A_1633 : vector<16xi32>
        %jit3A_1635 = arith.constant 1 : i32
        %jit3A_1636 = arith.constant 0 : i32
        %broadcast_in_dim3A_1637 = vector.broadcast %jit3A_1635 : i32 to vector<16xi32>
        %broadcast_in_dim3A_1638 = vector.broadcast %jit3A_1636 : i32 to vector<16xi32>
        %select_n3A_1639 = arith.select %ge3A_1634, %broadcast_in_dim3A_1637, %broadcast_in_dim3A_1638 : vector<16xi1>, vector<16xi32>
        %min3A_1640 = arith.constant 499967 : i32
        %min3A_1641 = vector.broadcast %min3A_1640 : i32 to vector<16xi32>
        %min3A_1642 = arith.minsi %get3A_1631, %min3A_1641 : vector<16xi32>
        %swap3A_1643 = arith.constant 128 : index
        %swap3A_1644 = tpu.vector_load %arg15[%swap3A_1643] {strides = array<i32>} : memref<160xi32, #tpu.memory_space<vmem>>, vector<16xi32>,
        %swap3A_1645 = vector.shape_cast %swap3A_1644 : vector<16xi32> to vector<16xi32>
        %swap3A_1646 = vector.shape_cast %min3A_1642 : vector<16xi32> to vector<16xi32>
        tpu.vector_store %arg15[%swap3A_1643], %swap3A_1646 {strides = array<i32>} : memref<160xi32, #tpu.memory_space<vmem>>, vector<16xi32>,
        %sub3A_1647 = arith.constant 499968 : i32
        %sub3A_1648 = vector.broadcast %sub3A_1647 : i32 to vector<16xi32>
        %sub3A_1649 = arith.subi %get3A_1631, %sub3A_1648 : vector<16xi32>
        %max3A_1650 = arith.constant 0 : i32
        %max3A_1651 = vector.broadcast %max3A_1650 : i32 to vector<16xi32>
        %max3A_1652 = arith.maxsi %sub3A_1649, %max3A_1651 : vector<16xi32>
        %swap3A_1653 = arith.constant 128 : index
        %swap3A_1654 = tpu.vector_load %arg16[%swap3A_1653] {strides = array<i32>} : memref<160xi32, #tpu.memory_space<vmem>>, vector<16xi32>,
        %swap3A_1655 = vector.shape_cast %swap3A_1654 : vector<16xi32> to vector<16xi32>
        %swap3A_1656 = vector.shape_cast %max3A_1652 : vector<16xi32> to vector<16xi32>
        tpu.vector_store %arg16[%swap3A_1653], %swap3A_1656 {strides = array<i32>} : memref<160xi32, #tpu.memory_space<vmem>>, vector<16xi32>,
        %add3A_1657 = arith.constant 128 : i32
        %add3A_1658 = arith.addi %multiple_of3A_1220, %add3A_1657 : i32
        %iota3A_1659 = tpu.iota {dimensions = array<i32: 0>} : vector<16xi32>
        %add3A_1660 = vector.broadcast %add3A_1658 : i32 to vector<16xi32>
        %add3A_1661 = arith.addi %add3A_1660, %iota3A_1659 : vector<16xi32>
        %rem3A_1662 = arith.constant 200 : i32
        %rem3A_1663 = vector.broadcast %rem3A_1662 : i32 to vector<16xi32>
        %rem3A_1664 = arith.remsi %add3A_1661, %rem3A_1663 : vector<16xi32>
        %mul3A_1665 = arith.constant 3 : i32
        %mul3A_1666 = vector.broadcast %mul3A_1665 : i32 to vector<16xi32>
        %mul3A_1667 = arith.muli %rem3A_1664, %mul3A_1666 : vector<16xi32>
        %get3A_1668 = arith.constant 128 : index
        %get3A_1669 = tpu.vector_load %arg17[%get3A_1668] {strides = array<i32>} : memref<160xi32, #tpu.memory_space<vmem>>, vector<16xi32>,
        %get3A_1670 = vector.shape_cast %get3A_1669 : vector<16xi32> to vector<16xi32>
        %add3A_1671 = arith.addi %mul3A_1667, %get3A_1670 : vector<16xi32>
        %mul3A_1672 = arith.constant 2 : i32
        %mul3A_1673 = vector.broadcast %mul3A_1672 : i32 to vector<16xi32>
        %mul3A_1674 = arith.muli %add3A_1671, %mul3A_1673 : vector<16xi32>
        %add3A_1675 = arith.addi %mul3A_1674, %select_n3A_1639 : vector<16xi32>
        %swap3A_1676 = arith.constant 128 : index
        %swap3A_1677 = tpu.vector_load %arg17[%swap3A_1676] {strides = array<i32>} : memref<160xi32, #tpu.memory_space<vmem>>, vector<16xi32>,
        %swap3A_1678 = vector.shape_cast %swap3A_1677 : vector<16xi32> to vector<16xi32>
        %swap3A_1679 = vector.shape_cast %add3A_1675 : vector<16xi32> to vector<16xi32>
        tpu.vector_store %arg17[%swap3A_1676], %swap3A_1679 {strides = array<i32>} : memref<160xi32, #tpu.memory_space<vmem>>, vector<16xi32>,
        %get3A_1680 = arith.constant 144 : index
        %get3A_1681 = tpu.vector_load %arg15[%get3A_1680] {strides = array<i32>} : memref<160xi32, #tpu.memory_space<vmem>>, vector<16xi32>,
        %get3A_1682 = vector.shape_cast %get3A_1681 : vector<16xi32> to vector<16xi32>
        %ge3A_1683 = arith.constant 499968 : i32
        %ge3A_1684 = vector.broadcast %ge3A_1683 : i32 to vector<16xi32>
        %ge3A_1685 = arith.cmpi sge, %get3A_1682, %ge3A_1684 : vector<16xi32>
        %jit3A_1686 = arith.constant 1 : i32
        %jit3A_1687 = arith.constant 0 : i32
        %broadcast_in_dim3A_1688 = vector.broadcast %jit3A_1686 : i32 to vector<16xi32>
        %broadcast_in_dim3A_1689 = vector.broadcast %jit3A_1687 : i32 to vector<16xi32>
        %select_n3A_1690 = arith.select %ge3A_1685, %broadcast_in_dim3A_1688, %broadcast_in_dim3A_1689 : vector<16xi1>, vector<16xi32>
        %min3A_1691 = arith.constant 499967 : i32
        %min3A_1692 = vector.broadcast %min3A_1691 : i32 to vector<16xi32>
        %min3A_1693 = arith.minsi %get3A_1682, %min3A_1692 : vector<16xi32>
        %swap3A_1694 = arith.constant 144 : index
        %swap3A_1695 = tpu.vector_load %arg15[%swap3A_1694] {strides = array<i32>} : memref<160xi32, #tpu.memory_space<vmem>>, vector<16xi32>,
        %swap3A_1696 = vector.shape_cast %swap3A_1695 : vector<16xi32> to vector<16xi32>
        %swap3A_1697 = vector.shape_cast %min3A_1693 : vector<16xi32> to vector<16xi32>
        tpu.vector_store %arg15[%swap3A_1694], %swap3A_1697 {strides = array<i32>} : memref<160xi32, #tpu.memory_space<vmem>>, vector<16xi32>,
        %sub3A_1698 = arith.constant 499968 : i32
        %sub3A_1699 = vector.broadcast %sub3A_1698 : i32 to vector<16xi32>
        %sub3A_1700 = arith.subi %get3A_1682, %sub3A_1699 : vector<16xi32>
        %max3A_1701 = arith.constant 0 : i32
        %max3A_1702 = vector.broadcast %max3A_1701 : i32 to vector<16xi32>
        %max3A_1703 = arith.maxsi %sub3A_1700, %max3A_1702 : vector<16xi32>
        %swap3A_1704 = arith.constant 144 : index
        %swap3A_1705 = tpu.vector_load %arg16[%swap3A_1704] {strides = array<i32>} : memref<160xi32, #tpu.memory_space<vmem>>, vector<16xi32>,
        %swap3A_1706 = vector.shape_cast %swap3A_1705 : vector<16xi32> to vector<16xi32>
        %swap3A_1707 = vector.shape_cast %max3A_1703 : vector<16xi32> to vector<16xi32>
        tpu.vector_store %arg16[%swap3A_1704], %swap3A_1707 {strides = array<i32>} : memref<160xi32, #tpu.memory_space<vmem>>, vector<16xi32>,
        %add3A_1708 = arith.constant 144 : i32
        %add3A_1709 = arith.addi %multiple_of3A_1220, %add3A_1708 : i32
        %iota3A_1710 = tpu.iota {dimensions = array<i32: 0>} : vector<16xi32>
        %add3A_1711 = vector.broadcast %add3A_1709 : i32 to vector<16xi32>
        %add3A_1712 = arith.addi %add3A_1711, %iota3A_1710 : vector<16xi32>
        %rem3A_1713 = arith.constant 200 : i32
        %rem3A_1714 = vector.broadcast %rem3A_1713 : i32 to vector<16xi32>
        %rem3A_1715 = arith.remsi %add3A_1712, %rem3A_1714 : vector<16xi32>
        %mul3A_1716 = arith.constant 3 : i32
        %mul3A_1717 = vector.broadcast %mul3A_1716 : i32 to vector<16xi32>
        %mul3A_1718 = arith.muli %rem3A_1715, %mul3A_1717 : vector<16xi32>
        %get3A_1719 = arith.constant 144 : index
        %get3A_1720 = tpu.vector_load %arg17[%get3A_1719] {strides = array<i32>} : memref<160xi32, #tpu.memory_space<vmem>>, vector<16xi32>,
        %get3A_1721 = vector.shape_cast %get3A_1720 : vector<16xi32> to vector<16xi32>
        %add3A_1722 = arith.addi %mul3A_1718, %get3A_1721 : vector<16xi32>
        %mul3A_1723 = arith.constant 2 : i32
        %mul3A_1724 = vector.broadcast %mul3A_1723 : i32 to vector<16xi32>
        %mul3A_1725 = arith.muli %add3A_1722, %mul3A_1724 : vector<16xi32>
        %add3A_1726 = arith.addi %mul3A_1725, %select_n3A_1690 : vector<16xi32>
        %swap3A_1727 = arith.constant 144 : index
        %swap3A_1728 = tpu.vector_load %arg17[%swap3A_1727] {strides = array<i32>} : memref<160xi32, #tpu.memory_space<vmem>>, vector<16xi32>,
        %swap3A_1729 = vector.shape_cast %swap3A_1728 : vector<16xi32> to vector<16xi32>
        %swap3A_1730 = vector.shape_cast %add3A_1726 : vector<16xi32> to vector<16xi32>
        tpu.vector_store %arg17[%swap3A_1727], %swap3A_1730 {strides = array<i32>} : memref<160xi32, #tpu.memory_space<vmem>>, vector<16xi32>,
        %dma_start3A_1731 = arith.constant 0 : i32
        %dma_start3A_1732 = arith.constant 0 : i32
        %dma_start3A_1733 = tpu.memref_slice %arg18[%dma_start3A_1731, %dma_start3A_1732] : memref<160x64xf32, #tpu.memory_space<vmem>> -> memref<128x64xf32, #tpu.memory_space<vmem>>
        %dma_start3A_1734 = arith.constant 0 : i32
        %dma_start3A_1735 = tpu.memref_slice %arg15[%dma_start3A_1734] : memref<160xi32, #tpu.memory_space<vmem>> -> memref<128xi32, #tpu.memory_space<vmem>>
        %dma_start3A_1736 = arith.constant 0 : i32
        %dma_start3A_1737 = arith.constant 0 : i32
        %dma_start3A_1738 = tpu.memref_slice %arg4[%dma_start3A_1736, %dma_start3A_1737] : memref<499968x64xf32, #tpu.memory_space<hbm>> -> memref<499968x64xf32, #tpu.memory_space<hbm>>
        tpu.enqueue_indirect_dma source(%dma_start3A_1738 : memref<499968x64xf32, #tpu.memory_space<hbm>>) target(%dma_start3A_1733 : memref<128x64xf32, #tpu.memory_space<vmem>>) offsets(%dma_start3A_1735 : memref<128xi32, #tpu.memory_space<vmem>>) semaphore(%arg23 : memref<!tpu.dma_semaphore, #tpu.memory_space<semaphore_mem>>)
        %dma_start3A_1739 = arith.constant 0 : i32
        %dma_start3A_1740 = arith.constant 0 : i32
        %dma_start3A_1741 = tpu.memref_slice %arg19[%dma_start3A_1739, %dma_start3A_1740] : memref<160x64xf32, #tpu.memory_space<vmem>> -> memref<128x64xf32, #tpu.memory_space<vmem>>
        %dma_start3A_1742 = arith.constant 0 : i32
        %dma_start3A_1743 = tpu.memref_slice %arg16[%dma_start3A_1742] : memref<160xi32, #tpu.memory_space<vmem>> -> memref<128xi32, #tpu.memory_space<vmem>>
        %dma_start3A_1744 = arith.constant 0 : i32
        %dma_start3A_1745 = arith.constant 0 : i32
        %dma_start3A_1746 = tpu.memref_slice %arg5[%dma_start3A_1744, %dma_start3A_1745] : memref<500032x64xf32, #tpu.memory_space<hbm>> -> memref<500032x64xf32, #tpu.memory_space<hbm>>
        tpu.enqueue_indirect_dma source(%dma_start3A_1746 : memref<500032x64xf32, #tpu.memory_space<hbm>>) target(%dma_start3A_1741 : memref<128x64xf32, #tpu.memory_space<vmem>>) offsets(%dma_start3A_1743 : memref<128xi32, #tpu.memory_space<vmem>>) semaphore(%arg23 : memref<!tpu.dma_semaphore, #tpu.memory_space<semaphore_mem>>)
        %dma_start3A_1747 = arith.constant 0 : i32
        %dma_start3A_1748 = arith.constant 0 : i32
        %dma_start3A_1749 = tpu.memref_slice %arg20[%dma_start3A_1747, %dma_start3A_1748] : memref<160x128xf32, #tpu.memory_space<vmem>> -> memref<128x128xf32, #tpu.memory_space<vmem>>
        %dma_start3A_1750 = arith.constant 0 : i32
        %dma_start3A_1751 = tpu.memref_slice %arg17[%dma_start3A_1750] : memref<160xi32, #tpu.memory_space<vmem>> -> memref<128xi32, #tpu.memory_space<vmem>>
        %dma_start3A_1752 = arith.constant 0 : i32
        %dma_start3A_1753 = arith.constant 0 : i32
        %dma_start3A_1754 = tpu.memref_slice %arg6[%dma_start3A_1752, %dma_start3A_1753] : memref<1200x128xf32, #tpu.memory_space<hbm>> -> memref<1200x128xf32, #tpu.memory_space<hbm>>
        tpu.enqueue_indirect_dma source(%dma_start3A_1754 : memref<1200x128xf32, #tpu.memory_space<hbm>>) target(%dma_start3A_1749 : memref<128x128xf32, #tpu.memory_space<vmem>>) offsets(%dma_start3A_1751 : memref<128xi32, #tpu.memory_space<vmem>>) semaphore(%arg23 : memref<!tpu.dma_semaphore, #tpu.memory_space<semaphore_mem>>)
        %dma_start3A_1755 = arith.constant 128 : i32
        %dma_start3A_1756 = arith.constant 0 : i32
        %dma_start3A_1757 = tpu.memref_slice %arg18[%dma_start3A_1755, %dma_start3A_1756] : memref<160x64xf32, #tpu.memory_space<vmem>> -> memref<32x64xf32, #tpu.memory_space<vmem>>
        %dma_start3A_1758 = arith.constant 128 : i32
        %dma_start3A_1759 = tpu.memref_slice %arg15[%dma_start3A_1758] : memref<160xi32, #tpu.memory_space<vmem>> -> memref<32xi32, #tpu.memory_space<vmem>>
        %dma_start3A_1760 = arith.constant 0 : i32
        %dma_start3A_1761 = arith.constant 0 : i32
        %dma_start3A_1762 = tpu.memref_slice %arg4[%dma_start3A_1760, %dma_start3A_1761] : memref<499968x64xf32, #tpu.memory_space<hbm>> -> memref<499968x64xf32, #tpu.memory_space<hbm>>
        tpu.enqueue_indirect_dma source(%dma_start3A_1762 : memref<499968x64xf32, #tpu.memory_space<hbm>>) target(%dma_start3A_1757 : memref<32x64xf32, #tpu.memory_space<vmem>>) offsets(%dma_start3A_1759 : memref<32xi32, #tpu.memory_space<vmem>>) semaphore(%arg23 : memref<!tpu.dma_semaphore, #tpu.memory_space<semaphore_mem>>)
        %dma_start3A_1763 = arith.constant 128 : i32
        %dma_start3A_1764 = arith.constant 0 : i32
        %dma_start3A_1765 = tpu.memref_slice %arg19[%dma_start3A_1763, %dma_start3A_1764] : memref<160x64xf32, #tpu.memory_space<vmem>> -> memref<32x64xf32, #tpu.memory_space<vmem>>
        %dma_start3A_1766 = arith.constant 128 : i32
        %dma_start3A_1767 = tpu.memref_slice %arg16[%dma_start3A_1766] : memref<160xi32, #tpu.memory_space<vmem>> -> memref<32xi32, #tpu.memory_space<vmem>>
        %dma_start3A_1768 = arith.constant 0 : i32
        %dma_start3A_1769 = arith.constant 0 : i32
        %dma_start3A_1770 = tpu.memref_slice %arg5[%dma_start3A_1768, %dma_start3A_1769] : memref<500032x64xf32, #tpu.memory_space<hbm>> -> memref<500032x64xf32, #tpu.memory_space<hbm>>
        tpu.enqueue_indirect_dma source(%dma_start3A_1770 : memref<500032x64xf32, #tpu.memory_space<hbm>>) target(%dma_start3A_1765 : memref<32x64xf32, #tpu.memory_space<vmem>>) offsets(%dma_start3A_1767 : memref<32xi32, #tpu.memory_space<vmem>>) semaphore(%arg23 : memref<!tpu.dma_semaphore, #tpu.memory_space<semaphore_mem>>)
        %dma_start3A_1771 = arith.constant 128 : i32
        %dma_start3A_1772 = arith.constant 0 : i32
        %dma_start3A_1773 = tpu.memref_slice %arg20[%dma_start3A_1771, %dma_start3A_1772] : memref<160x128xf32, #tpu.memory_space<vmem>> -> memref<32x128xf32, #tpu.memory_space<vmem>>
        %dma_start3A_1774 = arith.constant 128 : i32
        %dma_start3A_1775 = tpu.memref_slice %arg17[%dma_start3A_1774] : memref<160xi32, #tpu.memory_space<vmem>> -> memref<32xi32, #tpu.memory_space<vmem>>
        %dma_start3A_1776 = arith.constant 0 : i32
        %dma_start3A_1777 = arith.constant 0 : i32
        %dma_start3A_1778 = tpu.memref_slice %arg6[%dma_start3A_1776, %dma_start3A_1777] : memref<1200x128xf32, #tpu.memory_space<hbm>> -> memref<1200x128xf32, #tpu.memory_space<hbm>>
        tpu.enqueue_indirect_dma source(%dma_start3A_1778 : memref<1200x128xf32, #tpu.memory_space<hbm>>) target(%dma_start3A_1773 : memref<32x128xf32, #tpu.memory_space<vmem>>) offsets(%dma_start3A_1775 : memref<32xi32, #tpu.memory_space<vmem>>) semaphore(%arg23 : memref<!tpu.dma_semaphore, #tpu.memory_space<semaphore_mem>>)
      } else {
      }
    }
    %scan3A_1116 = arith.constant 20 : i32
    %dma_wait3A = arith.constant 0 : i32
    %dma_wait3A_1117 = arith.constant 0 : i32
    %dma_wait3A_1118 = tpu.memref_slice %arg7[%dma_wait3A, %dma_wait3A_1117] : memref<204800x64xf32, #tpu.memory_space<hbm>> -> memref<160x64xf32, #tpu.memory_space<hbm>>
    %dma_wait3A_1119 = arith.constant 0 : i32
    %dma_wait3A_1120 = arith.constant 0 : i32
    %dma_wait3A_1121 = tpu.memref_slice %arg7[%dma_wait3A_1119, %dma_wait3A_1120] : memref<204800x64xf32, #tpu.memory_space<hbm>> -> memref<160x64xf32, #tpu.memory_space<hbm>>
    tpu.wait_dma2 semaphore(%arg24 : memref<!tpu.dma_semaphore, #tpu.memory_space<semaphore_mem>>) src(%arg14 : memref<160x64xf32, #tpu.memory_space<vmem>>) dst(%dma_wait3A_1121 : memref<160x64xf32, #tpu.memory_space<hbm>>)
    %dma_wait3A_1122 = arith.constant 0 : i32
    %dma_wait3A_1123 = arith.constant 0 : i32
    %dma_wait3A_1124 = tpu.memref_slice %arg7[%dma_wait3A_1122, %dma_wait3A_1123] : memref<204800x64xf32, #tpu.memory_space<hbm>> -> memref<160x64xf32, #tpu.memory_space<hbm>>
    %dma_wait3A_1125 = arith.constant 0 : i32
    %dma_wait3A_1126 = arith.constant 0 : i32
    %dma_wait3A_1127 = tpu.memref_slice %arg7[%dma_wait3A_1125, %dma_wait3A_1126] : memref<204800x64xf32, #tpu.memory_space<hbm>> -> memref<160x64xf32, #tpu.memory_space<hbm>>
    tpu.wait_dma2 semaphore(%arg25 : memref<!tpu.dma_semaphore, #tpu.memory_space<semaphore_mem>>) src(%arg21 : memref<160x64xf32, #tpu.memory_space<vmem>>) dst(%dma_wait3A_1127 : memref<160x64xf32, #tpu.memory_space<hbm>>)
    return
  }
}

module attributes {stable_mosaic.version = 14 : i64} {
  func.func @_comb_body(%arg0: memref<200x64xf32, #tpu.memory_space<vmem>>, %arg1: memref<3x64xf32, #tpu.memory_space<vmem>>, %arg2: memref<200x768xf32, #tpu.memory_space<vmem>>) attributes {dimension_semantics = [], scalar_prefetch = 0 : i64, scratch_operands = 0 : i64, tpu.core_type = #tpu.core_type<tc>} {
    %get3A = arith.constant 0 : index
    %get3A_0 = arith.constant 0 : index
    %get3A_1 = vector.load %arg0[%get3A, %get3A_0] : memref<200x64xf32, #tpu.memory_space<vmem>>, vector<200x64xf32>
    %get3A_2 = arith.constant 0 : index
    %get3A_3 = arith.constant 0 : index
    %get3A_4 = vector.load %arg1[%get3A_2, %get3A_3] : memref<3x64xf32, #tpu.memory_space<vmem>>, vector<1x64xf32>
    %get3A_5 = vector.shape_cast %get3A_4 : vector<1x64xf32> to vector<64xf32>
    %broadcast_in_dim3A = vector.shape_cast %get3A_5 : vector<64xf32> to vector<1x64xf32>
    %add3A = vector.broadcast %broadcast_in_dim3A : vector<1x64xf32> to vector<200x64xf32>
    %add3A_6 = arith.addf %get3A_1, %add3A : vector<200x64xf32>
    %sub3A = arith.constant 0.000000e+00 : f32
    %sub3A_7 = vector.broadcast %sub3A : f32 to vector<200x64xf32>
    %sub3A_8 = arith.subf %add3A_6, %sub3A_7 : vector<200x64xf32>
    %swap3A = arith.constant 0 : index
    %swap3A_9 = arith.constant 0 : index
    %swap3A_10 = vector.load %arg2[%swap3A, %swap3A_9] : memref<200x768xf32, #tpu.memory_space<vmem>>, vector<200x64xf32>
    tpu.vector_store %arg2[%swap3A, %swap3A_9], %sub3A_8 {strides = array<i32>} : memref<200x768xf32, #tpu.memory_space<vmem>>, vector<200x64xf32>,
    %sub3A_11 = arith.constant 1.000000e+06 : f32
    %sub3A_12 = vector.broadcast %sub3A_11 : f32 to vector<200x64xf32>
    %sub3A_13 = arith.subf %add3A_6, %sub3A_12 : vector<200x64xf32>
    %swap3A_14 = arith.constant 0 : index
    %swap3A_15 = arith.constant 64 : index
    %swap3A_16 = vector.load %arg2[%swap3A_14, %swap3A_15] : memref<200x768xf32, #tpu.memory_space<vmem>>, vector<200x64xf32>
    tpu.vector_store %arg2[%swap3A_14, %swap3A_15], %sub3A_13 {strides = array<i32>} : memref<200x768xf32, #tpu.memory_space<vmem>>, vector<200x64xf32>,
    %sub3A_17 = arith.constant 1.000000e+06 : f32
    %sub3A_18 = vector.broadcast %sub3A_17 : f32 to vector<200x64xf32>
    %sub3A_19 = arith.subf %add3A_6, %sub3A_18 : vector<200x64xf32>
    %swap3A_20 = arith.constant 0 : index
    %swap3A_21 = arith.constant 128 : index
    %swap3A_22 = vector.load %arg2[%swap3A_20, %swap3A_21] : memref<200x768xf32, #tpu.memory_space<vmem>>, vector<200x64xf32>
    tpu.vector_store %arg2[%swap3A_20, %swap3A_21], %sub3A_19 {strides = array<i32>} : memref<200x768xf32, #tpu.memory_space<vmem>>, vector<200x64xf32>,
    %sub3A_23 = arith.constant 0.000000e+00 : f32
    %sub3A_24 = vector.broadcast %sub3A_23 : f32 to vector<200x64xf32>
    %sub3A_25 = arith.subf %add3A_6, %sub3A_24 : vector<200x64xf32>
    %swap3A_26 = arith.constant 0 : index
    %swap3A_27 = arith.constant 192 : index
    %swap3A_28 = vector.load %arg2[%swap3A_26, %swap3A_27] : memref<200x768xf32, #tpu.memory_space<vmem>>, vector<200x64xf32>
    tpu.vector_store %arg2[%swap3A_26, %swap3A_27], %sub3A_25 {strides = array<i32>} : memref<200x768xf32, #tpu.memory_space<vmem>>, vector<200x64xf32>,
    %get3A_29 = arith.constant 1 : index
    %get3A_30 = arith.constant 0 : index
    %get3A_31 = vector.load %arg1[%get3A_29, %get3A_30] : memref<3x64xf32, #tpu.memory_space<vmem>>, vector<1x64xf32>
    %get3A_32 = vector.shape_cast %get3A_31 : vector<1x64xf32> to vector<64xf32>
    %broadcast_in_dim3A_33 = vector.shape_cast %get3A_32 : vector<64xf32> to vector<1x64xf32>
    %add3A_34 = vector.broadcast %broadcast_in_dim3A_33 : vector<1x64xf32> to vector<200x64xf32>
    %add3A_35 = arith.addf %get3A_1, %add3A_34 : vector<200x64xf32>
    %sub3A_36 = arith.constant 0.000000e+00 : f32
    %sub3A_37 = vector.broadcast %sub3A_36 : f32 to vector<200x64xf32>
    %sub3A_38 = arith.subf %add3A_35, %sub3A_37 : vector<200x64xf32>
    %swap3A_39 = arith.constant 0 : index
    %swap3A_40 = arith.constant 256 : index
    %swap3A_41 = vector.load %arg2[%swap3A_39, %swap3A_40] : memref<200x768xf32, #tpu.memory_space<vmem>>, vector<200x64xf32>
    tpu.vector_store %arg2[%swap3A_39, %swap3A_40], %sub3A_38 {strides = array<i32>} : memref<200x768xf32, #tpu.memory_space<vmem>>, vector<200x64xf32>,
    %sub3A_42 = arith.constant 1.000000e+06 : f32
    %sub3A_43 = vector.broadcast %sub3A_42 : f32 to vector<200x64xf32>
    %sub3A_44 = arith.subf %add3A_35, %sub3A_43 : vector<200x64xf32>
    %swap3A_45 = arith.constant 0 : index
    %swap3A_46 = arith.constant 320 : index
    %swap3A_47 = vector.load %arg2[%swap3A_45, %swap3A_46] : memref<200x768xf32, #tpu.memory_space<vmem>>, vector<200x64xf32>
    tpu.vector_store %arg2[%swap3A_45, %swap3A_46], %sub3A_44 {strides = array<i32>} : memref<200x768xf32, #tpu.memory_space<vmem>>, vector<200x64xf32>,
    %sub3A_48 = arith.constant 1.000000e+06 : f32
    %sub3A_49 = vector.broadcast %sub3A_48 : f32 to vector<200x64xf32>
    %sub3A_50 = arith.subf %add3A_35, %sub3A_49 : vector<200x64xf32>
    %swap3A_51 = arith.constant 0 : index
    %swap3A_52 = arith.constant 384 : index
    %swap3A_53 = vector.load %arg2[%swap3A_51, %swap3A_52] : memref<200x768xf32, #tpu.memory_space<vmem>>, vector<200x64xf32>
    tpu.vector_store %arg2[%swap3A_51, %swap3A_52], %sub3A_50 {strides = array<i32>} : memref<200x768xf32, #tpu.memory_space<vmem>>, vector<200x64xf32>,
    %sub3A_54 = arith.constant 0.000000e+00 : f32
    %sub3A_55 = vector.broadcast %sub3A_54 : f32 to vector<200x64xf32>
    %sub3A_56 = arith.subf %add3A_35, %sub3A_55 : vector<200x64xf32>
    %swap3A_57 = arith.constant 0 : index
    %swap3A_58 = arith.constant 448 : index
    %swap3A_59 = vector.load %arg2[%swap3A_57, %swap3A_58] : memref<200x768xf32, #tpu.memory_space<vmem>>, vector<200x64xf32>
    tpu.vector_store %arg2[%swap3A_57, %swap3A_58], %sub3A_56 {strides = array<i32>} : memref<200x768xf32, #tpu.memory_space<vmem>>, vector<200x64xf32>,
    %get3A_60 = arith.constant 2 : index
    %get3A_61 = arith.constant 0 : index
    %get3A_62 = vector.load %arg1[%get3A_60, %get3A_61] : memref<3x64xf32, #tpu.memory_space<vmem>>, vector<1x64xf32>
    %get3A_63 = vector.shape_cast %get3A_62 : vector<1x64xf32> to vector<64xf32>
    %broadcast_in_dim3A_64 = vector.shape_cast %get3A_63 : vector<64xf32> to vector<1x64xf32>
    %add3A_65 = vector.broadcast %broadcast_in_dim3A_64 : vector<1x64xf32> to vector<200x64xf32>
    %add3A_66 = arith.addf %get3A_1, %add3A_65 : vector<200x64xf32>
    %sub3A_67 = arith.constant 0.000000e+00 : f32
    %sub3A_68 = vector.broadcast %sub3A_67 : f32 to vector<200x64xf32>
    %sub3A_69 = arith.subf %add3A_66, %sub3A_68 : vector<200x64xf32>
    %swap3A_70 = arith.constant 0 : index
    %swap3A_71 = arith.constant 512 : index
    %swap3A_72 = vector.load %arg2[%swap3A_70, %swap3A_71] : memref<200x768xf32, #tpu.memory_space<vmem>>, vector<200x64xf32>
    tpu.vector_store %arg2[%swap3A_70, %swap3A_71], %sub3A_69 {strides = array<i32>} : memref<200x768xf32, #tpu.memory_space<vmem>>, vector<200x64xf32>,
    %sub3A_73 = arith.constant 1.000000e+06 : f32
    %sub3A_74 = vector.broadcast %sub3A_73 : f32 to vector<200x64xf32>
    %sub3A_75 = arith.subf %add3A_66, %sub3A_74 : vector<200x64xf32>
    %swap3A_76 = arith.constant 0 : index
    %swap3A_77 = arith.constant 576 : index
    %swap3A_78 = vector.load %arg2[%swap3A_76, %swap3A_77] : memref<200x768xf32, #tpu.memory_space<vmem>>, vector<200x64xf32>
    tpu.vector_store %arg2[%swap3A_76, %swap3A_77], %sub3A_75 {strides = array<i32>} : memref<200x768xf32, #tpu.memory_space<vmem>>, vector<200x64xf32>,
    %sub3A_79 = arith.constant 1.000000e+06 : f32
    %sub3A_80 = vector.broadcast %sub3A_79 : f32 to vector<200x64xf32>
    %sub3A_81 = arith.subf %add3A_66, %sub3A_80 : vector<200x64xf32>
    %swap3A_82 = arith.constant 0 : index
    %swap3A_83 = arith.constant 640 : index
    %swap3A_84 = vector.load %arg2[%swap3A_82, %swap3A_83] : memref<200x768xf32, #tpu.memory_space<vmem>>, vector<200x64xf32>
    tpu.vector_store %arg2[%swap3A_82, %swap3A_83], %sub3A_81 {strides = array<i32>} : memref<200x768xf32, #tpu.memory_space<vmem>>, vector<200x64xf32>,
    %sub3A_85 = arith.constant 0.000000e+00 : f32
    %sub3A_86 = vector.broadcast %sub3A_85 : f32 to vector<200x64xf32>
    %sub3A_87 = arith.subf %add3A_66, %sub3A_86 : vector<200x64xf32>
    %swap3A_88 = arith.constant 0 : index
    %swap3A_89 = arith.constant 704 : index
    %swap3A_90 = vector.load %arg2[%swap3A_88, %swap3A_89] : memref<200x768xf32, #tpu.memory_space<vmem>>, vector<200x64xf32>
    tpu.vector_store %arg2[%swap3A_88, %swap3A_89], %sub3A_87 {strides = array<i32>} : memref<200x768xf32, #tpu.memory_space<vmem>>, vector<200x64xf32>,
    return
  }
}

</mosaic_0001>

<sc_bundles>
// kernel: kernel.4.cloned.1.call-start
scs
__scs_entry_jumppad:
0x0: {  	(pc) =	sbr.rel $0x88, $3  }
0x1: {  	(tag) =	ssettag $0x0;
	lr =	simm.s32 $0x1  }
0x2: {  	[smem:$0x3F9D] =	sst lr;
	_ =	strace $0xD0000000  }
0x3: {  	_ = 	snop  }
0x4: {  	_ = 	snop  }
0x5: {  	_ = 	snop  }
0x6: {  	_ = 	snop  }
0x7: {  	_ = 	snop  }
__scs_overlays_trampoline_lowered:
0x8: {  	[smem:$0x3FAC] =	sst s0  }
0x9: {  	[smem:$0x3FAD] =	sst s1  }
0xa: {  	[smem:$0x3FAE] =	sst s2  }
0xb: {  	[smem:$0x3FAF] =	sst s3  }
0xc: {  	[smem:$0x3FB0] =	sst s4  }
0xd: {  	[smem:$0x3FB1] =	sst s5  }
0xe: {  	[smem:$0x3FB2] =	sst s6  }
0xf: {  	[smem:$0x3FB3] =	sst s7  }
0x10: {  	[smem:$0x3FB4] =	sst s8  }
0x11: {  	[smem:$0x3FB5] =	sst s9;
	s0 =	simm.s32 @!p0 $0x0  }
0x12: {  	s1 =	sld [smem:$0x3F9B];
	s0 =	simm.s32 @p0 $0x1  }
0x13: {  	[smem:$0x3FB6] =	sst s0;
	s0 =	simm.s32 @!p1 $0x0  }
0x14: {  	s2 =	sld [smem:$0x3F9A];
	s0 =	simm.s32 @p1 $0x1  }
0x15: {  	[smem:$0x3FB7] =	sst s0;
	s0 =	simm.s32 @!p2 $0x0  }
0x16: {  	s3 =	sld [smem:$0x3FDB];
	s0 =	simm.s32 @p2 $0x1  }
0x17: {  	s4 =	simm.s32 $0x1BF5;
	[smem:$0x3FB9] =	sst s0  }
0x18: {  	s0 =	sld [smem:$0x3F9C];
	_ =	swait.ge [sflag:s4], $0x0  }
0x19: {  	s7 =	sld [smem:$0x3F9D]  }
0x1a: {  	s8 =	sadd.s32 $0xFFFFE003, lr  }
0x1b: {  	s9 =	sadd.s32 $0xFFFFFEF7, lr;
	s5 =	simm.s32 $0xFFFFFFFF;
	p2 =	slt.u32 s8, $0xFFFFF086  }
0x1c: {  	p1 =	slt.u32 s9, $0xF7A;
	s5 =	simm.s32 @!p2 $0x0  }
0x1d: {  	s5 =	simm.s32 @p1 $0x1;
	p0 =	seq.s32 s7, s2  }
0x1e: {  	s7 =	smul.u32 @!p0 $0xF7A, s2;
	p2 =	seq.s32 @!p0 s5, $0x0  }
0x1f: {  	s9 =	smul.u32 $0xF7A, s1;
	s8 =	simm.s32 @!p0 $0x1BF5;
	p2 =	por !p2, p0  }
0x20: {  	[sflag:s8] =	ssyncset.s32 @!p0 $0xFFFFF086;
	s6 =	sadd.s32 @!p0 s3, s7;
	s7 =	simm.s32 @!p0 $0x108  }
0x21: {  	s3 =	sadd.s32 s3, s9;
	s6 =	sadd.s32 @!p0 $0x88, s6;
	s7 =	simm.s32 @p2 $0x1082  }
0x22: {  	[simem:s7], [sflag:s8] =	dma.local @!p0 [hbm:s6], $0xF7A  }
0x23: {  	s9 =	sor.u32 $0xD0000000, s2;
	s6 =	simm.s32 $0x108;
	_ =	swait.ge @!p0 [sflag:s8], $0x0  }
0x24: {  	s3 =	sadd.s32 $0x88, s3;
	s6 =	simm.s32 @!p1 $0x1082;
	[sflag:s4] =	ssyncset.s32 $0xFFFFF086  }
0x25: {  	[simem:s6], [sflag:s4] =	dma.local [hbm:s3], $0xF7A  }
0x26: {  	[smem:$0x3F9D] =	sst s1;
	(tag) =	ssettag s2;
	_ =	strace s9  }
0x27: {  	s1 =	sld [smem:$0x3FAD]  }
0x28: {  	s2 =	sld [smem:$0x3FAE]  }
0x29: {  	s4 =	sld [smem:$0x3FB0]  }
0x2a: {  	p0 =	seq.s32 s5, $0x0;
	s5 =	sld [smem:$0x3FB1]  }
0x2b: {  	s6 =	sld [smem:$0x3FB2]  }
0x2c: {  	s7 =	sld [smem:$0x3FB3]  }
0x2d: {  	s3 =	simm.s32 $0x108;
	s8 =	sld [smem:$0x3FB4]  }
0x2e: {  	s3 =	simm.s32 @!p0 $0x1082;
	s9 =	sld [smem:$0x3FB5]  }
0x2f: {  	lr =	sadd.s32 s0, s3;
	s0 =	sld [smem:$0x3FAC]  }
0x30: {  	s3 =	sld [smem:$0x3FAF]  }
0x31: {  	[smem:$0x3FB8] =	sst s10  }
0x32: {  	s10 =	sld [smem:$0x3FB6];
	_ =	sdelay $0x3  }
0x33: {  	p0 =	seq.s32 s10, $0x1;
	s10 =	sld [smem:$0x3FB8];
	_ =	sdelay $0x3  }
0x34: {  	[smem:$0x3FB8] =	sst s10  }
0x35: {  	s10 =	sld [smem:$0x3FB7];
	_ =	sdelay $0x3  }
0x36: {  	p1 =	seq.s32 s10, $0x1;
	s10 =	sld [smem:$0x3FB8];
	_ =	sdelay $0x3  }
0x37: {  	[smem:$0x3FB8] =	sst s10  }
0x38: {  	s10 =	sld [smem:$0x3FB9]  }
0x39: {  	_ = 	snop;
	(pc) =	sbr.ind lr, $3  }
0x3a: {  	_ = 	snop  }
0x3b: {  	_ = 	snop  }
0x3c: {  	p2 =	seq.s32 s10, $0x1;
	s10 =	sld [smem:$0x3FB8]  }
0x3d: {  	_ =	shalt  }
0x3e: {  	_ =	shalt  }
0x3f: {  	_ =	shalt  }
0x40: {  	_ =	shalt  }
0x41: {  	_ =	shalt  }
0x42: {  	_ =	shalt  }
0x43: {  	_ =	shalt  }
0x44: {  	_ =	shalt  }
0x45: {  	_ =	shalt  }
0x46: {  	_ =	shalt  }
0x47: {  	_ =	shalt  }
0x48: {  	_ =	shalt  }
0x49: {  	_ =	shalt  }
0x4a: {  	_ =	shalt  }
0x4b: {  	_ =	shalt  }
0x4c: {  	_ =	shalt  }
0x4d: {  	_ =	shalt  }
0x4e: {  	_ =	shalt  }
0x4f: {  	_ =	shalt  }
0x50: {  	_ =	shalt  }
0x51: {  	_ =	shalt  }
0x52: {  	_ =	shalt  }
0x53: {  	_ =	shalt  }
0x54: {  	_ =	shalt  }
0x55: {  	_ =	shalt  }
0x56: {  	_ =	shalt  }
0x57: {  	_ =	shalt  }
0x58: {  	_ =	shalt  }
0x59: {  	_ =	shalt  }
0x5a: {  	_ =	shalt  }
0x5b: {  	_ =	shalt  }
0x5c: {  	_ =	shalt  }
0x5d: {  	_ =	shalt  }
0x5e: {  	_ =	shalt  }
0x5f: {  	_ =	shalt  }
0x60: {  	_ =	shalt  }
0x61: {  	_ =	shalt  }
0x62: {  	_ =	shalt  }
0x63: {  	_ =	shalt  }
0x64: {  	_ =	shalt  }
0x65: {  	_ =	shalt  }
0x66: {  	_ =	shalt  }
0x67: {  	_ =	shalt  }
0x68: {  	_ =	shalt  }
0x69: {  	_ =	shalt  }
0x6a: {  	_ =	shalt  }
0x6b: {  	_ =	shalt  }
0x6c: {  	_ =	shalt  }
0x6d: {  	_ =	shalt  }
0x6e: {  	_ =	shalt  }
0x6f: {  	_ =	shalt  }
0x70: {  	_ =	shalt  }
0x71: {  	_ =	shalt  }
0x72: {  	_ =	shalt  }
0x73: {  	_ =	shalt  }
0x74: {  	_ =	shalt  }
0x75: {  	_ =	shalt  }
0x76: {  	_ =	shalt  }
0x77: {  	_ =	shalt  }
0x78: {  	_ =	shalt  }
0x79: {  	_ =	shalt  }
0x7a: {  	_ =	shalt  }
0x7b: {  	_ =	shalt  }
0x7c: {  	_ =	shalt  }
0x7d: {  	_ =	shalt  }
0x7e: {  	_ =	shalt  }
0x7f: {  	_ =	shalt  }
0x80: {  	_ =	shalt  }
0x81: {  	_ =	shalt  }
0x82: {  	_ =	shalt  }
0x83: {  	_ =	shalt  }
0x84: {  	_ =	shalt  }
0x85: {  	_ =	shalt  }
0x86: {  	_ =	shalt  }
0x87: {  	_ =	shalt  }
.Lfunc_end0:
.L_simem_size_0:
called_computation.3_lowered:
.L_overlay_start_0:
0x88: {  	s2 =	sld [smem:$0x3FD9]  }
0x89: {  	s3 =	sld [smem:$0x3FFE];
	_ =	sdelay $0x1  }
0x8a: {  	s1 =	srdreg.scid  }
0x8b: {  	s0 =	sand.u32 $0x1, s1  }
0x8c: {  	s17 =	sshll.u32 s0, $0xA;
	s2 =	sadd.s32 s3, s2  }
0x8d: {  	s2 =	sadd.s32 s2, s17  }
0x8e: {  	[smem:$0x3FC4] =	sst s2  }
0x8f: {  	_ = 	snop  }
0x90: {  	s2 =	sld [smem:$0x3FD0];
	(tm) =	ssettm $0x1  }
0x91: {  	s18 =	sld [smem:$0x3FFB];
	_ =	sdelay $0x3  }
0x92: {  	_ =	strace s18  }
0x93: {  	s3 =	sld [smem:$0x3FFC];
	_ =	sdelay $0x3  }
0x94: {  	_ =	strace s3  }
0x95: {  	s3 =	sld [smem:$0x3FFD];
	_ =	sdelay $0x3  }
0x96: {  	_ =	strace s3  }
0x97: {  	_ =	strace $0x8FFFFFFF  }
0x98: {  	s19 =	sld [smem:$0x3FDB];
	_ =	sdelay $0x1  }
0x99: {  	s4 =	simm.s32 $_scs_section_size  }
0x9a: {  	s5 =	simm.s32 $_size__tile_overlayer_lowered;
	s6 =	simm.s32 $_tile_overlayer_lowered  }
0x9b: {  	s22 =	simm.s32 $0x1BFF;
	s21 =	sshll.u32 s6, $0x1;
	s3 =	sadd.s32 s4, s19  }
0x9c: {  	s7 =	simm.s32 $0x0;
	s20 =	sshll.u32 s5, $0x1;
	s5 =	sadd.s32 s21, s3  }
0x9d: {  	[timem:s7], [sflag:s22] =	dma.local [hbm:s5], s20  }
0x9e: {  	_ =	swait.ge [sflag:s22], s20  }
0x9f: {  	s4 =	ssub.s32 $0x0, s20;
	[sflag:s22] =	ssyncset.done $0x0  }
0xa0: {  	[sflag:s22] =	ssyncadd.s32 s4;
	_ =	sdelay $0x1  }
0xa1: {  	s23 =	simm.s32 $0x1B8B  }
0xa2: {  	_ =	swait.ge [sflag:s23], $0x1  }
0xa3: {  	[sflag:s23] =	ssyncset.done $0x0  }
0xa4: {  	s25 =	simm.s32 $0x1B8E;
	s24 =	sld [smem:$0x3FFE];
	[sflag:s23] =	ssyncadd.s32 $0xFFFFFFFF  }
0xa5: {  	s26 =	simm.s32 $execute0_lowered;
	[smem:$0x3FD2] =	sst s25  }
0xa6: {  	s5 =	sshll.u32 s26, $0x1;
	_ =	strace $0x8000004C;
	[dreg:$0x1] =	wrdreg $0xFFFFFFFF  }
0xa7: {  	s28 =	simm.s32 $_size_execute0_lowered;
	s3 =	sadd.s32 s3, s5;
	[dreg:$0x0] =	wrdreg $0x0  }
0xa8: {  	s5 =	sshll.u32 s28, $0x1;
	[dreg:$0x2] =	wrdreg s3  }
0xa9: {  	[dreg:$0x3] =	wrdreg s5  }
0xaa: {  	[dreg:$0x4] =	wrdreg $0xC0  }
0xab: {  	_ =	task [dreg:s7], $0x5FFFF  }
0xac: {  	[dreg:$0x1] =	wrdreg $0xFFFFFFFF  }
0xad: {  	[dreg:$0x0] =	wrdreg $0x60  }
0xae: {  	[dreg:$0x2] =	wrdreg s24  }
0xaf: {  	[dreg:$0x3] =	wrdreg s2  }
0xb0: {  	[dreg:$0x4] =	wrdreg $0x9  }
0xb1: {  	_ =	task.clear_ibuf [dreg:s7], $0x5FFFF;
	_ =	strace $0x9000004C  }
0xb2: {  	s29 =	simm.s32 $0x9;
	_ =	strace $0x8000004E  }
0xb3: {  	_ =	swait.ge [sflag:s29], $0x1  }
0xb4: {  	[sflag:s29] =	ssyncadd.s32 $0xFFFFFFFF  }
0xb5: {  	_ =	strace $0x9000004E  }
0xb6: {  	_ =	sfence  }
0xb7: {  	s30 =	sld [smem:$0x0];
	_ =	sdelay $0x2  }
0xb8: {  	s31 =	sshll.u32 s1, $0xD;
	s1 =	sshrl.u32 s1, $0x2  }
0xb9: {  	s3 =	sand.u32 $0x4000, s31;
	s1 =	sadd.s32 s1, s30  }
0xba: {  	s0 =	sor.u32 s3, s0;
	s1 =	sshll.u32 s1, $0x11  }
0xbb: {  	s0 =	sor.u32 s1, s0  }
0xbc: {  	s0 =	sadd.s32 $0x8F2B, s0  }
0xbd: {  	[sflag:s0] =	ssyncadd.remote.s32 $0x1  }
0xbe: {  	_ =	sfence.sel $0xFFFF  }
0xbf: {  	[dreg:$0x0] =	wrdreg $0xFFFFFFFF;
	(pc) =	sbr.abs _section_cstart, $3  }
0xc0: {  	[dreg:$0x1] =	wrdreg $0xFFFFFFFF  }
0xc1: {  	_ =	task.clear_ibuf [dreg:s7], $0x2FFFF;
	_ =	strace $0x9FFFFFFF  }
0xc2: {  	(tm) =	ssettm $0x7FFFFFFF  }
0xc3: {  	_ =	shalt  }
tec
execute0_lowered:
.L_overlay_start_1:
0x0: {  	(tag) =	ssettag $0x1  }
0x1: {  	s0 =	srdreg.scid;
	s1 =	stileid.u32  }
0x2: {  	s0 =	sand.u32 $0x1, s0;
	s1 =	sshll.u32 s1, $0x1  }
0x3: {  	s1 =	sor.u32 s0, s1  }
0x4: {  	s1 =	smul.u32 $0x1900, s1  }
0x5: {  	v0 =	vlaneseq.u32  }
0x6: {  	v1 =	vor.u32 s1, v0  }
0x7: {  	s2 =	sor.u32 $0x10, s1;
	v2 =	vmulhi.u32 $0x51EB851F, v1  }
0x8: {  	s12 =	sor.u32 $0x20, s1;
	s14 =	sor.u32 $0x40, s1;
	v3 =	vor.u32 s2, v0  }
0x9: {  	s15 =	sor.u32 $0x50, s1;
	v5 =	vor.u32 s12, v0;
	v8 =	vor.u32 s14, v0;
	v2 =	vshrl.u32 v2, $0x6  }
0xa: {  	s16 =	sor.u32 $0x60, s1;
	s17 =	sor.u32 $0x70, s1;
	v9 =	vor.u32 s15, v0;
	v4 =	vmulhi.u32 $0x51EB851F, v3;
	v2 =	vmul.u32 $0xC8, v2  }
0xb: {  	v10 =	vor.u32 s16, v0;
	v12 =	vor.u32 s17, v0;
	v6 =	vmulhi.u32 $0x51EB851F, v5  }
0xc: {  	s13 =	sor.u32 $0x30, s1;
	v11 =	vmulhi.u32 $0x51EB851F, v10;
	v1 =	vsub.s32 v1, v2;
	v2 =	vshrl.u32 v4, $0x6  }
0xd: {  	s18 =	sor.u32 $0x80, s1;
	v4 =	vshrl.u32 v6, $0x6;
	v6 =	vor.u32 s13, v0;
	v2 =	vmul.u32 $0xC8, v2  }
0xe: {  	s3 =	sor.u32 $0xB0, s1;
	v14 =	vor.u32 s18, v0;
	v4 =	vmul.u32 $0xC8, v4;
	v7 =	vmulhi.u32 $0x51EB851F, v6  }
0xf: {  	s20 =	sor.u32 $0xC0, s1;
	v15 =	vor.u32 s3, v0;
	v2 =	vsub.s32 v3, v2;
	v3 =	vmulhi.u32 $0x51EB851F, v8  }
0x10: {  	v16 =	vor.u32 s20, v0;
	v4 =	vsub.s32 v5, v4;
	v5 =	vmulhi.u32 $0x51EB851F, v9  }
0x11: {  	v11 =	vshrl.u32 v11, $0x6;
	v7 =	vshrl.u32 v7, $0x6;
	v3 =	vshrl.u32 v3, $0x6  }
0x12: {  	v7 =	vmul.u32 $0xC8, v7;
	v5 =	vshrl.u32 v5, $0x6;
	v3 =	vmul.u32 $0xC8, v3  }
0x13: {  	v13 =	vmulhi.u32 $0x51EB851F, v12;
	v11 =	vmul.u32 $0xC8, v11;
	v5 =	vmul.u32 $0xC8, v5  }
0x14: {  	v6 =	vsub.s32 v6, v7;
	v7 =	vsub.s32 v8, v3;
	v3 =	vmulhi.u32 $0x51EB851F, v14  }
0x15: {  	s19 =	sor.u32 $0x90, s1;
	v8 =	vsub.s32 v9, v5;
	v9 =	vsub.s32 v10, v11;
	v5 =	vshrl.u32 v13, $0x6  }
0x16: {  	s2 =	sor.u32 $0xA0, s1;
	v10 =	vor.u32 s19, v0;
	v5 =	vmul.u32 $0xC8, v5;
	v3 =	vshrl.u32 v3, $0x6  }
0x17: {  	s7 =	sor.u32 $0xF0, s1;
	v13 =	vor.u32 s2, v0;
	v11 =	vmulhi.u32 $0x51EB851F, v10;
	v3 =	vmul.u32 $0xC8, v3  }
0x18: {  	v19 =	vor.u32 s7, v0;
	v12 =	vsub.s32 v12, v5;
	v5 =	vmulhi.u32 $0x51EB851F, v13  }
0x19: {  	v14 =	vsub.s32 v14, v3;
	v3 =	vshrl.u32 v11, $0x6;
	v11 =	vmulhi.u32 $0x51EB851F, v15  }
0x1a: {  	v17 =	vmulhi.u32 $0x51EB851F, v16;
	v5 =	vshrl.u32 v5, $0x6;
	v3 =	vmul.u32 $0xC8, v3  }
0x1b: {  	s5 =	sor.u32 $0xD0, s1;
	v20 =	vmulhi.u32 $0x51EB851F, v19;
	v5 =	vmul.u32 $0xC8, v5;
	v11 =	vshrl.u32 v11, $0x6  }
0x1c: {  	v10 =	vsub.s32 v10, v3;
	v3 =	vmul.u32 $0xC8, v11;
	v11 =	vor.u32 s5, v0  }
0x1d: {  	s6 =	sor.u32 $0xE0, s1;
	v13 =	vsub.s32 v13, v5;
	v5 =	vshrl.u32 v17, $0x6;
	v17 =	vmulhi.u32 $0x51EB851F, v11  }
0x1e: {  	v15 =	vsub.s32 v15, v3;
	v3 =	vmul.u32 $0xC8, v5;
	v5 =	vor.u32 s6, v0  }
0x1f: {  	s9 =	sadd.s32 $0x100, s1;
	v17 =	vshrl.u32 v17, $0x6;
	v18 =	vmulhi.u32 $0x51EB851F, v5  }
0x20: {  	v21 =	vor.u32 s9, v0;
	v20 =	vshrl.u32 v20, $0x6;
	v17 =	vmul.u32 $0xC8, v17  }
0x21: {  	s21 =	rddreg [dreg:$0x0];
	s12 =	sadd.s32 $0x110, s1;
	v20 =	vmul.u32 $0xC8, v20;
	v16 =	vsub.s32 v16, v3;
	v3 =	vshrl.u32 v18, $0x6  }
0x22: {  	s4 =	rddreg [dreg:$0x1];
	v18 =	vmulhi.u32 $0x51EB851F, v21;
	v17 =	vsub.s32 v11, v17;
	v11 =	vor.u32 s12, v0  }
0x23: {  	s30 =	simm.s32 $0x113C0;
	s0 =	ssub.s32 $0x2, s0;
	s25 =	sadd.s32 $0x120, s1;
	v3 =	vmul.u32 $0xC8, v3;
	v22 =	vmulhi.u32 $0x51EB851F, v11  }
0x24: {  	s31 =	simm.s32 $0xCBA0;
	s8 =	sadd.s32 $0x1800, s21;
	s11 =	sshrl.u32 s0, $0x1;
	v23 =	vor.u32 s25, v0;
	v19 =	vsub.s32 v19, v20;
	v18 =	vshrl.u32 v18, $0x6  }
0x25: {  	s10 =	sadd.s32 $0x16F1800, s21;
	s0 =	ssub.s32 s0, s11;
	s11 =	simm.s32 $0x15BC0;
	v24 =	vsub.s32 v5, v3;
	v5 =	vmulhi.u32 $0x51EB851F, v23;
	v3 =	vshrl.u32 v22, $0x6  }
0x26: {  	s22 =	sshrl.u32 s1, $0x3;
	s29 =	sadd.s32 $0x130, s1;
	s0 =	smax.u32 s0, $0x1;
	v1 =	vmul.u32 $0x3, v1;
	v18 =	vmul.u32 $0xC8, v18;
	v3 =	vmul.u32 $0xC8, v3  }
0x27: {  	s7 =	sadd.s32 $0x16E5000, s21;
	s9 =	sadd.s32 $0x3D2000, s21;
	s15 =	sadd.s32 $0x140, s1;
	v2 =	vmul.u32 $0x3, v2;
	v10 =	vmul.u32 $0x3, v10;
	v5 =	vshrl.u32 v5, $0x6  }
0x28: {  	s16 =	sadd.s32 $0x1E0, s1;
	s18 =	simm.s32 $0x5;
	s20 =	simm.s32 $0x80;
	v18 =	vsub.s32 v21, v18;
	v20 =	vsub.s32 v11, v3;
	v11 =	vmul.u32 $0xC8, v5  }
0x29: {  	s25 =	simm.s32 $0x20;
	s14 =	simm.s32 $0x16BC0;
	s17 =	simm.s32 $0x4;
	v21 =	vor.u32 s29, v0;
	v3 =	vmul.u32 $0x3, v4;
	v4 =	vmul.u32 $0x3, v6  }
0x2a: {  	s24 =	sshrl.u32 s2, $0x3;
	s3 =	sadd.s32 s7, s22;
	s5 =	simm.s32 $0x0;
	v5 =	vmul.u32 $0x3, v7;
	v22 =	vsub.s32 v23, v11;
	v23 =	vmulhi.u32 $0x51EB851F, v21  }
0x2b: {  	s28 =	sadd.s32 s7, s24;
	s13 =	simm.s32 $0x2;
	[smem:$0x7FF] =	sst s5;
	v6 =	vmul.u32 $0x3, v8;
	v7 =	vmul.u32 $0x3, v9;
	v8 =	vmul.u32 $0x3, v12  }
.Ltmp0:
0x2c: {  	_ =	strace $0x8000004D;
	[dreg:$0x4] =	wrdreg s3;
	v9 =	vmul.u32 $0x3, v14;
	v12 =	vmul.u32 $0x3, v15;
	v14 =	vshrl.u32 v23, $0x6;
	(pc) =	sbr.rel .LBB2_1-.Ltmp0, $4  }
0x2d: {  	s19 =	simm.s32 $0x1;
	s6 =	sadd.s32 $0x16EB400, s21;
	[dreg:$0x6] =	wrdreg s28;
	v15 =	vmul.u32 $0x3, v24;
	v11 =	vmul.u32 $0x3, v13;
	v23 =	vmul.u32 $0xC8, v14  }
0x2e: {  	[dreg:$0x7] =	wrdreg s0;
	s3 =	simm.s32 $0xC9E0;
	s23 =	sadd.s32 s6, s22;
	v13 =	vmul.u32 $0x3, v16;
	v16 =	vmul.u32 $0x3, v19;
	v14 =	vmul.u32 $0x3, v17  }
0x2f: {  	s0 =	simm.s32 $0xCB20;
	s26 =	sadd.s32 s6, s24;
	[dreg:$0x3] =	wrdreg s23;
	v17 =	vmul.u32 $0x3, v18;
	v18 =	vmul.u32 $0x3, v20;
	v20 =	vsub.s32 v21, v23  }
0x30: {  	s22 =	simm.s32 $0x0;
	[dreg:$0x5] =	wrdreg s26;
	s12 =	simm.s32 $0xA1E0;
	v19 =	vmul.u32 $0x3, v22;
	v21 =	vimm.s32 $0x0;
	v20 =	vmul.u32 $0x3, v20  }
.LBB2_8:
0x31: {  	s21 =	simm.s32 $0x3  }
0x32: {  	_ =	swait.ge [sflag:s21], $0x2800  }
0x33: {  	[sflag:s21] =	ssyncset.done $0x0  }
0x34: {  	[sflag:s21] =	ssyncadd.s32 $0xFFFFD800  }
0x35: {  	_ =	swait.ge [sflag:s17], $0x2800  }
0x36: {  	s22 =	rddreg [dreg:$0x8]  }
0x37: {  	s29 =	rddreg [dreg:$0x7];
	s22 =	sadd.s32 $0x1, s22  }
0x38: {  	p0 =	sne.s32 s22, s29  }
.Ltmp1:
0x39: {  	_ = 	snop;
	(pc) =	sbr.rel @!p0 .LBB2_9-.Ltmp1, $3  }
0x3a: {  	_ =	sdelay $0x1  }
0x3b: {  	[sflag:s17] =	ssyncset.done $0x0  }
0x3c: {  	[sflag:s17] =	ssyncadd.s32 $0xFFFFD800  }
.LBB2_1:
0x3d: {  	[dreg:$0x8] =	wrdreg s22  }
0x3e: {  	s21 =	rddreg [dreg:$0x3]  }
0x3f: {  	[tilespmem:s5], [sflag:$0x5] =	stream.linear.gather [hbm4b:s21+s5], $0xA0, $0x38;
	[tilespmem:$0x193C0] =	vst v63  }
0x40: {  	_ =	swait.ge [sflag:s18], $0xA0  }
0x41: {  	[sflag:s18] =	ssyncset.done $0x0  }
0x42: {  	s26 =	simm.s32 $0x140;
	s24 =	rddreg [dreg:$0x4];
	[sflag:s18] =	ssyncadd.s32 $0xFFFFFF60  }
0x43: {  	[tilespmem:s26], [sflag:$0x5] =	stream.linear.gather [hbm4b:s24+s5], $0xA0, $0x38;
	[tilespmem:$0x193C0] =	vst v63  }
0x44: {  	_ =	swait.ge [sflag:s18], $0xA0  }
0x45: {  	[sflag:s18] =	ssyncset.done $0x0  }
0x46: {  	[sflag:s18] =	ssyncadd.s32 $0xFFFFFF60  }
0x47: {  	v22 =	vld [tilespmem:$0x0]  }
0x48: {  	v23 =	vld [tilespmem:$0x140];
	_ =	sdelay $0x1  }
0x49: {  	v24 =	vld [tilespmem:$0x10]  }
0x4a: {  	v25 =	vld [tilespmem:$0x150]  }
0x4b: {  	vm0 =	vgt.s32 v22, $0x7A0FF;
	v26 =	vadd.s32 $0xFFF85F00, v22  }
0x4c: {  	v27 =	vld [tilespmem:$0x20];
	v23 =	vadd.s32 v1, v23;
	v22 =	vsel vm0, $0x7A0FF, v22;
	vm1 =	vgt.s32 v26, $0x0  }
0x4d: {  	v42 =	vld [tilespmem:$0x160];
	v28 =	vsel vm0, $0x1, v21;
	v23 =	vshll.u32 v23, $0x1;
	[tilespmem:$0x0] =	vst v22;
	v22 =	vnsel vm1, $0x0, v26  }
0x4e: {  	vm14 =	vgt.s32 v24, $0x7A0FF;
	[tilespmem:$0xA0] =	vst v22;
	v22 =	vor.u32 v28, v23;
	v23 =	vadd.s32 $0xFFF85F00, v24  }
0x4f: {  	v44 =	vld [tilespmem:$0x30];
	v43 =	vadd.s32 v2, v25;
	[tilespmem:$0x140] =	vst v22;
	v22 =	vsel vm14, $0x7A0FF, v24;
	vm15 =	vgt.s32 v23, $0x0  }
0x50: {  	v46 =	vld [tilespmem:$0x170];
	v45 =	vsel vm14, $0x1, v21;
	[tilespmem:$0x10] =	vst v22;
	v22 =	vnsel vm15, $0x0, v23;
	v23 =	vshll.u32 v43, $0x1  }
0x51: {  	vm4 =	vgt.s32 v27, $0x7A0FF;
	[tilespmem:$0xB0] =	vst v22;
	v22 =	vor.u32 v45, v23;
	v23 =	vadd.s32 $0xFFF85F00, v27  }
0x52: {  	v47 =	vld [tilespmem:$0x40];
	v26 =	vadd.s32 v3, v42;
	[tilespmem:$0x150] =	vst v22;
	v22 =	vsel vm4, $0x7A0FF, v27;
	vm5 =	vgt.s32 v23, $0x0  }
0x53: {  	v49 =	vld [tilespmem:$0x180];
	v48 =	vsel vm4, $0x1, v21;
	[tilespmem:$0x20] =	vst v22;
	v22 =	vnsel vm5, $0x0, v23;
	v23 =	vshll.u32 v26, $0x1  }
0x54: {  	vm6 =	vgt.s32 v44, $0x7A0FF;
	[tilespmem:$0xC0] =	vst v22;
	v22 =	vor.u32 v48, v23;
	v23 =	vadd.s32 $0xFFF85F00, v44  }
0x55: {  	v50 =	vld [tilespmem:$0x50];
	v24 =	vadd.s32 v4, v46;
	[tilespmem:$0x160] =	vst v22;
	v22 =	vsel vm6, $0x7A0FF, v44;
	vm7 =	vgt.s32 v23, $0x0  }
0x56: {  	v52 =	vld [tilespmem:$0x190];
	v51 =	vsel vm6, $0x1, v21;
	[tilespmem:$0x30] =	vst v22;
	v22 =	vnsel vm7, $0x0, v23;
	v23 =	vshll.u32 v24, $0x1  }
0x57: {  	vm8 =	vgt.s32 v47, $0x7A0FF;
	[tilespmem:$0xD0] =	vst v22;
	v22 =	vor.u32 v51, v23;
	v23 =	vadd.s32 $0xFFF85F00, v47  }
0x58: {  	v53 =	vld [tilespmem:$0x60];
	v26 =	vadd.s32 v5, v49;
	[tilespmem:$0x170] =	vst v22;
	v22 =	vsel vm8, $0x7A0FF, v47;
	vm9 =	vgt.s32 v23, $0x0  }
0x59: {  	v55 =	vld [tilespmem:$0x1A0];
	v54 =	vsel vm8, $0x1, v21;
	[tilespmem:$0x40] =	vst v22;
	v22 =	vnsel vm9, $0x0, v23;
	v23 =	vshll.u32 v26, $0x1  }
0x5a: {  	vm10 =	vgt.s32 v50, $0x7A0FF;
	[tilespmem:$0xE0] =	vst v22;
	v22 =	vor.u32 v54, v23;
	v23 =	vadd.s32 $0xFFF85F00, v50  }
0x5b: {  	v56 =	vld [tilespmem:$0x70];
	v24 =	vadd.s32 v6, v52;
	[tilespmem:$0x180] =	vst v22;
	v22 =	vsel vm10, $0x7A0FF, v50;
	vm11 =	vgt.s32 v23, $0x0  }
0x5c: {  	v58 =	vld [tilespmem:$0x1B0];
	v57 =	vsel vm10, $0x1, v21;
	[tilespmem:$0x50] =	vst v22;
	v22 =	vnsel vm11, $0x0, v23;
	v23 =	vshll.u32 v24, $0x1  }
0x5d: {  	vm12 =	vgt.s32 v53, $0x7A0FF;
	[tilespmem:$0xF0] =	vst v22;
	v22 =	vor.u32 v57, v23;
	v23 =	vadd.s32 $0xFFF85F00, v53  }
0x5e: {  	v59 =	vld [tilespmem:$0x80];
	v26 =	vadd.s32 v7, v55;
	[tilespmem:$0x190] =	vst v22;
	v22 =	vsel vm12, $0x7A0FF, v53;
	vm13 =	vgt.s32 v23, $0x0  }
0x5f: {  	v61 =	vld [tilespmem:$0x1C0];
	v60 =	vsel vm12, $0x1, v21;
	[tilespmem:$0x60] =	vst v22;
	v22 =	vnsel vm13, $0x0, v23;
	v23 =	vshll.u32 v26, $0x1  }
0x60: {  	vm14 =	vgt.s32 v56, $0x7A0FF;
	[tilespmem:$0x100] =	vst v22;
	v22 =	vor.u32 v60, v23;
	v23 =	vadd.s32 $0xFFF85F00, v56  }
0x61: {  	v62 =	vld [tilespmem:$0x90];
	v24 =	vadd.s32 v8, v58;
	[tilespmem:$0x1A0] =	vst v22;
	v22 =	vsel vm14, $0x7A0FF, v56;
	vm15 =	vgt.s32 v23, $0x0  }
0x62: {  	v32 =	vld [tilespmem:$0x1D0];
	v63 =	vsel vm14, $0x1, v21;
	[tilespmem:$0x70] =	vst v22;
	v22 =	vnsel vm15, $0x0, v23;
	v23 =	vshll.u32 v24, $0x1  }
0x63: {  	vm4 =	vgt.s32 v59, $0x7A0FF;
	[tilespmem:$0x110] =	vst v22;
	v22 =	vor.u32 v63, v23;
	v23 =	vadd.s32 $0xFFF85F00, v59  }
0x64: {  	v26 =	vadd.s32 v9, v61;
	[tilespmem:$0x1B0] =	vst v22;
	v22 =	vsel vm4, $0x7A0FF, v59;
	vm5 =	vgt.s32 v23, $0x0  }
0x65: {  	v33 =	vsel vm4, $0x1, v21;
	[tilespmem:$0x80] =	vst v22;
	v22 =	vnsel vm5, $0x0, v23;
	v23 =	vshll.u32 v26, $0x1  }
0x66: {  	vm6 =	vgt.s32 v62, $0x7A0FF;
	[tilespmem:$0x120] =	vst v22;
	v22 =	vor.u32 v33, v23;
	v23 =	vadd.s32 $0xFFF85F00, v62  }
0x67: {  	v24 =	vadd.s32 v10, v32;
	[tilespmem:$0x1C0] =	vst v22;
	v22 =	vsel vm6, $0x7A0FF, v62;
	vm7 =	vgt.s32 v23, $0x0  }
0x68: {  	v34 =	vsel vm6, $0x1, v21;
	[tilespmem:$0x90] =	vst v22;
	v22 =	vnsel vm7, $0x0, v23;
	v23 =	vshll.u32 v24, $0x1  }
0x69: {  	[tilespmem:$0x130] =	vst v22;
	v22 =	vor.u32 v34, v23  }
0x6a: {  	s28 =	simm.s32 $0x1E0;
	[tilespmem:$0x1D0] =	vst v22  }
0x6b: {  	[tilespmem:s28], [sflag:$0x1] =	stream.indirect.gather [hbm4b:s8+s20], $0x40, s5, s20, $0xb8;
	[tilespmem:$0x193C0] =	vst v63  }
0x6c: {  	s29 =	simm.s32 $0xA0;
	s23 =	simm.s32 $0x29E0  }
0x6d: {  	[tilespmem:s23], [sflag:$0x1] =	stream.indirect.gather [hbm4b:s9+s20], $0x40, s29, s20, $0xb8;
	[tilespmem:$0x193C0] =	vst v63  }
0x6e: {  	s24 =	simm.s32 $0x51E0  }
0x6f: {  	[tilespmem:s24], [sflag:$0x1] =	stream.indirect.gather [hbm4b:s10+s20], $0x80, s26, s20, $0xb8;
	[tilespmem:$0x193C0] =	vst v63  }
0x70: {  	s26 =	simm.s32 $0x21E0  }
0x71: {  	[tilespmem:s26], [sflag:$0x1] =	stream.indirect.gather [hbm4b:s8+s25], $0x40, s20, s25, $0xb8;
	[tilespmem:$0x193C0] =	vst v63  }
0x72: {  	s28 =	simm.s32 $0x120;
	s29 =	simm.s32 $0x49E0  }
0x73: {  	[tilespmem:s29], [sflag:$0x1] =	stream.indirect.gather [hbm4b:s9+s25], $0x40, s28, s25, $0xb8;
	[tilespmem:$0x193C0] =	vst v63  }
0x74: {  	s23 =	simm.s32 $0x1C0;
	s24 =	simm.s32 $0x91E0  }
0x75: {  	[tilespmem:s24], [sflag:$0x1] =	stream.indirect.gather [hbm4b:s10+s25], $0x80, s23, s25, $0xb8;
	[tilespmem:$0x193C0] =	vst v63  }
0x76: {  	s26 =	rddreg [dreg:$0x5]  }
0x77: {  	[tilespmem:s3], [sflag:$0x5] =	stream.linear.gather [hbm4b:s26+s5], $0xA0, $0x38;
	[tilespmem:$0x193C0] =	vst v63  }
0x78: {  	_ =	swait.ge [sflag:s18], $0xA0  }
0x79: {  	[sflag:s18] =	ssyncset.done $0x0  }
0x7a: {  	s28 =	rddreg [dreg:$0x6];
	[sflag:s18] =	ssyncadd.s32 $0xFFFFFF60  }
0x7b: {  	[tilespmem:s0], [sflag:$0x5] =	stream.linear.gather [hbm4b:s28+s5], $0xA0, $0x38;
	[tilespmem:$0x193C0] =	vst v63  }
0x7c: {  	_ =	swait.ge [sflag:s18], $0xA0  }
0x7d: {  	[sflag:s18] =	ssyncset.done $0x0  }
0x7e: {  	[sflag:s18] =	ssyncadd.s32 $0xFFFFFF60  }
0x7f: {  	v22 =	vld [tilespmem:$0xC9E0]  }
0x80: {  	v23 =	vld [tilespmem:$0xCB20];
	_ =	sdelay $0x1  }
0x81: {  	v35 =	vld [tilespmem:$0xC9F0]  }
0x82: {  	v36 =	vld [tilespmem:$0xCB30]  }
0x83: {  	vm8 =	vgt.s32 v22, $0x7A0FF;
	v37 =	vadd.s32 $0xFFF85F00, v22  }
0x84: {  	v38 =	vld [tilespmem:$0xCA00];
	v23 =	vadd.s32 v11, v23;
	v22 =	vsel vm8, $0x7A0FF, v22;
	vm9 =	vgt.s32 v37, $0x0  }
0x85: {  	v40 =	vld [tilespmem:$0xCB40];
	v39 =	vsel vm8, $0x1, v21;
	v23 =	vshll.u32 v23, $0x1;
	[tilespmem:$0xC9E0] =	vst v22;
	v22 =	vnsel vm9, $0x0, v37  }
0x86: {  	vm10 =	vgt.s32 v35, $0x7A0FF;
	[tilespmem:$0xCA80] =	vst v22;
	v22 =	vor.u32 v39, v23;
	v23 =	vadd.s32 $0xFFF85F00, v35  }
0x87: {  	v42 =	vld [tilespmem:$0xCA10];
	v41 =	vadd.s32 v12, v36;
	[tilespmem:$0xCB20] =	vst v22;
	v22 =	vsel vm10, $0x7A0FF, v35;
	vm11 =	vgt.s32 v23, $0x0  }
0x88: {  	v44 =	vld [tilespmem:$0xCB50];
	v43 =	vsel vm10, $0x1, v21;
	[tilespmem:$0xC9F0] =	vst v22;
	v22 =	vnsel vm11, $0x0, v23;
	v23 =	vshll.u32 v41, $0x1  }
0x89: {  	vm12 =	vgt.s32 v38, $0x7A0FF;
	[tilespmem:$0xCA90] =	vst v22;
	v22 =	vor.u32 v43, v23;
	v23 =	vadd.s32 $0xFFF85F00, v38  }
0x8a: {  	v45 =	vld [tilespmem:$0xCA20];
	v26 =	vadd.s32 v13, v40;
	[tilespmem:$0xCB30] =	vst v22;
	v22 =	vsel vm12, $0x7A0FF, v38;
	vm13 =	vgt.s32 v23, $0x0  }
0x8b: {  	v47 =	vld [tilespmem:$0xCB60];
	v46 =	vsel vm12, $0x1, v21;
	[tilespmem:$0xCA00] =	vst v22;
	v22 =	vnsel vm13, $0x0, v23;
	v23 =	vshll.u32 v26, $0x1  }
0x8c: {  	vm14 =	vgt.s32 v42, $0x7A0FF;
	[tilespmem:$0xCAA0] =	vst v22;
	v22 =	vor.u32 v46, v23;
	v23 =	vadd.s32 $0xFFF85F00, v42  }
0x8d: {  	v48 =	vld [tilespmem:$0xCA30];
	v24 =	vadd.s32 v14, v44;
	[tilespmem:$0xCB40] =	vst v22;
	v22 =	vsel vm14, $0x7A0FF, v42;
	vm15 =	vgt.s32 v23, $0x0  }
0x8e: {  	v50 =	vld [tilespmem:$0xCB70];
	v49 =	vsel vm14, $0x1, v21;
	[tilespmem:$0xCA10] =	vst v22;
	v22 =	vnsel vm15, $0x0, v23;
	v23 =	vshll.u32 v24, $0x1  }
0x8f: {  	vm4 =	vgt.s32 v45, $0x7A0FF;
	[tilespmem:$0xCAB0] =	vst v22;
	v22 =	vor.u32 v49, v23;
	v23 =	vadd.s32 $0xFFF85F00, v45  }
0x90: {  	v51 =	vld [tilespmem:$0xCA40];
	v26 =	vadd.s32 v15, v47;
	[tilespmem:$0xCB50] =	vst v22;
	v22 =	vsel vm4, $0x7A0FF, v45;
	vm5 =	vgt.s32 v23, $0x0  }
0x91: {  	v53 =	vld [tilespmem:$0xCB80];
	v52 =	vsel vm4, $0x1, v21;
	[tilespmem:$0xCA20] =	vst v22;
	v22 =	vnsel vm5, $0x0, v23;
	v23 =	vshll.u32 v26, $0x1  }
0x92: {  	vm6 =	vgt.s32 v48, $0x7A0FF;
	[tilespmem:$0xCAC0] =	vst v22;
	v22 =	vor.u32 v52, v23;
	v23 =	vadd.s32 $0xFFF85F00, v48  }
0x93: {  	v54 =	vld [tilespmem:$0xCA50];
	v24 =	vadd.s32 v16, v50;
	[tilespmem:$0xCB60] =	vst v22;
	v22 =	vsel vm6, $0x7A0FF, v48;
	vm7 =	vgt.s32 v23, $0x0  }
0x94: {  	v56 =	vld [tilespmem:$0xCB90];
	v55 =	vsel vm6, $0x1, v21;
	[tilespmem:$0xCA30] =	vst v22;
	v22 =	vnsel vm7, $0x0, v23;
	v23 =	vshll.u32 v24, $0x1  }
0x95: {  	vm8 =	vgt.s32 v51, $0x7A0FF;
	[tilespmem:$0xCAD0] =	vst v22;
	v22 =	vor.u32 v55, v23;
	v23 =	vadd.s32 $0xFFF85F00, v51  }
0x96: {  	v57 =	vld [tilespmem:$0xCA60];
	v26 =	vadd.s32 v17, v53;
	[tilespmem:$0xCB70] =	vst v22;
	v22 =	vsel vm8, $0x7A0FF, v51;
	vm9 =	vgt.s32 v23, $0x0  }
0x97: {  	v59 =	vld [tilespmem:$0xCBA0];
	v58 =	vsel vm8, $0x1, v21;
	[tilespmem:$0xCA40] =	vst v22;
	v22 =	vnsel vm9, $0x0, v23;
	v23 =	vshll.u32 v26, $0x1  }
0x98: {  	vm10 =	vgt.s32 v54, $0x7A0FF;
	[tilespmem:$0xCAE0] =	vst v22;
	v22 =	vor.u32 v58, v23;
	v23 =	vadd.s32 $0xFFF85F00, v54  }
0x99: {  	v60 =	vld [tilespmem:$0xCA70];
	v24 =	vadd.s32 v18, v56;
	[tilespmem:$0xCB80] =	vst v22;
	v22 =	vsel vm10, $0x7A0FF, v54;
	vm11 =	vgt.s32 v23, $0x0  }
0x9a: {  	v61 =	vld [tilespmem:$0xCBB0];
	v24 =	vshll.u32 v24, $0x1;
	[tilespmem:$0xCA50] =	vst v22;
	v22 =	vsel vm10, $0x1, v21;
	v23 =	vnsel vm11, $0x0, v23  }
0x9b: {  	vm12 =	vgt.s32 v57, $0x7A0FF;
	[tilespmem:$0xCAF0] =	vst v23;
	v22 =	vor.u32 v22, v24;
	v23 =	vadd.s32 $0xFFF85F00, v57  }
0x9c: {  	v62 =	vadd.s32 v19, v59;
	[tilespmem:$0xCB90] =	vst v22;
	v22 =	vsel vm12, $0x7A0FF, v57;
	vm13 =	vgt.s32 v23, $0x0  }
0x9d: {  	v24 =	vshll.u32 v62, $0x1;
	[tilespmem:$0xCA60] =	vst v22;
	v22 =	vnsel vm13, $0x0, v23;
	v23 =	vsel vm12, $0x1, v21  }
0x9e: {  	vm14 =	vgt.s32 v60, $0x7A0FF;
	[tilespmem:$0xCB00] =	vst v22;
	v22 =	vor.u32 v23, v24;
	v23 =	vadd.s32 $0xFFF85F00, v60  }
0x9f: {  	v63 =	vadd.s32 v20, v61;
	[tilespmem:$0xCBA0] =	vst v22;
	v22 =	vsel vm14, $0x7A0FF, v60;
	vm15 =	vgt.s32 v23, $0x0  }
0xa0: {  	v24 =	vshll.u32 v63, $0x1;
	v23 =	vnsel vm15, $0x0, v23;
	[tilespmem:$0xCA70] =	vst v22;
	v22 =	vsel vm14, $0x1, v21  }
0xa1: {  	[tilespmem:$0xCB10] =	vst v23;
	v22 =	vor.u32 v22, v24  }
0xa2: {  	s29 =	simm.s32 $0xCBC0;
	[tilespmem:$0xCBB0] =	vst v22  }
0xa3: {  	[tilespmem:s29], [sflag:$0x2] =	stream.indirect.gather [hbm4b:s8+s20], $0x40, s3, s20, $0xb8;
	[tilespmem:$0x193C0] =	vst v63  }
0xa4: {  	s22 =	simm.s32 $0xCA80;
	s23 =	simm.s32 $0xF3C0  }
0xa5: {  	[tilespmem:s23], [sflag:$0x2] =	stream.indirect.gather [hbm4b:s9+s20], $0x40, s22, s20, $0xb8;
	[tilespmem:$0x193C0] =	vst v63  }
0xa6: {  	s24 =	simm.s32 $0x11BC0  }
0xa7: {  	[tilespmem:s24], [sflag:$0x2] =	stream.indirect.gather [hbm4b:s10+s20], $0x80, s0, s20, $0xb8;
	[tilespmem:$0x193C0] =	vst v63  }
0xa8: {  	s26 =	simm.s32 $0xCA60;
	s28 =	simm.s32 $0xEBC0  }
0xa9: {  	[tilespmem:s28], [sflag:$0x2] =	stream.indirect.gather [hbm4b:s8+s25], $0x40, s26, s25, $0xb8;
	[tilespmem:$0x193C0] =	vst v63  }
0xaa: {  	s29 =	simm.s32 $0xCB00  }
0xab: {  	[tilespmem:s30], [sflag:$0x2] =	stream.indirect.gather [hbm4b:s9+s25], $0x40, s29, s25, $0xb8;
	[tilespmem:$0x193C0] =	vst v63  }
0xac: {  	s21 =	simm.s32 $0x0  }
0xad: {  	[tilespmem:s11], [sflag:$0x2] =	stream.indirect.gather [hbm4b:s10+s25], $0x80, s31, s25, $0xb8;
	[tilespmem:$0x193C0] =	vst v63  }
.LBB2_2:
0xae: {  	p0 =	seq.s32 s21, $0x0  }
0xaf: {  	s22 =	simm.s32 @!p0 $0x3  }
0xb0: {  	_ =	swait.ge @!p0 [sflag:s22], $0x2800  }
0xb1: {  	[sflag:s22] =	ssyncset.done @!p0 $0x0  }
0xb2: {  	[sflag:s22] =	ssyncadd.s32 @!p0 $0xFFFFD800  }
0xb3: {  	_ =	swait.ge [sflag:s19], $0x2800  }
0xb4: {  	[sflag:s19] =	ssyncset.done $0x0  }
0xb5: {  	[sflag:s19] =	ssyncadd.s32 $0xFFFFD800  }
0xb6: {  	_ =	swait.ge [sflag:s19], $0x2800  }
0xb7: {  	[sflag:s19] =	ssyncset.done $0x0  }
0xb8: {  	[sflag:s19] =	ssyncadd.s32 $0xFFFFD800  }
0xb9: {  	_ =	swait.ge [sflag:s19], $0x5000  }
0xba: {  	[sflag:s19] =	ssyncset.done $0x0  }
0xbb: {  	s23 =	simm.s32 $0x0;
	[sflag:s19] =	ssyncadd.s32 $0xFFFFB000  }
0xbc: {  	v22 =	vld [tilespmem:s23+$0x1E0]  }
0xbd: {  	s22 =	simm.s32 $0x5260;
	v23 =	vld [tilespmem:s23+$0x29E0]  }
0xbe: {  	v24 =	vld [tilespmem:s22+$0xFFFFFFC0]  }
0xbf: {  	v25 =	vld [tilespmem:s22+$0xFFFFFF80];
	_ =	sdelay $0x4  }
0xc0: {  	v22 =	vadd.f32 v25, v22;
	v23 =	vadd.f32 v24, v23;
	_ =	sdelay $0x1  }
0xc1: {  	v22 =	vmax.f32 v22, v23;
	v23 =	vld [tilespmem:s23+$0x29F0]  }
0xc2: {  	[tilespmem:s23+$0xA1E0] =	vst v22;
	v22 =	vld [tilespmem:s23+$0x1F0]  }
0xc3: {  	v52 =	vld [tilespmem:s22+$0xFFFFFF90]  }
0xc4: {  	v53 =	vld [tilespmem:s22+$0xFFFFFFD0];
	_ =	sdelay $0x4  }
0xc5: {  	v22 =	vadd.f32 v52, v22;
	v23 =	vadd.f32 v53, v23;
	_ =	sdelay $0x1  }
0xc6: {  	v22 =	vmax.f32 v22, v23;
	v23 =	vld [tilespmem:s23+$0x2A00]  }
0xc7: {  	[tilespmem:s23+$0xA1F0] =	vst v22;
	v22 =	vld [tilespmem:s23+$0x200]  }
0xc8: {  	v54 =	vld [tilespmem:s22+$0xFFFFFFA0]  }
0xc9: {  	v55 =	vld [tilespmem:s22+$0xFFFFFFE0];
	_ =	sdelay $0x4  }
0xca: {  	v22 =	vadd.f32 v54, v22;
	v23 =	vadd.f32 v55, v23;
	_ =	sdelay $0x1  }
0xcb: {  	v22 =	vmax.f32 v22, v23;
	v23 =	vld [tilespmem:s23+$0x2A10]  }
0xcc: {  	[tilespmem:s23+$0xA200] =	vst v22;
	v22 =	vld [tilespmem:s23+$0x210]  }
0xcd: {  	v56 =	vld [tilespmem:s22+$0xFFFFFFB0]  }
0xce: {  	v57 =	vld [tilespmem:s22+$0xFFFFFFF0];
	_ =	sdelay $0x4  }
0xcf: {  	v22 =	vadd.f32 v56, v22;
	v23 =	vadd.f32 v57, v23;
	_ =	sdelay $0x1  }
0xd0: {  	v22 =	vmax.f32 v22, v23;
	v23 =	vld [tilespmem:s23+$0x2A20]  }
0xd1: {  	[tilespmem:s23+$0xA210] =	vst v22;
	v22 =	vld [tilespmem:s23+$0x220]  }
0xd2: {  	v58 =	vld [tilespmem:s22+$0x0]  }
0xd3: {  	v59 =	vld [tilespmem:s22+$0x40];
	_ =	sdelay $0x4  }
0xd4: {  	v22 =	vadd.f32 v58, v22;
	v23 =	vadd.f32 v59, v23;
	_ =	sdelay $0x1  }
0xd5: {  	v22 =	vmax.f32 v22, v23;
	v23 =	vld [tilespmem:s23+$0x2A30]  }
0xd6: {  	[tilespmem:s23+$0xA220] =	vst v22;
	v22 =	vld [tilespmem:s23+$0x230]  }
0xd7: {  	v60 =	vld [tilespmem:s22+$0x10]  }
0xd8: {  	v61 =	vld [tilespmem:s22+$0x50];
	_ =	sdelay $0x4  }
0xd9: {  	v22 =	vadd.f32 v60, v22;
	v23 =	vadd.f32 v61, v23;
	_ =	sdelay $0x1  }
0xda: {  	v22 =	vmax.f32 v22, v23;
	v23 =	vld [tilespmem:s23+$0x240]  }
0xdb: {  	[tilespmem:s23+$0xA230] =	vst v22;
	v22 =	vld [tilespmem:s23+$0x2A40]  }
0xdc: {  	v62 =	vld [tilespmem:s22+$0x60]  }
0xdd: {  	v63 =	vld [tilespmem:s22+$0x20];
	_ =	sdelay $0x4  }
0xde: {  	v22 =	vadd.f32 v62, v22;
	v23 =	vadd.f32 v63, v23;
	_ =	sdelay $0x1  }
0xdf: {  	s26 =	simm.s32 $0x200;
	s24 =	simm.s32 $0x5260;
	v23 =	vmax.f32 v23, v22;
	v22 =	vld [tilespmem:s23+$0x2A50]  }
.LBB2_3:
0xe0: {  	p0 =	sne.s32 s26, $0x9E00  }
0xe1: {  	[tilespmem:s23+$0xA240] =	vst v23;
	v23 =	vld [tilespmem:s23+$0x250];
	s22 =	sadd.s32 $0x100, s22;
	s28 =	smov.u32 s26;
	s26 =	sadd.s32 $0x200, s26  }
0xe2: {  	v24 =	vld [tilespmem:s24+$0x30]  }
0xe3: {  	v25 =	vld [tilespmem:s24+$0x70];
	s24 =	smov.u32 s22;
	_ =	sdelay $0x4  }
0xe4: {  	v23 =	vadd.f32 v24, v23;
	v22 =	vadd.f32 v25, v22  }
0xe5: {  	s28 =	sshra.s32 s28, $0x2  }
0xe6: {  	v24 =	vld [tilespmem:s28+$0x1E0];
	v22 =	vmax.f32 v23, v22  }
0xe7: {  	v23 =	vld [tilespmem:s28+$0x29E0];
	[tilespmem:s23+$0xA250] =	vst v22;
	s23 =	smov.u32 s28  }
0xe8: {  	v22 =	vld [tilespmem:s22+$0xFFFFFFC0]  }
0xe9: {  	v25 =	vld [tilespmem:s22+$0xFFFFFF80];
	_ =	sdelay $0x4  }
0xea: {  	v22 =	vadd.f32 v22, v23;
	v24 =	vadd.f32 v25, v24;
	_ =	sdelay $0x1  }
0xeb: {  	v22 =	vmax.f32 v24, v22;
	v23 =	vld [tilespmem:s23+$0x29F0]  }
0xec: {  	[tilespmem:s23+$0xA1E0] =	vst v22;
	v22 =	vld [tilespmem:s23+$0x1F0]  }
0xed: {  	v24 =	vld [tilespmem:s22+$0xFFFFFF90]  }
0xee: {  	v25 =	vld [tilespmem:s22+$0xFFFFFFD0];
	_ =	sdelay $0x4  }
0xef: {  	v22 =	vadd.f32 v24, v22;
	v23 =	vadd.f32 v25, v23;
	_ =	sdelay $0x1  }
0xf0: {  	v22 =	vmax.f32 v22, v23;
	v23 =	vld [tilespmem:s23+$0x2A00]  }
0xf1: {  	[tilespmem:s23+$0xA1F0] =	vst v22;
	v22 =	vld [tilespmem:s23+$0x200]  }
0xf2: {  	v24 =	vld [tilespmem:s22+$0xFFFFFFA0]  }
0xf3: {  	v25 =	vld [tilespmem:s22+$0xFFFFFFE0];
	_ =	sdelay $0x4  }
0xf4: {  	v22 =	vadd.f32 v24, v22;
	v23 =	vadd.f32 v25, v23;
	_ =	sdelay $0x1  }
0xf5: {  	v22 =	vmax.f32 v22, v23;
	v23 =	vld [tilespmem:s23+$0x2A10]  }
0xf6: {  	[tilespmem:s23+$0xA200] =	vst v22;
	v22 =	vld [tilespmem:s23+$0x210]  }
0xf7: {  	v24 =	vld [tilespmem:s22+$0xFFFFFFB0]  }
0xf8: {  	v25 =	vld [tilespmem:s22+$0xFFFFFFF0];
	_ =	sdelay $0x4  }
0xf9: {  	v22 =	vadd.f32 v24, v22;
	v23 =	vadd.f32 v25, v23;
	_ =	sdelay $0x1  }
0xfa: {  	v22 =	vmax.f32 v22, v23;
	v23 =	vld [tilespmem:s23+$0x2A20]  }
0xfb: {  	[tilespmem:s23+$0xA210] =	vst v22;
	v22 =	vld [tilespmem:s23+$0x220]  }
0xfc: {  	v24 =	vld [tilespmem:s22+$0x0]  }
0xfd: {  	v25 =	vld [tilespmem:s22+$0x40];
	_ =	sdelay $0x4  }
0xfe: {  	v22 =	vadd.f32 v24, v22;
	v23 =	vadd.f32 v25, v23;
	_ =	sdelay $0x1  }
0xff: {  	v22 =	vmax.f32 v22, v23;
	v23 =	vld [tilespmem:s23+$0x2A30]  }
0x100: {  	[tilespmem:s23+$0xA220] =	vst v22;
	v22 =	vld [tilespmem:s23+$0x230]  }
0x101: {  	v24 =	vld [tilespmem:s22+$0x10]  }
0x102: {  	v25 =	vld [tilespmem:s22+$0x50];
	_ =	sdelay $0x3  }
0x103: {  	v22 =	vadd.f32 v24, v22  }
0x104: {  	v23 =	vadd.f32 v25, v23;
	_ =	sdelay $0x1  }
0x105: {  	v22 =	vmax.f32 v22, v23;
	v23 =	vld [tilespmem:s23+$0x240]  }
0x106: {  	[tilespmem:s23+$0xA230] =	vst v22;
	v22 =	vld [tilespmem:s23+$0x2A40]  }
0x107: {  	v24 =	vld [tilespmem:s22+$0x60]  }
0x108: {  	v25 =	vld [tilespmem:s22+$0x20];
	_ =	sdelay $0x2  }
.Ltmp2:
0x109: {  	(pc) =	sbr.rel @p0 .LBB2_3-.Ltmp2, $3  }
0x10a: {  	v22 =	vadd.f32 v24, v22  }
0x10b: {  	v23 =	vadd.f32 v25, v23;
	_ =	sdelay $0x1  }
0x10c: {  	v23 =	vmax.f32 v23, v22;
	v22 =	vld [tilespmem:s23+$0x2A50]  }
0x10d: {  	[tilespmem:s23+$0xA240] =	vst v23;
	v23 =	vld [tilespmem:s23+$0x250]  }
0x10e: {  	v24 =	vld [tilespmem:s24+$0x30]  }
0x10f: {  	v25 =	vld [tilespmem:s24+$0x70];
	_ =	sdelay $0x3  }
0x110: {  	s22 =	smul.u32 $0x140, s21  }
0x111: {  	v23 =	vadd.f32 v24, v23;
	v22 =	vadd.f32 v25, v22  }
0x112: {  	p0 =	seq.s32 s21, $0x13;
	s26 =	sadd.s32 s1, s22  }
0x113: {  	s24 =	sshll.u32 s26, $0x3;
	s26 =	sadd.s32 @!p0 s22, s15;
	v22 =	vmax.f32 v23, v22  }
0x114: {  	s29 =	sadd.s32 s4, s24;
	s24 =	sshrl.u32 @!p0 s26, $0x3;
	[tilespmem:s23+$0xA250] =	vst v22  }
0x115: {  	[hbm4b:s29+s5] =	stream.linear.scatter [tilespmem:s12], [sflag:$0x3], $0x2800, $0x38;
	[tilespmem:$0x193C0] =	vst v63  }
0x116: {  	s28 =	sadd.s32 @!p0 s6, s24;
	s23 =	simm.s32 @!p0 $0x0  }
0x117: {  	[tilespmem:s23], [sflag:$0x5] =	stream.linear.gather @!p0 [hbm4b:s28+s23], $0xA0, $0x38;
	[tilespmem:$0x193C0] =	vst v63  }
0x118: {  	s28 =	simm.s32 @!p0 $0x5  }
0x119: {  	_ =	swait.ge @!p0 [sflag:s28], $0xA0  }
0x11a: {  	[sflag:s28] =	ssyncset.done @!p0 $0x0  }
0x11b: {  	s29 =	sadd.s32 @!p0 s7, s24;
	s24 =	simm.s32 @!p0 $0x140;
	[sflag:s28] =	ssyncadd.s32 @!p0 $0xFFFFFF60  }
0x11c: {  	v23 =	vlaneseq.u32 @!p0;
	[tilespmem:s24], [sflag:$0x5] =	stream.linear.gather @!p0 [hbm4b:s29+s23], $0xA0, $0x38;
	[tilespmem:$0x193C0] =	vst v63  }
0x11d: {  	v25 =	vor.u32 @!p0 s26, v23;
	_ =	swait.ge @!p0 [sflag:s28], $0xA0  }
0x11e: {  	v22 =	vmulhi.u32 @!p0 $0x51EB851F, v25;
	[sflag:s28] =	ssyncset.done @!p0 $0x0  }
0x11f: {  	[sflag:s28] =	ssyncadd.s32 @!p0 $0xFFFFFF60  }
0x120: {  	v22 =	vshrl.u32 @!p0 v22, $0x6;
	s28 =	sor.u32 @!p0 $0x10, s26;
	v24 =	vld @!p0 [tilespmem:$0x0]  }
0x121: {  	v26 =	vmul.u32 @!p0 $0xC8, v22;
	v27 =	vld @!p0 [tilespmem:$0x140];
	v28 =	vor.u32 @!p0 s28, v23;
	s28 =	sor.u32 @!p0 $0x20, s26  }
0x122: {  	v29 =	vmulhi.u32 @!p0 $0x51EB851F, v28;
	v32 =	vor.u32 @!p0 s28, v23  }
0x123: {  	v25 =	vsub.s32 @!p0 v25, v26;
	v33 =	vmulhi.u32 @!p0 $0x51EB851F, v32  }
0x124: {  	v22 =	vimm.s32 @!p0 $0x0;
	v25 =	vmul.u32 @!p0 $0x3, v25;
	v26 =	vld @!p0 [tilespmem:$0x10]  }
0x125: {  	v29 =	vshrl.u32 @!p0 v29, $0x6;
	v33 =	vshrl.u32 @!p0 v33, $0x6;
	vm0 =	vgt.s32 @!p0 v24, $0x7A0FF  }
0x126: {  	v31 =	vadd.s32 @!p0 $0xFFF85F00, v24;
	v25 =	vadd.s32 @!p0 v25, v27;
	v27 =	vmul.u32 @!p0 $0xC8, v29;
	v29 =	vld @!p0 [tilespmem:$0x150]  }
0x127: {  	v33 =	vmul.u32 @!p0 $0xC8, v33;
	v30 =	vsel @!p0 vm0, $0x1, v22;
	v24 =	vsel @!p0 vm0, $0x7A0FF, v24  }
0x128: {  	vm0 =	vgt.s32 @!p0 v31, $0x0;
	v25 =	vshll.u32 @!p0 v25, $0x1;
	v27 =	vsub.s32 @!p0 v28, v27;
	v28 =	vld @!p0 [tilespmem:$0x20]  }
0x129: {  	v31 =	vnsel @!p0 vm0, $0x0, v31;
	vm0 =	vgt.s32 @!p0 v26, $0x7A0FF;
	v27 =	vmul.u32 @!p0 $0x3, v27  }
0x12a: {  	v35 =	vld @!p0 [tilespmem:$0x160];
	v25 =	vor.u32 @!p0 v30, v25;
	v30 =	vadd.s32 @!p0 $0xFFF85F00, v26;
	v34 =	vsel @!p0 vm0, $0x1, v22  }
0x12b: {  	s28 =	sor.u32 @!p0 $0x30, s26;
	vm1 =	vgt.s32 @!p0 v30, $0x0;
	v26 =	vsel @!p0 vm0, $0x7A0FF, v26;
	v27 =	vadd.s32 @!p0 v27, v29  }
0x12c: {  	v29 =	vsub.s32 @!p0 v32, v33;
	v32 =	vor.u32 @!p0 s28, v23;
	v27 =	vshll.u32 @!p0 v27, $0x1  }
0x12d: {  	v29 =	vmul.u32 @!p0 $0x3, v29;
	v36 =	vmulhi.u32 @!p0 $0x51EB851F, v32;
	vm0 =	vgt.s32 @!p0 v28, $0x7A0FF  }
0x12e: {  	v30 =	vnsel @!p0 vm1, $0x0, v30;
	v33 =	vld @!p0 [tilespmem:$0x30];
	v27 =	vor.u32 @!p0 v34, v27;
	v34 =	vsel @!p0 vm0, $0x1, v22  }
0x12f: {  	v37 =	vsel @!p0 vm0, $0x7A0FF, v28;
	v29 =	vadd.s32 @!p0 v29, v35;
	v35 =	vshrl.u32 @!p0 v36, $0x6  }
0x130: {  	s28 =	sadd.s32 @!p0 $0x40, s26;
	v28 =	vadd.s32 @!p0 $0xFFF85F00, v28;
	v36 =	vld @!p0 [tilespmem:$0x170];
	v29 =	vshll.u32 @!p0 v29, $0x1;
	v35 =	vmul.u32 @!p0 $0xC8, v35  }
0x131: {  	vm0 =	vgt.s32 @!p0 v28, $0x0;
	v29 =	vor.u32 @!p0 v34, v29;
	v34 =	vor.u32 @!p0 s28, v23  }
0x132: {  	v28 =	vnsel @!p0 vm0, $0x0, v28;
	v32 =	vsub.s32 @!p0 v32, v35;
	v38 =	vmulhi.u32 @!p0 $0x51EB851F, v34  }
0x133: {  	vm0 =	vgt.s32 @!p0 v33, $0x7A0FF;
	v40 =	vadd.s32 @!p0 $0xFFF85F00, v33;
	v35 =	vld @!p0 [tilespmem:$0x40];
	v32 =	vmul.u32 @!p0 $0x3, v32  }
0x134: {  	s28 =	sadd.s32 @!p0 $0x50, s26;
	v39 =	vsel @!p0 vm0, $0x1, v22;
	v33 =	vsel @!p0 vm0, $0x7A0FF, v33;
	v38 =	vshrl.u32 @!p0 v38, $0x6  }
0x135: {  	v41 =	vor.u32 @!p0 s28, v23;
	v32 =	vadd.s32 @!p0 v32, v36;
	v36 =	vmul.u32 @!p0 $0xC8, v38  }
0x136: {  	[tilespmem:$0x0] =	vst @!p0 v24;
	vm0 =	vgt.s32 @!p0 v40, $0x0;
	v42 =	vmulhi.u32 @!p0 $0x51EB851F, v41;
	v38 =	vld @!p0 [tilespmem:$0x180];
	v32 =	vshll.u32 @!p0 v32, $0x1  }
0x137: {  	[tilespmem:$0xA0] =	vst @!p0 v31;
	v40 =	vnsel @!p0 vm0, $0x0, v40;
	v24 =	vor.u32 @!p0 v39, v32;
	v32 =	vsub.s32 @!p0 v34, v36  }
0x138: {  	[tilespmem:$0x140] =	vst @!p0 v25;
	vm0 =	vgt.s32 @!p0 v35, $0x7A0FF;
	v34 =	vld @!p0 [tilespmem:$0x50];
	v36 =	vshrl.u32 @!p0 v42, $0x6;
	v32 =	vmul.u32 @!p0 $0x3, v32  }
0x139: {  	[tilespmem:$0x10] =	vst @!p0 v26;
	v25 =	vsel @!p0 vm0, $0x7A0FF, v35;
	v35 =	vadd.s32 @!p0 $0xFFF85F00, v35;
	v36 =	vmul.u32 @!p0 $0xC8, v36  }
0x13a: {  	[tilespmem:$0xB0] =	vst @!p0 v30;
	s28 =	sadd.s32 @!p0 $0x60, s26;
	v39 =	vld @!p0 [tilespmem:$0x190];
	v31 =	vsel @!p0 vm0, $0x1, v22;
	vm0 =	vgt.s32 @!p0 v35, $0x0  }
0x13b: {  	[tilespmem:$0x150] =	vst @!p0 v27;
	v26 =	vadd.s32 @!p0 v32, v38;
	v32 =	vor.u32 @!p0 s28, v23;
	v30 =	vsub.s32 @!p0 v41, v36  }
0x13c: {  	[tilespmem:$0x30] =	vst @!p0 v33;
	v33 =	vld @!p0 [tilespmem:$0x70];
	v27 =	vnsel @!p0 vm0, $0x0, v35;
	v26 =	vshll.u32 @!p0 v26, $0x1;
	v36 =	vmulhi.u32 @!p0 $0x51EB851F, v32  }
0x13d: {  	v30 =	vmul.u32 @!p0 $0x3, v30;
	v26 =	vor.u32 @!p0 v31, v26;
	v31 =	vld @!p0 [tilespmem:$0x60];
	v35 =	vadd.s32 @!p0 $0xFFF85F00, v34  }
0x13e: {  	[tilespmem:$0xC0] =	vst @!p0 v28;
	vm0 =	vgt.s32 @!p0 v34, $0x7A0FF;
	v36 =	vshrl.u32 @!p0 v36, $0x6;
	vm1 =	vgt.s32 @!p0 v35, $0x0  }
0x13f: {  	[tilespmem:$0x160] =	vst @!p0 v29;
	v28 =	vadd.s32 @!p0 v30, v39;
	v29 =	vsel @!p0 vm0, $0x7A0FF, v34;
	v30 =	vmul.u32 @!p0 $0xC8, v36;
	v36 =	vld @!p0 [tilespmem:$0x1A0]  }
0x140: {  	[tilespmem:$0x20] =	vst @!p0 v37;
	s28 =	sadd.s32 @!p0 $0x70, s26;
	v34 =	vsel @!p0 vm0, $0x1, v22;
	v35 =	vnsel @!p0 vm1, $0x0, v35;
	v28 =	vshll.u32 @!p0 v28, $0x1  }
0x141: {  	[tilespmem:$0x50] =	vst @!p0 v29;
	v29 =	vadd.s32 @!p0 $0xFFF85F00, v33;
	v30 =	vsub.s32 @!p0 v32, v30;
	v32 =	vor.u32 @!p0 s28, v23  }
0x142: {  	[tilespmem:$0x170] =	vst @!p0 v24;
	vm0 =	vgt.s32 @!p0 v31, $0x7A0FF;
	v30 =	vmul.u32 @!p0 $0x3, v30;
	v37 =	vmulhi.u32 @!p0 $0x51EB851F, v32  }
0x143: {  	[tilespmem:$0x40] =	vst @!p0 v25;
	v24 =	vor.u32 @!p0 v34, v28;
	v25 =	vadd.s32 @!p0 $0xFFF85F00, v31;
	v28 =	vsel @!p0 vm0, $0x1, v22  }
0x144: {  	s28 =	sadd.s32 @!p0 $0x80, s26;
	v34 =	vsel @!p0 vm0, $0x7A0FF, v31;
	v30 =	vadd.s32 @!p0 v30, v36;
	v31 =	vshrl.u32 @!p0 v37, $0x6  }
0x145: {  	[tilespmem:$0xE0] =	vst @!p0 v27;
	v36 =	vor.u32 @!p0 s28, v23;
	v27 =	vshll.u32 @!p0 v30, $0x1;
	v30 =	vmul.u32 @!p0 $0xC8, v31;
	v31 =	vld @!p0 [tilespmem:$0x1B0]  }
0x146: {  	[tilespmem:$0x180] =	vst @!p0 v26;
	vm0 =	vgt.s32 @!p0 v25, $0x0;
	v26 =	vor.u32 @!p0 v28, v27;
	v27 =	vmulhi.u32 @!p0 $0x51EB851F, v36  }
0x147: {  	[tilespmem:$0xD0] =	vst @!p0 v40;
	s26 =	sadd.s32 @!p0 $0x90, s26;
	v25 =	vnsel @!p0 vm0, $0x0, v25;
	vm0 =	vgt.s32 @!p0 v29, $0x0;
	v28 =	vsub.s32 @!p0 v32, v30  }
0x148: {  	[tilespmem:$0xF0] =	vst @!p0 v35;
	v23 =	vor.u32 @!p0 s26, v23;
	v30 =	vld @!p0 [tilespmem:$0x80];
	v28 =	vmul.u32 @!p0 $0x3, v28;
	v27 =	vshrl.u32 @!p0 v27, $0x6  }
0x149: {  	[tilespmem:$0x190] =	vst @!p0 v24;
	v24 =	vnsel @!p0 vm0, $0x0, v29;
	vm0 =	vgt.s32 @!p0 v33, $0x7A0FF;
	v27 =	vmul.u32 @!p0 $0xC8, v27  }
0x14a: {  	v29 =	vld @!p0 [tilespmem:$0x1C0];
	[tilespmem:$0x100] =	vst @!p0 v25;
	v32 =	vsel @!p0 vm0, $0x1, v22;
	v28 =	vadd.s32 @!p0 v28, v31;
	v31 =	vmulhi.u32 @!p0 $0x51EB851F, v23  }
0x14b: {  	[tilespmem:$0x1A0] =	vst @!p0 v26;
	v25 =	vsub.s32 @!p0 v36, v27;
	v27 =	vsel @!p0 vm0, $0x7A0FF, v33;
	v26 =	vshll.u32 @!p0 v28, $0x1  }
0x14c: {  	[tilespmem:$0x60] =	vst @!p0 v34;
	v28 =	vld @!p0 [tilespmem:$0x90];
	v25 =	vmul.u32 @!p0 $0x3, v25;
	v31 =	vshrl.u32 @!p0 v31, $0x6;
	v26 =	vor.u32 @!p0 v32, v26  }
0x14d: {  	[tilespmem:$0x70] =	vst @!p0 v27;
	v27 =	vadd.s32 @!p0 $0xFFF85F00, v30;
	v32 =	vld @!p0 [tilespmem:$0x1D0];
	vm0 =	vgt.s32 @!p0 v30, $0x7A0FF;
	v31 =	vmul.u32 @!p0 $0xC8, v31  }
0x14e: {  	vm1 =	vgt.s32 @!p0 v27, $0x0;
	[tilespmem:$0x1B0] =	vst @!p0 v26;
	v26 =	vsel @!p0 vm0, $0x7A0FF, v30  }
0x14f: {  	[tilespmem:$0x110] =	vst @!p0 v24;
	v24 =	vadd.s32 @!p0 v25, v29;
	v25 =	vnsel @!p0 vm1, $0x0, v27;
	v23 =	vsub.s32 @!p0 v23, v31  }
0x150: {  	[tilespmem:$0x80] =	vst @!p0 v26;
	v26 =	vsel @!p0 vm0, $0x1, v22;
	v24 =	vshll.u32 @!p0 v24, $0x1;
	v23 =	vmul.u32 @!p0 $0x3, v23  }
0x151: {  	[tilespmem:$0x120] =	vst @!p0 v25;
	v24 =	vor.u32 @!p0 v26, v24;
	vm0 =	vgt.s32 @!p0 v28, $0x7A0FF;
	v25 =	vadd.s32 @!p0 $0xFFF85F00, v28  }
0x152: {  	[tilespmem:$0x1C0] =	vst @!p0 v24;
	v24 =	vsel @!p0 vm0, $0x7A0FF, v28;
	vm1 =	vgt.s32 @!p0 v25, $0x0;
	v23 =	vadd.s32 @!p0 v23, v32  }
0x153: {  	v22 =	vsel @!p0 vm0, $0x1, v22;
	[tilespmem:$0x90] =	vst @!p0 v24;
	v24 =	vnsel @!p0 vm1, $0x0, v25;
	v23 =	vshll.u32 @!p0 v23, $0x1  }
0x154: {  	[tilespmem:$0x130] =	vst @!p0 v24;
	v22 =	vor.u32 @!p0 v22, v23  }
0x155: {  	s26 =	simm.s32 @!p0 $0x80;
	s28 =	simm.s32 @!p0 $0x1E0;
	[tilespmem:$0x1D0] =	vst @!p0 v22  }
0x156: {  	[tilespmem:s28], [sflag:$0x1] =	stream.indirect.gather @!p0 [hbm4b:s8+s26], $0x40, s23, s26, $0xb8;
	[tilespmem:$0x193C0] =	vst v63  }
0x157: {  	s23 =	simm.s32 @!p0 $0xA0;
	s28 =	simm.s32 @!p0 $0x29E0  }
0x158: {  	[tilespmem:s28], [sflag:$0x1] =	stream.indirect.gather @!p0 [hbm4b:s9+s26], $0x40, s23, s26, $0xb8;
	[tilespmem:$0x193C0] =	vst v63  }
0x159: {  	s23 =	simm.s32 @!p0 $0x51E0  }
0x15a: {  	[tilespmem:s23], [sflag:$0x1] =	stream.indirect.gather @!p0 [hbm4b:s10+s26], $0x80, s24, s26, $0xb8;
	[tilespmem:$0x193C0] =	vst v63  }
0x15b: {  	s23 =	simm.s32 @!p0 $0x20;
	s24 =	simm.s32 @!p0 $0x21E0  }
0x15c: {  	[tilespmem:s24], [sflag:$0x1] =	stream.indirect.gather @!p0 [hbm4b:s8+s23], $0x40, s26, s23, $0xb8;
	[tilespmem:$0x193C0] =	vst v63  }
0x15d: {  	p1 =	seq.s32 @!p0 s21, $0x0;
	s24 =	simm.s32 @!p0 $0x120;
	s26 =	simm.s32 @!p0 $0x49E0  }
0x15e: {  	[tilespmem:s26], [sflag:$0x1] =	stream.indirect.gather @!p0 [hbm4b:s9+s23], $0x40, s24, s23, $0xb8;
	[tilespmem:$0x193C0] =	vst v63  }
0x15f: {  	p1 =	por p0, !p1;
	s24 =	simm.s32 @!p0 $0x1C0;
	s26 =	simm.s32 @!p0 $0x91E0  }
0x160: {  	[tilespmem:s26], [sflag:$0x1] =	stream.indirect.gather @!p0 [hbm4b:s10+s23], $0x80, s24, s23, $0xb8;
	[tilespmem:$0x193C0] =	vst v63  }
0x161: {  	_ =	swait.ge @p1 [sflag:s17], $0x2800  }
0x162: {  	[sflag:s17] =	ssyncset.done @p1 $0x0  }
0x163: {  	[sflag:s17] =	ssyncadd.s32 @p1 $0xFFFFD800  }
0x164: {  	_ =	swait.ge [sflag:s13], $0x2800  }
0x165: {  	[sflag:s13] =	ssyncset.done $0x0  }
0x166: {  	[sflag:s13] =	ssyncadd.s32 $0xFFFFD800  }
0x167: {  	_ =	swait.ge [sflag:s13], $0x2800  }
0x168: {  	[sflag:s13] =	ssyncset.done $0x0  }
0x169: {  	[sflag:s13] =	ssyncadd.s32 $0xFFFFD800  }
0x16a: {  	_ =	swait.ge [sflag:s13], $0x5000  }
0x16b: {  	[sflag:s13] =	ssyncset.done $0x0  }
0x16c: {  	s23 =	simm.s32 $0x0;
	[sflag:s13] =	ssyncadd.s32 $0xFFFFB000  }
0x16d: {  	v22 =	vld [tilespmem:s23+$0xCBC0]  }
0x16e: {  	s24 =	simm.s32 $0x11C40;
	v23 =	vld [tilespmem:s23+$0xF3C0]  }
0x16f: {  	v50 =	vld [tilespmem:s24+$0xFFFFFFC0]  }
0x170: {  	v51 =	vld [tilespmem:s24+$0xFFFFFF80];
	_ =	sdelay $0x4  }
0x171: {  	v22 =	vadd.f32 v51, v22;
	v23 =	vadd.f32 v50, v23;
	_ =	sdelay $0x1  }
0x172: {  	v22 =	vmax.f32 v22, v23;
	v23 =	vld [tilespmem:s23+$0xF3D0]  }
0x173: {  	[tilespmem:s23+$0x16BC0] =	vst v22;
	v22 =	vld [tilespmem:s23+$0xCBD0]  }
0x174: {  	v52 =	vld [tilespmem:s24+$0xFFFFFF90]  }
0x175: {  	v53 =	vld [tilespmem:s24+$0xFFFFFFD0];
	_ =	sdelay $0x4  }
0x176: {  	v22 =	vadd.f32 v52, v22;
	v23 =	vadd.f32 v53, v23;
	_ =	sdelay $0x1  }
0x177: {  	v22 =	vmax.f32 v22, v23;
	v23 =	vld [tilespmem:s23+$0xF3E0]  }
0x178: {  	[tilespmem:s23+$0x16BD0] =	vst v22;
	v22 =	vld [tilespmem:s23+$0xCBE0]  }
0x179: {  	v54 =	vld [tilespmem:s24+$0xFFFFFFA0]  }
0x17a: {  	v55 =	vld [tilespmem:s24+$0xFFFFFFE0];
	_ =	sdelay $0x4  }
0x17b: {  	v22 =	vadd.f32 v54, v22;
	v23 =	vadd.f32 v55, v23;
	_ =	sdelay $0x1  }
0x17c: {  	v22 =	vmax.f32 v22, v23;
	v23 =	vld [tilespmem:s23+$0xF3F0]  }
0x17d: {  	[tilespmem:s23+$0x16BE0] =	vst v22;
	v22 =	vld [tilespmem:s23+$0xCBF0]  }
0x17e: {  	v56 =	vld [tilespmem:s24+$0xFFFFFFB0]  }
0x17f: {  	v57 =	vld [tilespmem:s24+$0xFFFFFFF0];
	_ =	sdelay $0x4  }
0x180: {  	v22 =	vadd.f32 v56, v22;
	v23 =	vadd.f32 v57, v23;
	_ =	sdelay $0x1  }
0x181: {  	v22 =	vmax.f32 v22, v23;
	v23 =	vld [tilespmem:s23+$0xF400]  }
0x182: {  	[tilespmem:s23+$0x16BF0] =	vst v22;
	v22 =	vld [tilespmem:s23+$0xCC00]  }
0x183: {  	v58 =	vld [tilespmem:s24+$0x0]  }
0x184: {  	v59 =	vld [tilespmem:s24+$0x40];
	_ =	sdelay $0x4  }
0x185: {  	v22 =	vadd.f32 v58, v22;
	v23 =	vadd.f32 v59, v23;
	_ =	sdelay $0x1  }
0x186: {  	v22 =	vmax.f32 v22, v23;
	v23 =	vld [tilespmem:s23+$0xF410]  }
0x187: {  	[tilespmem:s23+$0x16C00] =	vst v22;
	v22 =	vld [tilespmem:s23+$0xCC10]  }
0x188: {  	v60 =	vld [tilespmem:s24+$0x10]  }
0x189: {  	v61 =	vld [tilespmem:s24+$0x50];
	_ =	sdelay $0x4  }
0x18a: {  	v22 =	vadd.f32 v60, v22;
	v23 =	vadd.f32 v61, v23;
	_ =	sdelay $0x1  }
0x18b: {  	v22 =	vmax.f32 v22, v23;
	v23 =	vld [tilespmem:s23+$0xCC20]  }
0x18c: {  	[tilespmem:s23+$0x16C10] =	vst v22;
	v22 =	vld [tilespmem:s23+$0xF420]  }
0x18d: {  	v62 =	vld [tilespmem:s24+$0x60]  }
0x18e: {  	v63 =	vld [tilespmem:s24+$0x20];
	_ =	sdelay $0x4  }
0x18f: {  	v22 =	vadd.f32 v62, v22;
	v23 =	vadd.f32 v63, v23;
	_ =	sdelay $0x1  }
0x190: {  	s28 =	simm.s32 $0x200;
	s26 =	simm.s32 $0x11C40;
	v23 =	vmax.f32 v23, v22;
	v22 =	vld [tilespmem:s23+$0xF430]  }
.LBB2_5:
0x191: {  	p1 =	sne.s32 s28, $0x9E00  }
0x192: {  	[tilespmem:s23+$0x16C20] =	vst v23;
	v23 =	vld [tilespmem:s23+$0xCC30];
	s24 =	sadd.s32 $0x100, s24;
	s29 =	smov.u32 s28;
	s28 =	sadd.s32 $0x200, s28  }
0x193: {  	v24 =	vld [tilespmem:s26+$0x30]  }
0x194: {  	v25 =	vld [tilespmem:s26+$0x70];
	s26 =	smov.u32 s24;
	_ =	sdelay $0x4  }
0x195: {  	v23 =	vadd.f32 v24, v23;
	v22 =	vadd.f32 v25, v22  }
0x196: {  	s29 =	sshra.s32 s29, $0x2  }
0x197: {  	v24 =	vld [tilespmem:s29+$0xCBC0];
	v22 =	vmax.f32 v23, v22  }
0x198: {  	v23 =	vld [tilespmem:s29+$0xF3C0];
	[tilespmem:s23+$0x16C30] =	vst v22;
	s23 =	smov.u32 s29  }
0x199: {  	v22 =	vld [tilespmem:s24+$0xFFFFFFC0]  }
0x19a: {  	v25 =	vld [tilespmem:s24+$0xFFFFFF80];
	_ =	sdelay $0x4  }
0x19b: {  	v22 =	vadd.f32 v22, v23;
	v24 =	vadd.f32 v25, v24;
	_ =	sdelay $0x1  }
0x19c: {  	v22 =	vmax.f32 v24, v22;
	v23 =	vld [tilespmem:s23+$0xF3D0]  }
0x19d: {  	[tilespmem:s23+$0x16BC0] =	vst v22;
	v22 =	vld [tilespmem:s23+$0xCBD0]  }
0x19e: {  	v24 =	vld [tilespmem:s24+$0xFFFFFF90]  }
0x19f: {  	v25 =	vld [tilespmem:s24+$0xFFFFFFD0];
	_ =	sdelay $0x4  }
0x1a0: {  	v22 =	vadd.f32 v24, v22;
	v23 =	vadd.f32 v25, v23;
	_ =	sdelay $0x1  }
0x1a1: {  	v22 =	vmax.f32 v22, v23;
	v23 =	vld [tilespmem:s23+$0xF3E0]  }
0x1a2: {  	[tilespmem:s23+$0x16BD0] =	vst v22;
	v22 =	vld [tilespmem:s23+$0xCBE0]  }
0x1a3: {  	v24 =	vld [tilespmem:s24+$0xFFFFFFA0]  }
0x1a4: {  	v25 =	vld [tilespmem:s24+$0xFFFFFFE0];
	_ =	sdelay $0x4  }
0x1a5: {  	v22 =	vadd.f32 v24, v22;
	v23 =	vadd.f32 v25, v23;
	_ =	sdelay $0x1  }
0x1a6: {  	v22 =	vmax.f32 v22, v23;
	v23 =	vld [tilespmem:s23+$0xF3F0]  }
0x1a7: {  	[tilespmem:s23+$0x16BE0] =	vst v22;
	v22 =	vld [tilespmem:s23+$0xCBF0]  }
0x1a8: {  	v24 =	vld [tilespmem:s24+$0xFFFFFFB0]  }
0x1a9: {  	v25 =	vld [tilespmem:s24+$0xFFFFFFF0];
	_ =	sdelay $0x4  }
0x1aa: {  	v22 =	vadd.f32 v24, v22;
	v23 =	vadd.f32 v25, v23;
	_ =	sdelay $0x1  }
0x1ab: {  	v22 =	vmax.f32 v22, v23;
	v23 =	vld [tilespmem:s23+$0xF400]  }
0x1ac: {  	[tilespmem:s23+$0x16BF0] =	vst v22;
	v22 =	vld [tilespmem:s23+$0xCC00]  }
0x1ad: {  	v24 =	vld [tilespmem:s24+$0x0]  }
0x1ae: {  	v25 =	vld [tilespmem:s24+$0x40];
	_ =	sdelay $0x4  }
0x1af: {  	v22 =	vadd.f32 v24, v22;
	v23 =	vadd.f32 v25, v23;
	_ =	sdelay $0x1  }
0x1b0: {  	v22 =	vmax.f32 v22, v23;
	v23 =	vld [tilespmem:s23+$0xF410]  }
0x1b1: {  	[tilespmem:s23+$0x16C00] =	vst v22;
	v22 =	vld [tilespmem:s23+$0xCC10]  }
0x1b2: {  	v24 =	vld [tilespmem:s24+$0x10]  }
0x1b3: {  	v25 =	vld [tilespmem:s24+$0x50];
	_ =	sdelay $0x3  }
0x1b4: {  	v22 =	vadd.f32 v24, v22  }
0x1b5: {  	v23 =	vadd.f32 v25, v23;
	_ =	sdelay $0x1  }
0x1b6: {  	v22 =	vmax.f32 v22, v23;
	v23 =	vld [tilespmem:s23+$0xCC20]  }
0x1b7: {  	[tilespmem:s23+$0x16C10] =	vst v22;
	v22 =	vld [tilespmem:s23+$0xF420]  }
0x1b8: {  	v24 =	vld [tilespmem:s24+$0x60]  }
0x1b9: {  	v25 =	vld [tilespmem:s24+$0x20];
	_ =	sdelay $0x2  }
.Ltmp3:
0x1ba: {  	(pc) =	sbr.rel @p1 .LBB2_5-.Ltmp3, $3  }
0x1bb: {  	v22 =	vadd.f32 v24, v22  }
0x1bc: {  	v23 =	vadd.f32 v25, v23;
	_ =	sdelay $0x1  }
0x1bd: {  	v23 =	vmax.f32 v23, v22;
	v22 =	vld [tilespmem:s23+$0xF430]  }
0x1be: {  	[tilespmem:s23+$0x16C20] =	vst v23;
	v23 =	vld [tilespmem:s23+$0xCC30]  }
0x1bf: {  	v24 =	vld [tilespmem:s26+$0x30]  }
0x1c0: {  	v25 =	vld [tilespmem:s26+$0x70];
	_ =	sdelay $0x4  }
.Ltmp4:
0x1c1: {  	s24 =	sadd.s32 s22, s2;
	v23 =	vadd.f32 v24, v23;
	v22 =	vadd.f32 v25, v22;
	(pc) =	sbr.rel @p0 .LBB2_8-.Ltmp4, $4  }
0x1c2: {  	s24 =	sshll.u32 s24, $0x3  }
0x1c3: {  	s24 =	sand.u32 $0x1FFFFF00, s24;
	v22 =	vmax.f32 v23, v22  }
0x1c4: {  	s29 =	sadd.s32 s4, s24;
	[tilespmem:s23+$0x16C30] =	vst v22  }
0x1c5: {  	[hbm4b:s29+s5] =	stream.linear.scatter [tilespmem:s14], [sflag:$0x4], $0x2800, $0x38;
	[tilespmem:$0x193C0] =	vst v63  }
0x1c6: {  	s22 =	sadd.s32 s22, s16  }
0x1c7: {  	s23 =	sshrl.u32 s22, $0x3  }
0x1c8: {  	s24 =	sadd.s32 s6, s23  }
0x1c9: {  	[tilespmem:s3], [sflag:$0x5] =	stream.linear.gather [hbm4b:s24+s5], $0xA0, $0x38;
	[tilespmem:$0x193C0] =	vst v63  }
0x1ca: {  	_ =	swait.ge [sflag:s18], $0xA0  }
0x1cb: {  	[sflag:s18] =	ssyncset.done $0x0  }
0x1cc: {  	s23 =	sadd.s32 s7, s23;
	[sflag:s18] =	ssyncadd.s32 $0xFFFFFF60  }
0x1cd: {  	v22 =	vor.u32 s22, v0;
	[tilespmem:s0], [sflag:$0x5] =	stream.linear.gather [hbm4b:s23+s5], $0xA0, $0x38;
	[tilespmem:$0x193C0] =	vst v63  }
0x1ce: {  	v23 =	vmulhi.u32 $0x51EB851F, v22;
	_ =	swait.ge [sflag:s18], $0xA0  }
0x1cf: {  	[sflag:s18] =	ssyncset.done $0x0  }
0x1d0: {  	s29 =	sadd.s32 $0x30, s22;
	v23 =	vshrl.u32 v23, $0x6;
	[sflag:s18] =	ssyncadd.s32 $0xFFFFFF60  }
0x1d1: {  	s26 =	sor.u32 $0x10, s22;
	v40 =	vor.u32 s29, v0;
	v23 =	vmul.u32 $0xC8, v23;
	v24 =	vld [tilespmem:$0xC9E0]  }
0x1d2: {  	s28 =	sadd.s32 $0x20, s22;
	v26 =	vor.u32 s26, v0;
	v34 =	vmulhi.u32 $0x51EB851F, v40;
	v25 =	vld [tilespmem:$0xCB20]  }
0x1d3: {  	v38 =	vor.u32 s28, v0;
	v22 =	vsub.s32 v22, v23;
	v23 =	vmulhi.u32 $0x51EB851F, v26;
	v27 =	vld [tilespmem:$0xC9F0]  }
0x1d4: {  	s26 =	sadd.s32 $0x50, s22;
	v32 =	vmulhi.u32 $0x51EB851F, v38;
	v62 =	vld [tilespmem:$0xCB30]  }
0x1d5: {  	s28 =	sadd.s32 $0x60, s22;
	v46 =	vor.u32 s26, v0;
	v34 =	vshrl.u32 v34, $0x6;
	v23 =	vshrl.u32 v23, $0x6;
	v63 =	vld [tilespmem:$0xCA00]  }
0x1d6: {  	s24 =	sadd.s32 $0x40, s22;
	v56 =	vor.u32 s28, v0;
	v34 =	vmul.u32 $0xC8, v34;
	v23 =	vmul.u32 $0xC8, v23;
	v42 =	vld [tilespmem:$0xCA10]  }
0x1d7: {  	v37 =	vor.u32 s24, v0;
	v48 =	vmulhi.u32 $0x51EB851F, v46;
	v39 =	vshrl.u32 v32, $0x6;
	v36 =	vld [tilespmem:$0xCB50]  }
0x1d8: {  	v22 =	vmul.u32 $0x3, v22;
	v32 =	vsub.s32 v40, v34;
	v47 =	vld [tilespmem:$0xCA20];
	v23 =	vsub.s32 v26, v23  }
0x1d9: {  	v58 =	vmulhi.u32 $0x51EB851F, v56;
	v32 =	vmul.u32 $0x3, v32;
	v51 =	vld [tilespmem:$0xCA30];
	v23 =	vmul.u32 $0x3, v23  }
0x1da: {  	v57 =	vld [tilespmem:$0xCA40];
	vm0 =	vgt.s32 v24, $0x7A0FF;
	v29 =	vadd.s32 $0xFFF85F00, v24;
	v22 =	vadd.s32 v22, v25  }
0x1db: {  	vm11 =	vgt.s32 v27, $0x7A0FF;
	v31 =	vadd.s32 $0xFFF85F00, v27;
	v23 =	vadd.s32 v23, v62  }
0x1dc: {  	vm1 =	vgt.s32 v63, $0x7A0FF;
	v25 =	vmul.u32 $0xC8, v39;
	v35 =	vadd.s32 $0xFFF85F00, v63  }
0x1dd: {  	vm14 =	vgt.s32 v42, $0x7A0FF;
	v32 =	vadd.s32 v32, v36;
	v49 =	vadd.s32 $0xFFF85F00, v42  }
0x1de: {  	vm4 =	vgt.s32 v47, $0x7A0FF;
	v54 =	vadd.s32 $0xFFF85F00, v47;
	vm6 =	vgt.s32 v51, $0x7A0FF  }
0x1df: {  	vm8 =	vgt.s32 v57, $0x7A0FF;
	v28 =	vsel vm0, $0x1, v21;
	v24 =	vsel vm0, $0x7A0FF, v24  }
0x1e0: {  	vm10 =	vgt.s32 v29, $0x0;
	v22 =	vshll.u32 v22, $0x1;
	v30 =	vsel vm11, $0x1, v21  }
0x1e1: {  	v27 =	vsel vm11, $0x7A0FF, v27;
	vm12 =	vgt.s32 v31, $0x0;
	v23 =	vshll.u32 v23, $0x1  }
0x1e2: {  	v41 =	vsel vm1, $0x1, v21;
	v26 =	vsel vm1, $0x7A0FF, v63;
	vm13 =	vgt.s32 v35, $0x0  }
0x1e3: {  	v39 =	vsel vm14, $0x1, v21;
	v32 =	vshll.u32 v32, $0x1;
	vm15 =	vgt.s32 v49, $0x0  }
0x1e4: {  	v55 =	vsel vm4, $0x1, v21;
	v36 =	vsel vm4, $0x7A0FF, v47;
	vm5 =	vgt.s32 v54, $0x0  }
0x1e5: {  	v60 =	vsel vm6, $0x1, v21;
	v61 =	vsel vm6, $0x7A0FF, v51;
	v29 =	vnsel vm10, $0x0, v29  }
0x1e6: {  	v33 =	vld [tilespmem:$0xCB40];
	v22 =	vor.u32 v28, v22;
	v31 =	vnsel vm12, $0x0, v31;
	v23 =	vor.u32 v30, v23  }
0x1e7: {  	v25 =	vsub.s32 v38, v25;
	v38 =	vmulhi.u32 $0x51EB851F, v37;
	v35 =	vnsel vm13, $0x0, v35;
	[tilespmem:$0xC9E0] =	vst v24  }
0x1e8: {  	v50 =	vor.u32 v39, v32;
	v28 =	vsel vm14, $0x7A0FF, v42;
	v52 =	vnsel vm15, $0x0, v49;
	[tilespmem:$0xC9F0] =	vst v27  }
0x1e9: {  	[tilespmem:$0xCA00] =	vst v26;
	v59 =	vnsel vm5, $0x0, v54;
	v32 =	vadd.s32 $0xFFF85F00, v51;
	v25 =	vmul.u32 $0x3, v25  }
0x1ea: {  	v39 =	vld [tilespmem:$0xCA50];
	v42 =	vadd.s32 $0xFFF85F00, v57;
	[tilespmem:$0xCA20] =	vst v36;
	v27 =	vsel vm8, $0x7A0FF, v57;
	vm7 =	vgt.s32 v32, $0x0  }
0x1eb: {  	v45 =	vld [tilespmem:$0xCB60];
	[tilespmem:$0xCA30] =	vst v61;
	v43 =	vshrl.u32 v38, $0x6;
	v38 =	vshrl.u32 v48, $0x6;
	v25 =	vadd.s32 v25, v33  }
0x1ec: {  	s29 =	sadd.s32 $0x70, s22;
	s24 =	sadd.s32 $0x80, s22;
	s22 =	sadd.s32 $0x90, s22;
	v53 =	vld [tilespmem:$0xCB70];
	[tilespmem:$0xCA80] =	vst v29;
	v44 =	vmul.u32 $0xC8, v43;
	v38 =	vmul.u32 $0xC8, v38;
	v25 =	vshll.u32 v25, $0x1  }
0x1ed: {  	[tilespmem:$0xCAB0] =	vst v52;
	vm9 =	vgt.s32 v42, $0x0;
	v52 =	vor.u32 s22, v0;
	v48 =	vld [tilespmem:$0xCA60];
	v25 =	vor.u32 v41, v25  }
0x1ee: {  	[tilespmem:$0xCB20] =	vst v22;
	v30 =	vsub.s32 v37, v44;
	v22 =	vsub.s32 v46, v38;
	v37 =	vnsel vm7, $0x0, v32  }
0x1ef: {  	[tilespmem:$0xCA90] =	vst v31;
	v38 =	vor.u32 s29, v0;
	v41 =	vsel vm8, $0x1, v21;
	v47 =	vadd.s32 $0xFFF85F00, v39  }
0x1f0: {  	[tilespmem:$0xCB30] =	vst v23;
	vm11 =	vgt.s32 v39, $0x7A0FF;
	v30 =	vmul.u32 $0x3, v30;
	v22 =	vmul.u32 $0x3, v22  }
0x1f1: {  	[tilespmem:$0xCAA0] =	vst v35;
	v40 =	vmulhi.u32 $0x51EB851F, v38;
	vm10 =	vgt.s32 v47, $0x0;
	v54 =	vsel vm11, $0x7A0FF, v39  }
0x1f2: {  	[tilespmem:$0xCA10] =	vst v28;
	vm12 =	vgt.s32 v48, $0x7A0FF;
	v30 =	vadd.s32 v30, v45;
	v22 =	vadd.s32 v22, v53  }
0x1f3: {  	[tilespmem:$0xCB50] =	vst v50;
	v31 =	vshrl.u32 v40, $0x6;
	v45 =	vor.u32 s24, v0;
	v53 =	vmulhi.u32 $0x51EB851F, v52  }
0x1f4: {  	[tilespmem:$0xCAC0] =	vst v59;
	v61 =	vsel vm12, $0x7A0FF, v48;
	v30 =	vshll.u32 v30, $0x1;
	v22 =	vshll.u32 v22, $0x1  }
0x1f5: {  	[tilespmem:$0xCA40] =	vst v27;
	v43 =	vmul.u32 $0xC8, v31;
	v46 =	vmulhi.u32 $0x51EB851F, v45;
	v23 =	vor.u32 v55, v30  }
0x1f6: {  	v63 =	vld [tilespmem:$0xCB80];
	[tilespmem:$0xCB40] =	vst v25;
	v30 =	vshrl.u32 v58, $0x6;
	v22 =	vor.u32 v60, v22;
	v55 =	vsel vm11, $0x1, v21  }
0x1f7: {  	v44 =	vld [tilespmem:$0xCB90];
	[tilespmem:$0xCAD0] =	vst v37;
	v27 =	vshrl.u32 v53, $0x6;
	v58 =	vadd.s32 $0xFFF85F00, v48;
	v62 =	vmul.u32 $0xC8, v30  }
0x1f8: {  	[tilespmem:$0xCB60] =	vst v23;
	v23 =	vnsel vm9, $0x0, v42;
	v26 =	vsub.s32 v38, v43;
	v49 =	vshrl.u32 v46, $0x6  }
0x1f9: {  	v51 =	vld [tilespmem:$0xCBA0];
	[tilespmem:$0xCB70] =	vst v22;
	v22 =	vnsel vm10, $0x0, v47;
	v50 =	vmul.u32 $0xC8, v49;
	v25 =	vsub.s32 v56, v62  }
0x1fa: {  	[tilespmem:$0xCA50] =	vst v54;
	vm13 =	vgt.s32 v58, $0x0;
	v26 =	vmul.u32 $0x3, v26;
	v25 =	vmul.u32 $0x3, v25  }
0x1fb: {  	v57 =	vld [tilespmem:$0xCA70];
	v27 =	vmul.u32 $0xC8, v27;
	[tilespmem:$0xCAE0] =	vst v23;
	v60 =	vnsel vm13, $0x0, v58;
	v23 =	vsub.s32 v45, v50  }
0x1fc: {  	v59 =	vld [tilespmem:$0xCBB0];
	[tilespmem:$0xCA60] =	vst v61;
	v26 =	vadd.s32 v26, v44;
	v23 =	vmul.u32 $0x3, v23;
	v25 =	vadd.s32 v25, v63  }
0x1fd: {  	[tilespmem:$0xCAF0] =	vst v22;
	v62 =	vsel vm12, $0x1, v21;
	v56 =	vshll.u32 v26, $0x1;
	v25 =	vshll.u32 v25, $0x1  }
0x1fe: {  	[tilespmem:$0xCB00] =	vst v60;
	v22 =	vadd.s32 v23, v51;
	v23 =	vsub.s32 v52, v27;
	v24 =	vor.u32 v41, v25  }
0x1ff: {  	v22 =	vshll.u32 v22, $0x1;
	v23 =	vmul.u32 $0x3, v23;
	[tilespmem:$0xCB80] =	vst v24;
	v24 =	vor.u32 v55, v56  }
0x200: {  	vm14 =	vgt.s32 v57, $0x7A0FF;
	v63 =	vadd.s32 $0xFFF85F00, v57;
	v22 =	vor.u32 v62, v22;
	[tilespmem:$0xCB90] =	vst v24  }
0x201: {  	vm15 =	vgt.s32 v63, $0x0;
	[tilespmem:$0xCBA0] =	vst v22;
	v22 =	vadd.s32 v23, v59;
	v23 =	vsel vm14, $0x7A0FF, v57  }
0x202: {  	v24 =	vnsel vm15, $0x0, v63;
	[tilespmem:$0xCA70] =	vst v23;
	v23 =	vsel vm14, $0x1, v21;
	v22 =	vshll.u32 v22, $0x1  }
0x203: {  	[tilespmem:$0xCB10] =	vst v24;
	v22 =	vor.u32 v23, v22  }
0x204: {  	s26 =	simm.s32 $0xCBC0;
	[tilespmem:$0xCBB0] =	vst v22  }
0x205: {  	[tilespmem:s26], [sflag:$0x2] =	stream.indirect.gather [hbm4b:s8+s20], $0x40, s3, s20, $0xb8;
	[tilespmem:$0x193C0] =	vst v63  }
0x206: {  	s28 =	simm.s32 $0xCA80;
	s29 =	simm.s32 $0xF3C0  }
0x207: {  	[tilespmem:s29], [sflag:$0x2] =	stream.indirect.gather [hbm4b:s9+s20], $0x40, s28, s20, $0xb8;
	[tilespmem:$0x193C0] =	vst v63  }
0x208: {  	s24 =	simm.s32 $0x11BC0  }
0x209: {  	[tilespmem:s24], [sflag:$0x2] =	stream.indirect.gather [hbm4b:s10+s20], $0x80, s0, s20, $0xb8;
	[tilespmem:$0x193C0] =	vst v63  }
0x20a: {  	s26 =	simm.s32 $0xCA60;
	s28 =	simm.s32 $0xEBC0  }
0x20b: {  	[tilespmem:s28], [sflag:$0x2] =	stream.indirect.gather [hbm4b:s8+s25], $0x40, s26, s25, $0xb8;
	[tilespmem:$0x193C0] =	vst v63  }
.Ltmp5:
0x20c: {  	_ = 	snop;
	(pc) =	sbr.rel .LBB2_2-.Ltmp5, $4  }
0x20d: {  	s29 =	simm.s32 $0xCB00  }
0x20e: {  	[tilespmem:s30], [sflag:$0x2] =	stream.indirect.gather [hbm4b:s9+s25], $0x40, s29, s25, $0xb8;
	[tilespmem:$0x193C0] =	vst v63  }
0x20f: {  	s21 =	sadd.s32 $0x1, s21  }
0x210: {  	[tilespmem:s11], [sflag:$0x2] =	stream.indirect.gather [hbm4b:s10+s25], $0x80, s31, s25, $0xb8;
	[tilespmem:$0x193C0] =	vst v63  }
.LBB2_9:
0x211: {  	_ =	sfence.sel $0x180000  }
0x212: {  	[bflag:$0x0] =	sbarrier.arrive $0xFFFF  }
0x213: {  	_ =	strace $0x9000004D  }
0x214: {  	s0 =	stileid.u32;
	[bflag:$0x2] =	sbarrier.arrive $0xFFFF  }
0x215: {  	p0 =	sne.s32 s0, $0x0;
	s0 =	rddreg [dreg:$0x2]  }
0x216: {  	s0 =	sadd.s32 @!p0 $0x100000, s0  }
0x217: {  	[sflag:s0] =	ssyncadd.tile.s32 @!p0 $0x1;
	_ =	shalt  }
.Lfunc_end2:
_tile_overlayer_lowered:
.L_overlay_start_2:
0x218: {  	(tag) =	ssettag $0x2  }
0x219: {  	s0 =	rddreg [dreg:$0x0];
	s2 =	stileid.u32  }
0x21a: {  	s1 =	rddreg [dreg:$0x1];
	p0 =	sne.s32 s2, $0x0  }
0x21b: {  	s3 =	rddreg [dreg:$0x2];
	[bflag:$0x3] =	sbarrier.arrive $0xFFFF;
	s2 =	simm.s32 @!p0 $0x1C05  }
0x21c: {  	[timem:s3], [sflag:s2] =	dma.local @!p0 [hbm:s0], s1  }
0x21d: {  	s0 =	simm.s32 @!p0 $0x5  }
0x21e: {  	_ =	swait.ge @!p0 [sflag:s0], s1  }
0x21f: {  	s1 =	ssub.s32 @!p0 $0x0, s1;
	[sflag:s0] =	ssyncset.done @!p0 $0x0  }
0x220: {  	[sflag:s0] =	ssyncadd.s32 @!p0 s1  }
0x221: {  	[bflag:$0x3] =	sbarrier.arrive $0xFFFF  }
0x222: {  	_ =	shalt  }

// kernel: sparse-core-data-format-call.1.cloned.1.call-start
scs
called_computation.1_lowered:
.L_overlay_start_0:
0x0: {  	s2 =	sld [smem:$0x3FD9]  }
0x1: {  	s3 =	sld [smem:$0x3FFE];
	_ =	sdelay $0x1  }
0x2: {  	s1 =	srdreg.scid  }
0x3: {  	s0 =	sand.u32 $0x1, s1  }
0x4: {  	s18 =	sshll.u32 s0, $0xA;
	s2 =	sadd.s32 s3, s2  }
0x5: {  	s2 =	sadd.s32 s2, s18  }
0x6: {  	[smem:$0x3FC4] =	sst s2  }
0x7: {  	_ = 	snop  }
0x8: {  	(tm) =	ssettm $0x1  }
0x9: {  	s19 =	sld [smem:$0x3FFB];
	_ =	sdelay $0x3  }
0xa: {  	_ =	strace s19  }
0xb: {  	s2 =	sld [smem:$0x3FFC];
	_ =	sdelay $0x3  }
0xc: {  	_ =	strace s2  }
0xd: {  	s2 =	sld [smem:$0x3FFD];
	_ =	sdelay $0x3  }
0xe: {  	_ =	strace s2  }
0xf: {  	_ =	strace $0x8FFFFFFF  }
0x10: {  	s20 =	sld [smem:$0x3FDB];
	_ =	sdelay $0x1  }
0x11: {  	s21 =	simm.s32 $_scs_section_size  }
0x12: {  	s4 =	simm.s32 $_size__tile_overlayer_lowered;
	s5 =	simm.s32 $_tile_overlayer_lowered  }
0x13: {  	s6 =	simm.s32 $0x1BFF;
	s22 =	sshll.u32 s5, $0x1;
	s3 =	sadd.s32 s21, s20  }
0x14: {  	s23 =	simm.s32 $0x0;
	s4 =	sshll.u32 s4, $0x1;
	s5 =	sadd.s32 s22, s3  }
0x15: {  	[timem:s23], [sflag:s6] =	dma.local [hbm:s5], s4  }
0x16: {  	_ =	swait.ge [sflag:s6], s4  }
0x17: {  	s4 =	ssub.s32 $0x0, s4;
	[sflag:s6] =	ssyncset.done $0x0  }
0x18: {  	[sflag:s6] =	ssyncadd.s32 s4;
	_ =	sdelay $0x1  }
0x19: {  	s24 =	simm.s32 $0x1B8B  }
0x1a: {  	_ =	swait.ge [sflag:s24], $0x1  }
0x1b: {  	[sflag:s24] =	ssyncset.done $0x0  }
0x1c: {  	[sflag:s24] =	ssyncadd.s32 $0xFFFFFFFF  }
0x1d: {  	s4 =	sld [smem:$0x0]  }
0x1e: {  	s5 =	sand.u32 $0xFFFFFFFE, s1  }
0x1f: {  	p0 =	sne.s32 s1, s5  }
0x20: {  	s5 =	sshll.u32 @p0 s5, $0xE  }
0x21: {  	s5 =	sadd.s32 @p0 $0x11B8D, s5;
	s6 =	sshll.u32 @p0 s4, $0x11  }
0x22: {  	s5 =	sor.u32 @p0 s6, s5  }
0x23: {  	[sflag:s5] =	ssyncadd.remote.s32 @p0 $0x1;
	_ =	sdelay $0x1  }
0x24: {  	s5 =	simm.s32 @p0 $0x1B8D  }
0x25: {  	_ =	swait.eq @p0 [sflag:s5], $0x1  }
0x26: {  	[sflag:s5] =	ssyncadd.s32 @p0 $0xFFFFFFFF  }
0x27: {  	s6 =	sshll.u32 @!p0 s1, $0xE  }
0x28: {  	s6 =	sor.u32 @!p0 $0x4000, s6;
	s5 =	simm.s32 @!p0 $0x1B8D  }
0x29: {  	s4 =	sshll.u32 @!p0 s4, $0x11;
	s6 =	sadd.s32 @!p0 $0x11B8D, s6;
	_ =	swait.eq @!p0 [sflag:s5], $0x1  }
0x2a: {  	s4 =	sor.u32 @!p0 s4, s6;
	[sflag:s5] =	ssyncadd.s32 @!p0 $0xFFFFFFFF  }
0x2b: {  	s26 =	simm.s32 $0x1B8E;
	s25 =	sld [smem:$0x3FFE];
	[sflag:s4] =	ssyncadd.remote.s32 @!p0 $0x1  }
0x2c: {  	s27 =	simm.s32 $execute0_lowered;
	[smem:$0x3FD2] =	sst s26  }
0x2d: {  	s5 =	sshll.u32 s27, $0x1;
	_ =	strace $0x80000049;
	[dreg:$0x1] =	wrdreg $0xFFFFFFFF  }
0x2e: {  	s28 =	simm.s32 $_size_execute0_lowered;
	s3 =	sadd.s32 s3, s5;
	[dreg:$0x0] =	wrdreg $0x0  }
0x2f: {  	s5 =	sshll.u32 s28, $0x1;
	[dreg:$0x2] =	wrdreg s3  }
0x30: {  	[dreg:$0x3] =	wrdreg s5  }
0x31: {  	[dreg:$0x4] =	wrdreg $0xC0  }
0x32: {  	_ =	task [dreg:s23], $0x5FFFF  }
0x33: {  	[dreg:$0x1] =	wrdreg $0xFFFFFFFF  }
0x34: {  	[dreg:$0x0] =	wrdreg $0x60  }
0x35: {  	[dreg:$0x2] =	wrdreg s25  }
0x36: {  	[dreg:$0x3] =	wrdreg $0x9  }
0x37: {  	_ =	task.clear_ibuf [dreg:s23], $0x4FFFF;
	_ =	strace $0x90000049  }
0x38: {  	s29 =	simm.s32 $0x9;
	_ =	strace $0x8000004B  }
0x39: {  	_ =	swait.ge [sflag:s29], $0x1  }
0x3a: {  	[sflag:s29] =	ssyncadd.s32 $0xFFFFFFFF  }
0x3b: {  	_ =	strace $0x9000004B  }
0x3c: {  	_ =	sfence  }
0x3d: {  	s30 =	sld [smem:$0x0];
	_ =	sdelay $0x2  }
0x3e: {  	s31 =	sshll.u32 s1, $0xD;
	s1 =	sshrl.u32 s1, $0x2  }
0x3f: {  	s4 =	sand.u32 $0x4000, s31;
	s1 =	sadd.s32 s1, s30  }
0x40: {  	s0 =	sor.u32 s4, s0;
	s1 =	sshll.u32 s1, $0x11  }
0x41: {  	s0 =	sor.u32 s1, s0  }
0x42: {  	s0 =	sadd.s32 $0x8F2B, s0  }
0x43: {  	[sflag:s0] =	ssyncadd.remote.s32 $0x1  }
0x44: {  	_ =	sfence.sel $0xFFFF  }
0x45: {  	[dreg:$0x0] =	wrdreg $0xFFFFFFFF;
	(pc) =	sbr.abs _section_cstart, $3  }
0x46: {  	[dreg:$0x1] =	wrdreg $0xFFFFFFFF  }
0x47: {  	_ =	task.clear_ibuf [dreg:s23], $0x2FFFF;
	_ =	strace $0x9FFFFFFF  }
0x48: {  	(tm) =	ssettm $0x7FFFFFFF  }
0x49: {  	_ =	shalt  }
tec
execute0_lowered:
.L_overlay_start_1:
0x0: {  	(tag) =	ssettag $0x1  }
0x1: {  	s0 =	srdreg.scid  }
0x2: {  	s5 =	rddreg [dreg:$0x0];
	s1 =	stileid.u32;
	s4 =	simm.s32 $0x1  }
0x3: {  	s6 =	simm.s32 $0x2;
	s15 =	simm.s32 $0x0;
	p0 =	por $0x0, $0x0  }
0x4: {  	s8 =	simm.s32 $0x80;
	s14 =	simm.s32 $0x0;
	s2 =	sshll.u32 s0, $0x4  }
0x5: {  	s9 =	simm.s32 $0x0;
	s10 =	simm.s32 $0x0;
	s2 =	sand.u32 $0x10, s2  }
.Ltmp0:
0x6: {  	s12 =	simm.s32 $0x0;
	s3 =	sor.u32 s1, s2;
	(pc) =	sbr.rel .LBB1_1-.Ltmp0, $4  }
0x7: {  	s0 =	rddreg [dreg:$0x1];
	_ =	strace $0x8000004A;
	s3 =	sshll.u32 s3, $0x7  }
0x8: {  	s13 =	simm.s32 $0x0;
	[sflag:s4] =	ssyncpa.u1 $0x0;
	s7 =	ssub.s32 $0x7A100, s3  }
0x9: {  	s2 =	sadd.s32 $0xB73000, s5;
	[sflag:s6] =	ssyncpa.u1 $0x0;
	s6 =	sshrl.u32 s7, $0xC  }
0xa: {  	s5 =	sadd.s32 $0xF43C00, s5;
	s11 =	smov.u32 s3;
	s7 =	sadd.s32 $0x2, s6  }
.LBB1_5:
0xb: {  	p1 =	slt.u32 s13, $0x2  }
0xc: {  	s17 =	smov.u32 s15;
	p2 =	sgt.s32 @!p1 s15, $0x7A0C0;
	s16 =	sshra.s32 @!p1 s15, $0x1F  }
0xd: {  	p3 =	sgt.s32 @!p1 s14, $0x40;
	s18 =	sshra.s32 @!p1 s14, $0x1F;
	p2 =	por !p2, p1  }
0xe: {  	s15 =	sand.u32 @!p1 s16, s15;
	p3 =	por !p3, p1;
	s16 =	smov.u32 s14  }
0xf: {  	s14 =	sand.u32 @!p1 s18, s14;
	s17 =	simm.s32 @p2 $0x7A0C0;
	s16 =	simm.s32 @p3 $0x40  }
0x10: {  	s15 =	ssub.s32 @!p1 s17, s15;
	s14 =	ssub.s32 @!p1 s16, s14  }
0x11: {  	s18 =	smov.u32 s12;
	s16 =	sadd.s32 @!p1 $0xFFF85F40, s15;
	s17 =	sadd.s32 @!p1 $0xFFFFFFC0, s14  }
0x12: {  	s15 =	ssub.s32 @!p1 $0x7A140, s15;
	p2 =	sgt.s32 @!p1 s16, $0x7F;
	p3 =	sgt.s32 @!p1 s17, $0x3F  }
0x13: {  	s14 =	ssub.s32 @!p1 $0x80, s14;
	p2 =	por !p2, p1;
	p3 =	por !p3, p1  }
0x14: {  	s16 =	sadd.s32 $0x1000, s11;
	s15 =	simm.s32 @!p2 $0x0;
	s14 =	simm.s32 @!p3 $0x0  }
0x15: {  	p2 =	sgt.s32 s16, $0x7A13F;
	s14 =	smul.u32 @!p1 s14, s15;
	s15 =	sadd.s32 $0x40, s12  }
0x16: {  	s18 =	smov.u32 @p2 s15  }
0x17: {  	s16 =	smov.u32 @p2 s3;
	p2 =	sgt.s32 s18, $0x3F  }
0x18: {  	s18 =	simm.s32 @p2 $0x0;
	p2 =	sne.s32 s13, s7  }
.Ltmp1:
0x19: {  	p0 =	por !p0, !p0;
	s17 =	simm.s32 @!p1 $0x2;
	(pc) =	sbr.rel @!p2 .LBB1_6-.Ltmp1, $4  }
0x1a: {  	s15 =	smov.u32 s9;
	s9 =	smov.u32 s11;
	s14 =	sand.u32 @!p1 $0x3FFFFFFF, s14  }
0x1b: {  	s11 =	smov.u32 s16;
	_ =	swait.ge @!p1 [sflag:s17], s14;
	s19 =	ssub.s32 @!p1 $0x0, s14  }
0x1c: {  	s14 =	smov.u32 s10;
	s13 =	sadd.s32 $0x1, s13;
	[sflag:s17] =	ssyncset.done @!p1 $0x0  }
0x1d: {  	s10 =	smov.u32 s12;
	s12 =	smov.u32 s18;
	[sflag:s17] =	ssyncadd.s32 @!p1 s19  }
.LBB1_1:
0x1e: {  	p1 =	sgt.u32 s13, s6  }
0x1f: {  	s16 =	sshrl.u32 @!p1 s12, $0x3  }
0x20: {  	s17 =	sshll.u32 @!p1 s11, $0x3;
	s16 =	smul.u32 @!p1 $0x3D0C00, s16  }
0x21: {  	s18 =	sshll.u32 @!p1 s12, $0x7;
	s17 =	sand.u32 @!p1 $0xFFFFFC00, s17  }
0x22: {  	s16 =	sadd.s32 @!p1 s16, s17;
	s17 =	sand.u32 @!p1 $0x380, s18  }
0x23: {  	s16 =	sor.u32 @!p1 s17, s16  }
0x24: {  	s17 =	sshrl.u32 @!p1 s16, $0x7  }
0x25: {  	s17 =	smulhi.u32 @!p1 $0x10C6249, s17;
	_ =	sdelay $0x1  }
0x26: {  	s17 =	sshrl.u32 @!p1 s17, $0x4  }
0x27: {  	s18 =	sand.u32 @!p1 $0x7F, s11;
	s19 =	smul.u32 @!p1 $0x7A180, s17  }
0x28: {  	s16 =	sor.u32 @!p1 s18, s16;
	s18 =	sxor.u32 @!p1 $0xFFFFFFFF, s13  }
0x29: {  	s18 =	sshll.u32 @!p1 s18, $0xD;
	s17 =	sand.u32 @!p1 $0x3F, s17;
	s16 =	ssub.s32 @!p1 s16, s19  }
0x2a: {  	s17 =	smul.u32 @!p1 $0xF430, s17;
	s19 =	sshrl.u32 @!p1 s16, $0x3;
	s16 =	sand.u32 @!p1 $0x7, s16  }
0x2b: {  	s18 =	sand.u32 @!p1 $0x2000, s18;
	s19 =	sadd.s32 @!p1 s2, s19;
	s16 =	sshll.u32 @!p1 s16, $0x12  }
0x2c: {  	s17 =	sadd.s32 @!p1 s17, s19;
	s16 =	sor.u32 @!p1 $0x400, s16;
	s19 =	simm.s32 @!p1 $0x3D0C00  }
0x2d: {  	[tilespmem:s18], [sflag:$0x1] =	stream.strided.gather @!p1 [hbm4b:s17+s16], $0x2000, s19, s16, $0x38;
	[tilespmem:$0x8100] =	vst v63  }
0x2e: {  	p1 =	seq.s32 s13, $0x0  }
0x2f: {  	p2 =	sge.u32 @!p1 s13, s7  }
0x30: {  	p1 =	por p1, p2  }
.Ltmp2:
0x31: {  	_ = 	snop;
	(pc) =	sbr.rel @p1 .LBB1_5-.Ltmp2, $1  }
0x32: {  	_ =	sdelay $0x3  }
0x33: {  	s16 =	simm.s32 $0x1  }
0x34: {  	_ =	swait.ge [sflag:s4], $0x2000;
	s16 =	simm.s32 @!p0 $0x0  }
0x35: {  	[sflag:s4] =	ssyncset.done $0x0;
	s17 =	sshll.u32 s16, $0xD  }
0x36: {  	[sflag:s4] =	ssyncadd.s32 $0xFFFFE000;
	s17 =	sor.u32 $0x40, s17  }
0x37: {  	s16 =	smul.u32 $0x8200, s16;
	v0 =	vld [tilespmem:s17+$0x30]  }
0x38: {  	v1 =	vld [tilespmem:s17+$0xFFFFFFD0]  }
0x39: {  	s16 =	sshrl.u32 s16, $0x2;
	v5 =	vld [tilespmem:s17+$0xFFFFFFE0]  }
0x3a: {  	v6 =	vld [tilespmem:s17+$0xFFFFFFF0];
	s19 =	sor.u32 $0x4000, s16  }
0x3b: {  	s31 =	sand.u32 $0x1, s13;
	v4 =	vld [tilespmem:s17+$0x0];
	s18 =	sadd.s32 $0x0, s19  }
0x3c: {  	v3 =	vld [tilespmem:s17+$0x10];
	s16 =	smul.u32 $0x8200, s31;
	[tilespmem:s18+$0x1C70 ss:$0x41] =	vst.msk $0xffff, v0  }
0x3d: {  	v2 =	vld [tilespmem:s17+$0x20];
	[tilespmem:s18+$0x410 ss:$0x41] =	vst.msk $0xffff, v1  }
0x3e: {  	s16 =	sshrl.u32 s16, $0x2;
	v1 =	vld [tilespmem:s17+$0xFFFFFFC0];
	[tilespmem:s18+$0x820 ss:$0x41] =	vst.msk $0xffff, v5;
	s17 =	sadd.s32 $0x80, s17  }
0x3f: {  	s20 =	simm.s32 $0x4;
	s21 =	simm.s32 $0x8;
	s16 =	sor.u32 $0x4000, s16;
	[tilespmem:s18+$0xC30 ss:$0x41] =	vst.msk $0xffff, v6;
	v0 =	vld [tilespmem:s17+$0x30]  }
.LBB1_3:
0x40: {  	p1 =	sne.s32 s21, $0xFC;
	v5 =	vld [tilespmem:s17+$0xFFFFFFD0];
	[tilespmem:s18+$0x1040 ss:$0x41] =	vst.msk $0xffff, v4  }
0x41: {  	v6 =	vld [tilespmem:s17+$0xFFFFFFE0];
	[tilespmem:s18+$0x1450 ss:$0x41] =	vst.msk $0xffff, v3  }
0x42: {  	s22 =	sshra.s32 s20, $0x2;
	s20 =	smov.u32 s21;
	v7 =	vld [tilespmem:s17+$0xFFFFFFF0];
	[tilespmem:s18+$0x1860 ss:$0x41] =	vst.msk $0xffff, v2  }
.Ltmp3:
0x43: {  	v4 =	vld [tilespmem:s17+$0x0];
	[tilespmem:s18+$0x0 ss:$0x41] =	vst.msk $0xffff, v1;
	s18 =	sadd.s32 s22, s19;
	(pc) =	sbr.rel @p1 .LBB1_3-.Ltmp3, $4  }
0x44: {  	v3 =	vld [tilespmem:s17+$0x10];
	[tilespmem:s18+$0x1C70 ss:$0x41] =	vst.msk $0xffff, v0  }
0x45: {  	[tilespmem:s18+$0x410 ss:$0x41] =	vst.msk $0xffff, v5;
	v2 =	vld [tilespmem:s17+$0x20]  }
0x46: {  	v1 =	vld [tilespmem:s17+$0xFFFFFFC0];
	[tilespmem:s18+$0x820 ss:$0x41] =	vst.msk $0xffff, v6;
	s17 =	sadd.s32 $0x80, s17  }
0x47: {  	s21 =	sadd.s32 $0x4, s21;
	v0 =	vld [tilespmem:s17+$0x30];
	[tilespmem:s18+$0xC30 ss:$0x41] =	vst.msk $0xffff, v7  }
0x48: {  	s21 =	sshll.u32 s9, $0x7;
	s22 =	sshll.u32 s10, $0x3;
	s20 =	sshra.s32 s20, $0x2  }
0x49: {  	p1 =	sgt.s32 s9, $0x7A0C0;
	s30 =	sshra.s32 s9, $0x1F;
	s25 =	sshra.s32 s10, $0x1F  }
0x4a: {  	v5 =	vld [tilespmem:s17+$0xFFFFFFD0];
	s28 =	sshrl.u32 s10, $0x3;
	s23 =	sand.u32 $0xFFFFFC00, s21;
	s22 =	sand.u32 $0xFFFFFC00, s22  }
0x4b: {  	[tilespmem:s18+$0x1040 ss:$0x41] =	vst.msk $0xffff, v4;
	v58 =	vld [tilespmem:s17+$0xFFFFFFE0];
	s21 =	sand.u32 $0x380, s21;
	s19 =	sadd.s32 s20, s19;
	s22 =	sadd.s32 s22, s23  }
0x4c: {  	v59 =	vld [tilespmem:s17+$0xFFFFFFF0];
	[tilespmem:s18+$0x1450 ss:$0x41] =	vst.msk $0xffff, v3;
	s29 =	sor.u32 s21, s22;
	s21 =	smov.u32 s9;
	s22 =	sand.u32 s30, s9  }
0x4d: {  	v60 =	vld [tilespmem:s17+$0x0];
	[tilespmem:s18+$0x1860 ss:$0x41] =	vst.msk $0xffff, v2;
	s30 =	sand.u32 $0x7, s10;
	s20 =	sshrl.u32 s29, $0x7;
	s21 =	simm.s32 @!p1 $0x7A0C0  }
0x4e: {  	v61 =	vld [tilespmem:s17+$0x10];
	[tilespmem:s18+$0x0 ss:$0x41] =	vst.msk $0xffff, v1;
	p1 =	sgt.s32 s10, $0x40;
	s24 =	ssub.s32 s21, s22;
	s21 =	smov.u32 s10  }
0x4f: {  	v62 =	vld [tilespmem:s17+$0x20];
	[tilespmem:s19+$0x1C70 ss:$0x41] =	vst.msk $0xffff, v0;
	s31 =	smulhi.u32 $0x218D629, s20;
	s22 =	sand.u32 s25, s10;
	s21 =	simm.s32 @!p1 $0x40  }
0x50: {  	v63 =	vld [tilespmem:s17+$0xFFFFFFC0];
	[tilespmem:s19+$0x410 ss:$0x41] =	vst.msk $0xffff, v5;
	s26 =	sadd.s32 $0xFFF85F40, s24;
	s17 =	ssub.s32 $0x7A140, s24;
	s21 =	ssub.s32 s21, s22  }
0x51: {  	[tilespmem:s19+$0x820 ss:$0x41] =	vst.msk $0xffff, v58;
	s23 =	sshrl.u32 s31, $0xC;
	p1 =	sgt.s32 s26, $0x7F;
	s27 =	sadd.s32 $0xFFFFFFC0, s21  }
0x52: {  	[tilespmem:s19+$0xC30 ss:$0x41] =	vst.msk $0xffff, v59;
	s23 =	smul.u32 $0x7A140, s23;
	s18 =	ssub.s32 $0x80, s21;
	p2 =	sgt.s32 s27, $0x3F  }
.Ltmp4:
0x53: {  	[tilespmem:s19+$0x1040 ss:$0x41] =	vst.msk $0xffff, v60;
	s17 =	simm.s32 @p1 $0x0;
	s18 =	simm.s32 @p2 $0x0;
	(pc) =	sbr.rel .LBB1_5-.Ltmp4, $4  }
0x54: {  	s29 =	sand.u32 $0xF, s28;
	[tilespmem:s19+$0x1450 ss:$0x41] =	vst.msk $0xffff, v61;
	s20 =	ssub.s32 s20, s23;
	s17 =	smul.u32 s18, s17  }
0x55: {  	[tilespmem:s19+$0x1860 ss:$0x41] =	vst.msk $0xffff, v62;
	s21 =	sshll.u32 s30, $0x12;
	s20 =	sshll.u32 s20, $0x4;
	s18 =	sadd.s32 s5, s29  }
0x56: {  	[tilespmem:s19+$0x0 ss:$0x41] =	vst.msk $0xffff, v63;
	s31 =	sor.u32 $0x40, s21;
	s18 =	sadd.s32 s20, s18;
	s17 =	sand.u32 $0x3FFFFFFF, s17  }
0x57: {  	[hbm4b:s18+s31] =	stream.strided.scatter [tilespmem:s16], [sflag:$0x2], s17, s8, s31, $0x18;
	[tilespmem:$0x8100] =	vst v63  }
.LBB1_6:
0x58: {  	_ =	sfence.sel $0x180000  }
0x59: {  	s2 =	simm.s32 $0x1;
	[bflag:$0x0] =	sbarrier.arrive $0xFFFF  }
0x5a: {  	s31 =	simm.s32 $0x2;
	[sflag:s2] =	ssyncpa.u1 $0x1  }
0x5b: {  	[sflag:s31] =	ssyncpa.u1 $0x1  }
0x5c: {  	p0 =	sne.s32 s1, $0x0;
	_ =	strace $0x9000004A  }
0x5d: {  	s0 =	sadd.s32 @!p0 $0x100000, s0;
	[bflag:$0x2] =	sbarrier.arrive $0xFFFF  }
0x5e: {  	[sflag:s0] =	ssyncadd.tile.s32 @!p0 $0x1;
	_ =	shalt  }
.Lfunc_end1:
_tile_overlayer_lowered:
.L_overlay_start_2:
0x5f: {  	(tag) =	ssettag $0x2  }
0x60: {  	s0 =	rddreg [dreg:$0x0];
	s2 =	stileid.u32  }
0x61: {  	s1 =	rddreg [dreg:$0x1];
	p0 =	sne.s32 s2, $0x0  }
0x62: {  	s3 =	rddreg [dreg:$0x2];
	[bflag:$0x3] =	sbarrier.arrive $0xFFFF;
	s2 =	simm.s32 @!p0 $0x1C01  }
0x63: {  	[timem:s3], [sflag:s2] =	dma.local @!p0 [hbm:s0], s1  }
0x64: {  	s0 =	simm.s32 @!p0 $0x1  }
0x65: {  	_ =	swait.ge @!p0 [sflag:s0], s1  }
0x66: {  	s1 =	ssub.s32 @!p0 $0x0, s1;
	[sflag:s0] =	ssyncset.done @!p0 $0x0  }
0x67: {  	[sflag:s0] =	ssyncadd.s32 @!p0 s1  }
0x68: {  	[bflag:$0x3] =	sbarrier.arrive $0xFFFF  }
0x69: {  	_ =	shalt  }

// kernel: sparse-core-data-format-call.2.cloned.1.call-start
scs
called_computation.2_lowered:
.L_overlay_start_0:
0x0: {  	s1 =	sld [smem:$0x3FD9]  }
0x1: {  	s2 =	sld [smem:$0x3FFE];
	_ =	sdelay $0x1  }
0x2: {  	s3 =	srdreg.scid  }
0x3: {  	s0 =	sand.u32 $0x1, s3  }
0x4: {  	s17 =	sshll.u32 s0, $0xA;
	s1 =	sadd.s32 s2, s1  }
0x5: {  	s1 =	sadd.s32 s1, s17  }
0x6: {  	[smem:$0x3FC4] =	sst s1  }
0x7: {  	_ = 	snop  }
0x8: {  	(tm) =	ssettm $0x1  }
0x9: {  	s18 =	sld [smem:$0x3FFB];
	_ =	sdelay $0x3  }
0xa: {  	_ =	strace s18  }
0xb: {  	s1 =	sld [smem:$0x3FFC];
	_ =	sdelay $0x3  }
0xc: {  	_ =	strace s1  }
0xd: {  	s1 =	sld [smem:$0x3FFD];
	_ =	sdelay $0x3  }
0xe: {  	_ =	strace s1  }
0xf: {  	_ =	strace $0x8FFFFFFF  }
0x10: {  	s19 =	sld [smem:$0x3FDB];
	_ =	sdelay $0x1  }
0x11: {  	s20 =	simm.s32 $_scs_section_size  }
0x12: {  	s4 =	simm.s32 $_size__tile_overlayer_lowered;
	s5 =	simm.s32 $_tile_overlayer_lowered  }
0x13: {  	s23 =	simm.s32 $0x1BFF;
	s22 =	sshll.u32 s5, $0x1;
	s1 =	sadd.s32 s20, s19  }
0x14: {  	s6 =	simm.s32 $0x0;
	s21 =	sshll.u32 s4, $0x1;
	s4 =	sadd.s32 s22, s1  }
0x15: {  	[timem:s6], [sflag:s23] =	dma.local [hbm:s4], s21  }
0x16: {  	_ =	swait.ge [sflag:s23], s21  }
0x17: {  	s2 =	ssub.s32 $0x0, s21;
	[sflag:s23] =	ssyncset.done $0x0  }
0x18: {  	[sflag:s23] =	ssyncadd.s32 s2;
	_ =	sdelay $0x1  }
0x19: {  	s24 =	simm.s32 $0x1B8B  }
0x1a: {  	_ =	swait.ge [sflag:s24], $0x1  }
0x1b: {  	[sflag:s24] =	ssyncset.done $0x0  }
0x1c: {  	s26 =	simm.s32 $0x1B8E;
	s25 =	sld [smem:$0x3FFE];
	[sflag:s24] =	ssyncadd.s32 $0xFFFFFFFF  }
0x1d: {  	s27 =	simm.s32 $execute0_lowered;
	[smem:$0x3FD2] =	sst s26  }
0x1e: {  	s4 =	sshll.u32 s27, $0x1;
	_ =	strace $0x80000046;
	[dreg:$0x1] =	wrdreg $0xFFFFFFFF  }
0x1f: {  	s28 =	simm.s32 $_size_execute0_lowered;
	s1 =	sadd.s32 s1, s4;
	[dreg:$0x0] =	wrdreg $0x0  }
0x20: {  	s4 =	sshll.u32 s28, $0x1;
	[dreg:$0x2] =	wrdreg s1  }
0x21: {  	[dreg:$0x3] =	wrdreg s4  }
0x22: {  	[dreg:$0x4] =	wrdreg $0xC0  }
0x23: {  	_ =	task [dreg:s6], $0x5FFFF  }
0x24: {  	[dreg:$0x1] =	wrdreg $0xFFFFFFFF  }
0x25: {  	[dreg:$0x0] =	wrdreg $0x60  }
0x26: {  	[dreg:$0x2] =	wrdreg s25  }
0x27: {  	[dreg:$0x3] =	wrdreg $0xA  }
0x28: {  	_ =	task.clear_ibuf [dreg:s6], $0x4FFFF;
	_ =	strace $0x90000046  }
0x29: {  	s29 =	simm.s32 $0xA;
	_ =	strace $0x80000048  }
0x2a: {  	_ =	swait.ge [sflag:s29], $0x1  }
0x2b: {  	[sflag:s29] =	ssyncadd.s32 $0xFFFFFFFF  }
0x2c: {  	_ =	strace $0x90000048  }
0x2d: {  	_ =	sfence  }
0x2e: {  	s30 =	sld [smem:$0x0];
	_ =	sdelay $0x2  }
0x2f: {  	s31 =	sshll.u32 s3, $0xD;
	s3 =	sshrl.u32 s3, $0x2  }
0x30: {  	s2 =	sand.u32 $0x4000, s31;
	s1 =	sadd.s32 s3, s30  }
0x31: {  	s0 =	sor.u32 s2, s0;
	s1 =	sshll.u32 s1, $0x11  }
0x32: {  	s0 =	sor.u32 s1, s0  }
0x33: {  	s0 =	sadd.s32 $0x8F2B, s0  }
0x34: {  	[sflag:s0] =	ssyncadd.remote.s32 $0x1  }
0x35: {  	_ =	sfence.sel $0xFFFF  }
0x36: {  	[dreg:$0x0] =	wrdreg $0xFFFFFFFF;
	(pc) =	sbr.abs _section_cstart, $3  }
0x37: {  	[dreg:$0x1] =	wrdreg $0xFFFFFFFF  }
0x38: {  	_ =	task.clear_ibuf [dreg:s6], $0x2FFFF;
	_ =	strace $0x9FFFFFFF  }
0x39: {  	(tm) =	ssettm $0x7FFFFFFF  }
tec
execute0_lowered:
.L_overlay_start_1:
0x0: {  	(tag) =	ssettag $0x1  }
0x1: {  	s0 =	srdreg.scid  }
0x2: {  	s6 =	rddreg [dreg:$0x0];
	s7 =	simm.s32 $0x1;
	s1 =	sshll.u32 s0, $0x4  }
0x3: {  	s8 =	simm.s32 $0x2;
	s0 =	stileid.u32;
	s1 =	sand.u32 $0x10, s1  }
0x4: {  	s13 =	simm.s32 $0x0;
	s12 =	simm.s32 $0x0;
	s1 =	sor.u32 s0, s1  }
0x5: {  	s10 =	simm.s32 $0x0;
	s11 =	simm.s32 $0x0;
	s2 =	sshll.u32 s1, $0x8  }
0x6: {  	s3 =	sadd.s32 $0x1800, s6;
	s6 =	sadd.s32 $0x3D2000, s6;
	s5 =	ssub.s32 $0x7A100, s2  }
.Ltmp0:
0x7: {  	s1 =	rddreg [dreg:$0x1];
	s4 =	sand.u32 $0x1F00, s5;
	(pc) =	sbr.rel .LBB1_1-.Ltmp0, $4  }
0x8: {  	_ =	strace $0x80000047;
	s9 =	smov.u32 s2;
	p0 =	sne.s32 s4, $0x0  }
0x9: {  	s5 =	sshrl.u32 s5, $0xD;
	s4 =	simm.s32 $0x1;
	s7 =	simm.s32 @!p0 $0x0  }
0xa: {  	[sflag:s4] =	ssyncpa.u1 $0x0;
	p0 =	por $0x0, $0x0;
	s5 =	sadd.s32 s7, s5  }
0xb: {  	[sflag:s8] =	ssyncpa.u1 $0x0;
	s8 =	simm.s32 $0x80;
	s7 =	sadd.s32 $0x1, s5  }
.LBB1_4:
0xc: {  	_ =	sdelay $0x3  }
0xd: {  	s21 =	sor.u32 s24, s23;
	v47 =	vld.idx.msk [tilespmem:v0+s16+$0x470 ss:$0x1], $0xffff  }
0xe: {  	v57 =	vld.idx.msk [tilespmem:v0+s21+$0x410 ss:$0x1], $0xffff  }
0xf: {  	v58 =	vld.idx.msk [tilespmem:v0+s21+$0x420 ss:$0x1], $0xffff  }
0x10: {  	[tilespmem:s18+$0x1860 ss:$0x41] =	vst.msk $0xffff, v8;
	v59 =	vld.idx.msk [tilespmem:v0+s21+$0x430 ss:$0x1], $0xffff  }
0x11: {  	[tilespmem:s18+$0x1C70 ss:$0x41] =	vst.msk $0xffff, v7;
	v60 =	vld.idx.msk [tilespmem:v0+s21+$0x440 ss:$0x1], $0xffff  }
0x12: {  	[tilespmem:s18+$0x2490 ss:$0x41] =	vst.msk $0xffff, v1;
	s22 =	sand.u32 $0x3B00, s21;
	v61 =	vld.idx.msk [tilespmem:v0+s21+$0x450 ss:$0x1], $0xffff  }
0x13: {  	s20 =	sand.u32 $0x80, s20;
	[tilespmem:s18+$0x28A0 ss:$0x41] =	vst.msk $0xffff, v2;
	v62 =	vld.idx.msk [tilespmem:v0+s21+$0x460 ss:$0x1], $0xffff;
	s15 =	sadd.s32 s22, s15  }
0x14: {  	[tilespmem:s18+$0x2CB0 ss:$0x41] =	vst.msk $0xffff, v3;
	v63 =	vld.idx.msk [tilespmem:v0+s21+$0x470 ss:$0x1], $0xffff;
	s15 =	sadd.s32 s20, s15  }
0x15: {  	[tilespmem:s18+$0x30C0 ss:$0x41] =	vst.msk $0xffff, v4;
	v48 =	vld [tilespmem:s15+$0x400]  }
0x16: {  	[tilespmem:s18+$0x34D0 ss:$0x41] =	vst.msk $0xffff, v5;
	v49 =	vld [tilespmem:s15+$0x0]  }
0x17: {  	s25 =	sshra.s32 s19, $0x2;
	[tilespmem:s18+$0x38E0 ss:$0x41] =	vst.msk $0xffff, v6;
	v50 =	vld [tilespmem:s15+$0x10]  }
0x18: {  	s16 =	sadd.s32 s25, s17;
	v51 =	vld [tilespmem:s15+$0x20];
	[tilespmem:s18+$0x3CF0 ss:$0x41] =	vst.msk $0xffff, v47  }
0x19: {  	v52 =	vld [tilespmem:s15+$0x30];
	[tilespmem:s16+$0x2490 ss:$0x41] =	vst.msk $0xffff, v57  }
0x1a: {  	v53 =	vld [tilespmem:s15+$0x40];
	[tilespmem:s16+$0x28A0 ss:$0x41] =	vst.msk $0xffff, v58  }
0x1b: {  	v54 =	vld [tilespmem:s15+$0x50];
	[tilespmem:s16+$0x2CB0 ss:$0x41] =	vst.msk $0xffff, v59  }
0x1c: {  	s13 =	sshll.u32 s13, $0x7;
	s26 =	sshll.u32 s12, $0x3;
	v55 =	vld [tilespmem:s15+$0x60];
	[tilespmem:s16+$0x30C0 ss:$0x41] =	vst.msk $0xffff, v60  }
0x1d: {  	s27 =	sand.u32 $0xFFFFFC00, s13;
	v56 =	vld [tilespmem:s15+$0x70];
	s15 =	sand.u32 $0xFFFFFC00, s26;
	[tilespmem:s16+$0x34D0 ss:$0x41] =	vst.msk $0xffff, v61  }
0x1e: {  	s13 =	sand.u32 $0x380, s13;
	s15 =	sadd.s32 s15, s27;
	[tilespmem:s16+$0x38E0 ss:$0x41] =	vst.msk $0xffff, v62  }
0x1f: {  	s13 =	sor.u32 s13, s15;
	[tilespmem:s16+$0x3CF0 ss:$0x41] =	vst.msk $0xffff, v63  }
0x20: {  	s13 =	sshrl.u32 s13, $0x7;
	[tilespmem:s16+$0x2080 ss:$0x41] =	vst.msk $0xffff, v48  }
0x21: {  	s28 =	smulhi.u32 $0x218E7C1, s13;
	[tilespmem:s16+$0x0 ss:$0x41] =	vst.msk $0xffff, v49  }
0x22: {  	[tilespmem:s16+$0x410 ss:$0x41] =	vst.msk $0xffff, v50  }
0x23: {  	[tilespmem:s16+$0x820 ss:$0x41] =	vst.msk $0xffff, v51;
	s15 =	sshrl.u32 s28, $0xC  }
0x24: {  	[tilespmem:s16+$0xC30 ss:$0x41] =	vst.msk $0xffff, v52;
	s15 =	smul.u32 $0x7A100, s15  }
0x25: {  	s29 =	sshrl.u32 s12, $0x3;
	[tilespmem:s16+$0x1040 ss:$0x41] =	vst.msk $0xffff, v53  }
0x26: {  	s31 =	sand.u32 $0x7, s12;
	s30 =	sand.u32 $0xF, s29;
	[tilespmem:s16+$0x1450 ss:$0x41] =	vst.msk $0xffff, v54;
	s13 =	ssub.s32 s13, s15  }
0x27: {  	s12 =	sshll.u32 s31, $0x12;
	[tilespmem:s16+$0x1860 ss:$0x41] =	vst.msk $0xffff, v55;
	s15 =	sadd.s32 s6, s30;
	s13 =	sshll.u32 s13, $0x4  }
0x28: {  	s12 =	sor.u32 $0x40, s12;
	[tilespmem:s16+$0x1C70 ss:$0x41] =	vst.msk $0xffff, v56;
	s13 =	sadd.s32 s13, s15  }
0x29: {  	[hbm4b:s13+s12] =	stream.strided.scatter [tilespmem:s14], [sflag:$0x2], $0x4000, s8, s12, $0x18;
	[tilespmem:$0x10200] =	vst v63  }
.LBB1_5:
0x2a: {  	s14 =	sadd.s32 $0x2000, s9  }
0x2b: {  	s12 =	sadd.s32 $0x40, s10;
	s16 =	smov.u32 s10;
	p2 =	sgt.s32 s14, $0x7A0FF  }
0x2c: {  	s16 =	smov.u32 @p2 s12  }
0x2d: {  	s14 =	smov.u32 @p2 s2;
	p2 =	sgt.s32 s16, $0x3F  }
0x2e: {  	s16 =	simm.s32 @p2 $0x0;
	p2 =	sne.s32 s11, s7  }
.Ltmp1:
0x2f: {  	p1 =	slt.u32 s11, $0x2;
	(pc) =	sbr.rel @!p2 .LBB1_6-.Ltmp1, $4  }
0x30: {  	s15 =	simm.s32 @!p1 $0x2  }
0x31: {  	s13 =	smov.u32 s9;
	p0 =	por !p0, !p0;
	_ =	swait.ge @!p1 [sflag:s15], $0x4000  }
0x32: {  	s12 =	smov.u32 s10;
	[sflag:s15] =	ssyncset.done @!p1 $0x0;
	s9 =	smov.u32 s14  }
0x33: {  	s11 =	sadd.s32 $0x1, s11;
	[sflag:s15] =	ssyncadd.s32 @!p1 $0xFFFFC000;
	s10 =	smov.u32 s16  }
.LBB1_1:
0x34: {  	p1 =	sge.u32 s11, s5  }
0x35: {  	s14 =	sshrl.u32 @!p1 s10, $0x3  }
0x36: {  	s15 =	sshll.u32 @!p1 s9, $0x3;
	s14 =	smul.u32 @!p1 $0x3D0800, s14  }
0x37: {  	s16 =	sshll.u32 @!p1 s10, $0x7;
	s15 =	sand.u32 @!p1 $0xFFFFFC00, s15  }
0x38: {  	s14 =	sadd.s32 @!p1 s14, s15;
	s15 =	sand.u32 @!p1 $0x380, s16  }
0x39: {  	s14 =	sor.u32 @!p1 s15, s14  }
0x3a: {  	s15 =	sshrl.u32 @!p1 s14, $0x8  }
0x3b: {  	s15 =	smulhi.u32 @!p1 $0x10C73E1, s15;
	_ =	sdelay $0x1  }
0x3c: {  	s15 =	sshrl.u32 @!p1 s15, $0x3  }
0x3d: {  	s16 =	sand.u32 @!p1 $0x7F, s9;
	s17 =	smul.u32 @!p1 $0x7A100, s15  }
0x3e: {  	s31 =	sadd.s32 $0xFFFFFFFF, s11;
	s14 =	sor.u32 @!p1 s16, s14;
	s16 =	sxor.u32 @!p1 $0xFFFFFFFF, s11  }
0x3f: {  	s16 =	sshll.u32 @!p1 s16, $0xE;
	s15 =	sand.u32 @!p1 $0x3F, s15;
	s14 =	ssub.s32 @!p1 s14, s17  }
0x40: {  	s15 =	smul.u32 @!p1 $0xF420, s15;
	s17 =	sshrl.u32 @!p1 s14, $0x3;
	s14 =	sand.u32 @!p1 $0x7, s14  }
0x41: {  	s16 =	sand.u32 @!p1 $0x4000, s16;
	s17 =	sadd.s32 @!p1 s3, s17;
	s14 =	sshll.u32 @!p1 s14, $0x12  }
0x42: {  	s15 =	sadd.s32 @!p1 s15, s17;
	s14 =	sor.u32 @!p1 $0x800, s14;
	s17 =	simm.s32 @!p1 $0x3D0800  }
0x43: {  	[tilespmem:s16], [sflag:$0x1] =	stream.strided.gather @!p1 [hbm4b:s15+s14], $0x4000, s17, s14, $0x38;
	[tilespmem:$0x10200] =	vst v63  }
0x44: {  	p1 =	sge.u32 s31, s5  }
.Ltmp2:
0x45: {  	_ = 	snop;
	(pc) =	sbr.rel @p1 .LBB1_5-.Ltmp2, $1  }
0x46: {  	_ =	sdelay $0x3  }
0x47: {  	s17 =	simm.s32 $0x0  }
0x48: {  	s16 =	sand.u32 $0x3800, s17;
	s18 =	sand.u32 $0x380, s17  }
0x49: {  	s14 =	sand.u32 $0x1, s11;
	s16 =	sor.u32 s18, s16  }
0x4a: {  	_ =	swait.ge [sflag:s4], $0x4000;
	s15 =	sshll.u32 s14, $0xE;
	s18 =	sand.u32 $0x3B00, s16  }
0x4b: {  	[sflag:s4] =	ssyncset.done $0x0;
	s17 =	sand.u32 $0x80, s17;
	s18 =	sadd.s32 s18, s15  }
0x4c: {  	[sflag:s4] =	ssyncadd.s32 $0xFFFFC000;
	s20 =	sadd.s32 s17, s18  }
0x4d: {  	v4 =	vld [tilespmem:s20+$0x400]  }
0x4e: {  	s19 =	simm.s32 $0x1;
	v5 =	vld [tilespmem:s20+$0x0]  }
0x4f: {  	s19 =	simm.s32 @!p0 $0x0;
	v6 =	vld [tilespmem:s20+$0x10]  }
0x50: {  	v0 =	vmov s15;
	s31 =	smul.u32 $0x10400, s19;
	v7 =	vld [tilespmem:s20+$0x20]  }
0x51: {  	v9 =	vld [tilespmem:s20+$0x30]  }
0x52: {  	s17 =	sshrl.u32 s31, $0x2;
	v10 =	vld [tilespmem:s20+$0x40]  }
0x53: {  	s17 =	sor.u32 $0x8000, s17;
	v11 =	vld [tilespmem:s20+$0x50]  }
0x54: {  	v8 =	vld [tilespmem:s20+$0x60];
	s18 =	sadd.s32 $0x0, s17  }
0x55: {  	v1 =	vld.idx.msk [tilespmem:v0+s16+$0x410 ss:$0x1], $0xffff;
	[tilespmem:s18+$0x2080 ss:$0x41] =	vst.msk $0xffff, v4  }
0x56: {  	v2 =	vld.idx.msk [tilespmem:v0+s16+$0x420 ss:$0x1], $0xffff;
	[tilespmem:s18+$0x0 ss:$0x41] =	vst.msk $0xffff, v5  }
0x57: {  	v3 =	vld.idx.msk [tilespmem:v0+s16+$0x430 ss:$0x1], $0xffff;
	[tilespmem:s18+$0x410 ss:$0x41] =	vst.msk $0xffff, v6  }
0x58: {  	s14 =	smul.u32 $0x10400, s14;
	[tilespmem:s18+$0x820 ss:$0x41] =	vst.msk $0xffff, v7;
	v7 =	vld [tilespmem:s20+$0x70]  }
0x59: {  	s21 =	simm.s32 $0x100;
	s22 =	simm.s32 $0x8;
	[tilespmem:s18+$0xC30 ss:$0x41] =	vst.msk $0xffff, v9;
	v4 =	vld.idx.msk [tilespmem:v0+s16+$0x440 ss:$0x1], $0xffff  }
0x5a: {  	s23 =	sand.u32 $0x3800, s21;
	s14 =	sshrl.u32 s14, $0x2;
	[tilespmem:s18+$0x1040 ss:$0x41] =	vst.msk $0xffff, v10;
	v5 =	vld.idx.msk [tilespmem:v0+s16+$0x450 ss:$0x1], $0xffff;
	s20 =	simm.s32 $0x80  }
0x5b: {  	s19 =	simm.s32 $0x4;
	s14 =	sor.u32 $0x8000, s14;
	[tilespmem:s18+$0x1450 ss:$0x41] =	vst.msk $0xffff, v11;
	v6 =	vld.idx.msk [tilespmem:v0+s16+$0x460 ss:$0x1], $0xffff;
	s24 =	sand.u32 $0x380, s20  }
.LBB1_3:
0x5c: {  	p1 =	sne.s32 s22, $0xFC;
	[tilespmem:s18+$0x1860 ss:$0x41] =	vst.msk $0xffff, v8;
	v8 =	vld.idx.msk [tilespmem:v0+s16+$0x470 ss:$0x1], $0xffff;
	s16 =	sor.u32 s24, s23  }
0x5d: {  	s23 =	sand.u32 $0x3B00, s16;
	v9 =	vld.idx.msk [tilespmem:v0+s16+$0x410 ss:$0x1], $0xffff;
	[tilespmem:s18+$0x1C70 ss:$0x41] =	vst.msk $0xffff, v7  }
0x5e: {  	s24 =	sand.u32 $0x80, s20;
	s23 =	sadd.s32 s23, s15;
	v7 =	vld.idx.msk [tilespmem:v0+s16+$0x420 ss:$0x1], $0xffff;
	[tilespmem:s18+$0x2490 ss:$0x41] =	vst.msk $0xffff, v1  }
0x5f: {  	s23 =	sadd.s32 s24, s23;
	v10 =	vld.idx.msk [tilespmem:v0+s16+$0x430 ss:$0x1], $0xffff;
	[tilespmem:s18+$0x28A0 ss:$0x41] =	vst.msk $0xffff, v2  }
0x60: {  	v11 =	vld [tilespmem:s23+$0x400];
	[tilespmem:s18+$0x2CB0 ss:$0x41] =	vst.msk $0xffff, v3  }
0x61: {  	v12 =	vld [tilespmem:s23+$0x0];
	[tilespmem:s18+$0x30C0 ss:$0x41] =	vst.msk $0xffff, v4  }
0x62: {  	v4 =	vld [tilespmem:s23+$0x10];
	[tilespmem:s18+$0x34D0 ss:$0x41] =	vst.msk $0xffff, v5  }
0x63: {  	s24 =	sshra.s32 s19, $0x2;
	s19 =	smov.u32 s22;
	v1 =	vmov v9;
	v5 =	vld [tilespmem:s23+$0x20];
	[tilespmem:s18+$0x38E0 ss:$0x41] =	vst.msk $0xffff, v6  }
0x64: {  	v2 =	vmov v7;
	v6 =	vld [tilespmem:s23+$0x30];
	[tilespmem:s18+$0x3CF0 ss:$0x41] =	vst.msk $0xffff, v8;
	s18 =	sadd.s32 s24, s17  }
0x65: {  	v3 =	vmov v10;
	v9 =	vld [tilespmem:s23+$0x40];
	[tilespmem:s18+$0x2080 ss:$0x41] =	vst.msk $0xffff, v11  }
0x66: {  	[tilespmem:s18+$0x0 ss:$0x41] =	vst.msk $0xffff, v12;
	v10 =	vld [tilespmem:s23+$0x50]  }
.Ltmp3:
0x67: {  	[tilespmem:s18+$0x410 ss:$0x41] =	vst.msk $0xffff, v4;
	v8 =	vld [tilespmem:s23+$0x60];
	(pc) =	sbr.rel @p1 .LBB1_3-.Ltmp3, $4  }
0x68: {  	[tilespmem:s18+$0x820 ss:$0x41] =	vst.msk $0xffff, v5;
	v7 =	vld [tilespmem:s23+$0x70]  }
0x69: {  	[tilespmem:s18+$0xC30 ss:$0x41] =	vst.msk $0xffff, v6;
	v4 =	vld.idx.msk [tilespmem:v0+s16+$0x440 ss:$0x1], $0xffff  }
0x6a: {  	s20 =	sadd.s32 $0x80, s20;
	s21 =	sadd.s32 $0x100, s21;
	[tilespmem:s18+$0x1040 ss:$0x41] =	vst.msk $0xffff, v9;
	v5 =	vld.idx.msk [tilespmem:v0+s16+$0x450 ss:$0x1], $0xffff  }
0x6b: {  	s22 =	sadd.s32 $0x4, s22;
	s24 =	sand.u32 $0x380, s20;
	s23 =	sand.u32 $0x3800, s21;
	[tilespmem:s18+$0x1450 ss:$0x41] =	vst.msk $0xffff, v10;
	v6 =	vld.idx.msk [tilespmem:v0+s16+$0x460 ss:$0x1], $0xffff  }
.Ltmp4:
0x6c: {  	_ = 	snop;
	(pc) =	sbr.rel .LBB1_4-.Ltmp4, $1  }
0x6d: {  	_ =	sdelay $0x3  }
.LBB1_6:
0x6e: {  	_ =	sfence.sel $0x180000  }
0x6f: {  	s2 =	simm.s32 $0x1;
	[bflag:$0x0] =	sbarrier.arrive $0xFFFF  }
0x70: {  	s31 =	simm.s32 $0x2;
	[sflag:s2] =	ssyncpa.u1 $0x1  }
0x71: {  	[sflag:s31] =	ssyncpa.u1 $0x1  }
0x72: {  	p0 =	sne.s32 s0, $0x0;
	_ =	strace $0x90000047  }
0x73: {  	s0 =	sadd.s32 @!p0 $0x100000, s1;
	[bflag:$0x2] =	sbarrier.arrive $0xFFFF  }
0x74: {  	[sflag:s0] =	ssyncadd.tile.s32 @!p0 $0x1;
	_ =	shalt  }
.Lfunc_end1:
_tile_overlayer_lowered:
.L_overlay_start_2:
0x75: {  	(tag) =	ssettag $0x2  }
0x76: {  	s0 =	rddreg [dreg:$0x0];
	s2 =	stileid.u32  }
0x77: {  	s1 =	rddreg [dreg:$0x1];
	p0 =	sne.s32 s2, $0x0  }
0x78: {  	s3 =	rddreg [dreg:$0x2];
	[bflag:$0x3] =	sbarrier.arrive $0xFFFF;
	s2 =	simm.s32 @!p0 $0x1C01  }
0x79: {  	[timem:s3], [sflag:s2] =	dma.local @!p0 [hbm:s0], s1  }
0x7a: {  	s0 =	simm.s32 @!p0 $0x1  }
0x7b: {  	_ =	swait.ge @!p0 [sflag:s0], s1  }
0x7c: {  	s1 =	ssub.s32 @!p0 $0x0, s1;
	[sflag:s0] =	ssyncset.done @!p0 $0x0  }
0x7d: {  	[sflag:s0] =	ssyncadd.s32 @!p0 s1  }
0x7e: {  	[bflag:$0x3] =	sbarrier.arrive $0xFFFF  }
0x7f: {  	_ =	shalt  }

// kernel: sparse-core-data-format-call.cloned.1.call-start
scs
called_computation_lowered:
.L_overlay_start_0:
0x0: {  	s2 =	sld [smem:$0x3FD9]  }
0x1: {  	s3 =	sld [smem:$0x3FFE];
	_ =	sdelay $0x1  }
0x2: {  	s1 =	srdreg.scid  }
0x3: {  	s0 =	sand.u32 $0x1, s1  }
0x4: {  	s18 =	sshll.u32 s0, $0xA;
	s2 =	sadd.s32 s3, s2  }
0x5: {  	s2 =	sadd.s32 s2, s18  }
0x6: {  	[smem:$0x3FC4] =	sst s2  }
0x7: {  	_ = 	snop  }
0x8: {  	s2 =	sld [smem:$0x3FD0];
	(tm) =	ssettm $0x1  }
0x9: {  	s19 =	sld [smem:$0x3FFB];
	_ =	sdelay $0x3  }
0xa: {  	_ =	strace s19  }
0xb: {  	s3 =	sld [smem:$0x3FFC];
	_ =	sdelay $0x3  }
0xc: {  	_ =	strace s3  }
0xd: {  	s3 =	sld [smem:$0x3FFD];
	_ =	sdelay $0x3  }
0xe: {  	_ =	strace s3  }
0xf: {  	_ =	strace $0x8FFFFFFF  }
0x10: {  	s20 =	sld [smem:$0x3FDB];
	_ =	sdelay $0x1  }
0x11: {  	s4 =	simm.s32 $_scs_section_size  }
0x12: {  	s5 =	simm.s32 $_size__tile_overlayer_lowered;
	s6 =	simm.s32 $_tile_overlayer_lowered  }
0x13: {  	s23 =	simm.s32 $0x1BFF;
	s22 =	sshll.u32 s6, $0x1;
	s3 =	sadd.s32 s4, s20  }
0x14: {  	s7 =	simm.s32 $0x0;
	s21 =	sshll.u32 s5, $0x1;
	s5 =	sadd.s32 s22, s3  }
0x15: {  	[timem:s7], [sflag:s23] =	dma.local [hbm:s5], s21  }
0x16: {  	_ =	swait.ge [sflag:s23], s21  }
0x17: {  	s4 =	ssub.s32 $0x0, s21;
	[sflag:s23] =	ssyncset.done $0x0  }
0x18: {  	[sflag:s23] =	ssyncadd.s32 s4;
	_ =	sdelay $0x1  }
0x19: {  	s24 =	simm.s32 $0x1B8B  }
0x1a: {  	_ =	swait.ge [sflag:s24], $0x1  }
0x1b: {  	[sflag:s24] =	ssyncset.done $0x0  }
0x1c: {  	s26 =	simm.s32 $0x1B8E;
	s25 =	sld [smem:$0x3FFE];
	[sflag:s24] =	ssyncadd.s32 $0xFFFFFFFF  }
0x1d: {  	s27 =	simm.s32 $execute0_lowered;
	[smem:$0x3FD2] =	sst s26  }
0x1e: {  	s5 =	sshll.u32 s27, $0x1;
	_ =	strace $0x8000004F;
	[dreg:$0x1] =	wrdreg $0xFFFFFFFF  }
0x1f: {  	s28 =	simm.s32 $_size_execute0_lowered;
	s3 =	sadd.s32 s3, s5;
	[dreg:$0x0] =	wrdreg $0x0  }
0x20: {  	s5 =	sshll.u32 s28, $0x1;
	[dreg:$0x2] =	wrdreg s3  }
0x21: {  	[dreg:$0x3] =	wrdreg s5  }
0x22: {  	[dreg:$0x4] =	wrdreg $0xC0  }
0x23: {  	_ =	task [dreg:s7], $0x5FFFF  }
0x24: {  	[dreg:$0x1] =	wrdreg $0xFFFFFFFF  }
0x25: {  	[dreg:$0x0] =	wrdreg $0x60  }
0x26: {  	[dreg:$0x2] =	wrdreg s25  }
0x27: {  	[dreg:$0x3] =	wrdreg s2  }
0x28: {  	[dreg:$0x4] =	wrdreg $0x9  }
0x29: {  	_ =	task.clear_ibuf [dreg:s7], $0x5FFFF;
	_ =	strace $0x9000004F  }
0x2a: {  	s29 =	simm.s32 $0x9;
	_ =	strace $0x80000051  }
0x2b: {  	_ =	swait.ge [sflag:s29], $0x1  }
0x2c: {  	[sflag:s29] =	ssyncadd.s32 $0xFFFFFFFF  }
0x2d: {  	_ =	strace $0x90000051  }
0x2e: {  	_ =	sfence  }
0x2f: {  	s30 =	sld [smem:$0x0];
	_ =	sdelay $0x2  }
0x30: {  	s31 =	sshll.u32 s1, $0xD;
	s1 =	sshrl.u32 s1, $0x2  }
0x31: {  	s3 =	sand.u32 $0x4000, s31;
	s1 =	sadd.s32 s1, s30  }
0x32: {  	s0 =	sor.u32 s3, s0;
	s1 =	sshll.u32 s1, $0x11  }
0x33: {  	s0 =	sor.u32 s1, s0  }
0x34: {  	s0 =	sadd.s32 $0x8F2B, s0  }
0x35: {  	[sflag:s0] =	ssyncadd.remote.s32 $0x1  }
0x36: {  	_ =	sfence.sel $0xFFFF  }
0x37: {  	[dreg:$0x0] =	wrdreg $0xFFFFFFFF;
	(pc) =	sbr.abs _section_cstart, $3  }
0x38: {  	[dreg:$0x1] =	wrdreg $0xFFFFFFFF  }
0x39: {  	_ =	task.clear_ibuf [dreg:s7], $0x2FFFF;
	_ =	strace $0x9FFFFFFF  }
0x3a: {  	(tm) =	ssettm $0x7FFFFFFF  }
0x3b: {  	_ =	shalt  }
tec
execute0_lowered:
.L_overlay_start_1:
0x0: {  	(tag) =	ssettag $0x1  }
0x1: {  	s0 =	stileid.u32;
	s6 =	rddreg [dreg:$0x0]  }
0x2: {  	s2 =	rddreg [dreg:$0x1];
	s5 =	srdreg.scid  }
0x3: {  	s31 =	simm.s32 $0x2;
	s13 =	simm.s32 $0x0;
	s1 =	sshll.u32 s0, $0x7  }
0x4: {  	s14 =	simm.s32 $0x0;
	s12 =	simm.s32 $0x0;
	s3 =	sand.u32 $0x380, s1  }
0x5: {  	s5 =	sshll.u32 s5, $0x4;
	s6 =	sadd.s32 $0x1800, s6;
	s4 =	ssub.s32 $0x400, s3  }
0x6: {  	s1 =	rddreg [dreg:$0x2];
	_ =	strace $0x80000050;
	s7 =	sand.u32 $0x380, s4  }
0x7: {  	s5 =	sand.u32 $0x10, s5;
	p0 =	sne.s32 s7, $0x0;
	s7 =	simm.s32 $0x1  }
.Ltmp0:
0x8: {  	s8 =	sshrl.u32 s4, $0xA;
	s7 =	simm.s32 @!p0 $0x0;
	(pc) =	sbr.rel .LBB1_1-.Ltmp0, $4  }
0x9: {  	s9 =	sor.u32 s0, s5;
	s4 =	simm.s32 $0x1;
	s30 =	sadd.s32 s7, s8  }
0xa: {  	s11 =	smov.u32 s3;
	[sflag:s4] =	ssyncpa.u1 $0x0;
	s5 =	smul.u32 $0x32, s30  }
0xb: {  	[sflag:s31] =	ssyncpa.u1 $0x0;
	p0 =	por $0x0, $0x0;
	s7 =	sshrl.u32 s9, $0x3  }
0xc: {  	s9 =	simm.s32 $0x2000;
	s10 =	smov.u32 s7;
	s8 =	sor.u32 $0x1, s5  }
.LBB1_4:
0xd: {  	s17 =	sand.u32 $0x1F80, s14;
	s13 =	sshll.u32 s13, $0xD  }
0xe: {  	[tilespmem:s16+$0x810 ss:$0x81] =	vst.msk $0xffff, v2;
	s18 =	sshrl.u32 s14, $0x3;
	s31 =	sand.u32 $0x7, s14;
	s17 =	sadd.s32 s2, s17  }
0xf: {  	[tilespmem:s16+$0x1020 ss:$0x81] =	vst.msk $0xffff, v0;
	s18 =	sand.u32 $0xF, s18;
	s14 =	sshll.u32 s31, $0x12;
	s13 =	sadd.s32 s13, s17  }
0x10: {  	[tilespmem:s16+$0x0 ss:$0x81] =	vst.msk $0xffff, v1;
	s14 =	sor.u32 $0x400, s14;
	s13 =	sadd.s32 s18, s13  }
0x11: {  	[hbm4b:s13+s14] =	stream.strided.scatter [tilespmem:s15], [sflag:$0x2], $0x2000, s9, s14, $0x20;
	[tilespmem:$0x8080] =	vst v63  }
.LBB1_5:
0x12: {  	s15 =	sadd.s32 $0x4, s10  }
0x13: {  	s13 =	sadd.s32 $0x400, s11;
	s17 =	smov.u32 s11;
	p2 =	sgt.s32 s15, $0xC7  }
0x14: {  	s17 =	smov.u32 @p2 s13  }
0x15: {  	s15 =	smov.u32 @p2 s7;
	p2 =	sgt.s32 s17, $0x3FF  }
0x16: {  	s17 =	smov.u32 @p2 s3;
	p2 =	sne.s32 s12, s8  }
.Ltmp1:
0x17: {  	p1 =	slt.u32 s12, $0x2;
	(pc) =	sbr.rel @!p2 .LBB1_6-.Ltmp1, $4  }
0x18: {  	s16 =	simm.s32 @!p1 $0x2  }
0x19: {  	s14 =	smov.u32 s11;
	p0 =	por !p0, !p0;
	_ =	swait.ge @!p1 [sflag:s16], $0x2000  }
0x1a: {  	s13 =	smov.u32 s10;
	[sflag:s16] =	ssyncset.done @!p1 $0x0;
	s10 =	smov.u32 s15  }
0x1b: {  	s12 =	sadd.s32 $0x1, s12;
	[sflag:s16] =	ssyncadd.s32 @!p1 $0xFFFFE000;
	s11 =	smov.u32 s17  }
.LBB1_1:
0x1c: {  	p1 =	sge.u32 s12, s5  }
0x1d: {  	s15 =	sand.u32 @!p1 $0x1FFFFFF, s10  }
0x1e: {  	s16 =	smulhi.u32 @!p1 $0x147AE15, s15;
	_ =	sdelay $0x1  }
0x1f: {  	s16 =	smul.u32 @!p1 $0xC8, s16  }
0x20: {  	s17 =	sxor.u32 @!p1 $0xFFFFFFFF, s12;
	s18 =	smul.u32 @!p1 $0xC80, s11  }
0x21: {  	s31 =	sadd.s32 $0xFFFFFFFF, s12;
	s17 =	sshll.u32 @!p1 s17, $0xD;
	s15 =	ssub.s32 @!p1 s15, s16  }
0x22: {  	s16 =	sand.u32 @!p1 $0x2000, s17;
	s17 =	sadd.s32 @!p1 s6, s18;
	s15 =	sshll.u32 @!p1 s15, $0x4  }
0x23: {  	s18 =	simm.s32 @!p1 $0x6400;
	s15 =	sadd.s32 @!p1 s15, s17;
	s17 =	simm.s32 @!p1 $0x40  }
0x24: {  	[tilespmem:s16], [sflag:$0x1] =	stream.strided.gather @!p1 [hbm4b:s15+s17], $0x2000, s18, s17, $0x38;
	[tilespmem:$0x8080] =	vst v63  }
0x25: {  	p1 =	sge.u32 s31, s5  }
.Ltmp2:
0x26: {  	_ = 	snop;
	(pc) =	sbr.rel @p1 .LBB1_5-.Ltmp2, $1  }
0x27: {  	_ =	sdelay $0x3  }
0x28: {  	s15 =	simm.s32 $0x1  }
0x29: {  	_ =	swait.ge [sflag:s4], $0x2000;
	s15 =	simm.s32 @!p0 $0x0  }
0x2a: {  	[sflag:s4] =	ssyncset.done $0x0;
	s16 =	sshll.u32 s15, $0xD  }
0x2b: {  	[sflag:s4] =	ssyncadd.s32 $0xFFFFE000;
	s19 =	sor.u32 $0x20, s16  }
0x2c: {  	s15 =	smul.u32 $0x8100, s15;
	v3 =	vld [tilespmem:s19+$0x10]  }
0x2d: {  	s30 =	sand.u32 $0x1, s12;
	v2 =	vld [tilespmem:s19+$0xFFFFFFF0]  }
0x2e: {  	s16 =	smul.u32 $0x8100, s30;
	s15 =	sshrl.u32 s15, $0x2;
	v0 =	vld [tilespmem:s19+$0x0]  }
0x2f: {  	v1 =	vld [tilespmem:s19+$0xFFFFFFE0];
	s17 =	sor.u32 $0x4000, s15  }
0x30: {  	s31 =	sshrl.u32 s16, $0x2;
	s16 =	sadd.s32 $0x0, s17  }
0x31: {  	s18 =	simm.s32 $0x4;
	s19 =	sadd.s32 $0x40, s19;
	s15 =	sor.u32 $0x4000, s31;
	[tilespmem:s16+$0x1830 ss:$0x81] =	vst.msk $0xffff, v3  }
.LBB1_3:
0x32: {  	v3 =	vld [tilespmem:s19+$0x10];
	p1 =	sne.s32 s18, $0x1FC;
	[tilespmem:s16+$0x810 ss:$0x81] =	vst.msk $0xffff, v2;
	s20 =	smov.u32 s18;
	s18 =	sadd.s32 $0x4, s18  }
.Ltmp3:
0x33: {  	v2 =	vld [tilespmem:s19+$0xFFFFFFF0];
	[tilespmem:s16+$0x1020 ss:$0x81] =	vst.msk $0xffff, v0;
	(pc) =	sbr.rel @p1 .LBB1_3-.Ltmp3, $4  }
0x34: {  	v0 =	vld [tilespmem:s19+$0x0];
	[tilespmem:s16+$0x0 ss:$0x81] =	vst.msk $0xffff, v1  }
0x35: {  	s16 =	sshra.s32 s20, $0x2;
	v1 =	vld [tilespmem:s19+$0xFFFFFFE0]  }
0x36: {  	s16 =	sadd.s32 s16, s17  }
0x37: {  	s19 =	sadd.s32 $0x40, s19;
	[tilespmem:s16+$0x1830 ss:$0x81] =	vst.msk $0xffff, v3  }
.Ltmp4:
0x38: {  	_ = 	snop;
	(pc) =	sbr.rel .LBB1_4-.Ltmp4, $1  }
0x39: {  	_ =	sdelay $0x3  }
.LBB1_6:
0x3a: {  	_ =	sfence.sel $0x180000  }
0x3b: {  	s2 =	simm.s32 $0x1;
	[bflag:$0x0] =	sbarrier.arrive $0xFFFF  }
0x3c: {  	s31 =	simm.s32 $0x2;
	[sflag:s2] =	ssyncpa.u1 $0x1  }
0x3d: {  	[sflag:s31] =	ssyncpa.u1 $0x1  }
0x3e: {  	p0 =	sne.s32 s0, $0x0;
	_ =	strace $0x90000050  }
0x3f: {  	s0 =	sadd.s32 @!p0 $0x100000, s1;
	[bflag:$0x2] =	sbarrier.arrive $0xFFFF  }
0x40: {  	[sflag:s0] =	ssyncadd.tile.s32 @!p0 $0x1;
	_ =	shalt  }
.Lfunc_end1:
_tile_overlayer_lowered:
.L_overlay_start_2:
0x41: {  	(tag) =	ssettag $0x2  }
0x42: {  	s0 =	rddreg [dreg:$0x0];
	s2 =	stileid.u32  }
0x43: {  	s1 =	rddreg [dreg:$0x1];
	p0 =	sne.s32 s2, $0x0  }
0x44: {  	s3 =	rddreg [dreg:$0x2];
	[bflag:$0x3] =	sbarrier.arrive $0xFFFF;
	s2 =	simm.s32 @!p0 $0x1C01  }
0x45: {  	[timem:s3], [sflag:s2] =	dma.local @!p0 [hbm:s0], s1  }
0x46: {  	s0 =	simm.s32 @!p0 $0x1  }
0x47: {  	_ =	swait.ge @!p0 [sflag:s0], s1  }
0x48: {  	s1 =	ssub.s32 @!p0 $0x0, s1;
	[sflag:s0] =	ssyncset.done @!p0 $0x0  }
0x49: {  	[sflag:s0] =	ssyncadd.s32 @!p0 s1  }
0x4a: {  	[bflag:$0x3] =	sbarrier.arrive $0xFFFF  }
0x4b: {  	_ =	shalt  }

</sc_bundles>
